<compile_context>
chip_gen: v7x
topology: tpu7x:2x2x1
jax: 0.10.2.dev20260603
libtpu: 0.0.44.dev20260713+nightly
codegen_flags: <defaults>
</compile_context>

<pallas_src>
import functools

import jax
import jax.numpy as jnp
from jax import lax
from jax.experimental import pallas as pl
from jax.experimental.pallas import tpu as pltpu
from jax.experimental.pallas import tpu_sc as plsc

_B, _S, _D, _V, _DENC = 4, 8192, 1024, 32000, 512
_NIDS = _B * _S
_CHUNKS = (4096,) * 8
_BLK = 1024
_NW = 32
_CH = 32


@functools.cache
def _make_gather(crows, start):
    bpw = crows // _NW
    nch = bpw // _CH

    @functools.partial(
        pl.kernel,
        out_type=jax.ShapeDtypeStruct((crows, _D), jnp.float32),
        mesh=plsc.VectorSubcoreMesh(core_axis_name="c", subcore_axis_name="s"),
        scratch_types=[
            pltpu.VMEM((bpw,), jnp.int32),
            pltpu.VMEM((_CH, _D), jnp.float32),
            pltpu.VMEM((_CH, _D), jnp.float32),
            pltpu.SemaphoreType.DMA,
            pltpu.SemaphoreType.DMA,
        ],
    )
    def _gather_k(t_hbm, i_hbm, o_hbm, idx_v, r0, r1, gs0, gs1):
        wid = lax.axis_index("s") * 2 + lax.axis_index("c")
        base = wid * bpw
        pltpu.sync_copy(i_hbm.at[pl.ds(start + base, bpw)], idx_v)

        def gcopy(chunk, buf, sem):
            return pltpu.make_async_copy(
                t_hbm.at[idx_v.at[pl.ds(chunk * _CH, _CH)]], buf, sem)

        def store(chunk, buf):
            pltpu.sync_copy(buf, o_hbm.at[pl.ds(base + chunk * _CH, _CH)])

        gcopy(0, r0, gs0).start()

        @pl.loop(0, nch, step=2)
        def _(g):
            gcopy(g + 1, r1, gs1).start()
            gcopy(g, r0, gs0).wait()
            store(g, r0)

            @pl.when(g + 2 < nch)
            def _():
                gcopy(g + 2, r0, gs0).start()

            gcopy(g + 1, r1, gs1).wait()
            store(g + 1, r1)

    return _gather_k


def _mm_chunk(start, e_k, pos, sf, wenc, wlm, out_prev):
    crows = e_k.shape[0]

    def body(*refs):
        pos_ref, sf_ref, wenc_ref, wlm_ref, e_ref = refs[:5]
        o_ref = refs[-1]
        i = pl.program_id(0)
        r0 = start + i * _BLK
        wlm = wlm_ref[...]
        o_ref[...] = jnp.dot(e_ref[...], wlm,
                             preferred_element_type=jnp.float32)
        enc = jnp.dot(sf_ref[...], wenc_ref[...],
                      preferred_element_type=jnp.float32)
        encp = jnp.dot(enc, wlm, preferred_element_type=jnp.float32)
        for b in range(_B):
            p = pos_ref[b]

            @pl.when((p >= r0) & (p < r0 + _BLK))
            def _():
                o_ref[pl.ds(p - r0, 1), :] = encp[b:b + 1, :]

    nsteps = crows // _BLK
    base_blk = start // _BLK
    in_specs = [
        pl.BlockSpec(memory_space=pltpu.MemorySpace.SMEM),
        pl.BlockSpec((_B, _DENC), lambda i: (0, 0)),
        pl.BlockSpec((_DENC, _D), lambda i: (0, 0)),
        pl.BlockSpec((_D, _D), lambda i: (0, 0)),
        pl.BlockSpec((_BLK, _D), lambda i: (i, 0)),
    ]
    args = [pos, sf, wenc, wlm, e_k]
    aliases = {}
    if out_prev is not None:
        in_specs.append(pl.BlockSpec(memory_space=pl.ANY))
        args.append(out_prev)
        aliases = {5: 0}
    return pl.pallas_call(
        body,
        grid=(nsteps,),
        in_specs=in_specs,
        out_specs=pl.BlockSpec((_BLK, _D), lambda i: (base_blk + i, 0)),
        out_shape=jax.ShapeDtypeStruct((_NIDS, _D), jnp.float32),
        input_output_aliases=aliases,
    )(*args)


def kernel(elm_input_ids, signal_id_indices, signal_feats, embed_table,
           W_enc, W_lm):
    ids = elm_input_ids.reshape(_NIDS)
    pos = (jnp.arange(_B, dtype=jnp.int32) * _S
           + signal_id_indices.astype(jnp.int32))

    out = None
    start = 0
    for crows in _CHUNKS:
        e_k = _make_gather(crows, start)(embed_table, ids)
        out = _mm_chunk(start, e_k, pos, signal_feats, W_enc, W_lm, out)
        start += crows
    return out.reshape(_B, _S, _D)

# --- scband reference (transcript-rebuilt; emitter-appended) ---
"""Pipeline reference for scband-fuyu-53102975648202 (READ-ONLY COPY).

The authoritative reference and input builder live on the scoring server;
editing this copy changes nothing except your own understanding.
"""

import jax, jax.numpy as jnp
import numpy as np

B, S, D, V, D_ENC = 4, 8192, 1024, 32000, 512

def setup_inputs(seed: int = 0) -> dict:
    key = jax.random.key(seed)
    ks = jax.random.split(key, 6)
    return {
        "elm_input_ids": jax.random.randint(ks[0], (B, S), 0, V, dtype=jnp.int64 if jax.config.jax_enable_x64 else jnp.int32).astype(jnp.int32),
        "signal_id_indices": jax.random.randint(ks[1], (B,), 0, S).astype(jnp.int32),
        "signal_feats": jax.random.normal(ks[2], (B, D_ENC), dtype=jnp.float32),
        "embed_table": jax.random.normal(ks[3], (V, D), dtype=jnp.float32) * 0.02,
        "W_enc": jax.random.normal(ks[4], (D_ENC, D), dtype=jnp.float32) * 0.02,
        "W_lm": jax.random.normal(ks[5], (D, D), dtype=jnp.float32) * 0.02,
    }

def reference(elm_input_ids, signal_id_indices, signal_feats, embed_table, W_enc, W_lm):
    # encoder_out = self.encoder(batch): stub encoder is a linear projection of signal features
    encoder_out = signal_feats @ W_enc  # [B, D]
    # llm_embeddings = self.llm.get_llm_embeddings(batch['elm_input_ids']): embedding gather
    llm_embeddings = jnp.take(embed_table, elm_input_ids, axis=0)  # [B, S, D]
    # llm_embeddings[batch_indices, signal_id_indices] = encoder_out : scatter-overwrite
    batch_indices = jnp.arange(llm_embeddings.shape[0])
    llm_embeddings = llm_embeddings.at[batch_indices, signal_id_indices].set(encoder_out)
    # out = self.llm(batch) consuming inputs_embeds: stub llm head is a linear map over embeddings
    out = llm_embeddings @ W_lm  # [B, S, D]
    return out

if __name__ == "__main__":
    import jax
    _d = setup_inputs()
    print(jax.jit(kernel)(*tuple(_d.values())))

</pallas_src>

<mosaic_0001>
#map = affine_map<(d0, d1) -> (0, 0)>
#map1 = affine_map<(d0, d1) -> (0)>
module attributes {stable_mosaic.version = 14 : i64} {
  func.func @_gather_k(%arg0: i32, %arg1: i32, %arg2: memref<32000x1024xf32, #tpu.memory_space<hbm>>, %arg3: memref<32768xi32, #tpu.memory_space<hbm>>, %arg4: memref<4096x1024xf32, #tpu.memory_space<hbm>>, %arg5: memref<128xi32, #tpu.memory_space<vmem>>, %arg6: memref<32x1024xf32, #tpu.memory_space<vmem>>, %arg7: memref<32x1024xf32, #tpu.memory_space<vmem>>, %arg8: memref<!tpu.dma_semaphore, #tpu.memory_space<semaphore_mem>>, %arg9: memref<!tpu.dma_semaphore, #tpu.memory_space<semaphore_mem>>) attributes {dimension_semantics = [#tpu.dimension_semantics<core_parallel>, #tpu.dimension_semantics<subcore_parallel>], iteration_bounds = array<i64: 2, 16>, scalar_prefetch = 0 : i64, scratch_operands = 5 : i64, tpu.core_type = #tpu.core_type<sc_vector_subcore>, window_params = [{transform_indices = #map}, {transform_indices = #map1}, {transform_indices = #map}]} {
    %mul3A = arith.constant 2 : i32
    %mul3A_0 = arith.muli %arg1, %mul3A : i32
    %add3A = arith.addi %mul3A_0, %arg0 : i32
    %mul3A_1 = arith.constant 128 : i32
    %mul3A_2 = arith.muli %add3A, %mul3A_1 : i32
    %add3A_3 = arith.constant 12288 : i32
    %add3A_4 = arith.addi %add3A_3, %mul3A_2 : i32
    "tpu.region"() ({
      %run_scoped3A = tpu.sem_alloc : memref<!tpu.dma_semaphore, #tpu.memory_space<semaphore_mem>>
      %dma_start3A_13 = tpu.memref_slice %arg3[%add3A_4] : memref<32768xi32, #tpu.memory_space<hbm>> -> memref<128xi32, #tpu.memory_space<hbm>>
      %dma_start3A_14 = tpu.memref_slice %arg3[%add3A_4] : memref<32768xi32, #tpu.memory_space<hbm>> -> memref<128xi32, #tpu.memory_space<hbm>>
      tpu.enqueue_dma source(%dma_start3A_14 : memref<128xi32, #tpu.memory_space<hbm>>) target(%arg5 : memref<128xi32, #tpu.memory_space<vmem>>) target_semaphore(%run_scoped3A : memref<!tpu.dma_semaphore, #tpu.memory_space<semaphore_mem>>)
      %dma_wait3A = tpu.memref_slice %arg3[%add3A_4] : memref<32768xi32, #tpu.memory_space<hbm>> -> memref<128xi32, #tpu.memory_space<hbm>>
      %dma_wait3A_15 = tpu.memref_slice %arg3[%add3A_4] : memref<32768xi32, #tpu.memory_space<hbm>> -> memref<128xi32, #tpu.memory_space<hbm>>
      tpu.wait_dma2 semaphore(%run_scoped3A : memref<!tpu.dma_semaphore, #tpu.memory_space<semaphore_mem>>) src(%dma_wait3A_15 : memref<128xi32, #tpu.memory_space<hbm>>) dst(%arg5 : memref<128xi32, #tpu.memory_space<vmem>>)
      tpu.yield
    }) : () -> ()
    %dma_start3A = arith.constant 0 : i32
    %dma_start3A_5 = tpu.memref_slice %arg5[%dma_start3A] : memref<128xi32, #tpu.memory_space<vmem>> -> memref<32xi32, #tpu.memory_space<vmem>>
    %dma_start3A_6 = arith.constant 0 : i32
    %dma_start3A_7 = arith.constant 0 : i32
    %dma_start3A_8 = tpu.memref_slice %arg2[%dma_start3A_6, %dma_start3A_7] : memref<32000x1024xf32, #tpu.memory_space<hbm>> -> memref<32000x1024xf32, #tpu.memory_space<hbm>>
    tpu.enqueue_indirect_dma source(%dma_start3A_8 : memref<32000x1024xf32, #tpu.memory_space<hbm>>) target(%arg6 : memref<32x1024xf32, #tpu.memory_space<vmem>>) offsets(%dma_start3A_5 : memref<32xi32, #tpu.memory_space<vmem>>) semaphore(%arg8 : memref<!tpu.dma_semaphore, #tpu.memory_space<semaphore_mem>>)
    %scan3A = arith.constant 0 : i32
    %scan3A_9 = arith.constant 2 : i32
    %scan3A_10 = arith.addi %scan3A, %scan3A_9 : i32
    %scan3A_11 = arith.constant 1 : i32
    scf.for %scan3A_13 = %scan3A to %scan3A_10 step %scan3A_11  : i32 {
      %mul3A_14 = arith.constant 2 : i32
      %mul3A_15 = arith.muli %scan3A_13, %mul3A_14 : i32
      %add3A_16 = arith.constant 0 : i32
      %add3A_17 = arith.addi %add3A_16, %mul3A_15 : i32
      %add3A_18 = arith.constant 1 : i32
      %add3A_19 = arith.addi %add3A_17, %add3A_18 : i32
      %mul3A_20 = arith.constant 32 : i32
      %mul3A_21 = arith.muli %add3A_19, %mul3A_20 : i32
      %dma_start3A_22 = tpu.memref_slice %arg5[%mul3A_21] : memref<128xi32, #tpu.memory_space<vmem>> -> memref<32xi32, #tpu.memory_space<vmem>>
      %dma_start3A_23 = arith.constant 0 : i32
      %dma_start3A_24 = arith.constant 0 : i32
      %dma_start3A_25 = tpu.memref_slice %arg2[%dma_start3A_23, %dma_start3A_24] : memref<32000x1024xf32, #tpu.memory_space<hbm>> -> memref<32000x1024xf32, #tpu.memory_space<hbm>>
      tpu.enqueue_indirect_dma source(%dma_start3A_25 : memref<32000x1024xf32, #tpu.memory_space<hbm>>) target(%arg7 : memref<32x1024xf32, #tpu.memory_space<vmem>>) offsets(%dma_start3A_22 : memref<32xi32, #tpu.memory_space<vmem>>) semaphore(%arg9 : memref<!tpu.dma_semaphore, #tpu.memory_space<semaphore_mem>>)
      %mul3A_26 = arith.constant 32 : i32
      %mul3A_27 = arith.muli %add3A_17, %mul3A_26 : i32
      %dma_wait3A = tpu.memref_slice %arg5[%mul3A_27] : memref<128xi32, #tpu.memory_space<vmem>> -> memref<32xi32, #tpu.memory_space<vmem>>
      %dma_wait3A_28 = arith.constant 0 : i32
      %dma_wait3A_29 = arith.constant 0 : i32
      %dma_wait3A_30 = tpu.memref_slice %arg2[%dma_wait3A_28, %dma_wait3A_29] : memref<32000x1024xf32, #tpu.memory_space<hbm>> -> memref<32000x1024xf32, #tpu.memory_space<hbm>>
      tpu.wait_indirect_dma semaphore(%arg8 : memref<!tpu.dma_semaphore, #tpu.memory_space<semaphore_mem>>) src(%dma_wait3A_30 : memref<32000x1024xf32, #tpu.memory_space<hbm>>) dst(%arg6 : memref<32x1024xf32, #tpu.memory_space<vmem>>)
      %mul3A_31 = arith.constant 32 : i32
      %mul3A_32 = arith.muli %add3A_17, %mul3A_31 : i32
      %add3A_33 = arith.addi %mul3A_2, %mul3A_32 : i32
      "tpu.region"() ({
        %run_scoped3A = tpu.sem_alloc : memref<!tpu.dma_semaphore, #tpu.memory_space<semaphore_mem>>
        %dma_start3A_51 = arith.constant 0 : i32
        %dma_start3A_52 = tpu.memref_slice %arg4[%add3A_33, %dma_start3A_51] : memref<4096x1024xf32, #tpu.memory_space<hbm>> -> memref<32x1024xf32, #tpu.memory_space<hbm>>
        %dma_start3A_53 = arith.constant 0 : i32
        %dma_start3A_54 = tpu.memref_slice %arg4[%add3A_33, %dma_start3A_53] : memref<4096x1024xf32, #tpu.memory_space<hbm>> -> memref<32x1024xf32, #tpu.memory_space<hbm>>
        tpu.enqueue_dma source(%arg6 : memref<32x1024xf32, #tpu.memory_space<vmem>>) target(%dma_start3A_54 : memref<32x1024xf32, #tpu.memory_space<hbm>>) target_semaphore(%run_scoped3A : memref<!tpu.dma_semaphore, #tpu.memory_space<semaphore_mem>>)
        %dma_wait3A_55 = arith.constant 0 : i32
        %dma_wait3A_56 = tpu.memref_slice %arg4[%add3A_33, %dma_wait3A_55] : memref<4096x1024xf32, #tpu.memory_space<hbm>> -> memref<32x1024xf32, #tpu.memory_space<hbm>>
        %dma_wait3A_57 = arith.constant 0 : i32
        %dma_wait3A_58 = tpu.memref_slice %arg4[%add3A_33, %dma_wait3A_57] : memref<4096x1024xf32, #tpu.memory_space<hbm>> -> memref<32x1024xf32, #tpu.memory_space<hbm>>
        tpu.wait_dma2 semaphore(%run_scoped3A : memref<!tpu.dma_semaphore, #tpu.memory_space<semaphore_mem>>) src(%arg6 : memref<32x1024xf32, #tpu.memory_space<vmem>>) dst(%dma_wait3A_58 : memref<32x1024xf32, #tpu.memory_space<hbm>>)
        tpu.yield
      }) : () -> ()
      %add3A_34 = arith.constant 2 : i32
      %add3A_35 = arith.addi %add3A_17, %add3A_34 : i32
      %lt3A = arith.constant 4 : i32
      %lt3A_36 = arith.cmpi slt, %add3A_35, %lt3A : i32
      %convert_element_type3A = arith.extui %lt3A_36 : i1 to i32
      %cond3A = arith.constant 0 : i32
      %cond3A_37 = arith.cmpi ne, %convert_element_type3A, %cond3A : i32
      scf.if %cond3A_37 {
        %add3A_51 = arith.constant 2 : i32
        %add3A_52 = arith.addi %add3A_17, %add3A_51 : i32
        %mul3A_53 = arith.constant 32 : i32
        %mul3A_54 = arith.muli %add3A_52, %mul3A_53 : i32
        %dma_start3A_55 = tpu.memref_slice %arg5[%mul3A_54] : memref<128xi32, #tpu.memory_space<vmem>> -> memref<32xi32, #tpu.memory_space<vmem>>
        %dma_start3A_56 = arith.constant 0 : i32
        %dma_start3A_57 = arith.constant 0 : i32
        %dma_start3A_58 = tpu.memref_slice %arg2[%dma_start3A_56, %dma_start3A_57] : memref<32000x1024xf32, #tpu.memory_space<hbm>> -> memref<32000x1024xf32, #tpu.memory_space<hbm>>
        tpu.enqueue_indirect_dma source(%dma_start3A_58 : memref<32000x1024xf32, #tpu.memory_space<hbm>>) target(%arg6 : memref<32x1024xf32, #tpu.memory_space<vmem>>) offsets(%dma_start3A_55 : memref<32xi32, #tpu.memory_space<vmem>>) semaphore(%arg8 : memref<!tpu.dma_semaphore, #tpu.memory_space<semaphore_mem>>)
      } else {
      }
      %add3A_38 = arith.constant 1 : i32
      %add3A_39 = arith.addi %add3A_17, %add3A_38 : i32
      %mul3A_40 = arith.constant 32 : i32
      %mul3A_41 = arith.muli %add3A_39, %mul3A_40 : i32
      %dma_wait3A_42 = tpu.memref_slice %arg5[%mul3A_41] : memref<128xi32, #tpu.memory_space<vmem>> -> memref<32xi32, #tpu.memory_space<vmem>>
      %dma_wait3A_43 = arith.constant 0 : i32
      %dma_wait3A_44 = arith.constant 0 : i32
      %dma_wait3A_45 = tpu.memref_slice %arg2[%dma_wait3A_43, %dma_wait3A_44] : memref<32000x1024xf32, #tpu.memory_space<hbm>> -> memref<32000x1024xf32, #tpu.memory_space<hbm>>
      tpu.wait_indirect_dma semaphore(%arg9 : memref<!tpu.dma_semaphore, #tpu.memory_space<semaphore_mem>>) src(%dma_wait3A_45 : memref<32000x1024xf32, #tpu.memory_space<hbm>>) dst(%arg7 : memref<32x1024xf32, #tpu.memory_space<vmem>>)
      %add3A_46 = arith.constant 1 : i32
      %add3A_47 = arith.addi %add3A_17, %add3A_46 : i32
      %mul3A_48 = arith.constant 32 : i32
      %mul3A_49 = arith.muli %add3A_47, %mul3A_48 : i32
      %add3A_50 = arith.addi %mul3A_2, %mul3A_49 : i32
      "tpu.region"() ({
        %run_scoped3A = tpu.sem_alloc : memref<!tpu.dma_semaphore, #tpu.memory_space<semaphore_mem>>
        %dma_start3A_51 = arith.constant 0 : i32
        %dma_start3A_52 = tpu.memref_slice %arg4[%add3A_50, %dma_start3A_51] : memref<4096x1024xf32, #tpu.memory_space<hbm>> -> memref<32x1024xf32, #tpu.memory_space<hbm>>
        %dma_start3A_53 = arith.constant 0 : i32
        %dma_start3A_54 = tpu.memref_slice %arg4[%add3A_50, %dma_start3A_53] : memref<4096x1024xf32, #tpu.memory_space<hbm>> -> memref<32x1024xf32, #tpu.memory_space<hbm>>
        tpu.enqueue_dma source(%arg7 : memref<32x1024xf32, #tpu.memory_space<vmem>>) target(%dma_start3A_54 : memref<32x1024xf32, #tpu.memory_space<hbm>>) target_semaphore(%run_scoped3A : memref<!tpu.dma_semaphore, #tpu.memory_space<semaphore_mem>>)
        %dma_wait3A_55 = arith.constant 0 : i32
        %dma_wait3A_56 = tpu.memref_slice %arg4[%add3A_50, %dma_wait3A_55] : memref<4096x1024xf32, #tpu.memory_space<hbm>> -> memref<32x1024xf32, #tpu.memory_space<hbm>>
        %dma_wait3A_57 = arith.constant 0 : i32
        %dma_wait3A_58 = tpu.memref_slice %arg4[%add3A_50, %dma_wait3A_57] : memref<4096x1024xf32, #tpu.memory_space<hbm>> -> memref<32x1024xf32, #tpu.memory_space<hbm>>
        tpu.wait_dma2 semaphore(%run_scoped3A : memref<!tpu.dma_semaphore, #tpu.memory_space<semaphore_mem>>) src(%arg7 : memref<32x1024xf32, #tpu.memory_space<vmem>>) dst(%dma_wait3A_58 : memref<32x1024xf32, #tpu.memory_space<hbm>>)
        tpu.yield
      }) : () -> ()
    }
    %scan3A_12 = arith.constant 2 : i32
    return
  }
}

#map = affine_map<(d0, d1) -> (0, 0)>
#map1 = affine_map<(d0, d1) -> (0)>
module attributes {stable_mosaic.version = 14 : i64} {
  func.func @_gather_k(%arg0: i32, %arg1: i32, %arg2: memref<32000x1024xf32, #tpu.memory_space<hbm>>, %arg3: memref<32768xi32, #tpu.memory_space<hbm>>, %arg4: memref<4096x1024xf32, #tpu.memory_space<hbm>>, %arg5: memref<128xi32, #tpu.memory_space<vmem>>, %arg6: memref<32x1024xf32, #tpu.memory_space<vmem>>, %arg7: memref<32x1024xf32, #tpu.memory_space<vmem>>, %arg8: memref<!tpu.dma_semaphore, #tpu.memory_space<semaphore_mem>>, %arg9: memref<!tpu.dma_semaphore, #tpu.memory_space<semaphore_mem>>) attributes {dimension_semantics = [#tpu.dimension_semantics<core_parallel>, #tpu.dimension_semantics<subcore_parallel>], iteration_bounds = array<i64: 2, 16>, scalar_prefetch = 0 : i64, scratch_operands = 5 : i64, tpu.core_type = #tpu.core_type<sc_vector_subcore>, window_params = [{transform_indices = #map}, {transform_indices = #map1}, {transform_indices = #map}]} {
    %mul3A = arith.constant 2 : i32
    %mul3A_0 = arith.muli %arg1, %mul3A : i32
    %add3A = arith.addi %mul3A_0, %arg0 : i32
    %mul3A_1 = arith.constant 128 : i32
    %mul3A_2 = arith.muli %add3A, %mul3A_1 : i32
    %add3A_3 = arith.constant 8192 : i32
    %add3A_4 = arith.addi %add3A_3, %mul3A_2 : i32
    "tpu.region"() ({
      %run_scoped3A = tpu.sem_alloc : memref<!tpu.dma_semaphore, #tpu.memory_space<semaphore_mem>>
      %dma_start3A_13 = tpu.memref_slice %arg3[%add3A_4] : memref<32768xi32, #tpu.memory_space<hbm>> -> memref<128xi32, #tpu.memory_space<hbm>>
      %dma_start3A_14 = tpu.memref_slice %arg3[%add3A_4] : memref<32768xi32, #tpu.memory_space<hbm>> -> memref<128xi32, #tpu.memory_space<hbm>>
      tpu.enqueue_dma source(%dma_start3A_14 : memref<128xi32, #tpu.memory_space<hbm>>) target(%arg5 : memref<128xi32, #tpu.memory_space<vmem>>) target_semaphore(%run_scoped3A : memref<!tpu.dma_semaphore, #tpu.memory_space<semaphore_mem>>)
      %dma_wait3A = tpu.memref_slice %arg3[%add3A_4] : memref<32768xi32, #tpu.memory_space<hbm>> -> memref<128xi32, #tpu.memory_space<hbm>>
      %dma_wait3A_15 = tpu.memref_slice %arg3[%add3A_4] : memref<32768xi32, #tpu.memory_space<hbm>> -> memref<128xi32, #tpu.memory_space<hbm>>
      tpu.wait_dma2 semaphore(%run_scoped3A : memref<!tpu.dma_semaphore, #tpu.memory_space<semaphore_mem>>) src(%dma_wait3A_15 : memref<128xi32, #tpu.memory_space<hbm>>) dst(%arg5 : memref<128xi32, #tpu.memory_space<vmem>>)
      tpu.yield
    }) : () -> ()
    %dma_start3A = arith.constant 0 : i32
    %dma_start3A_5 = tpu.memref_slice %arg5[%dma_start3A] : memref<128xi32, #tpu.memory_space<vmem>> -> memref<32xi32, #tpu.memory_space<vmem>>
    %dma_start3A_6 = arith.constant 0 : i32
    %dma_start3A_7 = arith.constant 0 : i32
    %dma_start3A_8 = tpu.memref_slice %arg2[%dma_start3A_6, %dma_start3A_7] : memref<32000x1024xf32, #tpu.memory_space<hbm>> -> memref<32000x1024xf32, #tpu.memory_space<hbm>>
    tpu.enqueue_indirect_dma source(%dma_start3A_8 : memref<32000x1024xf32, #tpu.memory_space<hbm>>) target(%arg6 : memref<32x1024xf32, #tpu.memory_space<vmem>>) offsets(%dma_start3A_5 : memref<32xi32, #tpu.memory_space<vmem>>) semaphore(%arg8 : memref<!tpu.dma_semaphore, #tpu.memory_space<semaphore_mem>>)
    %scan3A = arith.constant 0 : i32
    %scan3A_9 = arith.constant 2 : i32
    %scan3A_10 = arith.addi %scan3A, %scan3A_9 : i32
    %scan3A_11 = arith.constant 1 : i32
    scf.for %scan3A_13 = %scan3A to %scan3A_10 step %scan3A_11  : i32 {
      %mul3A_14 = arith.constant 2 : i32
      %mul3A_15 = arith.muli %scan3A_13, %mul3A_14 : i32
      %add3A_16 = arith.constant 0 : i32
      %add3A_17 = arith.addi %add3A_16, %mul3A_15 : i32
      %add3A_18 = arith.constant 1 : i32
      %add3A_19 = arith.addi %add3A_17, %add3A_18 : i32
      %mul3A_20 = arith.constant 32 : i32
      %mul3A_21 = arith.muli %add3A_19, %mul3A_20 : i32
      %dma_start3A_22 = tpu.memref_slice %arg5[%mul3A_21] : memref<128xi32, #tpu.memory_space<vmem>> -> memref<32xi32, #tpu.memory_space<vmem>>
      %dma_start3A_23 = arith.constant 0 : i32
      %dma_start3A_24 = arith.constant 0 : i32
      %dma_start3A_25 = tpu.memref_slice %arg2[%dma_start3A_23, %dma_start3A_24] : memref<32000x1024xf32, #tpu.memory_space<hbm>> -> memref<32000x1024xf32, #tpu.memory_space<hbm>>
      tpu.enqueue_indirect_dma source(%dma_start3A_25 : memref<32000x1024xf32, #tpu.memory_space<hbm>>) target(%arg7 : memref<32x1024xf32, #tpu.memory_space<vmem>>) offsets(%dma_start3A_22 : memref<32xi32, #tpu.memory_space<vmem>>) semaphore(%arg9 : memref<!tpu.dma_semaphore, #tpu.memory_space<semaphore_mem>>)
      %mul3A_26 = arith.constant 32 : i32
      %mul3A_27 = arith.muli %add3A_17, %mul3A_26 : i32
      %dma_wait3A = tpu.memref_slice %arg5[%mul3A_27] : memref<128xi32, #tpu.memory_space<vmem>> -> memref<32xi32, #tpu.memory_space<vmem>>
      %dma_wait3A_28 = arith.constant 0 : i32
      %dma_wait3A_29 = arith.constant 0 : i32
      %dma_wait3A_30 = tpu.memref_slice %arg2[%dma_wait3A_28, %dma_wait3A_29] : memref<32000x1024xf32, #tpu.memory_space<hbm>> -> memref<32000x1024xf32, #tpu.memory_space<hbm>>
      tpu.wait_indirect_dma semaphore(%arg8 : memref<!tpu.dma_semaphore, #tpu.memory_space<semaphore_mem>>) src(%dma_wait3A_30 : memref<32000x1024xf32, #tpu.memory_space<hbm>>) dst(%arg6 : memref<32x1024xf32, #tpu.memory_space<vmem>>)
      %mul3A_31 = arith.constant 32 : i32
      %mul3A_32 = arith.muli %add3A_17, %mul3A_31 : i32
      %add3A_33 = arith.addi %mul3A_2, %mul3A_32 : i32
      "tpu.region"() ({
        %run_scoped3A = tpu.sem_alloc : memref<!tpu.dma_semaphore, #tpu.memory_space<semaphore_mem>>
        %dma_start3A_51 = arith.constant 0 : i32
        %dma_start3A_52 = tpu.memref_slice %arg4[%add3A_33, %dma_start3A_51] : memref<4096x1024xf32, #tpu.memory_space<hbm>> -> memref<32x1024xf32, #tpu.memory_space<hbm>>
        %dma_start3A_53 = arith.constant 0 : i32
        %dma_start3A_54 = tpu.memref_slice %arg4[%add3A_33, %dma_start3A_53] : memref<4096x1024xf32, #tpu.memory_space<hbm>> -> memref<32x1024xf32, #tpu.memory_space<hbm>>
        tpu.enqueue_dma source(%arg6 : memref<32x1024xf32, #tpu.memory_space<vmem>>) target(%dma_start3A_54 : memref<32x1024xf32, #tpu.memory_space<hbm>>) target_semaphore(%run_scoped3A : memref<!tpu.dma_semaphore, #tpu.memory_space<semaphore_mem>>)
        %dma_wait3A_55 = arith.constant 0 : i32
        %dma_wait3A_56 = tpu.memref_slice %arg4[%add3A_33, %dma_wait3A_55] : memref<4096x1024xf32, #tpu.memory_space<hbm>> -> memref<32x1024xf32, #tpu.memory_space<hbm>>
        %dma_wait3A_57 = arith.constant 0 : i32
        %dma_wait3A_58 = tpu.memref_slice %arg4[%add3A_33, %dma_wait3A_57] : memref<4096x1024xf32, #tpu.memory_space<hbm>> -> memref<32x1024xf32, #tpu.memory_space<hbm>>
        tpu.wait_dma2 semaphore(%run_scoped3A : memref<!tpu.dma_semaphore, #tpu.memory_space<semaphore_mem>>) src(%arg6 : memref<32x1024xf32, #tpu.memory_space<vmem>>) dst(%dma_wait3A_58 : memref<32x1024xf32, #tpu.memory_space<hbm>>)
        tpu.yield
      }) : () -> ()
      %add3A_34 = arith.constant 2 : i32
      %add3A_35 = arith.addi %add3A_17, %add3A_34 : i32
      %lt3A = arith.constant 4 : i32
      %lt3A_36 = arith.cmpi slt, %add3A_35, %lt3A : i32
      %convert_element_type3A = arith.extui %lt3A_36 : i1 to i32
      %cond3A = arith.constant 0 : i32
      %cond3A_37 = arith.cmpi ne, %convert_element_type3A, %cond3A : i32
      scf.if %cond3A_37 {
        %add3A_51 = arith.constant 2 : i32
        %add3A_52 = arith.addi %add3A_17, %add3A_51 : i32
        %mul3A_53 = arith.constant 32 : i32
        %mul3A_54 = arith.muli %add3A_52, %mul3A_53 : i32
        %dma_start3A_55 = tpu.memref_slice %arg5[%mul3A_54] : memref<128xi32, #tpu.memory_space<vmem>> -> memref<32xi32, #tpu.memory_space<vmem>>
        %dma_start3A_56 = arith.constant 0 : i32
        %dma_start3A_57 = arith.constant 0 : i32
        %dma_start3A_58 = tpu.memref_slice %arg2[%dma_start3A_56, %dma_start3A_57] : memref<32000x1024xf32, #tpu.memory_space<hbm>> -> memref<32000x1024xf32, #tpu.memory_space<hbm>>
        tpu.enqueue_indirect_dma source(%dma_start3A_58 : memref<32000x1024xf32, #tpu.memory_space<hbm>>) target(%arg6 : memref<32x1024xf32, #tpu.memory_space<vmem>>) offsets(%dma_start3A_55 : memref<32xi32, #tpu.memory_space<vmem>>) semaphore(%arg8 : memref<!tpu.dma_semaphore, #tpu.memory_space<semaphore_mem>>)
      } else {
      }
      %add3A_38 = arith.constant 1 : i32
      %add3A_39 = arith.addi %add3A_17, %add3A_38 : i32
      %mul3A_40 = arith.constant 32 : i32
      %mul3A_41 = arith.muli %add3A_39, %mul3A_40 : i32
      %dma_wait3A_42 = tpu.memref_slice %arg5[%mul3A_41] : memref<128xi32, #tpu.memory_space<vmem>> -> memref<32xi32, #tpu.memory_space<vmem>>
      %dma_wait3A_43 = arith.constant 0 : i32
      %dma_wait3A_44 = arith.constant 0 : i32
      %dma_wait3A_45 = tpu.memref_slice %arg2[%dma_wait3A_43, %dma_wait3A_44] : memref<32000x1024xf32, #tpu.memory_space<hbm>> -> memref<32000x1024xf32, #tpu.memory_space<hbm>>
      tpu.wait_indirect_dma semaphore(%arg9 : memref<!tpu.dma_semaphore, #tpu.memory_space<semaphore_mem>>) src(%dma_wait3A_45 : memref<32000x1024xf32, #tpu.memory_space<hbm>>) dst(%arg7 : memref<32x1024xf32, #tpu.memory_space<vmem>>)
      %add3A_46 = arith.constant 1 : i32
      %add3A_47 = arith.addi %add3A_17, %add3A_46 : i32
      %mul3A_48 = arith.constant 32 : i32
      %mul3A_49 = arith.muli %add3A_47, %mul3A_48 : i32
      %add3A_50 = arith.addi %mul3A_2, %mul3A_49 : i32
      "tpu.region"() ({
        %run_scoped3A = tpu.sem_alloc : memref<!tpu.dma_semaphore, #tpu.memory_space<semaphore_mem>>
        %dma_start3A_51 = arith.constant 0 : i32
        %dma_start3A_52 = tpu.memref_slice %arg4[%add3A_50, %dma_start3A_51] : memref<4096x1024xf32, #tpu.memory_space<hbm>> -> memref<32x1024xf32, #tpu.memory_space<hbm>>
        %dma_start3A_53 = arith.constant 0 : i32
        %dma_start3A_54 = tpu.memref_slice %arg4[%add3A_50, %dma_start3A_53] : memref<4096x1024xf32, #tpu.memory_space<hbm>> -> memref<32x1024xf32, #tpu.memory_space<hbm>>
        tpu.enqueue_dma source(%arg7 : memref<32x1024xf32, #tpu.memory_space<vmem>>) target(%dma_start3A_54 : memref<32x1024xf32, #tpu.memory_space<hbm>>) target_semaphore(%run_scoped3A : memref<!tpu.dma_semaphore, #tpu.memory_space<semaphore_mem>>)
        %dma_wait3A_55 = arith.constant 0 : i32
        %dma_wait3A_56 = tpu.memref_slice %arg4[%add3A_50, %dma_wait3A_55] : memref<4096x1024xf32, #tpu.memory_space<hbm>> -> memref<32x1024xf32, #tpu.memory_space<hbm>>
        %dma_wait3A_57 = arith.constant 0 : i32
        %dma_wait3A_58 = tpu.memref_slice %arg4[%add3A_50, %dma_wait3A_57] : memref<4096x1024xf32, #tpu.memory_space<hbm>> -> memref<32x1024xf32, #tpu.memory_space<hbm>>
        tpu.wait_dma2 semaphore(%run_scoped3A : memref<!tpu.dma_semaphore, #tpu.memory_space<semaphore_mem>>) src(%arg7 : memref<32x1024xf32, #tpu.memory_space<vmem>>) dst(%dma_wait3A_58 : memref<32x1024xf32, #tpu.memory_space<hbm>>)
        tpu.yield
      }) : () -> ()
    }
    %scan3A_12 = arith.constant 2 : i32
    return
  }
}

#map = affine_map<(d0, d1) -> (0, 0)>
#map1 = affine_map<(d0, d1) -> (0)>
module attributes {stable_mosaic.version = 14 : i64} {
  func.func @_gather_k(%arg0: i32, %arg1: i32, %arg2: memref<32000x1024xf32, #tpu.memory_space<hbm>>, %arg3: memref<32768xi32, #tpu.memory_space<hbm>>, %arg4: memref<4096x1024xf32, #tpu.memory_space<hbm>>, %arg5: memref<128xi32, #tpu.memory_space<vmem>>, %arg6: memref<32x1024xf32, #tpu.memory_space<vmem>>, %arg7: memref<32x1024xf32, #tpu.memory_space<vmem>>, %arg8: memref<!tpu.dma_semaphore, #tpu.memory_space<semaphore_mem>>, %arg9: memref<!tpu.dma_semaphore, #tpu.memory_space<semaphore_mem>>) attributes {dimension_semantics = [#tpu.dimension_semantics<core_parallel>, #tpu.dimension_semantics<subcore_parallel>], iteration_bounds = array<i64: 2, 16>, scalar_prefetch = 0 : i64, scratch_operands = 5 : i64, tpu.core_type = #tpu.core_type<sc_vector_subcore>, window_params = [{transform_indices = #map}, {transform_indices = #map1}, {transform_indices = #map}]} {
    %mul3A = arith.constant 2 : i32
    %mul3A_0 = arith.muli %arg1, %mul3A : i32
    %add3A = arith.addi %mul3A_0, %arg0 : i32
    %mul3A_1 = arith.constant 128 : i32
    %mul3A_2 = arith.muli %add3A, %mul3A_1 : i32
    %add3A_3 = arith.constant 0 : i32
    %add3A_4 = arith.addi %add3A_3, %mul3A_2 : i32
    "tpu.region"() ({
      %run_scoped3A = tpu.sem_alloc : memref<!tpu.dma_semaphore, #tpu.memory_space<semaphore_mem>>
      %dma_start3A_13 = tpu.memref_slice %arg3[%add3A_4] : memref<32768xi32, #tpu.memory_space<hbm>> -> memref<128xi32, #tpu.memory_space<hbm>>
      %dma_start3A_14 = tpu.memref_slice %arg3[%add3A_4] : memref<32768xi32, #tpu.memory_space<hbm>> -> memref<128xi32, #tpu.memory_space<hbm>>
      tpu.enqueue_dma source(%dma_start3A_14 : memref<128xi32, #tpu.memory_space<hbm>>) target(%arg5 : memref<128xi32, #tpu.memory_space<vmem>>) target_semaphore(%run_scoped3A : memref<!tpu.dma_semaphore, #tpu.memory_space<semaphore_mem>>)
      %dma_wait3A = tpu.memref_slice %arg3[%add3A_4] : memref<32768xi32, #tpu.memory_space<hbm>> -> memref<128xi32, #tpu.memory_space<hbm>>
      %dma_wait3A_15 = tpu.memref_slice %arg3[%add3A_4] : memref<32768xi32, #tpu.memory_space<hbm>> -> memref<128xi32, #tpu.memory_space<hbm>>
      tpu.wait_dma2 semaphore(%run_scoped3A : memref<!tpu.dma_semaphore, #tpu.memory_space<semaphore_mem>>) src(%dma_wait3A_15 : memref<128xi32, #tpu.memory_space<hbm>>) dst(%arg5 : memref<128xi32, #tpu.memory_space<vmem>>)
      tpu.yield
    }) : () -> ()
    %dma_start3A = arith.constant 0 : i32
    %dma_start3A_5 = tpu.memref_slice %arg5[%dma_start3A] : memref<128xi32, #tpu.memory_space<vmem>> -> memref<32xi32, #tpu.memory_space<vmem>>
    %dma_start3A_6 = arith.constant 0 : i32
    %dma_start3A_7 = arith.constant 0 : i32
    %dma_start3A_8 = tpu.memref_slice %arg2[%dma_start3A_6, %dma_start3A_7] : memref<32000x1024xf32, #tpu.memory_space<hbm>> -> memref<32000x1024xf32, #tpu.memory_space<hbm>>
    tpu.enqueue_indirect_dma source(%dma_start3A_8 : memref<32000x1024xf32, #tpu.memory_space<hbm>>) target(%arg6 : memref<32x1024xf32, #tpu.memory_space<vmem>>) offsets(%dma_start3A_5 : memref<32xi32, #tpu.memory_space<vmem>>) semaphore(%arg8 : memref<!tpu.dma_semaphore, #tpu.memory_space<semaphore_mem>>)
    %scan3A = arith.constant 0 : i32
    %scan3A_9 = arith.constant 2 : i32
    %scan3A_10 = arith.addi %scan3A, %scan3A_9 : i32
    %scan3A_11 = arith.constant 1 : i32
    scf.for %scan3A_13 = %scan3A to %scan3A_10 step %scan3A_11  : i32 {
      %mul3A_14 = arith.constant 2 : i32
      %mul3A_15 = arith.muli %scan3A_13, %mul3A_14 : i32
      %add3A_16 = arith.constant 0 : i32
      %add3A_17 = arith.addi %add3A_16, %mul3A_15 : i32
      %add3A_18 = arith.constant 1 : i32
      %add3A_19 = arith.addi %add3A_17, %add3A_18 : i32
      %mul3A_20 = arith.constant 32 : i32
      %mul3A_21 = arith.muli %add3A_19, %mul3A_20 : i32
      %dma_start3A_22 = tpu.memref_slice %arg5[%mul3A_21] : memref<128xi32, #tpu.memory_space<vmem>> -> memref<32xi32, #tpu.memory_space<vmem>>
      %dma_start3A_23 = arith.constant 0 : i32
      %dma_start3A_24 = arith.constant 0 : i32
      %dma_start3A_25 = tpu.memref_slice %arg2[%dma_start3A_23, %dma_start3A_24] : memref<32000x1024xf32, #tpu.memory_space<hbm>> -> memref<32000x1024xf32, #tpu.memory_space<hbm>>
      tpu.enqueue_indirect_dma source(%dma_start3A_25 : memref<32000x1024xf32, #tpu.memory_space<hbm>>) target(%arg7 : memref<32x1024xf32, #tpu.memory_space<vmem>>) offsets(%dma_start3A_22 : memref<32xi32, #tpu.memory_space<vmem>>) semaphore(%arg9 : memref<!tpu.dma_semaphore, #tpu.memory_space<semaphore_mem>>)
      %mul3A_26 = arith.constant 32 : i32
      %mul3A_27 = arith.muli %add3A_17, %mul3A_26 : i32
      %dma_wait3A = tpu.memref_slice %arg5[%mul3A_27] : memref<128xi32, #tpu.memory_space<vmem>> -> memref<32xi32, #tpu.memory_space<vmem>>
      %dma_wait3A_28 = arith.constant 0 : i32
      %dma_wait3A_29 = arith.constant 0 : i32
      %dma_wait3A_30 = tpu.memref_slice %arg2[%dma_wait3A_28, %dma_wait3A_29] : memref<32000x1024xf32, #tpu.memory_space<hbm>> -> memref<32000x1024xf32, #tpu.memory_space<hbm>>
      tpu.wait_indirect_dma semaphore(%arg8 : memref<!tpu.dma_semaphore, #tpu.memory_space<semaphore_mem>>) src(%dma_wait3A_30 : memref<32000x1024xf32, #tpu.memory_space<hbm>>) dst(%arg6 : memref<32x1024xf32, #tpu.memory_space<vmem>>)
      %mul3A_31 = arith.constant 32 : i32
      %mul3A_32 = arith.muli %add3A_17, %mul3A_31 : i32
      %add3A_33 = arith.addi %mul3A_2, %mul3A_32 : i32
      "tpu.region"() ({
        %run_scoped3A = tpu.sem_alloc : memref<!tpu.dma_semaphore, #tpu.memory_space<semaphore_mem>>
        %dma_start3A_51 = arith.constant 0 : i32
        %dma_start3A_52 = tpu.memref_slice %arg4[%add3A_33, %dma_start3A_51] : memref<4096x1024xf32, #tpu.memory_space<hbm>> -> memref<32x1024xf32, #tpu.memory_space<hbm>>
        %dma_start3A_53 = arith.constant 0 : i32
        %dma_start3A_54 = tpu.memref_slice %arg4[%add3A_33, %dma_start3A_53] : memref<4096x1024xf32, #tpu.memory_space<hbm>> -> memref<32x1024xf32, #tpu.memory_space<hbm>>
        tpu.enqueue_dma source(%arg6 : memref<32x1024xf32, #tpu.memory_space<vmem>>) target(%dma_start3A_54 : memref<32x1024xf32, #tpu.memory_space<hbm>>) target_semaphore(%run_scoped3A : memref<!tpu.dma_semaphore, #tpu.memory_space<semaphore_mem>>)
        %dma_wait3A_55 = arith.constant 0 : i32
        %dma_wait3A_56 = tpu.memref_slice %arg4[%add3A_33, %dma_wait3A_55] : memref<4096x1024xf32, #tpu.memory_space<hbm>> -> memref<32x1024xf32, #tpu.memory_space<hbm>>
        %dma_wait3A_57 = arith.constant 0 : i32
        %dma_wait3A_58 = tpu.memref_slice %arg4[%add3A_33, %dma_wait3A_57] : memref<4096x1024xf32, #tpu.memory_space<hbm>> -> memref<32x1024xf32, #tpu.memory_space<hbm>>
        tpu.wait_dma2 semaphore(%run_scoped3A : memref<!tpu.dma_semaphore, #tpu.memory_space<semaphore_mem>>) src(%arg6 : memref<32x1024xf32, #tpu.memory_space<vmem>>) dst(%dma_wait3A_58 : memref<32x1024xf32, #tpu.memory_space<hbm>>)
        tpu.yield
      }) : () -> ()
      %add3A_34 = arith.constant 2 : i32
      %add3A_35 = arith.addi %add3A_17, %add3A_34 : i32
      %lt3A = arith.constant 4 : i32
      %lt3A_36 = arith.cmpi slt, %add3A_35, %lt3A : i32
      %convert_element_type3A = arith.extui %lt3A_36 : i1 to i32
      %cond3A = arith.constant 0 : i32
      %cond3A_37 = arith.cmpi ne, %convert_element_type3A, %cond3A : i32
      scf.if %cond3A_37 {
        %add3A_51 = arith.constant 2 : i32
        %add3A_52 = arith.addi %add3A_17, %add3A_51 : i32
        %mul3A_53 = arith.constant 32 : i32
        %mul3A_54 = arith.muli %add3A_52, %mul3A_53 : i32
        %dma_start3A_55 = tpu.memref_slice %arg5[%mul3A_54] : memref<128xi32, #tpu.memory_space<vmem>> -> memref<32xi32, #tpu.memory_space<vmem>>
        %dma_start3A_56 = arith.constant 0 : i32
        %dma_start3A_57 = arith.constant 0 : i32
        %dma_start3A_58 = tpu.memref_slice %arg2[%dma_start3A_56, %dma_start3A_57] : memref<32000x1024xf32, #tpu.memory_space<hbm>> -> memref<32000x1024xf32, #tpu.memory_space<hbm>>
        tpu.enqueue_indirect_dma source(%dma_start3A_58 : memref<32000x1024xf32, #tpu.memory_space<hbm>>) target(%arg6 : memref<32x1024xf32, #tpu.memory_space<vmem>>) offsets(%dma_start3A_55 : memref<32xi32, #tpu.memory_space<vmem>>) semaphore(%arg8 : memref<!tpu.dma_semaphore, #tpu.memory_space<semaphore_mem>>)
      } else {
      }
      %add3A_38 = arith.constant 1 : i32
      %add3A_39 = arith.addi %add3A_17, %add3A_38 : i32
      %mul3A_40 = arith.constant 32 : i32
      %mul3A_41 = arith.muli %add3A_39, %mul3A_40 : i32
      %dma_wait3A_42 = tpu.memref_slice %arg5[%mul3A_41] : memref<128xi32, #tpu.memory_space<vmem>> -> memref<32xi32, #tpu.memory_space<vmem>>
      %dma_wait3A_43 = arith.constant 0 : i32
      %dma_wait3A_44 = arith.constant 0 : i32
      %dma_wait3A_45 = tpu.memref_slice %arg2[%dma_wait3A_43, %dma_wait3A_44] : memref<32000x1024xf32, #tpu.memory_space<hbm>> -> memref<32000x1024xf32, #tpu.memory_space<hbm>>
      tpu.wait_indirect_dma semaphore(%arg9 : memref<!tpu.dma_semaphore, #tpu.memory_space<semaphore_mem>>) src(%dma_wait3A_45 : memref<32000x1024xf32, #tpu.memory_space<hbm>>) dst(%arg7 : memref<32x1024xf32, #tpu.memory_space<vmem>>)
      %add3A_46 = arith.constant 1 : i32
      %add3A_47 = arith.addi %add3A_17, %add3A_46 : i32
      %mul3A_48 = arith.constant 32 : i32
      %mul3A_49 = arith.muli %add3A_47, %mul3A_48 : i32
      %add3A_50 = arith.addi %mul3A_2, %mul3A_49 : i32
      "tpu.region"() ({
        %run_scoped3A = tpu.sem_alloc : memref<!tpu.dma_semaphore, #tpu.memory_space<semaphore_mem>>
        %dma_start3A_51 = arith.constant 0 : i32
        %dma_start3A_52 = tpu.memref_slice %arg4[%add3A_50, %dma_start3A_51] : memref<4096x1024xf32, #tpu.memory_space<hbm>> -> memref<32x1024xf32, #tpu.memory_space<hbm>>
        %dma_start3A_53 = arith.constant 0 : i32
        %dma_start3A_54 = tpu.memref_slice %arg4[%add3A_50, %dma_start3A_53] : memref<4096x1024xf32, #tpu.memory_space<hbm>> -> memref<32x1024xf32, #tpu.memory_space<hbm>>
        tpu.enqueue_dma source(%arg7 : memref<32x1024xf32, #tpu.memory_space<vmem>>) target(%dma_start3A_54 : memref<32x1024xf32, #tpu.memory_space<hbm>>) target_semaphore(%run_scoped3A : memref<!tpu.dma_semaphore, #tpu.memory_space<semaphore_mem>>)
        %dma_wait3A_55 = arith.constant 0 : i32
        %dma_wait3A_56 = tpu.memref_slice %arg4[%add3A_50, %dma_wait3A_55] : memref<4096x1024xf32, #tpu.memory_space<hbm>> -> memref<32x1024xf32, #tpu.memory_space<hbm>>
        %dma_wait3A_57 = arith.constant 0 : i32
        %dma_wait3A_58 = tpu.memref_slice %arg4[%add3A_50, %dma_wait3A_57] : memref<4096x1024xf32, #tpu.memory_space<hbm>> -> memref<32x1024xf32, #tpu.memory_space<hbm>>
        tpu.wait_dma2 semaphore(%run_scoped3A : memref<!tpu.dma_semaphore, #tpu.memory_space<semaphore_mem>>) src(%arg7 : memref<32x1024xf32, #tpu.memory_space<vmem>>) dst(%dma_wait3A_58 : memref<32x1024xf32, #tpu.memory_space<hbm>>)
        tpu.yield
      }) : () -> ()
    }
    %scan3A_12 = arith.constant 2 : i32
    return
  }
}

#map = affine_map<(d0, d1) -> (0, 0)>
#map1 = affine_map<(d0, d1) -> (0)>
module attributes {stable_mosaic.version = 14 : i64} {
  func.func @_gather_k(%arg0: i32, %arg1: i32, %arg2: memref<32000x1024xf32, #tpu.memory_space<hbm>>, %arg3: memref<32768xi32, #tpu.memory_space<hbm>>, %arg4: memref<4096x1024xf32, #tpu.memory_space<hbm>>, %arg5: memref<128xi32, #tpu.memory_space<vmem>>, %arg6: memref<32x1024xf32, #tpu.memory_space<vmem>>, %arg7: memref<32x1024xf32, #tpu.memory_space<vmem>>, %arg8: memref<!tpu.dma_semaphore, #tpu.memory_space<semaphore_mem>>, %arg9: memref<!tpu.dma_semaphore, #tpu.memory_space<semaphore_mem>>) attributes {dimension_semantics = [#tpu.dimension_semantics<core_parallel>, #tpu.dimension_semantics<subcore_parallel>], iteration_bounds = array<i64: 2, 16>, scalar_prefetch = 0 : i64, scratch_operands = 5 : i64, tpu.core_type = #tpu.core_type<sc_vector_subcore>, window_params = [{transform_indices = #map}, {transform_indices = #map1}, {transform_indices = #map}]} {
    %mul3A = arith.constant 2 : i32
    %mul3A_0 = arith.muli %arg1, %mul3A : i32
    %add3A = arith.addi %mul3A_0, %arg0 : i32
    %mul3A_1 = arith.constant 128 : i32
    %mul3A_2 = arith.muli %add3A, %mul3A_1 : i32
    %add3A_3 = arith.constant 4096 : i32
    %add3A_4 = arith.addi %add3A_3, %mul3A_2 : i32
    "tpu.region"() ({
      %run_scoped3A = tpu.sem_alloc : memref<!tpu.dma_semaphore, #tpu.memory_space<semaphore_mem>>
      %dma_start3A_13 = tpu.memref_slice %arg3[%add3A_4] : memref<32768xi32, #tpu.memory_space<hbm>> -> memref<128xi32, #tpu.memory_space<hbm>>
      %dma_start3A_14 = tpu.memref_slice %arg3[%add3A_4] : memref<32768xi32, #tpu.memory_space<hbm>> -> memref<128xi32, #tpu.memory_space<hbm>>
      tpu.enqueue_dma source(%dma_start3A_14 : memref<128xi32, #tpu.memory_space<hbm>>) target(%arg5 : memref<128xi32, #tpu.memory_space<vmem>>) target_semaphore(%run_scoped3A : memref<!tpu.dma_semaphore, #tpu.memory_space<semaphore_mem>>)
      %dma_wait3A = tpu.memref_slice %arg3[%add3A_4] : memref<32768xi32, #tpu.memory_space<hbm>> -> memref<128xi32, #tpu.memory_space<hbm>>
      %dma_wait3A_15 = tpu.memref_slice %arg3[%add3A_4] : memref<32768xi32, #tpu.memory_space<hbm>> -> memref<128xi32, #tpu.memory_space<hbm>>
      tpu.wait_dma2 semaphore(%run_scoped3A : memref<!tpu.dma_semaphore, #tpu.memory_space<semaphore_mem>>) src(%dma_wait3A_15 : memref<128xi32, #tpu.memory_space<hbm>>) dst(%arg5 : memref<128xi32, #tpu.memory_space<vmem>>)
      tpu.yield
    }) : () -> ()
    %dma_start3A = arith.constant 0 : i32
    %dma_start3A_5 = tpu.memref_slice %arg5[%dma_start3A] : memref<128xi32, #tpu.memory_space<vmem>> -> memref<32xi32, #tpu.memory_space<vmem>>
    %dma_start3A_6 = arith.constant 0 : i32
    %dma_start3A_7 = arith.constant 0 : i32
    %dma_start3A_8 = tpu.memref_slice %arg2[%dma_start3A_6, %dma_start3A_7] : memref<32000x1024xf32, #tpu.memory_space<hbm>> -> memref<32000x1024xf32, #tpu.memory_space<hbm>>
    tpu.enqueue_indirect_dma source(%dma_start3A_8 : memref<32000x1024xf32, #tpu.memory_space<hbm>>) target(%arg6 : memref<32x1024xf32, #tpu.memory_space<vmem>>) offsets(%dma_start3A_5 : memref<32xi32, #tpu.memory_space<vmem>>) semaphore(%arg8 : memref<!tpu.dma_semaphore, #tpu.memory_space<semaphore_mem>>)
    %scan3A = arith.constant 0 : i32
    %scan3A_9 = arith.constant 2 : i32
    %scan3A_10 = arith.addi %scan3A, %scan3A_9 : i32
    %scan3A_11 = arith.constant 1 : i32
    scf.for %scan3A_13 = %scan3A to %scan3A_10 step %scan3A_11  : i32 {
      %mul3A_14 = arith.constant 2 : i32
      %mul3A_15 = arith.muli %scan3A_13, %mul3A_14 : i32
      %add3A_16 = arith.constant 0 : i32
      %add3A_17 = arith.addi %add3A_16, %mul3A_15 : i32
      %add3A_18 = arith.constant 1 : i32
      %add3A_19 = arith.addi %add3A_17, %add3A_18 : i32
      %mul3A_20 = arith.constant 32 : i32
      %mul3A_21 = arith.muli %add3A_19, %mul3A_20 : i32
      %dma_start3A_22 = tpu.memref_slice %arg5[%mul3A_21] : memref<128xi32, #tpu.memory_space<vmem>> -> memref<32xi32, #tpu.memory_space<vmem>>
      %dma_start3A_23 = arith.constant 0 : i32
      %dma_start3A_24 = arith.constant 0 : i32
      %dma_start3A_25 = tpu.memref_slice %arg2[%dma_start3A_23, %dma_start3A_24] : memref<32000x1024xf32, #tpu.memory_space<hbm>> -> memref<32000x1024xf32, #tpu.memory_space<hbm>>
      tpu.enqueue_indirect_dma source(%dma_start3A_25 : memref<32000x1024xf32, #tpu.memory_space<hbm>>) target(%arg7 : memref<32x1024xf32, #tpu.memory_space<vmem>>) offsets(%dma_start3A_22 : memref<32xi32, #tpu.memory_space<vmem>>) semaphore(%arg9 : memref<!tpu.dma_semaphore, #tpu.memory_space<semaphore_mem>>)
      %mul3A_26 = arith.constant 32 : i32
      %mul3A_27 = arith.muli %add3A_17, %mul3A_26 : i32
      %dma_wait3A = tpu.memref_slice %arg5[%mul3A_27] : memref<128xi32, #tpu.memory_space<vmem>> -> memref<32xi32, #tpu.memory_space<vmem>>
      %dma_wait3A_28 = arith.constant 0 : i32
      %dma_wait3A_29 = arith.constant 0 : i32
      %dma_wait3A_30 = tpu.memref_slice %arg2[%dma_wait3A_28, %dma_wait3A_29] : memref<32000x1024xf32, #tpu.memory_space<hbm>> -> memref<32000x1024xf32, #tpu.memory_space<hbm>>
      tpu.wait_indirect_dma semaphore(%arg8 : memref<!tpu.dma_semaphore, #tpu.memory_space<semaphore_mem>>) src(%dma_wait3A_30 : memref<32000x1024xf32, #tpu.memory_space<hbm>>) dst(%arg6 : memref<32x1024xf32, #tpu.memory_space<vmem>>)
      %mul3A_31 = arith.constant 32 : i32
      %mul3A_32 = arith.muli %add3A_17, %mul3A_31 : i32
      %add3A_33 = arith.addi %mul3A_2, %mul3A_32 : i32
      "tpu.region"() ({
        %run_scoped3A = tpu.sem_alloc : memref<!tpu.dma_semaphore, #tpu.memory_space<semaphore_mem>>
        %dma_start3A_51 = arith.constant 0 : i32
        %dma_start3A_52 = tpu.memref_slice %arg4[%add3A_33, %dma_start3A_51] : memref<4096x1024xf32, #tpu.memory_space<hbm>> -> memref<32x1024xf32, #tpu.memory_space<hbm>>
        %dma_start3A_53 = arith.constant 0 : i32
        %dma_start3A_54 = tpu.memref_slice %arg4[%add3A_33, %dma_start3A_53] : memref<4096x1024xf32, #tpu.memory_space<hbm>> -> memref<32x1024xf32, #tpu.memory_space<hbm>>
        tpu.enqueue_dma source(%arg6 : memref<32x1024xf32, #tpu.memory_space<vmem>>) target(%dma_start3A_54 : memref<32x1024xf32, #tpu.memory_space<hbm>>) target_semaphore(%run_scoped3A : memref<!tpu.dma_semaphore, #tpu.memory_space<semaphore_mem>>)
        %dma_wait3A_55 = arith.constant 0 : i32
        %dma_wait3A_56 = tpu.memref_slice %arg4[%add3A_33, %dma_wait3A_55] : memref<4096x1024xf32, #tpu.memory_space<hbm>> -> memref<32x1024xf32, #tpu.memory_space<hbm>>
        %dma_wait3A_57 = arith.constant 0 : i32
        %dma_wait3A_58 = tpu.memref_slice %arg4[%add3A_33, %dma_wait3A_57] : memref<4096x1024xf32, #tpu.memory_space<hbm>> -> memref<32x1024xf32, #tpu.memory_space<hbm>>
        tpu.wait_dma2 semaphore(%run_scoped3A : memref<!tpu.dma_semaphore, #tpu.memory_space<semaphore_mem>>) src(%arg6 : memref<32x1024xf32, #tpu.memory_space<vmem>>) dst(%dma_wait3A_58 : memref<32x1024xf32, #tpu.memory_space<hbm>>)
        tpu.yield
      }) : () -> ()
      %add3A_34 = arith.constant 2 : i32
      %add3A_35 = arith.addi %add3A_17, %add3A_34 : i32
      %lt3A = arith.constant 4 : i32
      %lt3A_36 = arith.cmpi slt, %add3A_35, %lt3A : i32
      %convert_element_type3A = arith.extui %lt3A_36 : i1 to i32
      %cond3A = arith.constant 0 : i32
      %cond3A_37 = arith.cmpi ne, %convert_element_type3A, %cond3A : i32
      scf.if %cond3A_37 {
        %add3A_51 = arith.constant 2 : i32
        %add3A_52 = arith.addi %add3A_17, %add3A_51 : i32
        %mul3A_53 = arith.constant 32 : i32
        %mul3A_54 = arith.muli %add3A_52, %mul3A_53 : i32
        %dma_start3A_55 = tpu.memref_slice %arg5[%mul3A_54] : memref<128xi32, #tpu.memory_space<vmem>> -> memref<32xi32, #tpu.memory_space<vmem>>
        %dma_start3A_56 = arith.constant 0 : i32
        %dma_start3A_57 = arith.constant 0 : i32
        %dma_start3A_58 = tpu.memref_slice %arg2[%dma_start3A_56, %dma_start3A_57] : memref<32000x1024xf32, #tpu.memory_space<hbm>> -> memref<32000x1024xf32, #tpu.memory_space<hbm>>
        tpu.enqueue_indirect_dma source(%dma_start3A_58 : memref<32000x1024xf32, #tpu.memory_space<hbm>>) target(%arg6 : memref<32x1024xf32, #tpu.memory_space<vmem>>) offsets(%dma_start3A_55 : memref<32xi32, #tpu.memory_space<vmem>>) semaphore(%arg8 : memref<!tpu.dma_semaphore, #tpu.memory_space<semaphore_mem>>)
      } else {
      }
      %add3A_38 = arith.constant 1 : i32
      %add3A_39 = arith.addi %add3A_17, %add3A_38 : i32
      %mul3A_40 = arith.constant 32 : i32
      %mul3A_41 = arith.muli %add3A_39, %mul3A_40 : i32
      %dma_wait3A_42 = tpu.memref_slice %arg5[%mul3A_41] : memref<128xi32, #tpu.memory_space<vmem>> -> memref<32xi32, #tpu.memory_space<vmem>>
      %dma_wait3A_43 = arith.constant 0 : i32
      %dma_wait3A_44 = arith.constant 0 : i32
      %dma_wait3A_45 = tpu.memref_slice %arg2[%dma_wait3A_43, %dma_wait3A_44] : memref<32000x1024xf32, #tpu.memory_space<hbm>> -> memref<32000x1024xf32, #tpu.memory_space<hbm>>
      tpu.wait_indirect_dma semaphore(%arg9 : memref<!tpu.dma_semaphore, #tpu.memory_space<semaphore_mem>>) src(%dma_wait3A_45 : memref<32000x1024xf32, #tpu.memory_space<hbm>>) dst(%arg7 : memref<32x1024xf32, #tpu.memory_space<vmem>>)
      %add3A_46 = arith.constant 1 : i32
      %add3A_47 = arith.addi %add3A_17, %add3A_46 : i32
      %mul3A_48 = arith.constant 32 : i32
      %mul3A_49 = arith.muli %add3A_47, %mul3A_48 : i32
      %add3A_50 = arith.addi %mul3A_2, %mul3A_49 : i32
      "tpu.region"() ({
        %run_scoped3A = tpu.sem_alloc : memref<!tpu.dma_semaphore, #tpu.memory_space<semaphore_mem>>
        %dma_start3A_51 = arith.constant 0 : i32
        %dma_start3A_52 = tpu.memref_slice %arg4[%add3A_50, %dma_start3A_51] : memref<4096x1024xf32, #tpu.memory_space<hbm>> -> memref<32x1024xf32, #tpu.memory_space<hbm>>
        %dma_start3A_53 = arith.constant 0 : i32
        %dma_start3A_54 = tpu.memref_slice %arg4[%add3A_50, %dma_start3A_53] : memref<4096x1024xf32, #tpu.memory_space<hbm>> -> memref<32x1024xf32, #tpu.memory_space<hbm>>
        tpu.enqueue_dma source(%arg7 : memref<32x1024xf32, #tpu.memory_space<vmem>>) target(%dma_start3A_54 : memref<32x1024xf32, #tpu.memory_space<hbm>>) target_semaphore(%run_scoped3A : memref<!tpu.dma_semaphore, #tpu.memory_space<semaphore_mem>>)
        %dma_wait3A_55 = arith.constant 0 : i32
        %dma_wait3A_56 = tpu.memref_slice %arg4[%add3A_50, %dma_wait3A_55] : memref<4096x1024xf32, #tpu.memory_space<hbm>> -> memref<32x1024xf32, #tpu.memory_space<hbm>>
        %dma_wait3A_57 = arith.constant 0 : i32
        %dma_wait3A_58 = tpu.memref_slice %arg4[%add3A_50, %dma_wait3A_57] : memref<4096x1024xf32, #tpu.memory_space<hbm>> -> memref<32x1024xf32, #tpu.memory_space<hbm>>
        tpu.wait_dma2 semaphore(%run_scoped3A : memref<!tpu.dma_semaphore, #tpu.memory_space<semaphore_mem>>) src(%arg7 : memref<32x1024xf32, #tpu.memory_space<vmem>>) dst(%dma_wait3A_58 : memref<32x1024xf32, #tpu.memory_space<hbm>>)
        tpu.yield
      }) : () -> ()
    }
    %scan3A_12 = arith.constant 2 : i32
    return
  }
}

#map = affine_map<(d0, d1) -> (0, 0)>
#map1 = affine_map<(d0, d1) -> (0)>
module attributes {stable_mosaic.version = 14 : i64} {
  func.func @_gather_k(%arg0: i32, %arg1: i32, %arg2: memref<32000x1024xf32, #tpu.memory_space<hbm>>, %arg3: memref<32768xi32, #tpu.memory_space<hbm>>, %arg4: memref<4096x1024xf32, #tpu.memory_space<hbm>>, %arg5: memref<128xi32, #tpu.memory_space<vmem>>, %arg6: memref<32x1024xf32, #tpu.memory_space<vmem>>, %arg7: memref<32x1024xf32, #tpu.memory_space<vmem>>, %arg8: memref<!tpu.dma_semaphore, #tpu.memory_space<semaphore_mem>>, %arg9: memref<!tpu.dma_semaphore, #tpu.memory_space<semaphore_mem>>) attributes {dimension_semantics = [#tpu.dimension_semantics<core_parallel>, #tpu.dimension_semantics<subcore_parallel>], iteration_bounds = array<i64: 2, 16>, scalar_prefetch = 0 : i64, scratch_operands = 5 : i64, tpu.core_type = #tpu.core_type<sc_vector_subcore>, window_params = [{transform_indices = #map}, {transform_indices = #map1}, {transform_indices = #map}]} {
    %mul3A = arith.constant 2 : i32
    %mul3A_0 = arith.muli %arg1, %mul3A : i32
    %add3A = arith.addi %mul3A_0, %arg0 : i32
    %mul3A_1 = arith.constant 128 : i32
    %mul3A_2 = arith.muli %add3A, %mul3A_1 : i32
    %add3A_3 = arith.constant 16384 : i32
    %add3A_4 = arith.addi %add3A_3, %mul3A_2 : i32
    "tpu.region"() ({
      %run_scoped3A = tpu.sem_alloc : memref<!tpu.dma_semaphore, #tpu.memory_space<semaphore_mem>>
      %dma_start3A_13 = tpu.memref_slice %arg3[%add3A_4] : memref<32768xi32, #tpu.memory_space<hbm>> -> memref<128xi32, #tpu.memory_space<hbm>>
      %dma_start3A_14 = tpu.memref_slice %arg3[%add3A_4] : memref<32768xi32, #tpu.memory_space<hbm>> -> memref<128xi32, #tpu.memory_space<hbm>>
      tpu.enqueue_dma source(%dma_start3A_14 : memref<128xi32, #tpu.memory_space<hbm>>) target(%arg5 : memref<128xi32, #tpu.memory_space<vmem>>) target_semaphore(%run_scoped3A : memref<!tpu.dma_semaphore, #tpu.memory_space<semaphore_mem>>)
      %dma_wait3A = tpu.memref_slice %arg3[%add3A_4] : memref<32768xi32, #tpu.memory_space<hbm>> -> memref<128xi32, #tpu.memory_space<hbm>>
      %dma_wait3A_15 = tpu.memref_slice %arg3[%add3A_4] : memref<32768xi32, #tpu.memory_space<hbm>> -> memref<128xi32, #tpu.memory_space<hbm>>
      tpu.wait_dma2 semaphore(%run_scoped3A : memref<!tpu.dma_semaphore, #tpu.memory_space<semaphore_mem>>) src(%dma_wait3A_15 : memref<128xi32, #tpu.memory_space<hbm>>) dst(%arg5 : memref<128xi32, #tpu.memory_space<vmem>>)
      tpu.yield
    }) : () -> ()
    %dma_start3A = arith.constant 0 : i32
    %dma_start3A_5 = tpu.memref_slice %arg5[%dma_start3A] : memref<128xi32, #tpu.memory_space<vmem>> -> memref<32xi32, #tpu.memory_space<vmem>>
    %dma_start3A_6 = arith.constant 0 : i32
    %dma_start3A_7 = arith.constant 0 : i32
    %dma_start3A_8 = tpu.memref_slice %arg2[%dma_start3A_6, %dma_start3A_7] : memref<32000x1024xf32, #tpu.memory_space<hbm>> -> memref<32000x1024xf32, #tpu.memory_space<hbm>>
    tpu.enqueue_indirect_dma source(%dma_start3A_8 : memref<32000x1024xf32, #tpu.memory_space<hbm>>) target(%arg6 : memref<32x1024xf32, #tpu.memory_space<vmem>>) offsets(%dma_start3A_5 : memref<32xi32, #tpu.memory_space<vmem>>) semaphore(%arg8 : memref<!tpu.dma_semaphore, #tpu.memory_space<semaphore_mem>>)
    %scan3A = arith.constant 0 : i32
    %scan3A_9 = arith.constant 2 : i32
    %scan3A_10 = arith.addi %scan3A, %scan3A_9 : i32
    %scan3A_11 = arith.constant 1 : i32
    scf.for %scan3A_13 = %scan3A to %scan3A_10 step %scan3A_11  : i32 {
      %mul3A_14 = arith.constant 2 : i32
      %mul3A_15 = arith.muli %scan3A_13, %mul3A_14 : i32
      %add3A_16 = arith.constant 0 : i32
      %add3A_17 = arith.addi %add3A_16, %mul3A_15 : i32
      %add3A_18 = arith.constant 1 : i32
      %add3A_19 = arith.addi %add3A_17, %add3A_18 : i32
      %mul3A_20 = arith.constant 32 : i32
      %mul3A_21 = arith.muli %add3A_19, %mul3A_20 : i32
      %dma_start3A_22 = tpu.memref_slice %arg5[%mul3A_21] : memref<128xi32, #tpu.memory_space<vmem>> -> memref<32xi32, #tpu.memory_space<vmem>>
      %dma_start3A_23 = arith.constant 0 : i32
      %dma_start3A_24 = arith.constant 0 : i32
      %dma_start3A_25 = tpu.memref_slice %arg2[%dma_start3A_23, %dma_start3A_24] : memref<32000x1024xf32, #tpu.memory_space<hbm>> -> memref<32000x1024xf32, #tpu.memory_space<hbm>>
      tpu.enqueue_indirect_dma source(%dma_start3A_25 : memref<32000x1024xf32, #tpu.memory_space<hbm>>) target(%arg7 : memref<32x1024xf32, #tpu.memory_space<vmem>>) offsets(%dma_start3A_22 : memref<32xi32, #tpu.memory_space<vmem>>) semaphore(%arg9 : memref<!tpu.dma_semaphore, #tpu.memory_space<semaphore_mem>>)
      %mul3A_26 = arith.constant 32 : i32
      %mul3A_27 = arith.muli %add3A_17, %mul3A_26 : i32
      %dma_wait3A = tpu.memref_slice %arg5[%mul3A_27] : memref<128xi32, #tpu.memory_space<vmem>> -> memref<32xi32, #tpu.memory_space<vmem>>
      %dma_wait3A_28 = arith.constant 0 : i32
      %dma_wait3A_29 = arith.constant 0 : i32
      %dma_wait3A_30 = tpu.memref_slice %arg2[%dma_wait3A_28, %dma_wait3A_29] : memref<32000x1024xf32, #tpu.memory_space<hbm>> -> memref<32000x1024xf32, #tpu.memory_space<hbm>>
      tpu.wait_indirect_dma semaphore(%arg8 : memref<!tpu.dma_semaphore, #tpu.memory_space<semaphore_mem>>) src(%dma_wait3A_30 : memref<32000x1024xf32, #tpu.memory_space<hbm>>) dst(%arg6 : memref<32x1024xf32, #tpu.memory_space<vmem>>)
      %mul3A_31 = arith.constant 32 : i32
      %mul3A_32 = arith.muli %add3A_17, %mul3A_31 : i32
      %add3A_33 = arith.addi %mul3A_2, %mul3A_32 : i32
      "tpu.region"() ({
        %run_scoped3A = tpu.sem_alloc : memref<!tpu.dma_semaphore, #tpu.memory_space<semaphore_mem>>
        %dma_start3A_51 = arith.constant 0 : i32
        %dma_start3A_52 = tpu.memref_slice %arg4[%add3A_33, %dma_start3A_51] : memref<4096x1024xf32, #tpu.memory_space<hbm>> -> memref<32x1024xf32, #tpu.memory_space<hbm>>
        %dma_start3A_53 = arith.constant 0 : i32
        %dma_start3A_54 = tpu.memref_slice %arg4[%add3A_33, %dma_start3A_53] : memref<4096x1024xf32, #tpu.memory_space<hbm>> -> memref<32x1024xf32, #tpu.memory_space<hbm>>
        tpu.enqueue_dma source(%arg6 : memref<32x1024xf32, #tpu.memory_space<vmem>>) target(%dma_start3A_54 : memref<32x1024xf32, #tpu.memory_space<hbm>>) target_semaphore(%run_scoped3A : memref<!tpu.dma_semaphore, #tpu.memory_space<semaphore_mem>>)
        %dma_wait3A_55 = arith.constant 0 : i32
        %dma_wait3A_56 = tpu.memref_slice %arg4[%add3A_33, %dma_wait3A_55] : memref<4096x1024xf32, #tpu.memory_space<hbm>> -> memref<32x1024xf32, #tpu.memory_space<hbm>>
        %dma_wait3A_57 = arith.constant 0 : i32
        %dma_wait3A_58 = tpu.memref_slice %arg4[%add3A_33, %dma_wait3A_57] : memref<4096x1024xf32, #tpu.memory_space<hbm>> -> memref<32x1024xf32, #tpu.memory_space<hbm>>
        tpu.wait_dma2 semaphore(%run_scoped3A : memref<!tpu.dma_semaphore, #tpu.memory_space<semaphore_mem>>) src(%arg6 : memref<32x1024xf32, #tpu.memory_space<vmem>>) dst(%dma_wait3A_58 : memref<32x1024xf32, #tpu.memory_space<hbm>>)
        tpu.yield
      }) : () -> ()
      %add3A_34 = arith.constant 2 : i32
      %add3A_35 = arith.addi %add3A_17, %add3A_34 : i32
      %lt3A = arith.constant 4 : i32
      %lt3A_36 = arith.cmpi slt, %add3A_35, %lt3A : i32
      %convert_element_type3A = arith.extui %lt3A_36 : i1 to i32
      %cond3A = arith.constant 0 : i32
      %cond3A_37 = arith.cmpi ne, %convert_element_type3A, %cond3A : i32
      scf.if %cond3A_37 {
        %add3A_51 = arith.constant 2 : i32
        %add3A_52 = arith.addi %add3A_17, %add3A_51 : i32
        %mul3A_53 = arith.constant 32 : i32
        %mul3A_54 = arith.muli %add3A_52, %mul3A_53 : i32
        %dma_start3A_55 = tpu.memref_slice %arg5[%mul3A_54] : memref<128xi32, #tpu.memory_space<vmem>> -> memref<32xi32, #tpu.memory_space<vmem>>
        %dma_start3A_56 = arith.constant 0 : i32
        %dma_start3A_57 = arith.constant 0 : i32
        %dma_start3A_58 = tpu.memref_slice %arg2[%dma_start3A_56, %dma_start3A_57] : memref<32000x1024xf32, #tpu.memory_space<hbm>> -> memref<32000x1024xf32, #tpu.memory_space<hbm>>
        tpu.enqueue_indirect_dma source(%dma_start3A_58 : memref<32000x1024xf32, #tpu.memory_space<hbm>>) target(%arg6 : memref<32x1024xf32, #tpu.memory_space<vmem>>) offsets(%dma_start3A_55 : memref<32xi32, #tpu.memory_space<vmem>>) semaphore(%arg8 : memref<!tpu.dma_semaphore, #tpu.memory_space<semaphore_mem>>)
      } else {
      }
      %add3A_38 = arith.constant 1 : i32
      %add3A_39 = arith.addi %add3A_17, %add3A_38 : i32
      %mul3A_40 = arith.constant 32 : i32
      %mul3A_41 = arith.muli %add3A_39, %mul3A_40 : i32
      %dma_wait3A_42 = tpu.memref_slice %arg5[%mul3A_41] : memref<128xi32, #tpu.memory_space<vmem>> -> memref<32xi32, #tpu.memory_space<vmem>>
      %dma_wait3A_43 = arith.constant 0 : i32
      %dma_wait3A_44 = arith.constant 0 : i32
      %dma_wait3A_45 = tpu.memref_slice %arg2[%dma_wait3A_43, %dma_wait3A_44] : memref<32000x1024xf32, #tpu.memory_space<hbm>> -> memref<32000x1024xf32, #tpu.memory_space<hbm>>
      tpu.wait_indirect_dma semaphore(%arg9 : memref<!tpu.dma_semaphore, #tpu.memory_space<semaphore_mem>>) src(%dma_wait3A_45 : memref<32000x1024xf32, #tpu.memory_space<hbm>>) dst(%arg7 : memref<32x1024xf32, #tpu.memory_space<vmem>>)
      %add3A_46 = arith.constant 1 : i32
      %add3A_47 = arith.addi %add3A_17, %add3A_46 : i32
      %mul3A_48 = arith.constant 32 : i32
      %mul3A_49 = arith.muli %add3A_47, %mul3A_48 : i32
      %add3A_50 = arith.addi %mul3A_2, %mul3A_49 : i32
      "tpu.region"() ({
        %run_scoped3A = tpu.sem_alloc : memref<!tpu.dma_semaphore, #tpu.memory_space<semaphore_mem>>
        %dma_start3A_51 = arith.constant 0 : i32
        %dma_start3A_52 = tpu.memref_slice %arg4[%add3A_50, %dma_start3A_51] : memref<4096x1024xf32, #tpu.memory_space<hbm>> -> memref<32x1024xf32, #tpu.memory_space<hbm>>
        %dma_start3A_53 = arith.constant 0 : i32
        %dma_start3A_54 = tpu.memref_slice %arg4[%add3A_50, %dma_start3A_53] : memref<4096x1024xf32, #tpu.memory_space<hbm>> -> memref<32x1024xf32, #tpu.memory_space<hbm>>
        tpu.enqueue_dma source(%arg7 : memref<32x1024xf32, #tpu.memory_space<vmem>>) target(%dma_start3A_54 : memref<32x1024xf32, #tpu.memory_space<hbm>>) target_semaphore(%run_scoped3A : memref<!tpu.dma_semaphore, #tpu.memory_space<semaphore_mem>>)
        %dma_wait3A_55 = arith.constant 0 : i32
        %dma_wait3A_56 = tpu.memref_slice %arg4[%add3A_50, %dma_wait3A_55] : memref<4096x1024xf32, #tpu.memory_space<hbm>> -> memref<32x1024xf32, #tpu.memory_space<hbm>>
        %dma_wait3A_57 = arith.constant 0 : i32
        %dma_wait3A_58 = tpu.memref_slice %arg4[%add3A_50, %dma_wait3A_57] : memref<4096x1024xf32, #tpu.memory_space<hbm>> -> memref<32x1024xf32, #tpu.memory_space<hbm>>
        tpu.wait_dma2 semaphore(%run_scoped3A : memref<!tpu.dma_semaphore, #tpu.memory_space<semaphore_mem>>) src(%arg7 : memref<32x1024xf32, #tpu.memory_space<vmem>>) dst(%dma_wait3A_58 : memref<32x1024xf32, #tpu.memory_space<hbm>>)
        tpu.yield
      }) : () -> ()
    }
    %scan3A_12 = arith.constant 2 : i32
    return
  }
}

#map = affine_map<(d0, d1) -> (0, 0)>
#map1 = affine_map<(d0, d1) -> (0)>
module attributes {stable_mosaic.version = 14 : i64} {
  func.func @_gather_k(%arg0: i32, %arg1: i32, %arg2: memref<32000x1024xf32, #tpu.memory_space<hbm>>, %arg3: memref<32768xi32, #tpu.memory_space<hbm>>, %arg4: memref<4096x1024xf32, #tpu.memory_space<hbm>>, %arg5: memref<128xi32, #tpu.memory_space<vmem>>, %arg6: memref<32x1024xf32, #tpu.memory_space<vmem>>, %arg7: memref<32x1024xf32, #tpu.memory_space<vmem>>, %arg8: memref<!tpu.dma_semaphore, #tpu.memory_space<semaphore_mem>>, %arg9: memref<!tpu.dma_semaphore, #tpu.memory_space<semaphore_mem>>) attributes {dimension_semantics = [#tpu.dimension_semantics<core_parallel>, #tpu.dimension_semantics<subcore_parallel>], iteration_bounds = array<i64: 2, 16>, scalar_prefetch = 0 : i64, scratch_operands = 5 : i64, tpu.core_type = #tpu.core_type<sc_vector_subcore>, window_params = [{transform_indices = #map}, {transform_indices = #map1}, {transform_indices = #map}]} {
    %mul3A = arith.constant 2 : i32
    %mul3A_0 = arith.muli %arg1, %mul3A : i32
    %add3A = arith.addi %mul3A_0, %arg0 : i32
    %mul3A_1 = arith.constant 128 : i32
    %mul3A_2 = arith.muli %add3A, %mul3A_1 : i32
    %add3A_3 = arith.constant 20480 : i32
    %add3A_4 = arith.addi %add3A_3, %mul3A_2 : i32
    "tpu.region"() ({
      %run_scoped3A = tpu.sem_alloc : memref<!tpu.dma_semaphore, #tpu.memory_space<semaphore_mem>>
      %dma_start3A_13 = tpu.memref_slice %arg3[%add3A_4] : memref<32768xi32, #tpu.memory_space<hbm>> -> memref<128xi32, #tpu.memory_space<hbm>>
      %dma_start3A_14 = tpu.memref_slice %arg3[%add3A_4] : memref<32768xi32, #tpu.memory_space<hbm>> -> memref<128xi32, #tpu.memory_space<hbm>>
      tpu.enqueue_dma source(%dma_start3A_14 : memref<128xi32, #tpu.memory_space<hbm>>) target(%arg5 : memref<128xi32, #tpu.memory_space<vmem>>) target_semaphore(%run_scoped3A : memref<!tpu.dma_semaphore, #tpu.memory_space<semaphore_mem>>)
      %dma_wait3A = tpu.memref_slice %arg3[%add3A_4] : memref<32768xi32, #tpu.memory_space<hbm>> -> memref<128xi32, #tpu.memory_space<hbm>>
      %dma_wait3A_15 = tpu.memref_slice %arg3[%add3A_4] : memref<32768xi32, #tpu.memory_space<hbm>> -> memref<128xi32, #tpu.memory_space<hbm>>
      tpu.wait_dma2 semaphore(%run_scoped3A : memref<!tpu.dma_semaphore, #tpu.memory_space<semaphore_mem>>) src(%dma_wait3A_15 : memref<128xi32, #tpu.memory_space<hbm>>) dst(%arg5 : memref<128xi32, #tpu.memory_space<vmem>>)
      tpu.yield
    }) : () -> ()
    %dma_start3A = arith.constant 0 : i32
    %dma_start3A_5 = tpu.memref_slice %arg5[%dma_start3A] : memref<128xi32, #tpu.memory_space<vmem>> -> memref<32xi32, #tpu.memory_space<vmem>>
    %dma_start3A_6 = arith.constant 0 : i32
    %dma_start3A_7 = arith.constant 0 : i32
    %dma_start3A_8 = tpu.memref_slice %arg2[%dma_start3A_6, %dma_start3A_7] : memref<32000x1024xf32, #tpu.memory_space<hbm>> -> memref<32000x1024xf32, #tpu.memory_space<hbm>>
    tpu.enqueue_indirect_dma source(%dma_start3A_8 : memref<32000x1024xf32, #tpu.memory_space<hbm>>) target(%arg6 : memref<32x1024xf32, #tpu.memory_space<vmem>>) offsets(%dma_start3A_5 : memref<32xi32, #tpu.memory_space<vmem>>) semaphore(%arg8 : memref<!tpu.dma_semaphore, #tpu.memory_space<semaphore_mem>>)
    %scan3A = arith.constant 0 : i32
    %scan3A_9 = arith.constant 2 : i32
    %scan3A_10 = arith.addi %scan3A, %scan3A_9 : i32
    %scan3A_11 = arith.constant 1 : i32
    scf.for %scan3A_13 = %scan3A to %scan3A_10 step %scan3A_11  : i32 {
      %mul3A_14 = arith.constant 2 : i32
      %mul3A_15 = arith.muli %scan3A_13, %mul3A_14 : i32
      %add3A_16 = arith.constant 0 : i32
      %add3A_17 = arith.addi %add3A_16, %mul3A_15 : i32
      %add3A_18 = arith.constant 1 : i32
      %add3A_19 = arith.addi %add3A_17, %add3A_18 : i32
      %mul3A_20 = arith.constant 32 : i32
      %mul3A_21 = arith.muli %add3A_19, %mul3A_20 : i32
      %dma_start3A_22 = tpu.memref_slice %arg5[%mul3A_21] : memref<128xi32, #tpu.memory_space<vmem>> -> memref<32xi32, #tpu.memory_space<vmem>>
      %dma_start3A_23 = arith.constant 0 : i32
      %dma_start3A_24 = arith.constant 0 : i32
      %dma_start3A_25 = tpu.memref_slice %arg2[%dma_start3A_23, %dma_start3A_24] : memref<32000x1024xf32, #tpu.memory_space<hbm>> -> memref<32000x1024xf32, #tpu.memory_space<hbm>>
      tpu.enqueue_indirect_dma source(%dma_start3A_25 : memref<32000x1024xf32, #tpu.memory_space<hbm>>) target(%arg7 : memref<32x1024xf32, #tpu.memory_space<vmem>>) offsets(%dma_start3A_22 : memref<32xi32, #tpu.memory_space<vmem>>) semaphore(%arg9 : memref<!tpu.dma_semaphore, #tpu.memory_space<semaphore_mem>>)
      %mul3A_26 = arith.constant 32 : i32
      %mul3A_27 = arith.muli %add3A_17, %mul3A_26 : i32
      %dma_wait3A = tpu.memref_slice %arg5[%mul3A_27] : memref<128xi32, #tpu.memory_space<vmem>> -> memref<32xi32, #tpu.memory_space<vmem>>
      %dma_wait3A_28 = arith.constant 0 : i32
      %dma_wait3A_29 = arith.constant 0 : i32
      %dma_wait3A_30 = tpu.memref_slice %arg2[%dma_wait3A_28, %dma_wait3A_29] : memref<32000x1024xf32, #tpu.memory_space<hbm>> -> memref<32000x1024xf32, #tpu.memory_space<hbm>>
      tpu.wait_indirect_dma semaphore(%arg8 : memref<!tpu.dma_semaphore, #tpu.memory_space<semaphore_mem>>) src(%dma_wait3A_30 : memref<32000x1024xf32, #tpu.memory_space<hbm>>) dst(%arg6 : memref<32x1024xf32, #tpu.memory_space<vmem>>)
      %mul3A_31 = arith.constant 32 : i32
      %mul3A_32 = arith.muli %add3A_17, %mul3A_31 : i32
      %add3A_33 = arith.addi %mul3A_2, %mul3A_32 : i32
      "tpu.region"() ({
        %run_scoped3A = tpu.sem_alloc : memref<!tpu.dma_semaphore, #tpu.memory_space<semaphore_mem>>
        %dma_start3A_51 = arith.constant 0 : i32
        %dma_start3A_52 = tpu.memref_slice %arg4[%add3A_33, %dma_start3A_51] : memref<4096x1024xf32, #tpu.memory_space<hbm>> -> memref<32x1024xf32, #tpu.memory_space<hbm>>
        %dma_start3A_53 = arith.constant 0 : i32
        %dma_start3A_54 = tpu.memref_slice %arg4[%add3A_33, %dma_start3A_53] : memref<4096x1024xf32, #tpu.memory_space<hbm>> -> memref<32x1024xf32, #tpu.memory_space<hbm>>
        tpu.enqueue_dma source(%arg6 : memref<32x1024xf32, #tpu.memory_space<vmem>>) target(%dma_start3A_54 : memref<32x1024xf32, #tpu.memory_space<hbm>>) target_semaphore(%run_scoped3A : memref<!tpu.dma_semaphore, #tpu.memory_space<semaphore_mem>>)
        %dma_wait3A_55 = arith.constant 0 : i32
        %dma_wait3A_56 = tpu.memref_slice %arg4[%add3A_33, %dma_wait3A_55] : memref<4096x1024xf32, #tpu.memory_space<hbm>> -> memref<32x1024xf32, #tpu.memory_space<hbm>>
        %dma_wait3A_57 = arith.constant 0 : i32
        %dma_wait3A_58 = tpu.memref_slice %arg4[%add3A_33, %dma_wait3A_57] : memref<4096x1024xf32, #tpu.memory_space<hbm>> -> memref<32x1024xf32, #tpu.memory_space<hbm>>
        tpu.wait_dma2 semaphore(%run_scoped3A : memref<!tpu.dma_semaphore, #tpu.memory_space<semaphore_mem>>) src(%arg6 : memref<32x1024xf32, #tpu.memory_space<vmem>>) dst(%dma_wait3A_58 : memref<32x1024xf32, #tpu.memory_space<hbm>>)
        tpu.yield
      }) : () -> ()
      %add3A_34 = arith.constant 2 : i32
      %add3A_35 = arith.addi %add3A_17, %add3A_34 : i32
      %lt3A = arith.constant 4 : i32
      %lt3A_36 = arith.cmpi slt, %add3A_35, %lt3A : i32
      %convert_element_type3A = arith.extui %lt3A_36 : i1 to i32
      %cond3A = arith.constant 0 : i32
      %cond3A_37 = arith.cmpi ne, %convert_element_type3A, %cond3A : i32
      scf.if %cond3A_37 {
        %add3A_51 = arith.constant 2 : i32
        %add3A_52 = arith.addi %add3A_17, %add3A_51 : i32
        %mul3A_53 = arith.constant 32 : i32
        %mul3A_54 = arith.muli %add3A_52, %mul3A_53 : i32
        %dma_start3A_55 = tpu.memref_slice %arg5[%mul3A_54] : memref<128xi32, #tpu.memory_space<vmem>> -> memref<32xi32, #tpu.memory_space<vmem>>
        %dma_start3A_56 = arith.constant 0 : i32
        %dma_start3A_57 = arith.constant 0 : i32
        %dma_start3A_58 = tpu.memref_slice %arg2[%dma_start3A_56, %dma_start3A_57] : memref<32000x1024xf32, #tpu.memory_space<hbm>> -> memref<32000x1024xf32, #tpu.memory_space<hbm>>
        tpu.enqueue_indirect_dma source(%dma_start3A_58 : memref<32000x1024xf32, #tpu.memory_space<hbm>>) target(%arg6 : memref<32x1024xf32, #tpu.memory_space<vmem>>) offsets(%dma_start3A_55 : memref<32xi32, #tpu.memory_space<vmem>>) semaphore(%arg8 : memref<!tpu.dma_semaphore, #tpu.memory_space<semaphore_mem>>)
      } else {
      }
      %add3A_38 = arith.constant 1 : i32
      %add3A_39 = arith.addi %add3A_17, %add3A_38 : i32
      %mul3A_40 = arith.constant 32 : i32
      %mul3A_41 = arith.muli %add3A_39, %mul3A_40 : i32
      %dma_wait3A_42 = tpu.memref_slice %arg5[%mul3A_41] : memref<128xi32, #tpu.memory_space<vmem>> -> memref<32xi32, #tpu.memory_space<vmem>>
      %dma_wait3A_43 = arith.constant 0 : i32
      %dma_wait3A_44 = arith.constant 0 : i32
      %dma_wait3A_45 = tpu.memref_slice %arg2[%dma_wait3A_43, %dma_wait3A_44] : memref<32000x1024xf32, #tpu.memory_space<hbm>> -> memref<32000x1024xf32, #tpu.memory_space<hbm>>
      tpu.wait_indirect_dma semaphore(%arg9 : memref<!tpu.dma_semaphore, #tpu.memory_space<semaphore_mem>>) src(%dma_wait3A_45 : memref<32000x1024xf32, #tpu.memory_space<hbm>>) dst(%arg7 : memref<32x1024xf32, #tpu.memory_space<vmem>>)
      %add3A_46 = arith.constant 1 : i32
      %add3A_47 = arith.addi %add3A_17, %add3A_46 : i32
      %mul3A_48 = arith.constant 32 : i32
      %mul3A_49 = arith.muli %add3A_47, %mul3A_48 : i32
      %add3A_50 = arith.addi %mul3A_2, %mul3A_49 : i32
      "tpu.region"() ({
        %run_scoped3A = tpu.sem_alloc : memref<!tpu.dma_semaphore, #tpu.memory_space<semaphore_mem>>
        %dma_start3A_51 = arith.constant 0 : i32
        %dma_start3A_52 = tpu.memref_slice %arg4[%add3A_50, %dma_start3A_51] : memref<4096x1024xf32, #tpu.memory_space<hbm>> -> memref<32x1024xf32, #tpu.memory_space<hbm>>
        %dma_start3A_53 = arith.constant 0 : i32
        %dma_start3A_54 = tpu.memref_slice %arg4[%add3A_50, %dma_start3A_53] : memref<4096x1024xf32, #tpu.memory_space<hbm>> -> memref<32x1024xf32, #tpu.memory_space<hbm>>
        tpu.enqueue_dma source(%arg7 : memref<32x1024xf32, #tpu.memory_space<vmem>>) target(%dma_start3A_54 : memref<32x1024xf32, #tpu.memory_space<hbm>>) target_semaphore(%run_scoped3A : memref<!tpu.dma_semaphore, #tpu.memory_space<semaphore_mem>>)
        %dma_wait3A_55 = arith.constant 0 : i32
        %dma_wait3A_56 = tpu.memref_slice %arg4[%add3A_50, %dma_wait3A_55] : memref<4096x1024xf32, #tpu.memory_space<hbm>> -> memref<32x1024xf32, #tpu.memory_space<hbm>>
        %dma_wait3A_57 = arith.constant 0 : i32
        %dma_wait3A_58 = tpu.memref_slice %arg4[%add3A_50, %dma_wait3A_57] : memref<4096x1024xf32, #tpu.memory_space<hbm>> -> memref<32x1024xf32, #tpu.memory_space<hbm>>
        tpu.wait_dma2 semaphore(%run_scoped3A : memref<!tpu.dma_semaphore, #tpu.memory_space<semaphore_mem>>) src(%arg7 : memref<32x1024xf32, #tpu.memory_space<vmem>>) dst(%dma_wait3A_58 : memref<32x1024xf32, #tpu.memory_space<hbm>>)
        tpu.yield
      }) : () -> ()
    }
    %scan3A_12 = arith.constant 2 : i32
    return
  }
}

#map = affine_map<(d0, d1) -> (0, 0)>
#map1 = affine_map<(d0, d1) -> (0)>
module attributes {stable_mosaic.version = 14 : i64} {
  func.func @_gather_k(%arg0: i32, %arg1: i32, %arg2: memref<32000x1024xf32, #tpu.memory_space<hbm>>, %arg3: memref<32768xi32, #tpu.memory_space<hbm>>, %arg4: memref<4096x1024xf32, #tpu.memory_space<hbm>>, %arg5: memref<128xi32, #tpu.memory_space<vmem>>, %arg6: memref<32x1024xf32, #tpu.memory_space<vmem>>, %arg7: memref<32x1024xf32, #tpu.memory_space<vmem>>, %arg8: memref<!tpu.dma_semaphore, #tpu.memory_space<semaphore_mem>>, %arg9: memref<!tpu.dma_semaphore, #tpu.memory_space<semaphore_mem>>) attributes {dimension_semantics = [#tpu.dimension_semantics<core_parallel>, #tpu.dimension_semantics<subcore_parallel>], iteration_bounds = array<i64: 2, 16>, scalar_prefetch = 0 : i64, scratch_operands = 5 : i64, tpu.core_type = #tpu.core_type<sc_vector_subcore>, window_params = [{transform_indices = #map}, {transform_indices = #map1}, {transform_indices = #map}]} {
    %mul3A = arith.constant 2 : i32
    %mul3A_0 = arith.muli %arg1, %mul3A : i32
    %add3A = arith.addi %mul3A_0, %arg0 : i32
    %mul3A_1 = arith.constant 128 : i32
    %mul3A_2 = arith.muli %add3A, %mul3A_1 : i32
    %add3A_3 = arith.constant 24576 : i32
    %add3A_4 = arith.addi %add3A_3, %mul3A_2 : i32
    "tpu.region"() ({
      %run_scoped3A = tpu.sem_alloc : memref<!tpu.dma_semaphore, #tpu.memory_space<semaphore_mem>>
      %dma_start3A_13 = tpu.memref_slice %arg3[%add3A_4] : memref<32768xi32, #tpu.memory_space<hbm>> -> memref<128xi32, #tpu.memory_space<hbm>>
      %dma_start3A_14 = tpu.memref_slice %arg3[%add3A_4] : memref<32768xi32, #tpu.memory_space<hbm>> -> memref<128xi32, #tpu.memory_space<hbm>>
      tpu.enqueue_dma source(%dma_start3A_14 : memref<128xi32, #tpu.memory_space<hbm>>) target(%arg5 : memref<128xi32, #tpu.memory_space<vmem>>) target_semaphore(%run_scoped3A : memref<!tpu.dma_semaphore, #tpu.memory_space<semaphore_mem>>)
      %dma_wait3A = tpu.memref_slice %arg3[%add3A_4] : memref<32768xi32, #tpu.memory_space<hbm>> -> memref<128xi32, #tpu.memory_space<hbm>>
      %dma_wait3A_15 = tpu.memref_slice %arg3[%add3A_4] : memref<32768xi32, #tpu.memory_space<hbm>> -> memref<128xi32, #tpu.memory_space<hbm>>
      tpu.wait_dma2 semaphore(%run_scoped3A : memref<!tpu.dma_semaphore, #tpu.memory_space<semaphore_mem>>) src(%dma_wait3A_15 : memref<128xi32, #tpu.memory_space<hbm>>) dst(%arg5 : memref<128xi32, #tpu.memory_space<vmem>>)
      tpu.yield
    }) : () -> ()
    %dma_start3A = arith.constant 0 : i32
    %dma_start3A_5 = tpu.memref_slice %arg5[%dma_start3A] : memref<128xi32, #tpu.memory_space<vmem>> -> memref<32xi32, #tpu.memory_space<vmem>>
    %dma_start3A_6 = arith.constant 0 : i32
    %dma_start3A_7 = arith.constant 0 : i32
    %dma_start3A_8 = tpu.memref_slice %arg2[%dma_start3A_6, %dma_start3A_7] : memref<32000x1024xf32, #tpu.memory_space<hbm>> -> memref<32000x1024xf32, #tpu.memory_space<hbm>>
    tpu.enqueue_indirect_dma source(%dma_start3A_8 : memref<32000x1024xf32, #tpu.memory_space<hbm>>) target(%arg6 : memref<32x1024xf32, #tpu.memory_space<vmem>>) offsets(%dma_start3A_5 : memref<32xi32, #tpu.memory_space<vmem>>) semaphore(%arg8 : memref<!tpu.dma_semaphore, #tpu.memory_space<semaphore_mem>>)
    %scan3A = arith.constant 0 : i32
    %scan3A_9 = arith.constant 2 : i32
    %scan3A_10 = arith.addi %scan3A, %scan3A_9 : i32
    %scan3A_11 = arith.constant 1 : i32
    scf.for %scan3A_13 = %scan3A to %scan3A_10 step %scan3A_11  : i32 {
      %mul3A_14 = arith.constant 2 : i32
      %mul3A_15 = arith.muli %scan3A_13, %mul3A_14 : i32
      %add3A_16 = arith.constant 0 : i32
      %add3A_17 = arith.addi %add3A_16, %mul3A_15 : i32
      %add3A_18 = arith.constant 1 : i32
      %add3A_19 = arith.addi %add3A_17, %add3A_18 : i32
      %mul3A_20 = arith.constant 32 : i32
      %mul3A_21 = arith.muli %add3A_19, %mul3A_20 : i32
      %dma_start3A_22 = tpu.memref_slice %arg5[%mul3A_21] : memref<128xi32, #tpu.memory_space<vmem>> -> memref<32xi32, #tpu.memory_space<vmem>>
      %dma_start3A_23 = arith.constant 0 : i32
      %dma_start3A_24 = arith.constant 0 : i32
      %dma_start3A_25 = tpu.memref_slice %arg2[%dma_start3A_23, %dma_start3A_24] : memref<32000x1024xf32, #tpu.memory_space<hbm>> -> memref<32000x1024xf32, #tpu.memory_space<hbm>>
      tpu.enqueue_indirect_dma source(%dma_start3A_25 : memref<32000x1024xf32, #tpu.memory_space<hbm>>) target(%arg7 : memref<32x1024xf32, #tpu.memory_space<vmem>>) offsets(%dma_start3A_22 : memref<32xi32, #tpu.memory_space<vmem>>) semaphore(%arg9 : memref<!tpu.dma_semaphore, #tpu.memory_space<semaphore_mem>>)
      %mul3A_26 = arith.constant 32 : i32
      %mul3A_27 = arith.muli %add3A_17, %mul3A_26 : i32
      %dma_wait3A = tpu.memref_slice %arg5[%mul3A_27] : memref<128xi32, #tpu.memory_space<vmem>> -> memref<32xi32, #tpu.memory_space<vmem>>
      %dma_wait3A_28 = arith.constant 0 : i32
      %dma_wait3A_29 = arith.constant 0 : i32
      %dma_wait3A_30 = tpu.memref_slice %arg2[%dma_wait3A_28, %dma_wait3A_29] : memref<32000x1024xf32, #tpu.memory_space<hbm>> -> memref<32000x1024xf32, #tpu.memory_space<hbm>>
      tpu.wait_indirect_dma semaphore(%arg8 : memref<!tpu.dma_semaphore, #tpu.memory_space<semaphore_mem>>) src(%dma_wait3A_30 : memref<32000x1024xf32, #tpu.memory_space<hbm>>) dst(%arg6 : memref<32x1024xf32, #tpu.memory_space<vmem>>)
      %mul3A_31 = arith.constant 32 : i32
      %mul3A_32 = arith.muli %add3A_17, %mul3A_31 : i32
      %add3A_33 = arith.addi %mul3A_2, %mul3A_32 : i32
      "tpu.region"() ({
        %run_scoped3A = tpu.sem_alloc : memref<!tpu.dma_semaphore, #tpu.memory_space<semaphore_mem>>
        %dma_start3A_51 = arith.constant 0 : i32
        %dma_start3A_52 = tpu.memref_slice %arg4[%add3A_33, %dma_start3A_51] : memref<4096x1024xf32, #tpu.memory_space<hbm>> -> memref<32x1024xf32, #tpu.memory_space<hbm>>
        %dma_start3A_53 = arith.constant 0 : i32
        %dma_start3A_54 = tpu.memref_slice %arg4[%add3A_33, %dma_start3A_53] : memref<4096x1024xf32, #tpu.memory_space<hbm>> -> memref<32x1024xf32, #tpu.memory_space<hbm>>
        tpu.enqueue_dma source(%arg6 : memref<32x1024xf32, #tpu.memory_space<vmem>>) target(%dma_start3A_54 : memref<32x1024xf32, #tpu.memory_space<hbm>>) target_semaphore(%run_scoped3A : memref<!tpu.dma_semaphore, #tpu.memory_space<semaphore_mem>>)
        %dma_wait3A_55 = arith.constant 0 : i32
        %dma_wait3A_56 = tpu.memref_slice %arg4[%add3A_33, %dma_wait3A_55] : memref<4096x1024xf32, #tpu.memory_space<hbm>> -> memref<32x1024xf32, #tpu.memory_space<hbm>>
        %dma_wait3A_57 = arith.constant 0 : i32
        %dma_wait3A_58 = tpu.memref_slice %arg4[%add3A_33, %dma_wait3A_57] : memref<4096x1024xf32, #tpu.memory_space<hbm>> -> memref<32x1024xf32, #tpu.memory_space<hbm>>
        tpu.wait_dma2 semaphore(%run_scoped3A : memref<!tpu.dma_semaphore, #tpu.memory_space<semaphore_mem>>) src(%arg6 : memref<32x1024xf32, #tpu.memory_space<vmem>>) dst(%dma_wait3A_58 : memref<32x1024xf32, #tpu.memory_space<hbm>>)
        tpu.yield
      }) : () -> ()
      %add3A_34 = arith.constant 2 : i32
      %add3A_35 = arith.addi %add3A_17, %add3A_34 : i32
      %lt3A = arith.constant 4 : i32
      %lt3A_36 = arith.cmpi slt, %add3A_35, %lt3A : i32
      %convert_element_type3A = arith.extui %lt3A_36 : i1 to i32
      %cond3A = arith.constant 0 : i32
      %cond3A_37 = arith.cmpi ne, %convert_element_type3A, %cond3A : i32
      scf.if %cond3A_37 {
        %add3A_51 = arith.constant 2 : i32
        %add3A_52 = arith.addi %add3A_17, %add3A_51 : i32
        %mul3A_53 = arith.constant 32 : i32
        %mul3A_54 = arith.muli %add3A_52, %mul3A_53 : i32
        %dma_start3A_55 = tpu.memref_slice %arg5[%mul3A_54] : memref<128xi32, #tpu.memory_space<vmem>> -> memref<32xi32, #tpu.memory_space<vmem>>
        %dma_start3A_56 = arith.constant 0 : i32
        %dma_start3A_57 = arith.constant 0 : i32
        %dma_start3A_58 = tpu.memref_slice %arg2[%dma_start3A_56, %dma_start3A_57] : memref<32000x1024xf32, #tpu.memory_space<hbm>> -> memref<32000x1024xf32, #tpu.memory_space<hbm>>
        tpu.enqueue_indirect_dma source(%dma_start3A_58 : memref<32000x1024xf32, #tpu.memory_space<hbm>>) target(%arg6 : memref<32x1024xf32, #tpu.memory_space<vmem>>) offsets(%dma_start3A_55 : memref<32xi32, #tpu.memory_space<vmem>>) semaphore(%arg8 : memref<!tpu.dma_semaphore, #tpu.memory_space<semaphore_mem>>)
      } else {
      }
      %add3A_38 = arith.constant 1 : i32
      %add3A_39 = arith.addi %add3A_17, %add3A_38 : i32
      %mul3A_40 = arith.constant 32 : i32
      %mul3A_41 = arith.muli %add3A_39, %mul3A_40 : i32
      %dma_wait3A_42 = tpu.memref_slice %arg5[%mul3A_41] : memref<128xi32, #tpu.memory_space<vmem>> -> memref<32xi32, #tpu.memory_space<vmem>>
      %dma_wait3A_43 = arith.constant 0 : i32
      %dma_wait3A_44 = arith.constant 0 : i32
      %dma_wait3A_45 = tpu.memref_slice %arg2[%dma_wait3A_43, %dma_wait3A_44] : memref<32000x1024xf32, #tpu.memory_space<hbm>> -> memref<32000x1024xf32, #tpu.memory_space<hbm>>
      tpu.wait_indirect_dma semaphore(%arg9 : memref<!tpu.dma_semaphore, #tpu.memory_space<semaphore_mem>>) src(%dma_wait3A_45 : memref<32000x1024xf32, #tpu.memory_space<hbm>>) dst(%arg7 : memref<32x1024xf32, #tpu.memory_space<vmem>>)
      %add3A_46 = arith.constant 1 : i32
      %add3A_47 = arith.addi %add3A_17, %add3A_46 : i32
      %mul3A_48 = arith.constant 32 : i32
      %mul3A_49 = arith.muli %add3A_47, %mul3A_48 : i32
      %add3A_50 = arith.addi %mul3A_2, %mul3A_49 : i32
      "tpu.region"() ({
        %run_scoped3A = tpu.sem_alloc : memref<!tpu.dma_semaphore, #tpu.memory_space<semaphore_mem>>
        %dma_start3A_51 = arith.constant 0 : i32
        %dma_start3A_52 = tpu.memref_slice %arg4[%add3A_50, %dma_start3A_51] : memref<4096x1024xf32, #tpu.memory_space<hbm>> -> memref<32x1024xf32, #tpu.memory_space<hbm>>
        %dma_start3A_53 = arith.constant 0 : i32
        %dma_start3A_54 = tpu.memref_slice %arg4[%add3A_50, %dma_start3A_53] : memref<4096x1024xf32, #tpu.memory_space<hbm>> -> memref<32x1024xf32, #tpu.memory_space<hbm>>
        tpu.enqueue_dma source(%arg7 : memref<32x1024xf32, #tpu.memory_space<vmem>>) target(%dma_start3A_54 : memref<32x1024xf32, #tpu.memory_space<hbm>>) target_semaphore(%run_scoped3A : memref<!tpu.dma_semaphore, #tpu.memory_space<semaphore_mem>>)
        %dma_wait3A_55 = arith.constant 0 : i32
        %dma_wait3A_56 = tpu.memref_slice %arg4[%add3A_50, %dma_wait3A_55] : memref<4096x1024xf32, #tpu.memory_space<hbm>> -> memref<32x1024xf32, #tpu.memory_space<hbm>>
        %dma_wait3A_57 = arith.constant 0 : i32
        %dma_wait3A_58 = tpu.memref_slice %arg4[%add3A_50, %dma_wait3A_57] : memref<4096x1024xf32, #tpu.memory_space<hbm>> -> memref<32x1024xf32, #tpu.memory_space<hbm>>
        tpu.wait_dma2 semaphore(%run_scoped3A : memref<!tpu.dma_semaphore, #tpu.memory_space<semaphore_mem>>) src(%arg7 : memref<32x1024xf32, #tpu.memory_space<vmem>>) dst(%dma_wait3A_58 : memref<32x1024xf32, #tpu.memory_space<hbm>>)
        tpu.yield
      }) : () -> ()
    }
    %scan3A_12 = arith.constant 2 : i32
    return
  }
}

#map = affine_map<(d0, d1) -> (0, 0)>
#map1 = affine_map<(d0, d1) -> (0)>
module attributes {stable_mosaic.version = 14 : i64} {
  func.func @_gather_k(%arg0: i32, %arg1: i32, %arg2: memref<32000x1024xf32, #tpu.memory_space<hbm>>, %arg3: memref<32768xi32, #tpu.memory_space<hbm>>, %arg4: memref<4096x1024xf32, #tpu.memory_space<hbm>>, %arg5: memref<128xi32, #tpu.memory_space<vmem>>, %arg6: memref<32x1024xf32, #tpu.memory_space<vmem>>, %arg7: memref<32x1024xf32, #tpu.memory_space<vmem>>, %arg8: memref<!tpu.dma_semaphore, #tpu.memory_space<semaphore_mem>>, %arg9: memref<!tpu.dma_semaphore, #tpu.memory_space<semaphore_mem>>) attributes {dimension_semantics = [#tpu.dimension_semantics<core_parallel>, #tpu.dimension_semantics<subcore_parallel>], iteration_bounds = array<i64: 2, 16>, scalar_prefetch = 0 : i64, scratch_operands = 5 : i64, tpu.core_type = #tpu.core_type<sc_vector_subcore>, window_params = [{transform_indices = #map}, {transform_indices = #map1}, {transform_indices = #map}]} {
    %mul3A = arith.constant 2 : i32
    %mul3A_0 = arith.muli %arg1, %mul3A : i32
    %add3A = arith.addi %mul3A_0, %arg0 : i32
    %mul3A_1 = arith.constant 128 : i32
    %mul3A_2 = arith.muli %add3A, %mul3A_1 : i32
    %add3A_3 = arith.constant 28672 : i32
    %add3A_4 = arith.addi %add3A_3, %mul3A_2 : i32
    "tpu.region"() ({
      %run_scoped3A = tpu.sem_alloc : memref<!tpu.dma_semaphore, #tpu.memory_space<semaphore_mem>>
      %dma_start3A_13 = tpu.memref_slice %arg3[%add3A_4] : memref<32768xi32, #tpu.memory_space<hbm>> -> memref<128xi32, #tpu.memory_space<hbm>>
      %dma_start3A_14 = tpu.memref_slice %arg3[%add3A_4] : memref<32768xi32, #tpu.memory_space<hbm>> -> memref<128xi32, #tpu.memory_space<hbm>>
      tpu.enqueue_dma source(%dma_start3A_14 : memref<128xi32, #tpu.memory_space<hbm>>) target(%arg5 : memref<128xi32, #tpu.memory_space<vmem>>) target_semaphore(%run_scoped3A : memref<!tpu.dma_semaphore, #tpu.memory_space<semaphore_mem>>)
      %dma_wait3A = tpu.memref_slice %arg3[%add3A_4] : memref<32768xi32, #tpu.memory_space<hbm>> -> memref<128xi32, #tpu.memory_space<hbm>>
      %dma_wait3A_15 = tpu.memref_slice %arg3[%add3A_4] : memref<32768xi32, #tpu.memory_space<hbm>> -> memref<128xi32, #tpu.memory_space<hbm>>
      tpu.wait_dma2 semaphore(%run_scoped3A : memref<!tpu.dma_semaphore, #tpu.memory_space<semaphore_mem>>) src(%dma_wait3A_15 : memref<128xi32, #tpu.memory_space<hbm>>) dst(%arg5 : memref<128xi32, #tpu.memory_space<vmem>>)
      tpu.yield
    }) : () -> ()
    %dma_start3A = arith.constant 0 : i32
    %dma_start3A_5 = tpu.memref_slice %arg5[%dma_start3A] : memref<128xi32, #tpu.memory_space<vmem>> -> memref<32xi32, #tpu.memory_space<vmem>>
    %dma_start3A_6 = arith.constant 0 : i32
    %dma_start3A_7 = arith.constant 0 : i32
    %dma_start3A_8 = tpu.memref_slice %arg2[%dma_start3A_6, %dma_start3A_7] : memref<32000x1024xf32, #tpu.memory_space<hbm>> -> memref<32000x1024xf32, #tpu.memory_space<hbm>>
    tpu.enqueue_indirect_dma source(%dma_start3A_8 : memref<32000x1024xf32, #tpu.memory_space<hbm>>) target(%arg6 : memref<32x1024xf32, #tpu.memory_space<vmem>>) offsets(%dma_start3A_5 : memref<32xi32, #tpu.memory_space<vmem>>) semaphore(%arg8 : memref<!tpu.dma_semaphore, #tpu.memory_space<semaphore_mem>>)
    %scan3A = arith.constant 0 : i32
    %scan3A_9 = arith.constant 2 : i32
    %scan3A_10 = arith.addi %scan3A, %scan3A_9 : i32
    %scan3A_11 = arith.constant 1 : i32
    scf.for %scan3A_13 = %scan3A to %scan3A_10 step %scan3A_11  : i32 {
      %mul3A_14 = arith.constant 2 : i32
      %mul3A_15 = arith.muli %scan3A_13, %mul3A_14 : i32
      %add3A_16 = arith.constant 0 : i32
      %add3A_17 = arith.addi %add3A_16, %mul3A_15 : i32
      %add3A_18 = arith.constant 1 : i32
      %add3A_19 = arith.addi %add3A_17, %add3A_18 : i32
      %mul3A_20 = arith.constant 32 : i32
      %mul3A_21 = arith.muli %add3A_19, %mul3A_20 : i32
      %dma_start3A_22 = tpu.memref_slice %arg5[%mul3A_21] : memref<128xi32, #tpu.memory_space<vmem>> -> memref<32xi32, #tpu.memory_space<vmem>>
      %dma_start3A_23 = arith.constant 0 : i32
      %dma_start3A_24 = arith.constant 0 : i32
      %dma_start3A_25 = tpu.memref_slice %arg2[%dma_start3A_23, %dma_start3A_24] : memref<32000x1024xf32, #tpu.memory_space<hbm>> -> memref<32000x1024xf32, #tpu.memory_space<hbm>>
      tpu.enqueue_indirect_dma source(%dma_start3A_25 : memref<32000x1024xf32, #tpu.memory_space<hbm>>) target(%arg7 : memref<32x1024xf32, #tpu.memory_space<vmem>>) offsets(%dma_start3A_22 : memref<32xi32, #tpu.memory_space<vmem>>) semaphore(%arg9 : memref<!tpu.dma_semaphore, #tpu.memory_space<semaphore_mem>>)
      %mul3A_26 = arith.constant 32 : i32
      %mul3A_27 = arith.muli %add3A_17, %mul3A_26 : i32
      %dma_wait3A = tpu.memref_slice %arg5[%mul3A_27] : memref<128xi32, #tpu.memory_space<vmem>> -> memref<32xi32, #tpu.memory_space<vmem>>
      %dma_wait3A_28 = arith.constant 0 : i32
      %dma_wait3A_29 = arith.constant 0 : i32
      %dma_wait3A_30 = tpu.memref_slice %arg2[%dma_wait3A_28, %dma_wait3A_29] : memref<32000x1024xf32, #tpu.memory_space<hbm>> -> memref<32000x1024xf32, #tpu.memory_space<hbm>>
      tpu.wait_indirect_dma semaphore(%arg8 : memref<!tpu.dma_semaphore, #tpu.memory_space<semaphore_mem>>) src(%dma_wait3A_30 : memref<32000x1024xf32, #tpu.memory_space<hbm>>) dst(%arg6 : memref<32x1024xf32, #tpu.memory_space<vmem>>)
      %mul3A_31 = arith.constant 32 : i32
      %mul3A_32 = arith.muli %add3A_17, %mul3A_31 : i32
      %add3A_33 = arith.addi %mul3A_2, %mul3A_32 : i32
      "tpu.region"() ({
        %run_scoped3A = tpu.sem_alloc : memref<!tpu.dma_semaphore, #tpu.memory_space<semaphore_mem>>
        %dma_start3A_51 = arith.constant 0 : i32
        %dma_start3A_52 = tpu.memref_slice %arg4[%add3A_33, %dma_start3A_51] : memref<4096x1024xf32, #tpu.memory_space<hbm>> -> memref<32x1024xf32, #tpu.memory_space<hbm>>
        %dma_start3A_53 = arith.constant 0 : i32
        %dma_start3A_54 = tpu.memref_slice %arg4[%add3A_33, %dma_start3A_53] : memref<4096x1024xf32, #tpu.memory_space<hbm>> -> memref<32x1024xf32, #tpu.memory_space<hbm>>
        tpu.enqueue_dma source(%arg6 : memref<32x1024xf32, #tpu.memory_space<vmem>>) target(%dma_start3A_54 : memref<32x1024xf32, #tpu.memory_space<hbm>>) target_semaphore(%run_scoped3A : memref<!tpu.dma_semaphore, #tpu.memory_space<semaphore_mem>>)
        %dma_wait3A_55 = arith.constant 0 : i32
        %dma_wait3A_56 = tpu.memref_slice %arg4[%add3A_33, %dma_wait3A_55] : memref<4096x1024xf32, #tpu.memory_space<hbm>> -> memref<32x1024xf32, #tpu.memory_space<hbm>>
        %dma_wait3A_57 = arith.constant 0 : i32
        %dma_wait3A_58 = tpu.memref_slice %arg4[%add3A_33, %dma_wait3A_57] : memref<4096x1024xf32, #tpu.memory_space<hbm>> -> memref<32x1024xf32, #tpu.memory_space<hbm>>
        tpu.wait_dma2 semaphore(%run_scoped3A : memref<!tpu.dma_semaphore, #tpu.memory_space<semaphore_mem>>) src(%arg6 : memref<32x1024xf32, #tpu.memory_space<vmem>>) dst(%dma_wait3A_58 : memref<32x1024xf32, #tpu.memory_space<hbm>>)
        tpu.yield
      }) : () -> ()
      %add3A_34 = arith.constant 2 : i32
      %add3A_35 = arith.addi %add3A_17, %add3A_34 : i32
      %lt3A = arith.constant 4 : i32
      %lt3A_36 = arith.cmpi slt, %add3A_35, %lt3A : i32
      %convert_element_type3A = arith.extui %lt3A_36 : i1 to i32
      %cond3A = arith.constant 0 : i32
      %cond3A_37 = arith.cmpi ne, %convert_element_type3A, %cond3A : i32
      scf.if %cond3A_37 {
        %add3A_51 = arith.constant 2 : i32
        %add3A_52 = arith.addi %add3A_17, %add3A_51 : i32
        %mul3A_53 = arith.constant 32 : i32
        %mul3A_54 = arith.muli %add3A_52, %mul3A_53 : i32
        %dma_start3A_55 = tpu.memref_slice %arg5[%mul3A_54] : memref<128xi32, #tpu.memory_space<vmem>> -> memref<32xi32, #tpu.memory_space<vmem>>
        %dma_start3A_56 = arith.constant 0 : i32
        %dma_start3A_57 = arith.constant 0 : i32
        %dma_start3A_58 = tpu.memref_slice %arg2[%dma_start3A_56, %dma_start3A_57] : memref<32000x1024xf32, #tpu.memory_space<hbm>> -> memref<32000x1024xf32, #tpu.memory_space<hbm>>
        tpu.enqueue_indirect_dma source(%dma_start3A_58 : memref<32000x1024xf32, #tpu.memory_space<hbm>>) target(%arg6 : memref<32x1024xf32, #tpu.memory_space<vmem>>) offsets(%dma_start3A_55 : memref<32xi32, #tpu.memory_space<vmem>>) semaphore(%arg8 : memref<!tpu.dma_semaphore, #tpu.memory_space<semaphore_mem>>)
      } else {
      }
      %add3A_38 = arith.constant 1 : i32
      %add3A_39 = arith.addi %add3A_17, %add3A_38 : i32
      %mul3A_40 = arith.constant 32 : i32
      %mul3A_41 = arith.muli %add3A_39, %mul3A_40 : i32
      %dma_wait3A_42 = tpu.memref_slice %arg5[%mul3A_41] : memref<128xi32, #tpu.memory_space<vmem>> -> memref<32xi32, #tpu.memory_space<vmem>>
      %dma_wait3A_43 = arith.constant 0 : i32
      %dma_wait3A_44 = arith.constant 0 : i32
      %dma_wait3A_45 = tpu.memref_slice %arg2[%dma_wait3A_43, %dma_wait3A_44] : memref<32000x1024xf32, #tpu.memory_space<hbm>> -> memref<32000x1024xf32, #tpu.memory_space<hbm>>
      tpu.wait_indirect_dma semaphore(%arg9 : memref<!tpu.dma_semaphore, #tpu.memory_space<semaphore_mem>>) src(%dma_wait3A_45 : memref<32000x1024xf32, #tpu.memory_space<hbm>>) dst(%arg7 : memref<32x1024xf32, #tpu.memory_space<vmem>>)
      %add3A_46 = arith.constant 1 : i32
      %add3A_47 = arith.addi %add3A_17, %add3A_46 : i32
      %mul3A_48 = arith.constant 32 : i32
      %mul3A_49 = arith.muli %add3A_47, %mul3A_48 : i32
      %add3A_50 = arith.addi %mul3A_2, %mul3A_49 : i32
      "tpu.region"() ({
        %run_scoped3A = tpu.sem_alloc : memref<!tpu.dma_semaphore, #tpu.memory_space<semaphore_mem>>
        %dma_start3A_51 = arith.constant 0 : i32
        %dma_start3A_52 = tpu.memref_slice %arg4[%add3A_50, %dma_start3A_51] : memref<4096x1024xf32, #tpu.memory_space<hbm>> -> memref<32x1024xf32, #tpu.memory_space<hbm>>
        %dma_start3A_53 = arith.constant 0 : i32
        %dma_start3A_54 = tpu.memref_slice %arg4[%add3A_50, %dma_start3A_53] : memref<4096x1024xf32, #tpu.memory_space<hbm>> -> memref<32x1024xf32, #tpu.memory_space<hbm>>
        tpu.enqueue_dma source(%arg7 : memref<32x1024xf32, #tpu.memory_space<vmem>>) target(%dma_start3A_54 : memref<32x1024xf32, #tpu.memory_space<hbm>>) target_semaphore(%run_scoped3A : memref<!tpu.dma_semaphore, #tpu.memory_space<semaphore_mem>>)
        %dma_wait3A_55 = arith.constant 0 : i32
        %dma_wait3A_56 = tpu.memref_slice %arg4[%add3A_50, %dma_wait3A_55] : memref<4096x1024xf32, #tpu.memory_space<hbm>> -> memref<32x1024xf32, #tpu.memory_space<hbm>>
        %dma_wait3A_57 = arith.constant 0 : i32
        %dma_wait3A_58 = tpu.memref_slice %arg4[%add3A_50, %dma_wait3A_57] : memref<4096x1024xf32, #tpu.memory_space<hbm>> -> memref<32x1024xf32, #tpu.memory_space<hbm>>
        tpu.wait_dma2 semaphore(%run_scoped3A : memref<!tpu.dma_semaphore, #tpu.memory_space<semaphore_mem>>) src(%arg7 : memref<32x1024xf32, #tpu.memory_space<vmem>>) dst(%dma_wait3A_58 : memref<32x1024xf32, #tpu.memory_space<hbm>>)
        tpu.yield
      }) : () -> ()
    }
    %scan3A_12 = arith.constant 2 : i32
    return
  }
}

module attributes {stable_mosaic.version = 14 : i64} {
  func.func @body(%arg0: i32, %arg1: memref<4xi32, #tpu.memory_space<smem>>, %arg2: memref<4x512xf32, #tpu.memory_space<vmem>>, %arg3: memref<512x1024xf32, #tpu.memory_space<vmem>>, %arg4: memref<1024x1024xf32, #tpu.memory_space<vmem>>, %arg5: memref<1024x1024xf32, #tpu.memory_space<vmem>>, %arg6: memref<32768x1024xf32, #tpu.memory_space<any>>, %arg7: memref<1024x1024xf32, #tpu.memory_space<vmem>>) attributes {dimension_semantics = [#tpu.dimension_semantics<arbitrary>], iteration_bounds = array<i64: 4>, scalar_prefetch = 0 : i64, scratch_operands = 0 : i64, tpu.core_type = #tpu.core_type<tc>, window_params = [{transform_indices = @transform_0, window_bounds = array<i64: 4>}, {pipeline_mode = #tpu.pipeline_mode<synchronous>, transform_indices = @transform_1, window_bounds = array<i64: 4, 512>}, {pipeline_mode = #tpu.pipeline_mode<synchronous>, transform_indices = @transform_2, window_bounds = array<i64: 512, 1024>}, {pipeline_mode = #tpu.pipeline_mode<synchronous>, transform_indices = @transform_3, window_bounds = array<i64: 1024, 1024>}, {transform_indices = @transform_4, window_bounds = array<i64: 1024, 1024>}, {}, {transform_indices = @transform_6, window_bounds = array<i64: 1024, 1024>}]} {
    %mul3A = arith.constant 1024 : i32
    %mul3A_0 = arith.muli %arg0, %mul3A : i32
    %add3A = arith.constant 4096 : i32
    %add3A_1 = arith.addi %add3A, %mul3A_0 : i32
    %get3A = arith.constant 0 : index
    %get3A_2 = arith.constant 0 : index
    %get3A_3 = vector.load %arg4[%get3A, %get3A_2] : memref<1024x1024xf32, #tpu.memory_space<vmem>>, vector<1024x1024xf32>
    %get3A_4 = arith.constant 0 : index
    %get3A_5 = arith.constant 0 : index
    %get3A_6 = vector.load %arg5[%get3A_4, %get3A_5] : memref<1024x1024xf32, #tpu.memory_space<vmem>>, vector<1024x1024xf32>
    %dot_general3A = arith.constant dense<0.000000e+00> : vector<1024x1024xf32>
    %dot_general3A_7 = tpu.matmul %get3A_6, %get3A_3, %dot_general3A {dimension_numbers = #tpu.dot_dimension_numbers<[1], [0], [0], [1], [0, 0, 1, 1], [], []>, transpose_lhs_hint = false} : vector<1024x1024xf32>, vector<1024x1024xf32>, vector<1024x1024xf32> -> vector<1024x1024xf32>
    %swap3A = arith.constant 0 : index
    %swap3A_8 = arith.constant 0 : index
    %swap3A_9 = vector.load %arg7[%swap3A, %swap3A_8] : memref<1024x1024xf32, #tpu.memory_space<vmem>>, vector<1024x1024xf32>
    tpu.vector_store %arg7[%swap3A, %swap3A_8], %dot_general3A_7 {strides = array<i32>} : memref<1024x1024xf32, #tpu.memory_space<vmem>>, vector<1024x1024xf32>,
    %get3A_10 = arith.constant 0 : index
    %get3A_11 = arith.constant 0 : index
    %get3A_12 = vector.load %arg2[%get3A_10, %get3A_11] : memref<4x512xf32, #tpu.memory_space<vmem>>, vector<4x512xf32>
    %get3A_13 = arith.constant 0 : index
    %get3A_14 = arith.constant 0 : index
    %get3A_15 = vector.load %arg3[%get3A_13, %get3A_14] : memref<512x1024xf32, #tpu.memory_space<vmem>>, vector<512x1024xf32>
    %dot_general3A_16 = arith.constant dense<0.000000e+00> : vector<4x1024xf32>
    %dot_general3A_17 = tpu.matmul %get3A_12, %get3A_15, %dot_general3A_16 {dimension_numbers = #tpu.dot_dimension_numbers<[1], [0], [0], [1], [0, 0, 1, 1], [], []>, transpose_lhs_hint = false} : vector<4x512xf32>, vector<512x1024xf32>, vector<4x1024xf32> -> vector<4x1024xf32>
    %dot_general3A_18 = arith.constant dense<0.000000e+00> : vector<4x1024xf32>
    %dot_general3A_19 = tpu.matmul %dot_general3A_17, %get3A_3, %dot_general3A_18 {dimension_numbers = #tpu.dot_dimension_numbers<[1], [0], [0], [1], [0, 0, 1, 1], [], []>, transpose_lhs_hint = false} : vector<4x1024xf32>, vector<1024x1024xf32>, vector<4x1024xf32> -> vector<4x1024xf32>
    %get3A_20 = arith.constant 0 : index
    %get3A_21 = memref.load %arg1[%get3A_20] : memref<4xi32, #tpu.memory_space<smem>>
    %ge3A = arith.cmpi sge, %get3A_21, %add3A_1 : i32
    %add3A_22 = arith.constant 1024 : i32
    %add3A_23 = arith.addi %add3A_1, %add3A_22 : i32
    %lt3A = arith.cmpi slt, %get3A_21, %add3A_23 : i32
    %and3A = arith.andi %ge3A, %lt3A : i1
    %convert_element_type3A = arith.extui %and3A : i1 to i32
    %cond3A = arith.constant 0 : i32
    %cond3A_24 = arith.cmpi ne, %convert_element_type3A, %cond3A : i32
    scf.if %cond3A_24 {
      %slice3A = vector.extract_strided_slice %dot_general3A_19 {offsets = [0, 0], sizes = [1, 1024], strides = [1, 1]} : vector<4x1024xf32> to vector<1x1024xf32>
      %sub3A = arith.subi %get3A_21, %add3A_1 : i32
      %swap3A_55 = arith.index_cast %sub3A : i32 to index
      %swap3A_56 = arith.constant 0 : index
      %swap3A_57 = vector.load %arg7[%swap3A_55, %swap3A_56] : memref<1024x1024xf32, #tpu.memory_space<vmem>>, vector<1x1024xf32>
      tpu.vector_store %arg7[%swap3A_55, %swap3A_56], %slice3A {strides = array<i32>} : memref<1024x1024xf32, #tpu.memory_space<vmem>>, vector<1x1024xf32>,
    } else {
    }
    %get3A_25 = arith.constant 1 : index
    %get3A_26 = memref.load %arg1[%get3A_25] : memref<4xi32, #tpu.memory_space<smem>>
    %ge3A_27 = arith.cmpi sge, %get3A_26, %add3A_1 : i32
    %add3A_28 = arith.constant 1024 : i32
    %add3A_29 = arith.addi %add3A_1, %add3A_28 : i32
    %lt3A_30 = arith.cmpi slt, %get3A_26, %add3A_29 : i32
    %and3A_31 = arith.andi %ge3A_27, %lt3A_30 : i1
    %convert_element_type3A_32 = arith.extui %and3A_31 : i1 to i32
    %cond3A_33 = arith.constant 0 : i32
    %cond3A_34 = arith.cmpi ne, %convert_element_type3A_32, %cond3A_33 : i32
    scf.if %cond3A_34 {
      %slice3A = vector.extract_strided_slice %dot_general3A_19 {offsets = [1, 0], sizes = [1, 1024], strides = [1, 1]} : vector<4x1024xf32> to vector<1x1024xf32>
      %sub3A = arith.subi %get3A_26, %add3A_1 : i32
      %swap3A_55 = arith.index_cast %sub3A : i32 to index
      %swap3A_56 = arith.constant 0 : index
      %swap3A_57 = vector.load %arg7[%swap3A_55, %swap3A_56] : memref<1024x1024xf32, #tpu.memory_space<vmem>>, vector<1x1024xf32>
      tpu.vector_store %arg7[%swap3A_55, %swap3A_56], %slice3A {strides = array<i32>} : memref<1024x1024xf32, #tpu.memory_space<vmem>>, vector<1x1024xf32>,
    } else {
    }
    %get3A_35 = arith.constant 2 : index
    %get3A_36 = memref.load %arg1[%get3A_35] : memref<4xi32, #tpu.memory_space<smem>>
    %ge3A_37 = arith.cmpi sge, %get3A_36, %add3A_1 : i32
    %add3A_38 = arith.constant 1024 : i32
    %add3A_39 = arith.addi %add3A_1, %add3A_38 : i32
    %lt3A_40 = arith.cmpi slt, %get3A_36, %add3A_39 : i32
    %and3A_41 = arith.andi %ge3A_37, %lt3A_40 : i1
    %convert_element_type3A_42 = arith.extui %and3A_41 : i1 to i32
    %cond3A_43 = arith.constant 0 : i32
    %cond3A_44 = arith.cmpi ne, %convert_element_type3A_42, %cond3A_43 : i32
    scf.if %cond3A_44 {
      %slice3A = vector.extract_strided_slice %dot_general3A_19 {offsets = [2, 0], sizes = [1, 1024], strides = [1, 1]} : vector<4x1024xf32> to vector<1x1024xf32>
      %sub3A = arith.subi %get3A_36, %add3A_1 : i32
      %swap3A_55 = arith.index_cast %sub3A : i32 to index
      %swap3A_56 = arith.constant 0 : index
      %swap3A_57 = vector.load %arg7[%swap3A_55, %swap3A_56] : memref<1024x1024xf32, #tpu.memory_space<vmem>>, vector<1x1024xf32>
      tpu.vector_store %arg7[%swap3A_55, %swap3A_56], %slice3A {strides = array<i32>} : memref<1024x1024xf32, #tpu.memory_space<vmem>>, vector<1x1024xf32>,
    } else {
    }
    %get3A_45 = arith.constant 3 : index
    %get3A_46 = memref.load %arg1[%get3A_45] : memref<4xi32, #tpu.memory_space<smem>>
    %ge3A_47 = arith.cmpi sge, %get3A_46, %add3A_1 : i32
    %add3A_48 = arith.constant 1024 : i32
    %add3A_49 = arith.addi %add3A_1, %add3A_48 : i32
    %lt3A_50 = arith.cmpi slt, %get3A_46, %add3A_49 : i32
    %and3A_51 = arith.andi %ge3A_47, %lt3A_50 : i1
    %convert_element_type3A_52 = arith.extui %and3A_51 : i1 to i32
    %cond3A_53 = arith.constant 0 : i32
    %cond3A_54 = arith.cmpi ne, %convert_element_type3A_52, %cond3A_53 : i32
    scf.if %cond3A_54 {
      %slice3A = vector.extract_strided_slice %dot_general3A_19 {offsets = [3, 0], sizes = [1, 1024], strides = [1, 1]} : vector<4x1024xf32> to vector<1x1024xf32>
      %sub3A = arith.subi %get3A_46, %add3A_1 : i32
      %swap3A_55 = arith.index_cast %sub3A : i32 to index
      %swap3A_56 = arith.constant 0 : index
      %swap3A_57 = vector.load %arg7[%swap3A_55, %swap3A_56] : memref<1024x1024xf32, #tpu.memory_space<vmem>>, vector<1x1024xf32>
      tpu.vector_store %arg7[%swap3A_55, %swap3A_56], %slice3A {strides = array<i32>} : memref<1024x1024xf32, #tpu.memory_space<vmem>>, vector<1x1024xf32>,
    } else {
    }
    return
  }
  func.func @transform_0(%arg0: i32) -> i32 {
    %c0_i32 = arith.constant 0 : i32
    %c0_i32_0 = arith.constant 0 : i32
    return %c0_i32 : i32
  }
  func.func @transform_1(%arg0: i32) -> (i32, i32) {
    %c0_i32 = arith.constant 0 : i32
    %c0_i32_0 = arith.constant 0 : i32
    %c0_i32_1 = arith.constant 0 : i32
    return %c0_i32, %c0_i32_0 : i32, i32
  }
  func.func @transform_2(%arg0: i32) -> (i32, i32) {
    %c0_i32 = arith.constant 0 : i32
    %c0_i32_0 = arith.constant 0 : i32
    %c0_i32_1 = arith.constant 0 : i32
    return %c0_i32, %c0_i32_0 : i32, i32
  }
  func.func @transform_3(%arg0: i32) -> (i32, i32) {
    %c0_i32 = arith.constant 0 : i32
    %c0_i32_0 = arith.constant 0 : i32
    %c0_i32_1 = arith.constant 0 : i32
    return %c0_i32, %c0_i32_0 : i32, i32
  }
  func.func @transform_4(%arg0: i32) -> (i32, i32) {
    %c0_i32 = arith.constant 0 : i32
    %c0_i32_0 = arith.constant 0 : i32
    return %arg0, %c0_i32 : i32, i32
  }
  func.func @transform_6(%arg0: i32) -> (i32, i32) {
    %add3A = arith.constant 4 : i32
    %add3A_0 = arith.addi %add3A, %arg0 : i32
    %c0_i32 = arith.constant 0 : i32
    %c0_i32_1 = arith.constant 0 : i32
    return %add3A_0, %c0_i32 : i32, i32
  }
}

module attributes {stable_mosaic.version = 14 : i64} {
  func.func @body(%arg0: i32, %arg1: memref<4xi32, #tpu.memory_space<smem>>, %arg2: memref<4x512xf32, #tpu.memory_space<vmem>>, %arg3: memref<512x1024xf32, #tpu.memory_space<vmem>>, %arg4: memref<1024x1024xf32, #tpu.memory_space<vmem>>, %arg5: memref<1024x1024xf32, #tpu.memory_space<vmem>>, %arg6: memref<32768x1024xf32, #tpu.memory_space<any>>, %arg7: memref<1024x1024xf32, #tpu.memory_space<vmem>>) attributes {dimension_semantics = [#tpu.dimension_semantics<arbitrary>], iteration_bounds = array<i64: 4>, scalar_prefetch = 0 : i64, scratch_operands = 0 : i64, tpu.core_type = #tpu.core_type<tc>, window_params = [{transform_indices = @transform_0, window_bounds = array<i64: 4>}, {pipeline_mode = #tpu.pipeline_mode<synchronous>, transform_indices = @transform_1, window_bounds = array<i64: 4, 512>}, {pipeline_mode = #tpu.pipeline_mode<synchronous>, transform_indices = @transform_2, window_bounds = array<i64: 512, 1024>}, {pipeline_mode = #tpu.pipeline_mode<synchronous>, transform_indices = @transform_3, window_bounds = array<i64: 1024, 1024>}, {transform_indices = @transform_4, window_bounds = array<i64: 1024, 1024>}, {}, {transform_indices = @transform_6, window_bounds = array<i64: 1024, 1024>}]} {
    %mul3A = arith.constant 1024 : i32
    %mul3A_0 = arith.muli %arg0, %mul3A : i32
    %add3A = arith.constant 8192 : i32
    %add3A_1 = arith.addi %add3A, %mul3A_0 : i32
    %get3A = arith.constant 0 : index
    %get3A_2 = arith.constant 0 : index
    %get3A_3 = vector.load %arg4[%get3A, %get3A_2] : memref<1024x1024xf32, #tpu.memory_space<vmem>>, vector<1024x1024xf32>
    %get3A_4 = arith.constant 0 : index
    %get3A_5 = arith.constant 0 : index
    %get3A_6 = vector.load %arg5[%get3A_4, %get3A_5] : memref<1024x1024xf32, #tpu.memory_space<vmem>>, vector<1024x1024xf32>
    %dot_general3A = arith.constant dense<0.000000e+00> : vector<1024x1024xf32>
    %dot_general3A_7 = tpu.matmul %get3A_6, %get3A_3, %dot_general3A {dimension_numbers = #tpu.dot_dimension_numbers<[1], [0], [0], [1], [0, 0, 1, 1], [], []>, transpose_lhs_hint = false} : vector<1024x1024xf32>, vector<1024x1024xf32>, vector<1024x1024xf32> -> vector<1024x1024xf32>
    %swap3A = arith.constant 0 : index
    %swap3A_8 = arith.constant 0 : index
    %swap3A_9 = vector.load %arg7[%swap3A, %swap3A_8] : memref<1024x1024xf32, #tpu.memory_space<vmem>>, vector<1024x1024xf32>
    tpu.vector_store %arg7[%swap3A, %swap3A_8], %dot_general3A_7 {strides = array<i32>} : memref<1024x1024xf32, #tpu.memory_space<vmem>>, vector<1024x1024xf32>,
    %get3A_10 = arith.constant 0 : index
    %get3A_11 = arith.constant 0 : index
    %get3A_12 = vector.load %arg2[%get3A_10, %get3A_11] : memref<4x512xf32, #tpu.memory_space<vmem>>, vector<4x512xf32>
    %get3A_13 = arith.constant 0 : index
    %get3A_14 = arith.constant 0 : index
    %get3A_15 = vector.load %arg3[%get3A_13, %get3A_14] : memref<512x1024xf32, #tpu.memory_space<vmem>>, vector<512x1024xf32>
    %dot_general3A_16 = arith.constant dense<0.000000e+00> : vector<4x1024xf32>
    %dot_general3A_17 = tpu.matmul %get3A_12, %get3A_15, %dot_general3A_16 {dimension_numbers = #tpu.dot_dimension_numbers<[1], [0], [0], [1], [0, 0, 1, 1], [], []>, transpose_lhs_hint = false} : vector<4x512xf32>, vector<512x1024xf32>, vector<4x1024xf32> -> vector<4x1024xf32>
    %dot_general3A_18 = arith.constant dense<0.000000e+00> : vector<4x1024xf32>
    %dot_general3A_19 = tpu.matmul %dot_general3A_17, %get3A_3, %dot_general3A_18 {dimension_numbers = #tpu.dot_dimension_numbers<[1], [0], [0], [1], [0, 0, 1, 1], [], []>, transpose_lhs_hint = false} : vector<4x1024xf32>, vector<1024x1024xf32>, vector<4x1024xf32> -> vector<4x1024xf32>
    %get3A_20 = arith.constant 0 : index
    %get3A_21 = memref.load %arg1[%get3A_20] : memref<4xi32, #tpu.memory_space<smem>>
    %ge3A = arith.cmpi sge, %get3A_21, %add3A_1 : i32
    %add3A_22 = arith.constant 1024 : i32
    %add3A_23 = arith.addi %add3A_1, %add3A_22 : i32
    %lt3A = arith.cmpi slt, %get3A_21, %add3A_23 : i32
    %and3A = arith.andi %ge3A, %lt3A : i1
    %convert_element_type3A = arith.extui %and3A : i1 to i32
    %cond3A = arith.constant 0 : i32
    %cond3A_24 = arith.cmpi ne, %convert_element_type3A, %cond3A : i32
    scf.if %cond3A_24 {
      %slice3A = vector.extract_strided_slice %dot_general3A_19 {offsets = [0, 0], sizes = [1, 1024], strides = [1, 1]} : vector<4x1024xf32> to vector<1x1024xf32>
      %sub3A = arith.subi %get3A_21, %add3A_1 : i32
      %swap3A_55 = arith.index_cast %sub3A : i32 to index
      %swap3A_56 = arith.constant 0 : index
      %swap3A_57 = vector.load %arg7[%swap3A_55, %swap3A_56] : memref<1024x1024xf32, #tpu.memory_space<vmem>>, vector<1x1024xf32>
      tpu.vector_store %arg7[%swap3A_55, %swap3A_56], %slice3A {strides = array<i32>} : memref<1024x1024xf32, #tpu.memory_space<vmem>>, vector<1x1024xf32>,
    } else {
    }
    %get3A_25 = arith.constant 1 : index
    %get3A_26 = memref.load %arg1[%get3A_25] : memref<4xi32, #tpu.memory_space<smem>>
    %ge3A_27 = arith.cmpi sge, %get3A_26, %add3A_1 : i32
    %add3A_28 = arith.constant 1024 : i32
    %add3A_29 = arith.addi %add3A_1, %add3A_28 : i32
    %lt3A_30 = arith.cmpi slt, %get3A_26, %add3A_29 : i32
    %and3A_31 = arith.andi %ge3A_27, %lt3A_30 : i1
    %convert_element_type3A_32 = arith.extui %and3A_31 : i1 to i32
    %cond3A_33 = arith.constant 0 : i32
    %cond3A_34 = arith.cmpi ne, %convert_element_type3A_32, %cond3A_33 : i32
    scf.if %cond3A_34 {
      %slice3A = vector.extract_strided_slice %dot_general3A_19 {offsets = [1, 0], sizes = [1, 1024], strides = [1, 1]} : vector<4x1024xf32> to vector<1x1024xf32>
      %sub3A = arith.subi %get3A_26, %add3A_1 : i32
      %swap3A_55 = arith.index_cast %sub3A : i32 to index
      %swap3A_56 = arith.constant 0 : index
      %swap3A_57 = vector.load %arg7[%swap3A_55, %swap3A_56] : memref<1024x1024xf32, #tpu.memory_space<vmem>>, vector<1x1024xf32>
      tpu.vector_store %arg7[%swap3A_55, %swap3A_56], %slice3A {strides = array<i32>} : memref<1024x1024xf32, #tpu.memory_space<vmem>>, vector<1x1024xf32>,
    } else {
    }
    %get3A_35 = arith.constant 2 : index
    %get3A_36 = memref.load %arg1[%get3A_35] : memref<4xi32, #tpu.memory_space<smem>>
    %ge3A_37 = arith.cmpi sge, %get3A_36, %add3A_1 : i32
    %add3A_38 = arith.constant 1024 : i32
    %add3A_39 = arith.addi %add3A_1, %add3A_38 : i32
    %lt3A_40 = arith.cmpi slt, %get3A_36, %add3A_39 : i32
    %and3A_41 = arith.andi %ge3A_37, %lt3A_40 : i1
    %convert_element_type3A_42 = arith.extui %and3A_41 : i1 to i32
    %cond3A_43 = arith.constant 0 : i32
    %cond3A_44 = arith.cmpi ne, %convert_element_type3A_42, %cond3A_43 : i32
    scf.if %cond3A_44 {
      %slice3A = vector.extract_strided_slice %dot_general3A_19 {offsets = [2, 0], sizes = [1, 1024], strides = [1, 1]} : vector<4x1024xf32> to vector<1x1024xf32>
      %sub3A = arith.subi %get3A_36, %add3A_1 : i32
      %swap3A_55 = arith.index_cast %sub3A : i32 to index
      %swap3A_56 = arith.constant 0 : index
      %swap3A_57 = vector.load %arg7[%swap3A_55, %swap3A_56] : memref<1024x1024xf32, #tpu.memory_space<vmem>>, vector<1x1024xf32>
      tpu.vector_store %arg7[%swap3A_55, %swap3A_56], %slice3A {strides = array<i32>} : memref<1024x1024xf32, #tpu.memory_space<vmem>>, vector<1x1024xf32>,
    } else {
    }
    %get3A_45 = arith.constant 3 : index
    %get3A_46 = memref.load %arg1[%get3A_45] : memref<4xi32, #tpu.memory_space<smem>>
    %ge3A_47 = arith.cmpi sge, %get3A_46, %add3A_1 : i32
    %add3A_48 = arith.constant 1024 : i32
    %add3A_49 = arith.addi %add3A_1, %add3A_48 : i32
    %lt3A_50 = arith.cmpi slt, %get3A_46, %add3A_49 : i32
    %and3A_51 = arith.andi %ge3A_47, %lt3A_50 : i1
    %convert_element_type3A_52 = arith.extui %and3A_51 : i1 to i32
    %cond3A_53 = arith.constant 0 : i32
    %cond3A_54 = arith.cmpi ne, %convert_element_type3A_52, %cond3A_53 : i32
    scf.if %cond3A_54 {
      %slice3A = vector.extract_strided_slice %dot_general3A_19 {offsets = [3, 0], sizes = [1, 1024], strides = [1, 1]} : vector<4x1024xf32> to vector<1x1024xf32>
      %sub3A = arith.subi %get3A_46, %add3A_1 : i32
      %swap3A_55 = arith.index_cast %sub3A : i32 to index
      %swap3A_56 = arith.constant 0 : index
      %swap3A_57 = vector.load %arg7[%swap3A_55, %swap3A_56] : memref<1024x1024xf32, #tpu.memory_space<vmem>>, vector<1x1024xf32>
      tpu.vector_store %arg7[%swap3A_55, %swap3A_56], %slice3A {strides = array<i32>} : memref<1024x1024xf32, #tpu.memory_space<vmem>>, vector<1x1024xf32>,
    } else {
    }
    return
  }
  func.func @transform_0(%arg0: i32) -> i32 {
    %c0_i32 = arith.constant 0 : i32
    %c0_i32_0 = arith.constant 0 : i32
    return %c0_i32 : i32
  }
  func.func @transform_1(%arg0: i32) -> (i32, i32) {
    %c0_i32 = arith.constant 0 : i32
    %c0_i32_0 = arith.constant 0 : i32
    %c0_i32_1 = arith.constant 0 : i32
    return %c0_i32, %c0_i32_0 : i32, i32
  }
  func.func @transform_2(%arg0: i32) -> (i32, i32) {
    %c0_i32 = arith.constant 0 : i32
    %c0_i32_0 = arith.constant 0 : i32
    %c0_i32_1 = arith.constant 0 : i32
    return %c0_i32, %c0_i32_0 : i32, i32
  }
  func.func @transform_3(%arg0: i32) -> (i32, i32) {
    %c0_i32 = arith.constant 0 : i32
    %c0_i32_0 = arith.constant 0 : i32
    %c0_i32_1 = arith.constant 0 : i32
    return %c0_i32, %c0_i32_0 : i32, i32
  }
  func.func @transform_4(%arg0: i32) -> (i32, i32) {
    %c0_i32 = arith.constant 0 : i32
    %c0_i32_0 = arith.constant 0 : i32
    return %arg0, %c0_i32 : i32, i32
  }
  func.func @transform_6(%arg0: i32) -> (i32, i32) {
    %add3A = arith.constant 8 : i32
    %add3A_0 = arith.addi %add3A, %arg0 : i32
    %c0_i32 = arith.constant 0 : i32
    %c0_i32_1 = arith.constant 0 : i32
    return %add3A_0, %c0_i32 : i32, i32
  }
}

module attributes {stable_mosaic.version = 14 : i64} {
  func.func @body(%arg0: i32, %arg1: memref<4xi32, #tpu.memory_space<smem>>, %arg2: memref<4x512xf32, #tpu.memory_space<vmem>>, %arg3: memref<512x1024xf32, #tpu.memory_space<vmem>>, %arg4: memref<1024x1024xf32, #tpu.memory_space<vmem>>, %arg5: memref<1024x1024xf32, #tpu.memory_space<vmem>>, %arg6: memref<1024x1024xf32, #tpu.memory_space<vmem>>) attributes {dimension_semantics = [#tpu.dimension_semantics<arbitrary>], iteration_bounds = array<i64: 4>, scalar_prefetch = 0 : i64, scratch_operands = 0 : i64, tpu.core_type = #tpu.core_type<tc>, window_params = [{transform_indices = @transform_0, window_bounds = array<i64: 4>}, {pipeline_mode = #tpu.pipeline_mode<synchronous>, transform_indices = @transform_1, window_bounds = array<i64: 4, 512>}, {pipeline_mode = #tpu.pipeline_mode<synchronous>, transform_indices = @transform_2, window_bounds = array<i64: 512, 1024>}, {pipeline_mode = #tpu.pipeline_mode<synchronous>, transform_indices = @transform_3, window_bounds = array<i64: 1024, 1024>}, {transform_indices = @transform_4, window_bounds = array<i64: 1024, 1024>}, {transform_indices = @transform_5, window_bounds = array<i64: 1024, 1024>}]} {
    %mul3A = arith.constant 1024 : i32
    %mul3A_0 = arith.muli %arg0, %mul3A : i32
    %add3A = arith.constant 0 : i32
    %add3A_1 = arith.addi %add3A, %mul3A_0 : i32
    %get3A = arith.constant 0 : index
    %get3A_2 = arith.constant 0 : index
    %get3A_3 = vector.load %arg4[%get3A, %get3A_2] : memref<1024x1024xf32, #tpu.memory_space<vmem>>, vector<1024x1024xf32>
    %get3A_4 = arith.constant 0 : index
    %get3A_5 = arith.constant 0 : index
    %get3A_6 = vector.load %arg5[%get3A_4, %get3A_5] : memref<1024x1024xf32, #tpu.memory_space<vmem>>, vector<1024x1024xf32>
    %dot_general3A = arith.constant dense<0.000000e+00> : vector<1024x1024xf32>
    %dot_general3A_7 = tpu.matmul %get3A_6, %get3A_3, %dot_general3A {dimension_numbers = #tpu.dot_dimension_numbers<[1], [0], [0], [1], [0, 0, 1, 1], [], []>, transpose_lhs_hint = false} : vector<1024x1024xf32>, vector<1024x1024xf32>, vector<1024x1024xf32> -> vector<1024x1024xf32>
    %swap3A = arith.constant 0 : index
    %swap3A_8 = arith.constant 0 : index
    %swap3A_9 = vector.load %arg6[%swap3A, %swap3A_8] : memref<1024x1024xf32, #tpu.memory_space<vmem>>, vector<1024x1024xf32>
    tpu.vector_store %arg6[%swap3A, %swap3A_8], %dot_general3A_7 {strides = array<i32>} : memref<1024x1024xf32, #tpu.memory_space<vmem>>, vector<1024x1024xf32>,
    %get3A_10 = arith.constant 0 : index
    %get3A_11 = arith.constant 0 : index
    %get3A_12 = vector.load %arg2[%get3A_10, %get3A_11] : memref<4x512xf32, #tpu.memory_space<vmem>>, vector<4x512xf32>
    %get3A_13 = arith.constant 0 : index
    %get3A_14 = arith.constant 0 : index
    %get3A_15 = vector.load %arg3[%get3A_13, %get3A_14] : memref<512x1024xf32, #tpu.memory_space<vmem>>, vector<512x1024xf32>
    %dot_general3A_16 = arith.constant dense<0.000000e+00> : vector<4x1024xf32>
    %dot_general3A_17 = tpu.matmul %get3A_12, %get3A_15, %dot_general3A_16 {dimension_numbers = #tpu.dot_dimension_numbers<[1], [0], [0], [1], [0, 0, 1, 1], [], []>, transpose_lhs_hint = false} : vector<4x512xf32>, vector<512x1024xf32>, vector<4x1024xf32> -> vector<4x1024xf32>
    %dot_general3A_18 = arith.constant dense<0.000000e+00> : vector<4x1024xf32>
    %dot_general3A_19 = tpu.matmul %dot_general3A_17, %get3A_3, %dot_general3A_18 {dimension_numbers = #tpu.dot_dimension_numbers<[1], [0], [0], [1], [0, 0, 1, 1], [], []>, transpose_lhs_hint = false} : vector<4x1024xf32>, vector<1024x1024xf32>, vector<4x1024xf32> -> vector<4x1024xf32>
    %get3A_20 = arith.constant 0 : index
    %get3A_21 = memref.load %arg1[%get3A_20] : memref<4xi32, #tpu.memory_space<smem>>
    %ge3A = arith.cmpi sge, %get3A_21, %add3A_1 : i32
    %add3A_22 = arith.constant 1024 : i32
    %add3A_23 = arith.addi %add3A_1, %add3A_22 : i32
    %lt3A = arith.cmpi slt, %get3A_21, %add3A_23 : i32
    %and3A = arith.andi %ge3A, %lt3A : i1
    %convert_element_type3A = arith.extui %and3A : i1 to i32
    %cond3A = arith.constant 0 : i32
    %cond3A_24 = arith.cmpi ne, %convert_element_type3A, %cond3A : i32
    scf.if %cond3A_24 {
      %slice3A = vector.extract_strided_slice %dot_general3A_19 {offsets = [0, 0], sizes = [1, 1024], strides = [1, 1]} : vector<4x1024xf32> to vector<1x1024xf32>
      %sub3A = arith.subi %get3A_21, %add3A_1 : i32
      %swap3A_55 = arith.index_cast %sub3A : i32 to index
      %swap3A_56 = arith.constant 0 : index
      %swap3A_57 = vector.load %arg6[%swap3A_55, %swap3A_56] : memref<1024x1024xf32, #tpu.memory_space<vmem>>, vector<1x1024xf32>
      tpu.vector_store %arg6[%swap3A_55, %swap3A_56], %slice3A {strides = array<i32>} : memref<1024x1024xf32, #tpu.memory_space<vmem>>, vector<1x1024xf32>,
    } else {
    }
    %get3A_25 = arith.constant 1 : index
    %get3A_26 = memref.load %arg1[%get3A_25] : memref<4xi32, #tpu.memory_space<smem>>
    %ge3A_27 = arith.cmpi sge, %get3A_26, %add3A_1 : i32
    %add3A_28 = arith.constant 1024 : i32
    %add3A_29 = arith.addi %add3A_1, %add3A_28 : i32
    %lt3A_30 = arith.cmpi slt, %get3A_26, %add3A_29 : i32
    %and3A_31 = arith.andi %ge3A_27, %lt3A_30 : i1
    %convert_element_type3A_32 = arith.extui %and3A_31 : i1 to i32
    %cond3A_33 = arith.constant 0 : i32
    %cond3A_34 = arith.cmpi ne, %convert_element_type3A_32, %cond3A_33 : i32
    scf.if %cond3A_34 {
      %slice3A = vector.extract_strided_slice %dot_general3A_19 {offsets = [1, 0], sizes = [1, 1024], strides = [1, 1]} : vector<4x1024xf32> to vector<1x1024xf32>
      %sub3A = arith.subi %get3A_26, %add3A_1 : i32
      %swap3A_55 = arith.index_cast %sub3A : i32 to index
      %swap3A_56 = arith.constant 0 : index
      %swap3A_57 = vector.load %arg6[%swap3A_55, %swap3A_56] : memref<1024x1024xf32, #tpu.memory_space<vmem>>, vector<1x1024xf32>
      tpu.vector_store %arg6[%swap3A_55, %swap3A_56], %slice3A {strides = array<i32>} : memref<1024x1024xf32, #tpu.memory_space<vmem>>, vector<1x1024xf32>,
    } else {
    }
    %get3A_35 = arith.constant 2 : index
    %get3A_36 = memref.load %arg1[%get3A_35] : memref<4xi32, #tpu.memory_space<smem>>
    %ge3A_37 = arith.cmpi sge, %get3A_36, %add3A_1 : i32
    %add3A_38 = arith.constant 1024 : i32
    %add3A_39 = arith.addi %add3A_1, %add3A_38 : i32
    %lt3A_40 = arith.cmpi slt, %get3A_36, %add3A_39 : i32
    %and3A_41 = arith.andi %ge3A_37, %lt3A_40 : i1
    %convert_element_type3A_42 = arith.extui %and3A_41 : i1 to i32
    %cond3A_43 = arith.constant 0 : i32
    %cond3A_44 = arith.cmpi ne, %convert_element_type3A_42, %cond3A_43 : i32
    scf.if %cond3A_44 {
      %slice3A = vector.extract_strided_slice %dot_general3A_19 {offsets = [2, 0], sizes = [1, 1024], strides = [1, 1]} : vector<4x1024xf32> to vector<1x1024xf32>
      %sub3A = arith.subi %get3A_36, %add3A_1 : i32
      %swap3A_55 = arith.index_cast %sub3A : i32 to index
      %swap3A_56 = arith.constant 0 : index
      %swap3A_57 = vector.load %arg6[%swap3A_55, %swap3A_56] : memref<1024x1024xf32, #tpu.memory_space<vmem>>, vector<1x1024xf32>
      tpu.vector_store %arg6[%swap3A_55, %swap3A_56], %slice3A {strides = array<i32>} : memref<1024x1024xf32, #tpu.memory_space<vmem>>, vector<1x1024xf32>,
    } else {
    }
    %get3A_45 = arith.constant 3 : index
    %get3A_46 = memref.load %arg1[%get3A_45] : memref<4xi32, #tpu.memory_space<smem>>
    %ge3A_47 = arith.cmpi sge, %get3A_46, %add3A_1 : i32
    %add3A_48 = arith.constant 1024 : i32
    %add3A_49 = arith.addi %add3A_1, %add3A_48 : i32
    %lt3A_50 = arith.cmpi slt, %get3A_46, %add3A_49 : i32
    %and3A_51 = arith.andi %ge3A_47, %lt3A_50 : i1
    %convert_element_type3A_52 = arith.extui %and3A_51 : i1 to i32
    %cond3A_53 = arith.constant 0 : i32
    %cond3A_54 = arith.cmpi ne, %convert_element_type3A_52, %cond3A_53 : i32
    scf.if %cond3A_54 {
      %slice3A = vector.extract_strided_slice %dot_general3A_19 {offsets = [3, 0], sizes = [1, 1024], strides = [1, 1]} : vector<4x1024xf32> to vector<1x1024xf32>
      %sub3A = arith.subi %get3A_46, %add3A_1 : i32
      %swap3A_55 = arith.index_cast %sub3A : i32 to index
      %swap3A_56 = arith.constant 0 : index
      %swap3A_57 = vector.load %arg6[%swap3A_55, %swap3A_56] : memref<1024x1024xf32, #tpu.memory_space<vmem>>, vector<1x1024xf32>
      tpu.vector_store %arg6[%swap3A_55, %swap3A_56], %slice3A {strides = array<i32>} : memref<1024x1024xf32, #tpu.memory_space<vmem>>, vector<1x1024xf32>,
    } else {
    }
    return
  }
  func.func @transform_0(%arg0: i32) -> i32 {
    %c0_i32 = arith.constant 0 : i32
    %c0_i32_0 = arith.constant 0 : i32
    return %c0_i32 : i32
  }
  func.func @transform_1(%arg0: i32) -> (i32, i32) {
    %c0_i32 = arith.constant 0 : i32
    %c0_i32_0 = arith.constant 0 : i32
    %c0_i32_1 = arith.constant 0 : i32
    return %c0_i32, %c0_i32_0 : i32, i32
  }
  func.func @transform_2(%arg0: i32) -> (i32, i32) {
    %c0_i32 = arith.constant 0 : i32
    %c0_i32_0 = arith.constant 0 : i32
    %c0_i32_1 = arith.constant 0 : i32
    return %c0_i32, %c0_i32_0 : i32, i32
  }
  func.func @transform_3(%arg0: i32) -> (i32, i32) {
    %c0_i32 = arith.constant 0 : i32
    %c0_i32_0 = arith.constant 0 : i32
    %c0_i32_1 = arith.constant 0 : i32
    return %c0_i32, %c0_i32_0 : i32, i32
  }
  func.func @transform_4(%arg0: i32) -> (i32, i32) {
    %c0_i32 = arith.constant 0 : i32
    %c0_i32_0 = arith.constant 0 : i32
    return %arg0, %c0_i32 : i32, i32
  }
  func.func @transform_5(%arg0: i32) -> (i32, i32) {
    %add3A = arith.constant 0 : i32
    %add3A_0 = arith.addi %add3A, %arg0 : i32
    %c0_i32 = arith.constant 0 : i32
    %c0_i32_1 = arith.constant 0 : i32
    return %add3A_0, %c0_i32 : i32, i32
  }
}

module attributes {stable_mosaic.version = 14 : i64} {
  func.func @body(%arg0: i32, %arg1: memref<4xi32, #tpu.memory_space<smem>>, %arg2: memref<4x512xf32, #tpu.memory_space<vmem>>, %arg3: memref<512x1024xf32, #tpu.memory_space<vmem>>, %arg4: memref<1024x1024xf32, #tpu.memory_space<vmem>>, %arg5: memref<1024x1024xf32, #tpu.memory_space<vmem>>, %arg6: memref<32768x1024xf32, #tpu.memory_space<any>>, %arg7: memref<1024x1024xf32, #tpu.memory_space<vmem>>) attributes {dimension_semantics = [#tpu.dimension_semantics<arbitrary>], iteration_bounds = array<i64: 4>, scalar_prefetch = 0 : i64, scratch_operands = 0 : i64, tpu.core_type = #tpu.core_type<tc>, window_params = [{transform_indices = @transform_0, window_bounds = array<i64: 4>}, {pipeline_mode = #tpu.pipeline_mode<synchronous>, transform_indices = @transform_1, window_bounds = array<i64: 4, 512>}, {pipeline_mode = #tpu.pipeline_mode<synchronous>, transform_indices = @transform_2, window_bounds = array<i64: 512, 1024>}, {pipeline_mode = #tpu.pipeline_mode<synchronous>, transform_indices = @transform_3, window_bounds = array<i64: 1024, 1024>}, {transform_indices = @transform_4, window_bounds = array<i64: 1024, 1024>}, {}, {transform_indices = @transform_6, window_bounds = array<i64: 1024, 1024>}]} {
    %mul3A = arith.constant 1024 : i32
    %mul3A_0 = arith.muli %arg0, %mul3A : i32
    %add3A = arith.constant 12288 : i32
    %add3A_1 = arith.addi %add3A, %mul3A_0 : i32
    %get3A = arith.constant 0 : index
    %get3A_2 = arith.constant 0 : index
    %get3A_3 = vector.load %arg4[%get3A, %get3A_2] : memref<1024x1024xf32, #tpu.memory_space<vmem>>, vector<1024x1024xf32>
    %get3A_4 = arith.constant 0 : index
    %get3A_5 = arith.constant 0 : index
    %get3A_6 = vector.load %arg5[%get3A_4, %get3A_5] : memref<1024x1024xf32, #tpu.memory_space<vmem>>, vector<1024x1024xf32>
    %dot_general3A = arith.constant dense<0.000000e+00> : vector<1024x1024xf32>
    %dot_general3A_7 = tpu.matmul %get3A_6, %get3A_3, %dot_general3A {dimension_numbers = #tpu.dot_dimension_numbers<[1], [0], [0], [1], [0, 0, 1, 1], [], []>, transpose_lhs_hint = false} : vector<1024x1024xf32>, vector<1024x1024xf32>, vector<1024x1024xf32> -> vector<1024x1024xf32>
    %swap3A = arith.constant 0 : index
    %swap3A_8 = arith.constant 0 : index
    %swap3A_9 = vector.load %arg7[%swap3A, %swap3A_8] : memref<1024x1024xf32, #tpu.memory_space<vmem>>, vector<1024x1024xf32>
    tpu.vector_store %arg7[%swap3A, %swap3A_8], %dot_general3A_7 {strides = array<i32>} : memref<1024x1024xf32, #tpu.memory_space<vmem>>, vector<1024x1024xf32>,
    %get3A_10 = arith.constant 0 : index
    %get3A_11 = arith.constant 0 : index
    %get3A_12 = vector.load %arg2[%get3A_10, %get3A_11] : memref<4x512xf32, #tpu.memory_space<vmem>>, vector<4x512xf32>
    %get3A_13 = arith.constant 0 : index
    %get3A_14 = arith.constant 0 : index
    %get3A_15 = vector.load %arg3[%get3A_13, %get3A_14] : memref<512x1024xf32, #tpu.memory_space<vmem>>, vector<512x1024xf32>
    %dot_general3A_16 = arith.constant dense<0.000000e+00> : vector<4x1024xf32>
    %dot_general3A_17 = tpu.matmul %get3A_12, %get3A_15, %dot_general3A_16 {dimension_numbers = #tpu.dot_dimension_numbers<[1], [0], [0], [1], [0, 0, 1, 1], [], []>, transpose_lhs_hint = false} : vector<4x512xf32>, vector<512x1024xf32>, vector<4x1024xf32> -> vector<4x1024xf32>
    %dot_general3A_18 = arith.constant dense<0.000000e+00> : vector<4x1024xf32>
    %dot_general3A_19 = tpu.matmul %dot_general3A_17, %get3A_3, %dot_general3A_18 {dimension_numbers = #tpu.dot_dimension_numbers<[1], [0], [0], [1], [0, 0, 1, 1], [], []>, transpose_lhs_hint = false} : vector<4x1024xf32>, vector<1024x1024xf32>, vector<4x1024xf32> -> vector<4x1024xf32>
    %get3A_20 = arith.constant 0 : index
    %get3A_21 = memref.load %arg1[%get3A_20] : memref<4xi32, #tpu.memory_space<smem>>
    %ge3A = arith.cmpi sge, %get3A_21, %add3A_1 : i32
    %add3A_22 = arith.constant 1024 : i32
    %add3A_23 = arith.addi %add3A_1, %add3A_22 : i32
    %lt3A = arith.cmpi slt, %get3A_21, %add3A_23 : i32
    %and3A = arith.andi %ge3A, %lt3A : i1
    %convert_element_type3A = arith.extui %and3A : i1 to i32
    %cond3A = arith.constant 0 : i32
    %cond3A_24 = arith.cmpi ne, %convert_element_type3A, %cond3A : i32
    scf.if %cond3A_24 {
      %slice3A = vector.extract_strided_slice %dot_general3A_19 {offsets = [0, 0], sizes = [1, 1024], strides = [1, 1]} : vector<4x1024xf32> to vector<1x1024xf32>
      %sub3A = arith.subi %get3A_21, %add3A_1 : i32
      %swap3A_55 = arith.index_cast %sub3A : i32 to index
      %swap3A_56 = arith.constant 0 : index
      %swap3A_57 = vector.load %arg7[%swap3A_55, %swap3A_56] : memref<1024x1024xf32, #tpu.memory_space<vmem>>, vector<1x1024xf32>
      tpu.vector_store %arg7[%swap3A_55, %swap3A_56], %slice3A {strides = array<i32>} : memref<1024x1024xf32, #tpu.memory_space<vmem>>, vector<1x1024xf32>,
    } else {
    }
    %get3A_25 = arith.constant 1 : index
    %get3A_26 = memref.load %arg1[%get3A_25] : memref<4xi32, #tpu.memory_space<smem>>
    %ge3A_27 = arith.cmpi sge, %get3A_26, %add3A_1 : i32
    %add3A_28 = arith.constant 1024 : i32
    %add3A_29 = arith.addi %add3A_1, %add3A_28 : i32
    %lt3A_30 = arith.cmpi slt, %get3A_26, %add3A_29 : i32
    %and3A_31 = arith.andi %ge3A_27, %lt3A_30 : i1
    %convert_element_type3A_32 = arith.extui %and3A_31 : i1 to i32
    %cond3A_33 = arith.constant 0 : i32
    %cond3A_34 = arith.cmpi ne, %convert_element_type3A_32, %cond3A_33 : i32
    scf.if %cond3A_34 {
      %slice3A = vector.extract_strided_slice %dot_general3A_19 {offsets = [1, 0], sizes = [1, 1024], strides = [1, 1]} : vector<4x1024xf32> to vector<1x1024xf32>
      %sub3A = arith.subi %get3A_26, %add3A_1 : i32
      %swap3A_55 = arith.index_cast %sub3A : i32 to index
      %swap3A_56 = arith.constant 0 : index
      %swap3A_57 = vector.load %arg7[%swap3A_55, %swap3A_56] : memref<1024x1024xf32, #tpu.memory_space<vmem>>, vector<1x1024xf32>
      tpu.vector_store %arg7[%swap3A_55, %swap3A_56], %slice3A {strides = array<i32>} : memref<1024x1024xf32, #tpu.memory_space<vmem>>, vector<1x1024xf32>,
    } else {
    }
    %get3A_35 = arith.constant 2 : index
    %get3A_36 = memref.load %arg1[%get3A_35] : memref<4xi32, #tpu.memory_space<smem>>
    %ge3A_37 = arith.cmpi sge, %get3A_36, %add3A_1 : i32
    %add3A_38 = arith.constant 1024 : i32
    %add3A_39 = arith.addi %add3A_1, %add3A_38 : i32
    %lt3A_40 = arith.cmpi slt, %get3A_36, %add3A_39 : i32
    %and3A_41 = arith.andi %ge3A_37, %lt3A_40 : i1
    %convert_element_type3A_42 = arith.extui %and3A_41 : i1 to i32
    %cond3A_43 = arith.constant 0 : i32
    %cond3A_44 = arith.cmpi ne, %convert_element_type3A_42, %cond3A_43 : i32
    scf.if %cond3A_44 {
      %slice3A = vector.extract_strided_slice %dot_general3A_19 {offsets = [2, 0], sizes = [1, 1024], strides = [1, 1]} : vector<4x1024xf32> to vector<1x1024xf32>
      %sub3A = arith.subi %get3A_36, %add3A_1 : i32
      %swap3A_55 = arith.index_cast %sub3A : i32 to index
      %swap3A_56 = arith.constant 0 : index
      %swap3A_57 = vector.load %arg7[%swap3A_55, %swap3A_56] : memref<1024x1024xf32, #tpu.memory_space<vmem>>, vector<1x1024xf32>
      tpu.vector_store %arg7[%swap3A_55, %swap3A_56], %slice3A {strides = array<i32>} : memref<1024x1024xf32, #tpu.memory_space<vmem>>, vector<1x1024xf32>,
    } else {
    }
    %get3A_45 = arith.constant 3 : index
    %get3A_46 = memref.load %arg1[%get3A_45] : memref<4xi32, #tpu.memory_space<smem>>
    %ge3A_47 = arith.cmpi sge, %get3A_46, %add3A_1 : i32
    %add3A_48 = arith.constant 1024 : i32
    %add3A_49 = arith.addi %add3A_1, %add3A_48 : i32
    %lt3A_50 = arith.cmpi slt, %get3A_46, %add3A_49 : i32
    %and3A_51 = arith.andi %ge3A_47, %lt3A_50 : i1
    %convert_element_type3A_52 = arith.extui %and3A_51 : i1 to i32
    %cond3A_53 = arith.constant 0 : i32
    %cond3A_54 = arith.cmpi ne, %convert_element_type3A_52, %cond3A_53 : i32
    scf.if %cond3A_54 {
      %slice3A = vector.extract_strided_slice %dot_general3A_19 {offsets = [3, 0], sizes = [1, 1024], strides = [1, 1]} : vector<4x1024xf32> to vector<1x1024xf32>
      %sub3A = arith.subi %get3A_46, %add3A_1 : i32
      %swap3A_55 = arith.index_cast %sub3A : i32 to index
      %swap3A_56 = arith.constant 0 : index
      %swap3A_57 = vector.load %arg7[%swap3A_55, %swap3A_56] : memref<1024x1024xf32, #tpu.memory_space<vmem>>, vector<1x1024xf32>
      tpu.vector_store %arg7[%swap3A_55, %swap3A_56], %slice3A {strides = array<i32>} : memref<1024x1024xf32, #tpu.memory_space<vmem>>, vector<1x1024xf32>,
    } else {
    }
    return
  }
  func.func @transform_0(%arg0: i32) -> i32 {
    %c0_i32 = arith.constant 0 : i32
    %c0_i32_0 = arith.constant 0 : i32
    return %c0_i32 : i32
  }
  func.func @transform_1(%arg0: i32) -> (i32, i32) {
    %c0_i32 = arith.constant 0 : i32
    %c0_i32_0 = arith.constant 0 : i32
    %c0_i32_1 = arith.constant 0 : i32
    return %c0_i32, %c0_i32_0 : i32, i32
  }
  func.func @transform_2(%arg0: i32) -> (i32, i32) {
    %c0_i32 = arith.constant 0 : i32
    %c0_i32_0 = arith.constant 0 : i32
    %c0_i32_1 = arith.constant 0 : i32
    return %c0_i32, %c0_i32_0 : i32, i32
  }
  func.func @transform_3(%arg0: i32) -> (i32, i32) {
    %c0_i32 = arith.constant 0 : i32
    %c0_i32_0 = arith.constant 0 : i32
    %c0_i32_1 = arith.constant 0 : i32
    return %c0_i32, %c0_i32_0 : i32, i32
  }
  func.func @transform_4(%arg0: i32) -> (i32, i32) {
    %c0_i32 = arith.constant 0 : i32
    %c0_i32_0 = arith.constant 0 : i32
    return %arg0, %c0_i32 : i32, i32
  }
  func.func @transform_6(%arg0: i32) -> (i32, i32) {
    %add3A = arith.constant 12 : i32
    %add3A_0 = arith.addi %add3A, %arg0 : i32
    %c0_i32 = arith.constant 0 : i32
    %c0_i32_1 = arith.constant 0 : i32
    return %add3A_0, %c0_i32 : i32, i32
  }
}

module attributes {stable_mosaic.version = 14 : i64} {
  func.func @body(%arg0: i32, %arg1: memref<4xi32, #tpu.memory_space<smem>>, %arg2: memref<4x512xf32, #tpu.memory_space<vmem>>, %arg3: memref<512x1024xf32, #tpu.memory_space<vmem>>, %arg4: memref<1024x1024xf32, #tpu.memory_space<vmem>>, %arg5: memref<1024x1024xf32, #tpu.memory_space<vmem>>, %arg6: memref<32768x1024xf32, #tpu.memory_space<any>>, %arg7: memref<1024x1024xf32, #tpu.memory_space<vmem>>) attributes {dimension_semantics = [#tpu.dimension_semantics<arbitrary>], iteration_bounds = array<i64: 4>, scalar_prefetch = 0 : i64, scratch_operands = 0 : i64, tpu.core_type = #tpu.core_type<tc>, window_params = [{transform_indices = @transform_0, window_bounds = array<i64: 4>}, {pipeline_mode = #tpu.pipeline_mode<synchronous>, transform_indices = @transform_1, window_bounds = array<i64: 4, 512>}, {pipeline_mode = #tpu.pipeline_mode<synchronous>, transform_indices = @transform_2, window_bounds = array<i64: 512, 1024>}, {pipeline_mode = #tpu.pipeline_mode<synchronous>, transform_indices = @transform_3, window_bounds = array<i64: 1024, 1024>}, {transform_indices = @transform_4, window_bounds = array<i64: 1024, 1024>}, {}, {transform_indices = @transform_6, window_bounds = array<i64: 1024, 1024>}]} {
    %mul3A = arith.constant 1024 : i32
    %mul3A_0 = arith.muli %arg0, %mul3A : i32
    %add3A = arith.constant 16384 : i32
    %add3A_1 = arith.addi %add3A, %mul3A_0 : i32
    %get3A = arith.constant 0 : index
    %get3A_2 = arith.constant 0 : index
    %get3A_3 = vector.load %arg4[%get3A, %get3A_2] : memref<1024x1024xf32, #tpu.memory_space<vmem>>, vector<1024x1024xf32>
    %get3A_4 = arith.constant 0 : index
    %get3A_5 = arith.constant 0 : index
    %get3A_6 = vector.load %arg5[%get3A_4, %get3A_5] : memref<1024x1024xf32, #tpu.memory_space<vmem>>, vector<1024x1024xf32>
    %dot_general3A = arith.constant dense<0.000000e+00> : vector<1024x1024xf32>
    %dot_general3A_7 = tpu.matmul %get3A_6, %get3A_3, %dot_general3A {dimension_numbers = #tpu.dot_dimension_numbers<[1], [0], [0], [1], [0, 0, 1, 1], [], []>, transpose_lhs_hint = false} : vector<1024x1024xf32>, vector<1024x1024xf32>, vector<1024x1024xf32> -> vector<1024x1024xf32>
    %swap3A = arith.constant 0 : index
    %swap3A_8 = arith.constant 0 : index
    %swap3A_9 = vector.load %arg7[%swap3A, %swap3A_8] : memref<1024x1024xf32, #tpu.memory_space<vmem>>, vector<1024x1024xf32>
    tpu.vector_store %arg7[%swap3A, %swap3A_8], %dot_general3A_7 {strides = array<i32>} : memref<1024x1024xf32, #tpu.memory_space<vmem>>, vector<1024x1024xf32>,
    %get3A_10 = arith.constant 0 : index
    %get3A_11 = arith.constant 0 : index
    %get3A_12 = vector.load %arg2[%get3A_10, %get3A_11] : memref<4x512xf32, #tpu.memory_space<vmem>>, vector<4x512xf32>
    %get3A_13 = arith.constant 0 : index
    %get3A_14 = arith.constant 0 : index
    %get3A_15 = vector.load %arg3[%get3A_13, %get3A_14] : memref<512x1024xf32, #tpu.memory_space<vmem>>, vector<512x1024xf32>
    %dot_general3A_16 = arith.constant dense<0.000000e+00> : vector<4x1024xf32>
    %dot_general3A_17 = tpu.matmul %get3A_12, %get3A_15, %dot_general3A_16 {dimension_numbers = #tpu.dot_dimension_numbers<[1], [0], [0], [1], [0, 0, 1, 1], [], []>, transpose_lhs_hint = false} : vector<4x512xf32>, vector<512x1024xf32>, vector<4x1024xf32> -> vector<4x1024xf32>
    %dot_general3A_18 = arith.constant dense<0.000000e+00> : vector<4x1024xf32>
    %dot_general3A_19 = tpu.matmul %dot_general3A_17, %get3A_3, %dot_general3A_18 {dimension_numbers = #tpu.dot_dimension_numbers<[1], [0], [0], [1], [0, 0, 1, 1], [], []>, transpose_lhs_hint = false} : vector<4x1024xf32>, vector<1024x1024xf32>, vector<4x1024xf32> -> vector<4x1024xf32>
    %get3A_20 = arith.constant 0 : index
    %get3A_21 = memref.load %arg1[%get3A_20] : memref<4xi32, #tpu.memory_space<smem>>
    %ge3A = arith.cmpi sge, %get3A_21, %add3A_1 : i32
    %add3A_22 = arith.constant 1024 : i32
    %add3A_23 = arith.addi %add3A_1, %add3A_22 : i32
    %lt3A = arith.cmpi slt, %get3A_21, %add3A_23 : i32
    %and3A = arith.andi %ge3A, %lt3A : i1
    %convert_element_type3A = arith.extui %and3A : i1 to i32
    %cond3A = arith.constant 0 : i32
    %cond3A_24 = arith.cmpi ne, %convert_element_type3A, %cond3A : i32
    scf.if %cond3A_24 {
      %slice3A = vector.extract_strided_slice %dot_general3A_19 {offsets = [0, 0], sizes = [1, 1024], strides = [1, 1]} : vector<4x1024xf32> to vector<1x1024xf32>
      %sub3A = arith.subi %get3A_21, %add3A_1 : i32
      %swap3A_55 = arith.index_cast %sub3A : i32 to index
      %swap3A_56 = arith.constant 0 : index
      %swap3A_57 = vector.load %arg7[%swap3A_55, %swap3A_56] : memref<1024x1024xf32, #tpu.memory_space<vmem>>, vector<1x1024xf32>
      tpu.vector_store %arg7[%swap3A_55, %swap3A_56], %slice3A {strides = array<i32>} : memref<1024x1024xf32, #tpu.memory_space<vmem>>, vector<1x1024xf32>,
    } else {
    }
    %get3A_25 = arith.constant 1 : index
    %get3A_26 = memref.load %arg1[%get3A_25] : memref<4xi32, #tpu.memory_space<smem>>
    %ge3A_27 = arith.cmpi sge, %get3A_26, %add3A_1 : i32
    %add3A_28 = arith.constant 1024 : i32
    %add3A_29 = arith.addi %add3A_1, %add3A_28 : i32
    %lt3A_30 = arith.cmpi slt, %get3A_26, %add3A_29 : i32
    %and3A_31 = arith.andi %ge3A_27, %lt3A_30 : i1
    %convert_element_type3A_32 = arith.extui %and3A_31 : i1 to i32
    %cond3A_33 = arith.constant 0 : i32
    %cond3A_34 = arith.cmpi ne, %convert_element_type3A_32, %cond3A_33 : i32
    scf.if %cond3A_34 {
      %slice3A = vector.extract_strided_slice %dot_general3A_19 {offsets = [1, 0], sizes = [1, 1024], strides = [1, 1]} : vector<4x1024xf32> to vector<1x1024xf32>
      %sub3A = arith.subi %get3A_26, %add3A_1 : i32
      %swap3A_55 = arith.index_cast %sub3A : i32 to index
      %swap3A_56 = arith.constant 0 : index
      %swap3A_57 = vector.load %arg7[%swap3A_55, %swap3A_56] : memref<1024x1024xf32, #tpu.memory_space<vmem>>, vector<1x1024xf32>
      tpu.vector_store %arg7[%swap3A_55, %swap3A_56], %slice3A {strides = array<i32>} : memref<1024x1024xf32, #tpu.memory_space<vmem>>, vector<1x1024xf32>,
    } else {
    }
    %get3A_35 = arith.constant 2 : index
    %get3A_36 = memref.load %arg1[%get3A_35] : memref<4xi32, #tpu.memory_space<smem>>
    %ge3A_37 = arith.cmpi sge, %get3A_36, %add3A_1 : i32
    %add3A_38 = arith.constant 1024 : i32
    %add3A_39 = arith.addi %add3A_1, %add3A_38 : i32
    %lt3A_40 = arith.cmpi slt, %get3A_36, %add3A_39 : i32
    %and3A_41 = arith.andi %ge3A_37, %lt3A_40 : i1
    %convert_element_type3A_42 = arith.extui %and3A_41 : i1 to i32
    %cond3A_43 = arith.constant 0 : i32
    %cond3A_44 = arith.cmpi ne, %convert_element_type3A_42, %cond3A_43 : i32
    scf.if %cond3A_44 {
      %slice3A = vector.extract_strided_slice %dot_general3A_19 {offsets = [2, 0], sizes = [1, 1024], strides = [1, 1]} : vector<4x1024xf32> to vector<1x1024xf32>
      %sub3A = arith.subi %get3A_36, %add3A_1 : i32
      %swap3A_55 = arith.index_cast %sub3A : i32 to index
      %swap3A_56 = arith.constant 0 : index
      %swap3A_57 = vector.load %arg7[%swap3A_55, %swap3A_56] : memref<1024x1024xf32, #tpu.memory_space<vmem>>, vector<1x1024xf32>
      tpu.vector_store %arg7[%swap3A_55, %swap3A_56], %slice3A {strides = array<i32>} : memref<1024x1024xf32, #tpu.memory_space<vmem>>, vector<1x1024xf32>,
    } else {
    }
    %get3A_45 = arith.constant 3 : index
    %get3A_46 = memref.load %arg1[%get3A_45] : memref<4xi32, #tpu.memory_space<smem>>
    %ge3A_47 = arith.cmpi sge, %get3A_46, %add3A_1 : i32
    %add3A_48 = arith.constant 1024 : i32
    %add3A_49 = arith.addi %add3A_1, %add3A_48 : i32
    %lt3A_50 = arith.cmpi slt, %get3A_46, %add3A_49 : i32
    %and3A_51 = arith.andi %ge3A_47, %lt3A_50 : i1
    %convert_element_type3A_52 = arith.extui %and3A_51 : i1 to i32
    %cond3A_53 = arith.constant 0 : i32
    %cond3A_54 = arith.cmpi ne, %convert_element_type3A_52, %cond3A_53 : i32
    scf.if %cond3A_54 {
      %slice3A = vector.extract_strided_slice %dot_general3A_19 {offsets = [3, 0], sizes = [1, 1024], strides = [1, 1]} : vector<4x1024xf32> to vector<1x1024xf32>
      %sub3A = arith.subi %get3A_46, %add3A_1 : i32
      %swap3A_55 = arith.index_cast %sub3A : i32 to index
      %swap3A_56 = arith.constant 0 : index
      %swap3A_57 = vector.load %arg7[%swap3A_55, %swap3A_56] : memref<1024x1024xf32, #tpu.memory_space<vmem>>, vector<1x1024xf32>
      tpu.vector_store %arg7[%swap3A_55, %swap3A_56], %slice3A {strides = array<i32>} : memref<1024x1024xf32, #tpu.memory_space<vmem>>, vector<1x1024xf32>,
    } else {
    }
    return
  }
  func.func @transform_0(%arg0: i32) -> i32 {
    %c0_i32 = arith.constant 0 : i32
    %c0_i32_0 = arith.constant 0 : i32
    return %c0_i32 : i32
  }
  func.func @transform_1(%arg0: i32) -> (i32, i32) {
    %c0_i32 = arith.constant 0 : i32
    %c0_i32_0 = arith.constant 0 : i32
    %c0_i32_1 = arith.constant 0 : i32
    return %c0_i32, %c0_i32_0 : i32, i32
  }
  func.func @transform_2(%arg0: i32) -> (i32, i32) {
    %c0_i32 = arith.constant 0 : i32
    %c0_i32_0 = arith.constant 0 : i32
    %c0_i32_1 = arith.constant 0 : i32
    return %c0_i32, %c0_i32_0 : i32, i32
  }
  func.func @transform_3(%arg0: i32) -> (i32, i32) {
    %c0_i32 = arith.constant 0 : i32
    %c0_i32_0 = arith.constant 0 : i32
    %c0_i32_1 = arith.constant 0 : i32
    return %c0_i32, %c0_i32_0 : i32, i32
  }
  func.func @transform_4(%arg0: i32) -> (i32, i32) {
    %c0_i32 = arith.constant 0 : i32
    %c0_i32_0 = arith.constant 0 : i32
    return %arg0, %c0_i32 : i32, i32
  }
  func.func @transform_6(%arg0: i32) -> (i32, i32) {
    %add3A = arith.constant 16 : i32
    %add3A_0 = arith.addi %add3A, %arg0 : i32
    %c0_i32 = arith.constant 0 : i32
    %c0_i32_1 = arith.constant 0 : i32
    return %add3A_0, %c0_i32 : i32, i32
  }
}

module attributes {stable_mosaic.version = 14 : i64} {
  func.func @body(%arg0: i32, %arg1: memref<4xi32, #tpu.memory_space<smem>>, %arg2: memref<4x512xf32, #tpu.memory_space<vmem>>, %arg3: memref<512x1024xf32, #tpu.memory_space<vmem>>, %arg4: memref<1024x1024xf32, #tpu.memory_space<vmem>>, %arg5: memref<1024x1024xf32, #tpu.memory_space<vmem>>, %arg6: memref<32768x1024xf32, #tpu.memory_space<any>>, %arg7: memref<1024x1024xf32, #tpu.memory_space<vmem>>) attributes {dimension_semantics = [#tpu.dimension_semantics<arbitrary>], iteration_bounds = array<i64: 4>, scalar_prefetch = 0 : i64, scratch_operands = 0 : i64, tpu.core_type = #tpu.core_type<tc>, window_params = [{transform_indices = @transform_0, window_bounds = array<i64: 4>}, {pipeline_mode = #tpu.pipeline_mode<synchronous>, transform_indices = @transform_1, window_bounds = array<i64: 4, 512>}, {pipeline_mode = #tpu.pipeline_mode<synchronous>, transform_indices = @transform_2, window_bounds = array<i64: 512, 1024>}, {pipeline_mode = #tpu.pipeline_mode<synchronous>, transform_indices = @transform_3, window_bounds = array<i64: 1024, 1024>}, {transform_indices = @transform_4, window_bounds = array<i64: 1024, 1024>}, {}, {transform_indices = @transform_6, window_bounds = array<i64: 1024, 1024>}]} {
    %mul3A = arith.constant 1024 : i32
    %mul3A_0 = arith.muli %arg0, %mul3A : i32
    %add3A = arith.constant 20480 : i32
    %add3A_1 = arith.addi %add3A, %mul3A_0 : i32
    %get3A = arith.constant 0 : index
    %get3A_2 = arith.constant 0 : index
    %get3A_3 = vector.load %arg4[%get3A, %get3A_2] : memref<1024x1024xf32, #tpu.memory_space<vmem>>, vector<1024x1024xf32>
    %get3A_4 = arith.constant 0 : index
    %get3A_5 = arith.constant 0 : index
    %get3A_6 = vector.load %arg5[%get3A_4, %get3A_5] : memref<1024x1024xf32, #tpu.memory_space<vmem>>, vector<1024x1024xf32>
    %dot_general3A = arith.constant dense<0.000000e+00> : vector<1024x1024xf32>
    %dot_general3A_7 = tpu.matmul %get3A_6, %get3A_3, %dot_general3A {dimension_numbers = #tpu.dot_dimension_numbers<[1], [0], [0], [1], [0, 0, 1, 1], [], []>, transpose_lhs_hint = false} : vector<1024x1024xf32>, vector<1024x1024xf32>, vector<1024x1024xf32> -> vector<1024x1024xf32>
    %swap3A = arith.constant 0 : index
    %swap3A_8 = arith.constant 0 : index
    %swap3A_9 = vector.load %arg7[%swap3A, %swap3A_8] : memref<1024x1024xf32, #tpu.memory_space<vmem>>, vector<1024x1024xf32>
    tpu.vector_store %arg7[%swap3A, %swap3A_8], %dot_general3A_7 {strides = array<i32>} : memref<1024x1024xf32, #tpu.memory_space<vmem>>, vector<1024x1024xf32>,
    %get3A_10 = arith.constant 0 : index
    %get3A_11 = arith.constant 0 : index
    %get3A_12 = vector.load %arg2[%get3A_10, %get3A_11] : memref<4x512xf32, #tpu.memory_space<vmem>>, vector<4x512xf32>
    %get3A_13 = arith.constant 0 : index
    %get3A_14 = arith.constant 0 : index
    %get3A_15 = vector.load %arg3[%get3A_13, %get3A_14] : memref<512x1024xf32, #tpu.memory_space<vmem>>, vector<512x1024xf32>
    %dot_general3A_16 = arith.constant dense<0.000000e+00> : vector<4x1024xf32>
    %dot_general3A_17 = tpu.matmul %get3A_12, %get3A_15, %dot_general3A_16 {dimension_numbers = #tpu.dot_dimension_numbers<[1], [0], [0], [1], [0, 0, 1, 1], [], []>, transpose_lhs_hint = false} : vector<4x512xf32>, vector<512x1024xf32>, vector<4x1024xf32> -> vector<4x1024xf32>
    %dot_general3A_18 = arith.constant dense<0.000000e+00> : vector<4x1024xf32>
    %dot_general3A_19 = tpu.matmul %dot_general3A_17, %get3A_3, %dot_general3A_18 {dimension_numbers = #tpu.dot_dimension_numbers<[1], [0], [0], [1], [0, 0, 1, 1], [], []>, transpose_lhs_hint = false} : vector<4x1024xf32>, vector<1024x1024xf32>, vector<4x1024xf32> -> vector<4x1024xf32>
    %get3A_20 = arith.constant 0 : index
    %get3A_21 = memref.load %arg1[%get3A_20] : memref<4xi32, #tpu.memory_space<smem>>
    %ge3A = arith.cmpi sge, %get3A_21, %add3A_1 : i32
    %add3A_22 = arith.constant 1024 : i32
    %add3A_23 = arith.addi %add3A_1, %add3A_22 : i32
    %lt3A = arith.cmpi slt, %get3A_21, %add3A_23 : i32
    %and3A = arith.andi %ge3A, %lt3A : i1
    %convert_element_type3A = arith.extui %and3A : i1 to i32
    %cond3A = arith.constant 0 : i32
    %cond3A_24 = arith.cmpi ne, %convert_element_type3A, %cond3A : i32
    scf.if %cond3A_24 {
      %slice3A = vector.extract_strided_slice %dot_general3A_19 {offsets = [0, 0], sizes = [1, 1024], strides = [1, 1]} : vector<4x1024xf32> to vector<1x1024xf32>
      %sub3A = arith.subi %get3A_21, %add3A_1 : i32
      %swap3A_55 = arith.index_cast %sub3A : i32 to index
      %swap3A_56 = arith.constant 0 : index
      %swap3A_57 = vector.load %arg7[%swap3A_55, %swap3A_56] : memref<1024x1024xf32, #tpu.memory_space<vmem>>, vector<1x1024xf32>
      tpu.vector_store %arg7[%swap3A_55, %swap3A_56], %slice3A {strides = array<i32>} : memref<1024x1024xf32, #tpu.memory_space<vmem>>, vector<1x1024xf32>,
    } else {
    }
    %get3A_25 = arith.constant 1 : index
    %get3A_26 = memref.load %arg1[%get3A_25] : memref<4xi32, #tpu.memory_space<smem>>
    %ge3A_27 = arith.cmpi sge, %get3A_26, %add3A_1 : i32
    %add3A_28 = arith.constant 1024 : i32
    %add3A_29 = arith.addi %add3A_1, %add3A_28 : i32
    %lt3A_30 = arith.cmpi slt, %get3A_26, %add3A_29 : i32
    %and3A_31 = arith.andi %ge3A_27, %lt3A_30 : i1
    %convert_element_type3A_32 = arith.extui %and3A_31 : i1 to i32
    %cond3A_33 = arith.constant 0 : i32
    %cond3A_34 = arith.cmpi ne, %convert_element_type3A_32, %cond3A_33 : i32
    scf.if %cond3A_34 {
      %slice3A = vector.extract_strided_slice %dot_general3A_19 {offsets = [1, 0], sizes = [1, 1024], strides = [1, 1]} : vector<4x1024xf32> to vector<1x1024xf32>
      %sub3A = arith.subi %get3A_26, %add3A_1 : i32
      %swap3A_55 = arith.index_cast %sub3A : i32 to index
      %swap3A_56 = arith.constant 0 : index
      %swap3A_57 = vector.load %arg7[%swap3A_55, %swap3A_56] : memref<1024x1024xf32, #tpu.memory_space<vmem>>, vector<1x1024xf32>
      tpu.vector_store %arg7[%swap3A_55, %swap3A_56], %slice3A {strides = array<i32>} : memref<1024x1024xf32, #tpu.memory_space<vmem>>, vector<1x1024xf32>,
    } else {
    }
    %get3A_35 = arith.constant 2 : index
    %get3A_36 = memref.load %arg1[%get3A_35] : memref<4xi32, #tpu.memory_space<smem>>
    %ge3A_37 = arith.cmpi sge, %get3A_36, %add3A_1 : i32
    %add3A_38 = arith.constant 1024 : i32
    %add3A_39 = arith.addi %add3A_1, %add3A_38 : i32
    %lt3A_40 = arith.cmpi slt, %get3A_36, %add3A_39 : i32
    %and3A_41 = arith.andi %ge3A_37, %lt3A_40 : i1
    %convert_element_type3A_42 = arith.extui %and3A_41 : i1 to i32
    %cond3A_43 = arith.constant 0 : i32
    %cond3A_44 = arith.cmpi ne, %convert_element_type3A_42, %cond3A_43 : i32
    scf.if %cond3A_44 {
      %slice3A = vector.extract_strided_slice %dot_general3A_19 {offsets = [2, 0], sizes = [1, 1024], strides = [1, 1]} : vector<4x1024xf32> to vector<1x1024xf32>
      %sub3A = arith.subi %get3A_36, %add3A_1 : i32
      %swap3A_55 = arith.index_cast %sub3A : i32 to index
      %swap3A_56 = arith.constant 0 : index
      %swap3A_57 = vector.load %arg7[%swap3A_55, %swap3A_56] : memref<1024x1024xf32, #tpu.memory_space<vmem>>, vector<1x1024xf32>
      tpu.vector_store %arg7[%swap3A_55, %swap3A_56], %slice3A {strides = array<i32>} : memref<1024x1024xf32, #tpu.memory_space<vmem>>, vector<1x1024xf32>,
    } else {
    }
    %get3A_45 = arith.constant 3 : index
    %get3A_46 = memref.load %arg1[%get3A_45] : memref<4xi32, #tpu.memory_space<smem>>
    %ge3A_47 = arith.cmpi sge, %get3A_46, %add3A_1 : i32
    %add3A_48 = arith.constant 1024 : i32
    %add3A_49 = arith.addi %add3A_1, %add3A_48 : i32
    %lt3A_50 = arith.cmpi slt, %get3A_46, %add3A_49 : i32
    %and3A_51 = arith.andi %ge3A_47, %lt3A_50 : i1
    %convert_element_type3A_52 = arith.extui %and3A_51 : i1 to i32
    %cond3A_53 = arith.constant 0 : i32
    %cond3A_54 = arith.cmpi ne, %convert_element_type3A_52, %cond3A_53 : i32
    scf.if %cond3A_54 {
      %slice3A = vector.extract_strided_slice %dot_general3A_19 {offsets = [3, 0], sizes = [1, 1024], strides = [1, 1]} : vector<4x1024xf32> to vector<1x1024xf32>
      %sub3A = arith.subi %get3A_46, %add3A_1 : i32
      %swap3A_55 = arith.index_cast %sub3A : i32 to index
      %swap3A_56 = arith.constant 0 : index
      %swap3A_57 = vector.load %arg7[%swap3A_55, %swap3A_56] : memref<1024x1024xf32, #tpu.memory_space<vmem>>, vector<1x1024xf32>
      tpu.vector_store %arg7[%swap3A_55, %swap3A_56], %slice3A {strides = array<i32>} : memref<1024x1024xf32, #tpu.memory_space<vmem>>, vector<1x1024xf32>,
    } else {
    }
    return
  }
  func.func @transform_0(%arg0: i32) -> i32 {
    %c0_i32 = arith.constant 0 : i32
    %c0_i32_0 = arith.constant 0 : i32
    return %c0_i32 : i32
  }
  func.func @transform_1(%arg0: i32) -> (i32, i32) {
    %c0_i32 = arith.constant 0 : i32
    %c0_i32_0 = arith.constant 0 : i32
    %c0_i32_1 = arith.constant 0 : i32
    return %c0_i32, %c0_i32_0 : i32, i32
  }
  func.func @transform_2(%arg0: i32) -> (i32, i32) {
    %c0_i32 = arith.constant 0 : i32
    %c0_i32_0 = arith.constant 0 : i32
    %c0_i32_1 = arith.constant 0 : i32
    return %c0_i32, %c0_i32_0 : i32, i32
  }
  func.func @transform_3(%arg0: i32) -> (i32, i32) {
    %c0_i32 = arith.constant 0 : i32
    %c0_i32_0 = arith.constant 0 : i32
    %c0_i32_1 = arith.constant 0 : i32
    return %c0_i32, %c0_i32_0 : i32, i32
  }
  func.func @transform_4(%arg0: i32) -> (i32, i32) {
    %c0_i32 = arith.constant 0 : i32
    %c0_i32_0 = arith.constant 0 : i32
    return %arg0, %c0_i32 : i32, i32
  }
  func.func @transform_6(%arg0: i32) -> (i32, i32) {
    %add3A = arith.constant 20 : i32
    %add3A_0 = arith.addi %add3A, %arg0 : i32
    %c0_i32 = arith.constant 0 : i32
    %c0_i32_1 = arith.constant 0 : i32
    return %add3A_0, %c0_i32 : i32, i32
  }
}

module attributes {stable_mosaic.version = 14 : i64} {
  func.func @body(%arg0: i32, %arg1: memref<4xi32, #tpu.memory_space<smem>>, %arg2: memref<4x512xf32, #tpu.memory_space<vmem>>, %arg3: memref<512x1024xf32, #tpu.memory_space<vmem>>, %arg4: memref<1024x1024xf32, #tpu.memory_space<vmem>>, %arg5: memref<1024x1024xf32, #tpu.memory_space<vmem>>, %arg6: memref<32768x1024xf32, #tpu.memory_space<any>>, %arg7: memref<1024x1024xf32, #tpu.memory_space<vmem>>) attributes {dimension_semantics = [#tpu.dimension_semantics<arbitrary>], iteration_bounds = array<i64: 4>, scalar_prefetch = 0 : i64, scratch_operands = 0 : i64, tpu.core_type = #tpu.core_type<tc>, window_params = [{transform_indices = @transform_0, window_bounds = array<i64: 4>}, {pipeline_mode = #tpu.pipeline_mode<synchronous>, transform_indices = @transform_1, window_bounds = array<i64: 4, 512>}, {pipeline_mode = #tpu.pipeline_mode<synchronous>, transform_indices = @transform_2, window_bounds = array<i64: 512, 1024>}, {pipeline_mode = #tpu.pipeline_mode<synchronous>, transform_indices = @transform_3, window_bounds = array<i64: 1024, 1024>}, {transform_indices = @transform_4, window_bounds = array<i64: 1024, 1024>}, {}, {transform_indices = @transform_6, window_bounds = array<i64: 1024, 1024>}]} {
    %mul3A = arith.constant 1024 : i32
    %mul3A_0 = arith.muli %arg0, %mul3A : i32
    %add3A = arith.constant 24576 : i32
    %add3A_1 = arith.addi %add3A, %mul3A_0 : i32
    %get3A = arith.constant 0 : index
    %get3A_2 = arith.constant 0 : index
    %get3A_3 = vector.load %arg4[%get3A, %get3A_2] : memref<1024x1024xf32, #tpu.memory_space<vmem>>, vector<1024x1024xf32>
    %get3A_4 = arith.constant 0 : index
    %get3A_5 = arith.constant 0 : index
    %get3A_6 = vector.load %arg5[%get3A_4, %get3A_5] : memref<1024x1024xf32, #tpu.memory_space<vmem>>, vector<1024x1024xf32>
    %dot_general3A = arith.constant dense<0.000000e+00> : vector<1024x1024xf32>
    %dot_general3A_7 = tpu.matmul %get3A_6, %get3A_3, %dot_general3A {dimension_numbers = #tpu.dot_dimension_numbers<[1], [0], [0], [1], [0, 0, 1, 1], [], []>, transpose_lhs_hint = false} : vector<1024x1024xf32>, vector<1024x1024xf32>, vector<1024x1024xf32> -> vector<1024x1024xf32>
    %swap3A = arith.constant 0 : index
    %swap3A_8 = arith.constant 0 : index
    %swap3A_9 = vector.load %arg7[%swap3A, %swap3A_8] : memref<1024x1024xf32, #tpu.memory_space<vmem>>, vector<1024x1024xf32>
    tpu.vector_store %arg7[%swap3A, %swap3A_8], %dot_general3A_7 {strides = array<i32>} : memref<1024x1024xf32, #tpu.memory_space<vmem>>, vector<1024x1024xf32>,
    %get3A_10 = arith.constant 0 : index
    %get3A_11 = arith.constant 0 : index
    %get3A_12 = vector.load %arg2[%get3A_10, %get3A_11] : memref<4x512xf32, #tpu.memory_space<vmem>>, vector<4x512xf32>
    %get3A_13 = arith.constant 0 : index
    %get3A_14 = arith.constant 0 : index
    %get3A_15 = vector.load %arg3[%get3A_13, %get3A_14] : memref<512x1024xf32, #tpu.memory_space<vmem>>, vector<512x1024xf32>
    %dot_general3A_16 = arith.constant dense<0.000000e+00> : vector<4x1024xf32>
    %dot_general3A_17 = tpu.matmul %get3A_12, %get3A_15, %dot_general3A_16 {dimension_numbers = #tpu.dot_dimension_numbers<[1], [0], [0], [1], [0, 0, 1, 1], [], []>, transpose_lhs_hint = false} : vector<4x512xf32>, vector<512x1024xf32>, vector<4x1024xf32> -> vector<4x1024xf32>
    %dot_general3A_18 = arith.constant dense<0.000000e+00> : vector<4x1024xf32>
    %dot_general3A_19 = tpu.matmul %dot_general3A_17, %get3A_3, %dot_general3A_18 {dimension_numbers = #tpu.dot_dimension_numbers<[1], [0], [0], [1], [0, 0, 1, 1], [], []>, transpose_lhs_hint = false} : vector<4x1024xf32>, vector<1024x1024xf32>, vector<4x1024xf32> -> vector<4x1024xf32>
    %get3A_20 = arith.constant 0 : index
    %get3A_21 = memref.load %arg1[%get3A_20] : memref<4xi32, #tpu.memory_space<smem>>
    %ge3A = arith.cmpi sge, %get3A_21, %add3A_1 : i32
    %add3A_22 = arith.constant 1024 : i32
    %add3A_23 = arith.addi %add3A_1, %add3A_22 : i32
    %lt3A = arith.cmpi slt, %get3A_21, %add3A_23 : i32
    %and3A = arith.andi %ge3A, %lt3A : i1
    %convert_element_type3A = arith.extui %and3A : i1 to i32
    %cond3A = arith.constant 0 : i32
    %cond3A_24 = arith.cmpi ne, %convert_element_type3A, %cond3A : i32
    scf.if %cond3A_24 {
      %slice3A = vector.extract_strided_slice %dot_general3A_19 {offsets = [0, 0], sizes = [1, 1024], strides = [1, 1]} : vector<4x1024xf32> to vector<1x1024xf32>
      %sub3A = arith.subi %get3A_21, %add3A_1 : i32
      %swap3A_55 = arith.index_cast %sub3A : i32 to index
      %swap3A_56 = arith.constant 0 : index
      %swap3A_57 = vector.load %arg7[%swap3A_55, %swap3A_56] : memref<1024x1024xf32, #tpu.memory_space<vmem>>, vector<1x1024xf32>
      tpu.vector_store %arg7[%swap3A_55, %swap3A_56], %slice3A {strides = array<i32>} : memref<1024x1024xf32, #tpu.memory_space<vmem>>, vector<1x1024xf32>,
    } else {
    }
    %get3A_25 = arith.constant 1 : index
    %get3A_26 = memref.load %arg1[%get3A_25] : memref<4xi32, #tpu.memory_space<smem>>
    %ge3A_27 = arith.cmpi sge, %get3A_26, %add3A_1 : i32
    %add3A_28 = arith.constant 1024 : i32
    %add3A_29 = arith.addi %add3A_1, %add3A_28 : i32
    %lt3A_30 = arith.cmpi slt, %get3A_26, %add3A_29 : i32
    %and3A_31 = arith.andi %ge3A_27, %lt3A_30 : i1
    %convert_element_type3A_32 = arith.extui %and3A_31 : i1 to i32
    %cond3A_33 = arith.constant 0 : i32
    %cond3A_34 = arith.cmpi ne, %convert_element_type3A_32, %cond3A_33 : i32
    scf.if %cond3A_34 {
      %slice3A = vector.extract_strided_slice %dot_general3A_19 {offsets = [1, 0], sizes = [1, 1024], strides = [1, 1]} : vector<4x1024xf32> to vector<1x1024xf32>
      %sub3A = arith.subi %get3A_26, %add3A_1 : i32
      %swap3A_55 = arith.index_cast %sub3A : i32 to index
      %swap3A_56 = arith.constant 0 : index
      %swap3A_57 = vector.load %arg7[%swap3A_55, %swap3A_56] : memref<1024x1024xf32, #tpu.memory_space<vmem>>, vector<1x1024xf32>
      tpu.vector_store %arg7[%swap3A_55, %swap3A_56], %slice3A {strides = array<i32>} : memref<1024x1024xf32, #tpu.memory_space<vmem>>, vector<1x1024xf32>,
    } else {
    }
    %get3A_35 = arith.constant 2 : index
    %get3A_36 = memref.load %arg1[%get3A_35] : memref<4xi32, #tpu.memory_space<smem>>
    %ge3A_37 = arith.cmpi sge, %get3A_36, %add3A_1 : i32
    %add3A_38 = arith.constant 1024 : i32
    %add3A_39 = arith.addi %add3A_1, %add3A_38 : i32
    %lt3A_40 = arith.cmpi slt, %get3A_36, %add3A_39 : i32
    %and3A_41 = arith.andi %ge3A_37, %lt3A_40 : i1
    %convert_element_type3A_42 = arith.extui %and3A_41 : i1 to i32
    %cond3A_43 = arith.constant 0 : i32
    %cond3A_44 = arith.cmpi ne, %convert_element_type3A_42, %cond3A_43 : i32
    scf.if %cond3A_44 {
      %slice3A = vector.extract_strided_slice %dot_general3A_19 {offsets = [2, 0], sizes = [1, 1024], strides = [1, 1]} : vector<4x1024xf32> to vector<1x1024xf32>
      %sub3A = arith.subi %get3A_36, %add3A_1 : i32
      %swap3A_55 = arith.index_cast %sub3A : i32 to index
      %swap3A_56 = arith.constant 0 : index
      %swap3A_57 = vector.load %arg7[%swap3A_55, %swap3A_56] : memref<1024x1024xf32, #tpu.memory_space<vmem>>, vector<1x1024xf32>
      tpu.vector_store %arg7[%swap3A_55, %swap3A_56], %slice3A {strides = array<i32>} : memref<1024x1024xf32, #tpu.memory_space<vmem>>, vector<1x1024xf32>,
    } else {
    }
    %get3A_45 = arith.constant 3 : index
    %get3A_46 = memref.load %arg1[%get3A_45] : memref<4xi32, #tpu.memory_space<smem>>
    %ge3A_47 = arith.cmpi sge, %get3A_46, %add3A_1 : i32
    %add3A_48 = arith.constant 1024 : i32
    %add3A_49 = arith.addi %add3A_1, %add3A_48 : i32
    %lt3A_50 = arith.cmpi slt, %get3A_46, %add3A_49 : i32
    %and3A_51 = arith.andi %ge3A_47, %lt3A_50 : i1
    %convert_element_type3A_52 = arith.extui %and3A_51 : i1 to i32
    %cond3A_53 = arith.constant 0 : i32
    %cond3A_54 = arith.cmpi ne, %convert_element_type3A_52, %cond3A_53 : i32
    scf.if %cond3A_54 {
      %slice3A = vector.extract_strided_slice %dot_general3A_19 {offsets = [3, 0], sizes = [1, 1024], strides = [1, 1]} : vector<4x1024xf32> to vector<1x1024xf32>
      %sub3A = arith.subi %get3A_46, %add3A_1 : i32
      %swap3A_55 = arith.index_cast %sub3A : i32 to index
      %swap3A_56 = arith.constant 0 : index
      %swap3A_57 = vector.load %arg7[%swap3A_55, %swap3A_56] : memref<1024x1024xf32, #tpu.memory_space<vmem>>, vector<1x1024xf32>
      tpu.vector_store %arg7[%swap3A_55, %swap3A_56], %slice3A {strides = array<i32>} : memref<1024x1024xf32, #tpu.memory_space<vmem>>, vector<1x1024xf32>,
    } else {
    }
    return
  }
  func.func @transform_0(%arg0: i32) -> i32 {
    %c0_i32 = arith.constant 0 : i32
    %c0_i32_0 = arith.constant 0 : i32
    return %c0_i32 : i32
  }
  func.func @transform_1(%arg0: i32) -> (i32, i32) {
    %c0_i32 = arith.constant 0 : i32
    %c0_i32_0 = arith.constant 0 : i32
    %c0_i32_1 = arith.constant 0 : i32
    return %c0_i32, %c0_i32_0 : i32, i32
  }
  func.func @transform_2(%arg0: i32) -> (i32, i32) {
    %c0_i32 = arith.constant 0 : i32
    %c0_i32_0 = arith.constant 0 : i32
    %c0_i32_1 = arith.constant 0 : i32
    return %c0_i32, %c0_i32_0 : i32, i32
  }
  func.func @transform_3(%arg0: i32) -> (i32, i32) {
    %c0_i32 = arith.constant 0 : i32
    %c0_i32_0 = arith.constant 0 : i32
    %c0_i32_1 = arith.constant 0 : i32
    return %c0_i32, %c0_i32_0 : i32, i32
  }
  func.func @transform_4(%arg0: i32) -> (i32, i32) {
    %c0_i32 = arith.constant 0 : i32
    %c0_i32_0 = arith.constant 0 : i32
    return %arg0, %c0_i32 : i32, i32
  }
  func.func @transform_6(%arg0: i32) -> (i32, i32) {
    %add3A = arith.constant 24 : i32
    %add3A_0 = arith.addi %add3A, %arg0 : i32
    %c0_i32 = arith.constant 0 : i32
    %c0_i32_1 = arith.constant 0 : i32
    return %add3A_0, %c0_i32 : i32, i32
  }
}

module attributes {stable_mosaic.version = 14 : i64} {
  func.func @body(%arg0: i32, %arg1: memref<4xi32, #tpu.memory_space<smem>>, %arg2: memref<4x512xf32, #tpu.memory_space<vmem>>, %arg3: memref<512x1024xf32, #tpu.memory_space<vmem>>, %arg4: memref<1024x1024xf32, #tpu.memory_space<vmem>>, %arg5: memref<1024x1024xf32, #tpu.memory_space<vmem>>, %arg6: memref<32768x1024xf32, #tpu.memory_space<any>>, %arg7: memref<1024x1024xf32, #tpu.memory_space<vmem>>) attributes {dimension_semantics = [#tpu.dimension_semantics<arbitrary>], iteration_bounds = array<i64: 4>, scalar_prefetch = 0 : i64, scratch_operands = 0 : i64, tpu.core_type = #tpu.core_type<tc>, window_params = [{transform_indices = @transform_0, window_bounds = array<i64: 4>}, {pipeline_mode = #tpu.pipeline_mode<synchronous>, transform_indices = @transform_1, window_bounds = array<i64: 4, 512>}, {pipeline_mode = #tpu.pipeline_mode<synchronous>, transform_indices = @transform_2, window_bounds = array<i64: 512, 1024>}, {pipeline_mode = #tpu.pipeline_mode<synchronous>, transform_indices = @transform_3, window_bounds = array<i64: 1024, 1024>}, {transform_indices = @transform_4, window_bounds = array<i64: 1024, 1024>}, {}, {transform_indices = @transform_6, window_bounds = array<i64: 1024, 1024>}]} {
    %mul3A = arith.constant 1024 : i32
    %mul3A_0 = arith.muli %arg0, %mul3A : i32
    %add3A = arith.constant 28672 : i32
    %add3A_1 = arith.addi %add3A, %mul3A_0 : i32
    %get3A = arith.constant 0 : index
    %get3A_2 = arith.constant 0 : index
    %get3A_3 = vector.load %arg4[%get3A, %get3A_2] : memref<1024x1024xf32, #tpu.memory_space<vmem>>, vector<1024x1024xf32>
    %get3A_4 = arith.constant 0 : index
    %get3A_5 = arith.constant 0 : index
    %get3A_6 = vector.load %arg5[%get3A_4, %get3A_5] : memref<1024x1024xf32, #tpu.memory_space<vmem>>, vector<1024x1024xf32>
    %dot_general3A = arith.constant dense<0.000000e+00> : vector<1024x1024xf32>
    %dot_general3A_7 = tpu.matmul %get3A_6, %get3A_3, %dot_general3A {dimension_numbers = #tpu.dot_dimension_numbers<[1], [0], [0], [1], [0, 0, 1, 1], [], []>, transpose_lhs_hint = false} : vector<1024x1024xf32>, vector<1024x1024xf32>, vector<1024x1024xf32> -> vector<1024x1024xf32>
    %swap3A = arith.constant 0 : index
    %swap3A_8 = arith.constant 0 : index
    %swap3A_9 = vector.load %arg7[%swap3A, %swap3A_8] : memref<1024x1024xf32, #tpu.memory_space<vmem>>, vector<1024x1024xf32>
    tpu.vector_store %arg7[%swap3A, %swap3A_8], %dot_general3A_7 {strides = array<i32>} : memref<1024x1024xf32, #tpu.memory_space<vmem>>, vector<1024x1024xf32>,
    %get3A_10 = arith.constant 0 : index
    %get3A_11 = arith.constant 0 : index
    %get3A_12 = vector.load %arg2[%get3A_10, %get3A_11] : memref<4x512xf32, #tpu.memory_space<vmem>>, vector<4x512xf32>
    %get3A_13 = arith.constant 0 : index
    %get3A_14 = arith.constant 0 : index
    %get3A_15 = vector.load %arg3[%get3A_13, %get3A_14] : memref<512x1024xf32, #tpu.memory_space<vmem>>, vector<512x1024xf32>
    %dot_general3A_16 = arith.constant dense<0.000000e+00> : vector<4x1024xf32>
    %dot_general3A_17 = tpu.matmul %get3A_12, %get3A_15, %dot_general3A_16 {dimension_numbers = #tpu.dot_dimension_numbers<[1], [0], [0], [1], [0, 0, 1, 1], [], []>, transpose_lhs_hint = false} : vector<4x512xf32>, vector<512x1024xf32>, vector<4x1024xf32> -> vector<4x1024xf32>
    %dot_general3A_18 = arith.constant dense<0.000000e+00> : vector<4x1024xf32>
    %dot_general3A_19 = tpu.matmul %dot_general3A_17, %get3A_3, %dot_general3A_18 {dimension_numbers = #tpu.dot_dimension_numbers<[1], [0], [0], [1], [0, 0, 1, 1], [], []>, transpose_lhs_hint = false} : vector<4x1024xf32>, vector<1024x1024xf32>, vector<4x1024xf32> -> vector<4x1024xf32>
    %get3A_20 = arith.constant 0 : index
    %get3A_21 = memref.load %arg1[%get3A_20] : memref<4xi32, #tpu.memory_space<smem>>
    %ge3A = arith.cmpi sge, %get3A_21, %add3A_1 : i32
    %add3A_22 = arith.constant 1024 : i32
    %add3A_23 = arith.addi %add3A_1, %add3A_22 : i32
    %lt3A = arith.cmpi slt, %get3A_21, %add3A_23 : i32
    %and3A = arith.andi %ge3A, %lt3A : i1
    %convert_element_type3A = arith.extui %and3A : i1 to i32
    %cond3A = arith.constant 0 : i32
    %cond3A_24 = arith.cmpi ne, %convert_element_type3A, %cond3A : i32
    scf.if %cond3A_24 {
      %slice3A = vector.extract_strided_slice %dot_general3A_19 {offsets = [0, 0], sizes = [1, 1024], strides = [1, 1]} : vector<4x1024xf32> to vector<1x1024xf32>
      %sub3A = arith.subi %get3A_21, %add3A_1 : i32
      %swap3A_55 = arith.index_cast %sub3A : i32 to index
      %swap3A_56 = arith.constant 0 : index
      %swap3A_57 = vector.load %arg7[%swap3A_55, %swap3A_56] : memref<1024x1024xf32, #tpu.memory_space<vmem>>, vector<1x1024xf32>
      tpu.vector_store %arg7[%swap3A_55, %swap3A_56], %slice3A {strides = array<i32>} : memref<1024x1024xf32, #tpu.memory_space<vmem>>, vector<1x1024xf32>,
    } else {
    }
    %get3A_25 = arith.constant 1 : index
    %get3A_26 = memref.load %arg1[%get3A_25] : memref<4xi32, #tpu.memory_space<smem>>
    %ge3A_27 = arith.cmpi sge, %get3A_26, %add3A_1 : i32
    %add3A_28 = arith.constant 1024 : i32
    %add3A_29 = arith.addi %add3A_1, %add3A_28 : i32
    %lt3A_30 = arith.cmpi slt, %get3A_26, %add3A_29 : i32
    %and3A_31 = arith.andi %ge3A_27, %lt3A_30 : i1
    %convert_element_type3A_32 = arith.extui %and3A_31 : i1 to i32
    %cond3A_33 = arith.constant 0 : i32
    %cond3A_34 = arith.cmpi ne, %convert_element_type3A_32, %cond3A_33 : i32
    scf.if %cond3A_34 {
      %slice3A = vector.extract_strided_slice %dot_general3A_19 {offsets = [1, 0], sizes = [1, 1024], strides = [1, 1]} : vector<4x1024xf32> to vector<1x1024xf32>
      %sub3A = arith.subi %get3A_26, %add3A_1 : i32
      %swap3A_55 = arith.index_cast %sub3A : i32 to index
      %swap3A_56 = arith.constant 0 : index
      %swap3A_57 = vector.load %arg7[%swap3A_55, %swap3A_56] : memref<1024x1024xf32, #tpu.memory_space<vmem>>, vector<1x1024xf32>
      tpu.vector_store %arg7[%swap3A_55, %swap3A_56], %slice3A {strides = array<i32>} : memref<1024x1024xf32, #tpu.memory_space<vmem>>, vector<1x1024xf32>,
    } else {
    }
    %get3A_35 = arith.constant 2 : index
    %get3A_36 = memref.load %arg1[%get3A_35] : memref<4xi32, #tpu.memory_space<smem>>
    %ge3A_37 = arith.cmpi sge, %get3A_36, %add3A_1 : i32
    %add3A_38 = arith.constant 1024 : i32
    %add3A_39 = arith.addi %add3A_1, %add3A_38 : i32
    %lt3A_40 = arith.cmpi slt, %get3A_36, %add3A_39 : i32
    %and3A_41 = arith.andi %ge3A_37, %lt3A_40 : i1
    %convert_element_type3A_42 = arith.extui %and3A_41 : i1 to i32
    %cond3A_43 = arith.constant 0 : i32
    %cond3A_44 = arith.cmpi ne, %convert_element_type3A_42, %cond3A_43 : i32
    scf.if %cond3A_44 {
      %slice3A = vector.extract_strided_slice %dot_general3A_19 {offsets = [2, 0], sizes = [1, 1024], strides = [1, 1]} : vector<4x1024xf32> to vector<1x1024xf32>
      %sub3A = arith.subi %get3A_36, %add3A_1 : i32
      %swap3A_55 = arith.index_cast %sub3A : i32 to index
      %swap3A_56 = arith.constant 0 : index
      %swap3A_57 = vector.load %arg7[%swap3A_55, %swap3A_56] : memref<1024x1024xf32, #tpu.memory_space<vmem>>, vector<1x1024xf32>
      tpu.vector_store %arg7[%swap3A_55, %swap3A_56], %slice3A {strides = array<i32>} : memref<1024x1024xf32, #tpu.memory_space<vmem>>, vector<1x1024xf32>,
    } else {
    }
    %get3A_45 = arith.constant 3 : index
    %get3A_46 = memref.load %arg1[%get3A_45] : memref<4xi32, #tpu.memory_space<smem>>
    %ge3A_47 = arith.cmpi sge, %get3A_46, %add3A_1 : i32
    %add3A_48 = arith.constant 1024 : i32
    %add3A_49 = arith.addi %add3A_1, %add3A_48 : i32
    %lt3A_50 = arith.cmpi slt, %get3A_46, %add3A_49 : i32
    %and3A_51 = arith.andi %ge3A_47, %lt3A_50 : i1
    %convert_element_type3A_52 = arith.extui %and3A_51 : i1 to i32
    %cond3A_53 = arith.constant 0 : i32
    %cond3A_54 = arith.cmpi ne, %convert_element_type3A_52, %cond3A_53 : i32
    scf.if %cond3A_54 {
      %slice3A = vector.extract_strided_slice %dot_general3A_19 {offsets = [3, 0], sizes = [1, 1024], strides = [1, 1]} : vector<4x1024xf32> to vector<1x1024xf32>
      %sub3A = arith.subi %get3A_46, %add3A_1 : i32
      %swap3A_55 = arith.index_cast %sub3A : i32 to index
      %swap3A_56 = arith.constant 0 : index
      %swap3A_57 = vector.load %arg7[%swap3A_55, %swap3A_56] : memref<1024x1024xf32, #tpu.memory_space<vmem>>, vector<1x1024xf32>
      tpu.vector_store %arg7[%swap3A_55, %swap3A_56], %slice3A {strides = array<i32>} : memref<1024x1024xf32, #tpu.memory_space<vmem>>, vector<1x1024xf32>,
    } else {
    }
    return
  }
  func.func @transform_0(%arg0: i32) -> i32 {
    %c0_i32 = arith.constant 0 : i32
    %c0_i32_0 = arith.constant 0 : i32
    return %c0_i32 : i32
  }
  func.func @transform_1(%arg0: i32) -> (i32, i32) {
    %c0_i32 = arith.constant 0 : i32
    %c0_i32_0 = arith.constant 0 : i32
    %c0_i32_1 = arith.constant 0 : i32
    return %c0_i32, %c0_i32_0 : i32, i32
  }
  func.func @transform_2(%arg0: i32) -> (i32, i32) {
    %c0_i32 = arith.constant 0 : i32
    %c0_i32_0 = arith.constant 0 : i32
    %c0_i32_1 = arith.constant 0 : i32
    return %c0_i32, %c0_i32_0 : i32, i32
  }
  func.func @transform_3(%arg0: i32) -> (i32, i32) {
    %c0_i32 = arith.constant 0 : i32
    %c0_i32_0 = arith.constant 0 : i32
    %c0_i32_1 = arith.constant 0 : i32
    return %c0_i32, %c0_i32_0 : i32, i32
  }
  func.func @transform_4(%arg0: i32) -> (i32, i32) {
    %c0_i32 = arith.constant 0 : i32
    %c0_i32_0 = arith.constant 0 : i32
    return %arg0, %c0_i32 : i32, i32
  }
  func.func @transform_6(%arg0: i32) -> (i32, i32) {
    %add3A = arith.constant 28 : i32
    %add3A_0 = arith.addi %add3A, %arg0 : i32
    %c0_i32 = arith.constant 0 : i32
    %c0_i32_1 = arith.constant 0 : i32
    return %add3A_0, %c0_i32 : i32, i32
  }
}

</mosaic_0001>

<sc_bundles>
// kernel: kernel.18.cloned.1.call-start
scs
__scs_entry_jumppad:
0x0: {  	(pc) =	sbr.rel $0x88, $3  }
0x1: {  	(tag) =	ssettag $0x0;
	lr =	simm.s32 $0x1  }
0x2: {  	[smem:$0x3F9B] =	sst lr;
	_ =	strace $0xD0000000  }
0x3: {  	_ = 	snop  }
0x4: {  	_ = 	snop  }
0x5: {  	_ = 	snop  }
0x6: {  	_ = 	snop  }
0x7: {  	_ = 	snop  }
__scs_overlays_trampoline_lowered:
0x8: {  	[smem:$0x3FAA] =	sst s0  }
0x9: {  	[smem:$0x3FAB] =	sst s1  }
0xa: {  	[smem:$0x3FAC] =	sst s2  }
0xb: {  	[smem:$0x3FAD] =	sst s3  }
0xc: {  	[smem:$0x3FAE] =	sst s4  }
0xd: {  	[smem:$0x3FAF] =	sst s5  }
0xe: {  	[smem:$0x3FB0] =	sst s6  }
0xf: {  	[smem:$0x3FB1] =	sst s7  }
0x10: {  	[smem:$0x3FB2] =	sst s8  }
0x11: {  	[smem:$0x3FB3] =	sst s9;
	s0 =	simm.s32 @!p0 $0x0  }
0x12: {  	s1 =	sld [smem:$0x3F99];
	s0 =	simm.s32 @p0 $0x1  }
0x13: {  	[smem:$0x3FB4] =	sst s0;
	s0 =	simm.s32 @!p1 $0x0  }
0x14: {  	s2 =	sld [smem:$0x3F98];
	s0 =	simm.s32 @p1 $0x1  }
0x15: {  	[smem:$0x3FB5] =	sst s0;
	s0 =	simm.s32 @!p2 $0x0  }
0x16: {  	s3 =	sld [smem:$0x3FDB];
	s0 =	simm.s32 @p2 $0x1  }
0x17: {  	s4 =	simm.s32 $0x1BF5;
	[smem:$0x3FB7] =	sst s0  }
0x18: {  	s0 =	sld [smem:$0x3F9A];
	_ =	swait.ge [sflag:s4], $0x0  }
0x19: {  	s7 =	sld [smem:$0x3F9B]  }
0x1a: {  	s8 =	sadd.s32 $0xFFFFE003, lr  }
0x1b: {  	s9 =	sadd.s32 $0xFFFFFEF7, lr;
	s5 =	simm.s32 $0xFFFFFFFF;
	p2 =	slt.u32 s8, $0xFFFFF086  }
0x1c: {  	p1 =	slt.u32 s9, $0xF7A;
	s5 =	simm.s32 @!p2 $0x0  }
0x1d: {  	s5 =	simm.s32 @p1 $0x1;
	p0 =	seq.s32 s7, s2  }
0x1e: {  	s7 =	smul.u32 @!p0 $0xF7A, s2;
	p2 =	seq.s32 @!p0 s5, $0x0  }
0x1f: {  	s9 =	smul.u32 $0xF7A, s1;
	s8 =	simm.s32 @!p0 $0x1BF5;
	p2 =	por !p2, p0  }
0x20: {  	[sflag:s8] =	ssyncset.s32 @!p0 $0xFFFFF086;
	s6 =	sadd.s32 @!p0 s3, s7;
	s7 =	simm.s32 @!p0 $0x108  }
0x21: {  	s3 =	sadd.s32 s3, s9;
	s6 =	sadd.s32 @!p0 $0x88, s6;
	s7 =	simm.s32 @p2 $0x1082  }
0x22: {  	[simem:s7], [sflag:s8] =	dma.local @!p0 [hbm:s6], $0xF7A  }
0x23: {  	s9 =	sor.u32 $0xD0000000, s2;
	s6 =	simm.s32 $0x108;
	_ =	swait.ge @!p0 [sflag:s8], $0x0  }
0x24: {  	s3 =	sadd.s32 $0x88, s3;
	s6 =	simm.s32 @!p1 $0x1082;
	[sflag:s4] =	ssyncset.s32 $0xFFFFF086  }
0x25: {  	[simem:s6], [sflag:s4] =	dma.local [hbm:s3], $0xF7A  }
0x26: {  	[smem:$0x3F9B] =	sst s1;
	(tag) =	ssettag s2;
	_ =	strace s9  }
0x27: {  	s1 =	sld [smem:$0x3FAB]  }
0x28: {  	s2 =	sld [smem:$0x3FAC]  }
0x29: {  	s4 =	sld [smem:$0x3FAE]  }
0x2a: {  	p0 =	seq.s32 s5, $0x0;
	s5 =	sld [smem:$0x3FAF]  }
0x2b: {  	s6 =	sld [smem:$0x3FB0]  }
0x2c: {  	s7 =	sld [smem:$0x3FB1]  }
0x2d: {  	s3 =	simm.s32 $0x108;
	s8 =	sld [smem:$0x3FB2]  }
0x2e: {  	s3 =	simm.s32 @!p0 $0x1082;
	s9 =	sld [smem:$0x3FB3]  }
0x2f: {  	lr =	sadd.s32 s0, s3;
	s0 =	sld [smem:$0x3FAA]  }
0x30: {  	s3 =	sld [smem:$0x3FAD]  }
0x31: {  	[smem:$0x3FB6] =	sst s10  }
0x32: {  	s10 =	sld [smem:$0x3FB4];
	_ =	sdelay $0x3  }
0x33: {  	p0 =	seq.s32 s10, $0x1;
	s10 =	sld [smem:$0x3FB6];
	_ =	sdelay $0x3  }
0x34: {  	[smem:$0x3FB6] =	sst s10  }
0x35: {  	s10 =	sld [smem:$0x3FB5];
	_ =	sdelay $0x3  }
0x36: {  	p1 =	seq.s32 s10, $0x1;
	s10 =	sld [smem:$0x3FB6];
	_ =	sdelay $0x3  }
0x37: {  	[smem:$0x3FB6] =	sst s10  }
0x38: {  	s10 =	sld [smem:$0x3FB7]  }
0x39: {  	_ = 	snop;
	(pc) =	sbr.ind lr, $3  }
0x3a: {  	_ = 	snop  }
0x3b: {  	_ = 	snop  }
0x3c: {  	p2 =	seq.s32 s10, $0x1;
	s10 =	sld [smem:$0x3FB6]  }
0x3d: {  	_ =	shalt  }
0x3e: {  	_ =	shalt  }
0x3f: {  	_ =	shalt  }
0x40: {  	_ =	shalt  }
0x41: {  	_ =	shalt  }
0x42: {  	_ =	shalt  }
0x43: {  	_ =	shalt  }
0x44: {  	_ =	shalt  }
0x45: {  	_ =	shalt  }
0x46: {  	_ =	shalt  }
0x47: {  	_ =	shalt  }
0x48: {  	_ =	shalt  }
0x49: {  	_ =	shalt  }
0x4a: {  	_ =	shalt  }
0x4b: {  	_ =	shalt  }
0x4c: {  	_ =	shalt  }
0x4d: {  	_ =	shalt  }
0x4e: {  	_ =	shalt  }
0x4f: {  	_ =	shalt  }
0x50: {  	_ =	shalt  }
0x51: {  	_ =	shalt  }
0x52: {  	_ =	shalt  }
0x53: {  	_ =	shalt  }
0x54: {  	_ =	shalt  }
0x55: {  	_ =	shalt  }
0x56: {  	_ =	shalt  }
0x57: {  	_ =	shalt  }
0x58: {  	_ =	shalt  }
0x59: {  	_ =	shalt  }
0x5a: {  	_ =	shalt  }
0x5b: {  	_ =	shalt  }
0x5c: {  	_ =	shalt  }
0x5d: {  	_ =	shalt  }
0x5e: {  	_ =	shalt  }
0x5f: {  	_ =	shalt  }
0x60: {  	_ =	shalt  }
0x61: {  	_ =	shalt  }
0x62: {  	_ =	shalt  }
0x63: {  	_ =	shalt  }
0x64: {  	_ =	shalt  }
0x65: {  	_ =	shalt  }
0x66: {  	_ =	shalt  }
0x67: {  	_ =	shalt  }
0x68: {  	_ =	shalt  }
0x69: {  	_ =	shalt  }
0x6a: {  	_ =	shalt  }
0x6b: {  	_ =	shalt  }
0x6c: {  	_ =	shalt  }
0x6d: {  	_ =	shalt  }
0x6e: {  	_ =	shalt  }
0x6f: {  	_ =	shalt  }
0x70: {  	_ =	shalt  }
0x71: {  	_ =	shalt  }
0x72: {  	_ =	shalt  }
0x73: {  	_ =	shalt  }
0x74: {  	_ =	shalt  }
0x75: {  	_ =	shalt  }
0x76: {  	_ =	shalt  }
0x77: {  	_ =	shalt  }
0x78: {  	_ =	shalt  }
0x79: {  	_ =	shalt  }
0x7a: {  	_ =	shalt  }
0x7b: {  	_ =	shalt  }
0x7c: {  	_ =	shalt  }
0x7d: {  	_ =	shalt  }
0x7e: {  	_ =	shalt  }
0x7f: {  	_ =	shalt  }
0x80: {  	_ =	shalt  }
0x81: {  	_ =	shalt  }
0x82: {  	_ =	shalt  }
0x83: {  	_ =	shalt  }
0x84: {  	_ =	shalt  }
0x85: {  	_ =	shalt  }
0x86: {  	_ =	shalt  }
0x87: {  	_ =	shalt  }
.Lfunc_end0:
.L_simem_size_0:
called_computation_lowered:
.L_overlay_start_0:
0x88: {  	s2 =	sld [smem:$0x3FD9]  }
0x89: {  	s3 =	sld [smem:$0x3FFE];
	_ =	sdelay $0x1  }
0x8a: {  	s1 =	srdreg.scid  }
0x8b: {  	s0 =	sand.u32 $0x1, s1  }
0x8c: {  	s17 =	sshll.u32 s0, $0xA;
	s2 =	sadd.s32 s3, s2  }
0x8d: {  	s2 =	sadd.s32 s2, s17  }
0x8e: {  	[smem:$0x3FC2] =	sst s2  }
0x8f: {  	_ = 	snop  }
0x90: {  	s2 =	sld [smem:$0x3FC6];
	(tm) =	ssettm $0x1  }
0x91: {  	s18 =	sld [smem:$0x3FFB];
	_ =	sdelay $0x3  }
0x92: {  	_ =	strace s18  }
0x93: {  	s3 =	sld [smem:$0x3FFC];
	_ =	sdelay $0x3  }
0x94: {  	_ =	strace s3  }
0x95: {  	s3 =	sld [smem:$0x3FFD];
	_ =	sdelay $0x3  }
0x96: {  	_ =	strace s3  }
0x97: {  	_ =	strace $0x8FFFFFFF  }
0x98: {  	s19 =	sld [smem:$0x3FDB];
	_ =	sdelay $0x1  }
0x99: {  	s4 =	simm.s32 $_scs_section_size  }
0x9a: {  	s5 =	simm.s32 $_size__tile_overlayer_lowered;
	s6 =	simm.s32 $_tile_overlayer_lowered  }
0x9b: {  	s22 =	simm.s32 $0x1BFF;
	s21 =	sshll.u32 s6, $0x1;
	s3 =	sadd.s32 s4, s19  }
0x9c: {  	s7 =	simm.s32 $0x0;
	s20 =	sshll.u32 s5, $0x1;
	s5 =	sadd.s32 s21, s3  }
0x9d: {  	[timem:s7], [sflag:s22] =	dma.local [hbm:s5], s20  }
0x9e: {  	_ =	swait.ge [sflag:s22], s20  }
0x9f: {  	s4 =	ssub.s32 $0x0, s20;
	[sflag:s22] =	ssyncset.done $0x0  }
0xa0: {  	[sflag:s22] =	ssyncadd.s32 s4;
	_ =	sdelay $0x1  }
0xa1: {  	s23 =	simm.s32 $0x1B8B  }
0xa2: {  	_ =	swait.ge [sflag:s23], $0x1  }
0xa3: {  	[sflag:s23] =	ssyncset.done $0x0  }
0xa4: {  	s25 =	simm.s32 $0x1B8E;
	s24 =	sld [smem:$0x3FFE];
	[sflag:s23] =	ssyncadd.s32 $0xFFFFFFFF  }
0xa5: {  	s26 =	simm.s32 $execute0_lowered;
	[smem:$0x3FD2] =	sst s25  }
0xa6: {  	s5 =	sshll.u32 s26, $0x1;
	_ =	strace $0x80000046;
	[dreg:$0x1] =	wrdreg $0xFFFFFFFF  }
0xa7: {  	s28 =	simm.s32 $_size_execute0_lowered;
	s3 =	sadd.s32 s3, s5;
	[dreg:$0x0] =	wrdreg $0x0  }
0xa8: {  	s5 =	sshll.u32 s28, $0x1;
	[dreg:$0x2] =	wrdreg s3  }
0xa9: {  	[dreg:$0x3] =	wrdreg s5  }
0xaa: {  	[dreg:$0x4] =	wrdreg $0xC0  }
0xab: {  	_ =	task [dreg:s7], $0x5FFFF  }
0xac: {  	[dreg:$0x1] =	wrdreg $0xFFFFFFFF  }
0xad: {  	[dreg:$0x0] =	wrdreg $0x60  }
0xae: {  	[dreg:$0x2] =	wrdreg s2  }
0xaf: {  	[dreg:$0x3] =	wrdreg s24  }
0xb0: {  	[dreg:$0x4] =	wrdreg $0x9  }
0xb1: {  	_ =	task.clear_ibuf [dreg:s7], $0x5FFFF;
	_ =	strace $0x90000046  }
0xb2: {  	s29 =	simm.s32 $0x9;
	_ =	strace $0x80000048  }
0xb3: {  	_ =	swait.ge [sflag:s29], $0x1  }
0xb4: {  	[sflag:s29] =	ssyncadd.s32 $0xFFFFFFFF  }
0xb5: {  	_ =	strace $0x90000048  }
0xb6: {  	_ =	sfence  }
0xb7: {  	s30 =	sld [smem:$0x0];
	_ =	sdelay $0x2  }
0xb8: {  	s31 =	sshll.u32 s1, $0xD;
	s1 =	sshrl.u32 s1, $0x2  }
0xb9: {  	s3 =	sand.u32 $0x4000, s31;
	s1 =	sadd.s32 s1, s30  }
0xba: {  	s0 =	sor.u32 s3, s0;
	s1 =	sshll.u32 s1, $0x11  }
0xbb: {  	s0 =	sor.u32 s1, s0  }
0xbc: {  	s0 =	sadd.s32 $0x8F2B, s0  }
0xbd: {  	[sflag:s0] =	ssyncadd.remote.s32 $0x1  }
0xbe: {  	_ =	sfence.sel $0xFFFF  }
0xbf: {  	[dreg:$0x0] =	wrdreg $0xFFFFFFFF;
	(pc) =	sbr.abs _section_cstart, $3  }
0xc0: {  	[dreg:$0x1] =	wrdreg $0xFFFFFFFF  }
0xc1: {  	_ =	task.clear_ibuf [dreg:s7], $0x2FFFF;
	_ =	strace $0x9FFFFFFF  }
0xc2: {  	(tm) =	ssettm $0x7FFFFFFF  }
0xc3: {  	_ =	shalt  }
tec
execute0_lowered:
.L_overlay_start_1:
0x0: {  	(tag) =	ssettag $0x1  }
0x1: {  	s2 =	rddreg [dreg:$0x0]  }
0x2: {  	s0 =	rddreg [dreg:$0x1]  }
0x3: {  	s1 =	srdreg.scid;
	s4 =	stileid.u32  }
0x4: {  	s3 =	simm.s32 $0x0;
	s9 =	simm.s32 $0x1;
	s19 =	simm.s32 $0x2  }
0x5: {  	s21 =	simm.s32 $0x880;
	s22 =	simm.s32 $0x1080;
	s23 =	simm.s32 $0x1880  }
0x6: {  	s24 =	simm.s32 $0x2080;
	s28 =	simm.s32 $0x3080;
	s29 =	simm.s32 $0x3880  }
0x7: {  	s30 =	simm.s32 $0x4080;
	s31 =	simm.s32 $0x4880;
	s10 =	simm.s32 $0x6080  }
0x8: {  	s11 =	simm.s32 $0x6880;
	s12 =	simm.s32 $0x7080;
	s13 =	simm.s32 $0x7880  }
0x9: {  	s18 =	simm.s32 $0x8080;
	s14 =	simm.s32 $0x8880;
	s1 =	sand.u32 $0x1, s1  }
0xa: {  	s15 =	simm.s32 $0x9080;
	s4 =	sshll.u32 s4, $0x8;
	s5 =	sshll.u32 s1, $0x7  }
0xb: {  	s16 =	simm.s32 $0x9880;
	[smem:$0x7FF] =	sst s3;
	s4 =	sor.u32 s5, s4  }
0xc: {  	s17 =	simm.s32 $0xA080;
	_ =	strace $0x80000047;
	s5 =	sshrl.u32 s4, $0x3  }
0xd: {  	s1 =	ssub.s32 $0x2, s1;
	s4 =	sshll.u32 s4, $0x7;
	s5 =	sadd.s32 s5, s0  }
0xe: {  	s6 =	sshrl.u32 s1, $0x1;
	s0 =	sadd.s32 s4, s0;
	s25 =	sadd.s32 $0x2800, s5  }
0xf: {  	s1 =	ssub.s32 s1, s6;
	s26 =	sadd.s32 $0x3800, s0;
	[dreg:$0x3] =	wrdreg s25  }
0x10: {  	s6 =	sadd.s32 $0x300, s2;
	s7 =	sadd.s32 $0x4800, s0;
	[dreg:$0x4] =	wrdreg s26  }
0x11: {  	s4 =	sadd.s32 $0x100, s2;
	s8 =	sadd.s32 $0x5800, s0;
	[dreg:$0x5] =	wrdreg s7  }
0x12: {  	v2 =	vlaneseq.u32;
	s5 =	sadd.s32 $0x200, s2;
	s0 =	sadd.s32 $0x6800, s0;
	[dreg:$0x6] =	wrdreg s8  }
0x13: {  	vm0 =	vmmov $0xffff;
	v1 =	vshrl.u32 v2, $0x3;
	s7 =	smax.u32 s1, $0x1;
	[dreg:$0x7] =	wrdreg s0;
	s8 =	simm.s32 $0x3  }
0x14: {  	v0 =	vand.u32 $0x7, v2;
	v2 =	vor.u32 $0x8, v2;
	v1 =	vmul.u32 $0x8, v1;
	s25 =	simm.s32 $0x80;
	s26 =	simm.s32 $0x2880;
	s1 =	simm.s32 $0x5880  }
.LBB2_1:
0x15: {  	s20 =	rddreg [dreg:$0x3]  }
0x16: {  	[tilespmem:s3], [sflag:$0x3] =	stream.linear.gather [hbm4b:s20+s3], $0x80, $0x38;
	[tilespmem:$0x10080] =	vst v63  }
0x17: {  	_ =	swait.ge [sflag:s8], $0x80  }
0x18: {  	[sflag:s8] =	ssyncset.done $0x0  }
0x19: {  	[sflag:s8] =	ssyncadd.s32 $0xFFFFFF80  }
0x1a: {  	v3 =	vld [tilespmem:$0x0];
	_ =	sdelay $0x4  }
0x1b: {  	v4 =	vshll.u32 v3, $0x3  }
0x1c: {  	v3 =	vand.u32 $0x7, v3;
	v4 =	vand.u32 $0xFFFFFFC0, v4  }
0x1d: {  	v3 =	vor.u32 v3, v4  }
0x1e: {  	v4 =	vperm.xlane v3, v0;
	_ =	sdelay $0x1  }
0x1f: {  	v4 =	vadd.s32 v1, v4;
	_ =	sdelay $0x4  }
0x20: {  	[tilespmem:s25], [sflag:$0x1] =	stream.indirect_vreg.gather [hbm4b:s2+s3], $0x80, v4, vm0, $0xb8;
	[tilespmem:$0x10080] =	vst v63  }
0x21: {  	v3 =	vperm.xlane v3, v2  }
0x22: {  	[tilespmem:s21], [sflag:$0x1] =	stream.indirect_vreg.gather [hbm4b:s4+s3], $0x80, v4, vm0, $0xb8;
	[tilespmem:$0x10080] =	vst v63  }
0x23: {  	v3 =	vadd.s32 v1, v3  }
0x24: {  	[tilespmem:s22], [sflag:$0x1] =	stream.indirect_vreg.gather [hbm4b:s5+s3], $0x80, v4, vm0, $0xb8;
	[tilespmem:$0x10080] =	vst v63  }
0x25: {  	_ = 	snop  }
0x26: {  	[tilespmem:s23], [sflag:$0x1] =	stream.indirect_vreg.gather [hbm4b:s6+s3], $0x80, v4, vm0, $0xb8;
	[tilespmem:$0x10080] =	vst v63  }
0x27: {  	_ = 	snop  }
0x28: {  	[tilespmem:s24], [sflag:$0x1] =	stream.indirect_vreg.gather [hbm4b:s2+s3], $0x80, v3, vm0, $0xb8;
	[tilespmem:$0x10080] =	vst v63  }
0x29: {  	_ = 	snop  }
0x2a: {  	[tilespmem:s26], [sflag:$0x1] =	stream.indirect_vreg.gather [hbm4b:s4+s3], $0x80, v3, vm0, $0xb8;
	[tilespmem:$0x10080] =	vst v63  }
0x2b: {  	_ = 	snop  }
0x2c: {  	[tilespmem:s28], [sflag:$0x1] =	stream.indirect_vreg.gather [hbm4b:s5+s3], $0x80, v3, vm0, $0xb8;
	[tilespmem:$0x10080] =	vst v63  }
0x2d: {  	_ = 	snop  }
0x2e: {  	[tilespmem:s29], [sflag:$0x1] =	stream.indirect_vreg.gather [hbm4b:s6+s3], $0x80, v3, vm0, $0xb8;
	[tilespmem:$0x10080] =	vst v63  }
0x2f: {  	v3 =	vld [tilespmem:$0x10];
	_ =	sdelay $0x4  }
0x30: {  	v57 =	vshll.u32 v3, $0x3  }
0x31: {  	v3 =	vand.u32 $0x7, v3;
	v4 =	vand.u32 $0xFFFFFFC0, v57  }
0x32: {  	v3 =	vor.u32 v3, v4  }
0x33: {  	v4 =	vperm.xlane v3, v0;
	_ =	sdelay $0x1  }
0x34: {  	v4 =	vadd.s32 v1, v4;
	_ =	sdelay $0x4  }
0x35: {  	[tilespmem:s30], [sflag:$0x1] =	stream.indirect_vreg.gather [hbm4b:s2+s3], $0x80, v4, vm0, $0xb8;
	[tilespmem:$0x10080] =	vst v63  }
0x36: {  	v3 =	vperm.xlane v3, v2  }
0x37: {  	[tilespmem:s31], [sflag:$0x1] =	stream.indirect_vreg.gather [hbm4b:s4+s3], $0x80, v4, vm0, $0xb8;
	[tilespmem:$0x10080] =	vst v63  }
0x38: {  	s0 =	simm.s32 $0x5080;
	v3 =	vadd.s32 v1, v3  }
0x39: {  	[tilespmem:s0], [sflag:$0x1] =	stream.indirect_vreg.gather [hbm4b:s5+s3], $0x80, v4, vm0, $0xb8;
	[tilespmem:$0x10080] =	vst v63  }
0x3a: {  	_ = 	snop  }
0x3b: {  	[tilespmem:s1], [sflag:$0x1] =	stream.indirect_vreg.gather [hbm4b:s6+s3], $0x80, v4, vm0, $0xb8;
	[tilespmem:$0x10080] =	vst v63  }
0x3c: {  	_ = 	snop  }
0x3d: {  	[tilespmem:s10], [sflag:$0x1] =	stream.indirect_vreg.gather [hbm4b:s2+s3], $0x80, v3, vm0, $0xb8;
	[tilespmem:$0x10080] =	vst v63  }
0x3e: {  	_ = 	snop  }
0x3f: {  	[tilespmem:s11], [sflag:$0x1] =	stream.indirect_vreg.gather [hbm4b:s4+s3], $0x80, v3, vm0, $0xb8;
	[tilespmem:$0x10080] =	vst v63  }
0x40: {  	_ = 	snop  }
0x41: {  	[tilespmem:s12], [sflag:$0x1] =	stream.indirect_vreg.gather [hbm4b:s5+s3], $0x80, v3, vm0, $0xb8;
	[tilespmem:$0x10080] =	vst v63  }
0x42: {  	_ = 	snop  }
0x43: {  	[tilespmem:s13], [sflag:$0x1] =	stream.indirect_vreg.gather [hbm4b:s6+s3], $0x80, v3, vm0, $0xb8;
	[tilespmem:$0x10080] =	vst v63  }
0x44: {  	v3 =	vld [tilespmem:$0x20];
	_ =	sdelay $0x4  }
0x45: {  	v58 =	vshll.u32 v3, $0x3  }
0x46: {  	v3 =	vand.u32 $0x7, v3;
	v4 =	vand.u32 $0xFFFFFFC0, v58  }
0x47: {  	v3 =	vor.u32 v3, v4  }
0x48: {  	v4 =	vperm.xlane v3, v0;
	_ =	sdelay $0x1  }
0x49: {  	v4 =	vadd.s32 v1, v4;
	_ =	sdelay $0x4  }
0x4a: {  	[tilespmem:s18], [sflag:$0x2] =	stream.indirect_vreg.gather [hbm4b:s2+s3], $0x80, v4, vm0, $0xb8;
	[tilespmem:$0x10080] =	vst v63  }
0x4b: {  	v3 =	vperm.xlane v3, v2  }
0x4c: {  	[tilespmem:s14], [sflag:$0x2] =	stream.indirect_vreg.gather [hbm4b:s4+s3], $0x80, v4, vm0, $0xb8;
	[tilespmem:$0x10080] =	vst v63  }
0x4d: {  	v3 =	vadd.s32 v1, v3  }
0x4e: {  	[tilespmem:s15], [sflag:$0x2] =	stream.indirect_vreg.gather [hbm4b:s5+s3], $0x80, v4, vm0, $0xb8;
	[tilespmem:$0x10080] =	vst v63  }
0x4f: {  	_ = 	snop  }
0x50: {  	[tilespmem:s16], [sflag:$0x2] =	stream.indirect_vreg.gather [hbm4b:s6+s3], $0x80, v4, vm0, $0xb8;
	[tilespmem:$0x10080] =	vst v63  }
0x51: {  	_ = 	snop  }
0x52: {  	[tilespmem:s17], [sflag:$0x2] =	stream.indirect_vreg.gather [hbm4b:s2+s3], $0x80, v3, vm0, $0xb8;
	[tilespmem:$0x10080] =	vst v63  }
0x53: {  	s20 =	simm.s32 $0xA880  }
0x54: {  	[tilespmem:s20], [sflag:$0x2] =	stream.indirect_vreg.gather [hbm4b:s4+s3], $0x80, v3, vm0, $0xb8;
	[tilespmem:$0x10080] =	vst v63  }
0x55: {  	s20 =	simm.s32 $0xB080  }
0x56: {  	[tilespmem:s20], [sflag:$0x2] =	stream.indirect_vreg.gather [hbm4b:s5+s3], $0x80, v3, vm0, $0xb8;
	[tilespmem:$0x10080] =	vst v63  }
0x57: {  	s20 =	simm.s32 $0xB880  }
0x58: {  	[tilespmem:s20], [sflag:$0x2] =	stream.indirect_vreg.gather [hbm4b:s6+s3], $0x80, v3, vm0, $0xb8;
	[tilespmem:$0x10080] =	vst v63  }
0x59: {  	v3 =	vld [tilespmem:$0x30];
	_ =	sdelay $0x4  }
0x5a: {  	v59 =	vshll.u32 v3, $0x3  }
0x5b: {  	v3 =	vand.u32 $0x7, v3;
	v4 =	vand.u32 $0xFFFFFFC0, v59  }
0x5c: {  	v3 =	vor.u32 v3, v4  }
0x5d: {  	v4 =	vperm.xlane v3, v0;
	_ =	sdelay $0x1  }
0x5e: {  	v4 =	vadd.s32 v1, v4;
	_ =	sdelay $0x3  }
0x5f: {  	s20 =	simm.s32 $0xC080  }
0x60: {  	[tilespmem:s20], [sflag:$0x2] =	stream.indirect_vreg.gather [hbm4b:s2+s3], $0x80, v4, vm0, $0xb8;
	[tilespmem:$0x10080] =	vst v63  }
0x61: {  	v3 =	vperm.xlane v3, v2;
	s20 =	simm.s32 $0xC880  }
0x62: {  	[tilespmem:s20], [sflag:$0x2] =	stream.indirect_vreg.gather [hbm4b:s4+s3], $0x80, v4, vm0, $0xb8;
	[tilespmem:$0x10080] =	vst v63  }
0x63: {  	v3 =	vadd.s32 v1, v3;
	s20 =	simm.s32 $0xD080  }
0x64: {  	[tilespmem:s20], [sflag:$0x2] =	stream.indirect_vreg.gather [hbm4b:s5+s3], $0x80, v4, vm0, $0xb8;
	[tilespmem:$0x10080] =	vst v63  }
0x65: {  	s20 =	simm.s32 $0xD880  }
0x66: {  	[tilespmem:s20], [sflag:$0x2] =	stream.indirect_vreg.gather [hbm4b:s6+s3], $0x80, v4, vm0, $0xb8;
	[tilespmem:$0x10080] =	vst v63  }
0x67: {  	s20 =	simm.s32 $0xE080  }
0x68: {  	[tilespmem:s20], [sflag:$0x2] =	stream.indirect_vreg.gather [hbm4b:s2+s3], $0x80, v3, vm0, $0xb8;
	[tilespmem:$0x10080] =	vst v63  }
0x69: {  	s20 =	simm.s32 $0xE880  }
0x6a: {  	[tilespmem:s20], [sflag:$0x2] =	stream.indirect_vreg.gather [hbm4b:s4+s3], $0x80, v3, vm0, $0xb8;
	[tilespmem:$0x10080] =	vst v63  }
0x6b: {  	s20 =	simm.s32 $0xF080  }
0x6c: {  	[tilespmem:s20], [sflag:$0x2] =	stream.indirect_vreg.gather [hbm4b:s5+s3], $0x80, v3, vm0, $0xb8;
	[tilespmem:$0x10080] =	vst v63  }
0x6d: {  	s20 =	simm.s32 $0xF880  }
0x6e: {  	[tilespmem:s20], [sflag:$0x2] =	stream.indirect_vreg.gather [hbm4b:s6+s3], $0x80, v3, vm0, $0xb8;
	[tilespmem:$0x10080] =	vst v63  }
0x6f: {  	_ =	swait.ge [sflag:s9], $0x8000  }
0x70: {  	[sflag:s9] =	ssyncset.done $0x0  }
0x71: {  	s20 =	rddreg [dreg:$0x4];
	[sflag:s9] =	ssyncadd.s32 $0xFFFF8000  }
0x72: {  	[hbm4b:s20+s3] =	stream.linear.scatter [tilespmem:s25], [sflag:$0x3], $0x8000, $0x38;
	[tilespmem:$0x10080] =	vst v63  }
0x73: {  	_ =	swait.ge [sflag:s8], $0x8000  }
0x74: {  	[sflag:s8] =	ssyncset.done $0x0  }
0x75: {  	[sflag:s8] =	ssyncadd.s32 $0xFFFF8000  }
0x76: {  	v3 =	vld [tilespmem:$0x40];
	_ =	sdelay $0x4  }
0x77: {  	v60 =	vshll.u32 v3, $0x3  }
0x78: {  	v3 =	vand.u32 $0x7, v3;
	v4 =	vand.u32 $0xFFFFFFC0, v60  }
0x79: {  	v3 =	vor.u32 v3, v4  }
0x7a: {  	v4 =	vperm.xlane v3, v0;
	_ =	sdelay $0x1  }
0x7b: {  	v4 =	vadd.s32 v1, v4;
	_ =	sdelay $0x4  }
0x7c: {  	[tilespmem:s25], [sflag:$0x1] =	stream.indirect_vreg.gather [hbm4b:s2+s3], $0x80, v4, vm0, $0xb8;
	[tilespmem:$0x10080] =	vst v63  }
0x7d: {  	v3 =	vperm.xlane v3, v2  }
0x7e: {  	[tilespmem:s21], [sflag:$0x1] =	stream.indirect_vreg.gather [hbm4b:s4+s3], $0x80, v4, vm0, $0xb8;
	[tilespmem:$0x10080] =	vst v63  }
0x7f: {  	v3 =	vadd.s32 v1, v3  }
0x80: {  	[tilespmem:s22], [sflag:$0x1] =	stream.indirect_vreg.gather [hbm4b:s5+s3], $0x80, v4, vm0, $0xb8;
	[tilespmem:$0x10080] =	vst v63  }
0x81: {  	_ = 	snop  }
0x82: {  	[tilespmem:s23], [sflag:$0x1] =	stream.indirect_vreg.gather [hbm4b:s6+s3], $0x80, v4, vm0, $0xb8;
	[tilespmem:$0x10080] =	vst v63  }
0x83: {  	_ = 	snop  }
0x84: {  	[tilespmem:s24], [sflag:$0x1] =	stream.indirect_vreg.gather [hbm4b:s2+s3], $0x80, v3, vm0, $0xb8;
	[tilespmem:$0x10080] =	vst v63  }
0x85: {  	_ = 	snop  }
0x86: {  	[tilespmem:s26], [sflag:$0x1] =	stream.indirect_vreg.gather [hbm4b:s4+s3], $0x80, v3, vm0, $0xb8;
	[tilespmem:$0x10080] =	vst v63  }
0x87: {  	_ = 	snop  }
0x88: {  	[tilespmem:s28], [sflag:$0x1] =	stream.indirect_vreg.gather [hbm4b:s5+s3], $0x80, v3, vm0, $0xb8;
	[tilespmem:$0x10080] =	vst v63  }
0x89: {  	_ = 	snop  }
0x8a: {  	[tilespmem:s29], [sflag:$0x1] =	stream.indirect_vreg.gather [hbm4b:s6+s3], $0x80, v3, vm0, $0xb8;
	[tilespmem:$0x10080] =	vst v63  }
0x8b: {  	v3 =	vld [tilespmem:$0x50];
	_ =	sdelay $0x4  }
0x8c: {  	v61 =	vshll.u32 v3, $0x3  }
0x8d: {  	v3 =	vand.u32 $0x7, v3;
	v4 =	vand.u32 $0xFFFFFFC0, v61  }
0x8e: {  	v3 =	vor.u32 v3, v4  }
0x8f: {  	v4 =	vperm.xlane v3, v0;
	_ =	sdelay $0x1  }
0x90: {  	v4 =	vadd.s32 v1, v4;
	_ =	sdelay $0x4  }
0x91: {  	[tilespmem:s30], [sflag:$0x1] =	stream.indirect_vreg.gather [hbm4b:s2+s3], $0x80, v4, vm0, $0xb8;
	[tilespmem:$0x10080] =	vst v63  }
0x92: {  	v3 =	vperm.xlane v3, v2  }
0x93: {  	[tilespmem:s31], [sflag:$0x1] =	stream.indirect_vreg.gather [hbm4b:s4+s3], $0x80, v4, vm0, $0xb8;
	[tilespmem:$0x10080] =	vst v63  }
0x94: {  	v3 =	vadd.s32 v1, v3  }
0x95: {  	[tilespmem:s0], [sflag:$0x1] =	stream.indirect_vreg.gather [hbm4b:s5+s3], $0x80, v4, vm0, $0xb8;
	[tilespmem:$0x10080] =	vst v63  }
0x96: {  	_ = 	snop  }
0x97: {  	[tilespmem:s1], [sflag:$0x1] =	stream.indirect_vreg.gather [hbm4b:s6+s3], $0x80, v4, vm0, $0xb8;
	[tilespmem:$0x10080] =	vst v63  }
0x98: {  	_ = 	snop  }
0x99: {  	[tilespmem:s10], [sflag:$0x1] =	stream.indirect_vreg.gather [hbm4b:s2+s3], $0x80, v3, vm0, $0xb8;
	[tilespmem:$0x10080] =	vst v63  }
0x9a: {  	_ = 	snop  }
0x9b: {  	[tilespmem:s11], [sflag:$0x1] =	stream.indirect_vreg.gather [hbm4b:s4+s3], $0x80, v3, vm0, $0xb8;
	[tilespmem:$0x10080] =	vst v63  }
0x9c: {  	_ = 	snop  }
0x9d: {  	[tilespmem:s12], [sflag:$0x1] =	stream.indirect_vreg.gather [hbm4b:s5+s3], $0x80, v3, vm0, $0xb8;
	[tilespmem:$0x10080] =	vst v63  }
0x9e: {  	_ = 	snop  }
0x9f: {  	[tilespmem:s13], [sflag:$0x1] =	stream.indirect_vreg.gather [hbm4b:s6+s3], $0x80, v3, vm0, $0xb8;
	[tilespmem:$0x10080] =	vst v63  }
0xa0: {  	_ =	swait.ge [sflag:s19], $0x8000  }
0xa1: {  	[sflag:s19] =	ssyncset.done $0x0  }
0xa2: {  	s0 =	rddreg [dreg:$0x5];
	[sflag:s19] =	ssyncadd.s32 $0xFFFF8000  }
0xa3: {  	[hbm4b:s0+s3] =	stream.linear.scatter [tilespmem:s18], [sflag:$0x3], $0x8000, $0x38;
	[tilespmem:$0x10080] =	vst v63  }
0xa4: {  	_ =	swait.ge [sflag:s8], $0x8000  }
0xa5: {  	[sflag:s8] =	ssyncset.done $0x0  }
0xa6: {  	[sflag:s8] =	ssyncadd.s32 $0xFFFF8000  }
0xa7: {  	v3 =	vld [tilespmem:$0x60];
	_ =	sdelay $0x4  }
0xa8: {  	v62 =	vshll.u32 v3, $0x3  }
0xa9: {  	v3 =	vand.u32 $0x7, v3;
	v4 =	vand.u32 $0xFFFFFFC0, v62  }
0xaa: {  	v3 =	vor.u32 v3, v4  }
0xab: {  	v4 =	vperm.xlane v3, v0;
	_ =	sdelay $0x1  }
0xac: {  	v4 =	vadd.s32 v1, v4;
	_ =	sdelay $0x4  }
0xad: {  	[tilespmem:s18], [sflag:$0x2] =	stream.indirect_vreg.gather [hbm4b:s2+s3], $0x80, v4, vm0, $0xb8;
	[tilespmem:$0x10080] =	vst v63  }
0xae: {  	v3 =	vperm.xlane v3, v2  }
0xaf: {  	[tilespmem:s14], [sflag:$0x2] =	stream.indirect_vreg.gather [hbm4b:s4+s3], $0x80, v4, vm0, $0xb8;
	[tilespmem:$0x10080] =	vst v63  }
0xb0: {  	v3 =	vadd.s32 v1, v3  }
0xb1: {  	[tilespmem:s15], [sflag:$0x2] =	stream.indirect_vreg.gather [hbm4b:s5+s3], $0x80, v4, vm0, $0xb8;
	[tilespmem:$0x10080] =	vst v63  }
0xb2: {  	_ = 	snop  }
0xb3: {  	[tilespmem:s16], [sflag:$0x2] =	stream.indirect_vreg.gather [hbm4b:s6+s3], $0x80, v4, vm0, $0xb8;
	[tilespmem:$0x10080] =	vst v63  }
0xb4: {  	_ = 	snop  }
0xb5: {  	[tilespmem:s17], [sflag:$0x2] =	stream.indirect_vreg.gather [hbm4b:s2+s3], $0x80, v3, vm0, $0xb8;
	[tilespmem:$0x10080] =	vst v63  }
0xb6: {  	s20 =	simm.s32 $0xA880  }
0xb7: {  	[tilespmem:s20], [sflag:$0x2] =	stream.indirect_vreg.gather [hbm4b:s4+s3], $0x80, v3, vm0, $0xb8;
	[tilespmem:$0x10080] =	vst v63  }
0xb8: {  	s20 =	simm.s32 $0xB080  }
0xb9: {  	[tilespmem:s20], [sflag:$0x2] =	stream.indirect_vreg.gather [hbm4b:s5+s3], $0x80, v3, vm0, $0xb8;
	[tilespmem:$0x10080] =	vst v63  }
0xba: {  	s20 =	simm.s32 $0xB880  }
0xbb: {  	[tilespmem:s20], [sflag:$0x2] =	stream.indirect_vreg.gather [hbm4b:s6+s3], $0x80, v3, vm0, $0xb8;
	[tilespmem:$0x10080] =	vst v63  }
0xbc: {  	v3 =	vld [tilespmem:$0x70];
	_ =	sdelay $0x4  }
0xbd: {  	v63 =	vshll.u32 v3, $0x3  }
0xbe: {  	v3 =	vand.u32 $0x7, v3;
	v4 =	vand.u32 $0xFFFFFFC0, v63  }
0xbf: {  	v3 =	vor.u32 v3, v4  }
0xc0: {  	v4 =	vperm.xlane v3, v0;
	_ =	sdelay $0x1  }
0xc1: {  	v4 =	vadd.s32 v1, v4;
	_ =	sdelay $0x3  }
0xc2: {  	s20 =	simm.s32 $0xC080  }
0xc3: {  	[tilespmem:s20], [sflag:$0x2] =	stream.indirect_vreg.gather [hbm4b:s2+s3], $0x80, v4, vm0, $0xb8;
	[tilespmem:$0x10080] =	vst v63  }
0xc4: {  	v3 =	vperm.xlane v3, v2;
	s20 =	simm.s32 $0xC880  }
0xc5: {  	[tilespmem:s20], [sflag:$0x2] =	stream.indirect_vreg.gather [hbm4b:s4+s3], $0x80, v4, vm0, $0xb8;
	[tilespmem:$0x10080] =	vst v63  }
0xc6: {  	v3 =	vadd.s32 v1, v3;
	s20 =	simm.s32 $0xD080  }
0xc7: {  	[tilespmem:s20], [sflag:$0x2] =	stream.indirect_vreg.gather [hbm4b:s5+s3], $0x80, v4, vm0, $0xb8;
	[tilespmem:$0x10080] =	vst v63  }
0xc8: {  	s20 =	simm.s32 $0xD880  }
0xc9: {  	[tilespmem:s20], [sflag:$0x2] =	stream.indirect_vreg.gather [hbm4b:s6+s3], $0x80, v4, vm0, $0xb8;
	[tilespmem:$0x10080] =	vst v63  }
0xca: {  	s20 =	simm.s32 $0xE080  }
0xcb: {  	[tilespmem:s20], [sflag:$0x2] =	stream.indirect_vreg.gather [hbm4b:s2+s3], $0x80, v3, vm0, $0xb8;
	[tilespmem:$0x10080] =	vst v63  }
0xcc: {  	s20 =	simm.s32 $0xE880  }
0xcd: {  	[tilespmem:s20], [sflag:$0x2] =	stream.indirect_vreg.gather [hbm4b:s4+s3], $0x80, v3, vm0, $0xb8;
	[tilespmem:$0x10080] =	vst v63  }
0xce: {  	s20 =	simm.s32 $0xF080  }
0xcf: {  	[tilespmem:s20], [sflag:$0x2] =	stream.indirect_vreg.gather [hbm4b:s5+s3], $0x80, v3, vm0, $0xb8;
	[tilespmem:$0x10080] =	vst v63  }
0xd0: {  	s20 =	simm.s32 $0xF880  }
0xd1: {  	[tilespmem:s20], [sflag:$0x2] =	stream.indirect_vreg.gather [hbm4b:s6+s3], $0x80, v3, vm0, $0xb8;
	[tilespmem:$0x10080] =	vst v63  }
0xd2: {  	_ =	swait.ge [sflag:s9], $0x8000  }
0xd3: {  	[sflag:s9] =	ssyncset.done $0x0  }
0xd4: {  	s0 =	rddreg [dreg:$0x6];
	[sflag:s9] =	ssyncadd.s32 $0xFFFF8000  }
0xd5: {  	[hbm4b:s0+s3] =	stream.linear.scatter [tilespmem:s25], [sflag:$0x3], $0x8000, $0x38;
	[tilespmem:$0x10080] =	vst v63  }
0xd6: {  	_ =	swait.ge [sflag:s8], $0x8000  }
0xd7: {  	[sflag:s8] =	ssyncset.done $0x0  }
0xd8: {  	[sflag:s8] =	ssyncadd.s32 $0xFFFF8000  }
0xd9: {  	_ =	swait.ge [sflag:s19], $0x8000  }
0xda: {  	p0 =	sne.s32 s7, $0x1;
	[sflag:s19] =	ssyncset.done $0x0  }
.Ltmp0:
0xdb: {  	s0 =	rddreg [dreg:$0x7];
	[sflag:s19] =	ssyncadd.s32 $0xFFFF8000;
	(pc) =	sbr.rel @p0 .LBB2_1-.Ltmp0, $4  }
0xdc: {  	[hbm4b:s0+s3] =	stream.linear.scatter [tilespmem:s18], [sflag:$0x3], $0x8000, $0x38;
	[tilespmem:$0x10080] =	vst v63  }
0xdd: {  	_ =	swait.ge [sflag:s8], $0x8000  }
0xde: {  	[sflag:s8] =	ssyncset.done $0x0  }
0xdf: {  	s7 =	sadd.s32 $0xFFFFFFFF, s7;
	[sflag:s8] =	ssyncadd.s32 $0xFFFF8000  }
0xe0: {  	_ =	sfence.sel $0x180000  }
0xe1: {  	[bflag:$0x0] =	sbarrier.arrive $0xFFFF  }
0xe2: {  	_ =	strace $0x90000047  }
0xe3: {  	s0 =	stileid.u32;
	[bflag:$0x2] =	sbarrier.arrive $0xFFFF  }
0xe4: {  	p0 =	sne.s32 s0, $0x0;
	s0 =	rddreg [dreg:$0x2]  }
0xe5: {  	s0 =	sadd.s32 @!p0 $0x100000, s0  }
0xe6: {  	[sflag:s0] =	ssyncadd.tile.s32 @!p0 $0x1;
	_ =	shalt  }
.Lfunc_end2:
_tile_overlayer_lowered:
.L_overlay_start_2:
0xe7: {  	(tag) =	ssettag $0x2  }
0xe8: {  	s0 =	rddreg [dreg:$0x0];
	s2 =	stileid.u32  }
0xe9: {  	s1 =	rddreg [dreg:$0x1];
	p0 =	sne.s32 s2, $0x0  }
0xea: {  	s3 =	rddreg [dreg:$0x2];
	[bflag:$0x3] =	sbarrier.arrive $0xFFFF;
	s2 =	simm.s32 @!p0 $0x1C03  }
0xeb: {  	[timem:s3], [sflag:s2] =	dma.local @!p0 [hbm:s0], s1  }
0xec: {  	s0 =	simm.s32 @!p0 $0x3  }
0xed: {  	_ =	swait.ge @!p0 [sflag:s0], s1  }
0xee: {  	s1 =	ssub.s32 @!p0 $0x0, s1;
	[sflag:s0] =	ssyncset.done @!p0 $0x0  }
0xef: {  	[sflag:s0] =	ssyncadd.s32 @!p0 s1  }
0xf0: {  	[bflag:$0x3] =	sbarrier.arrive $0xFFFF  }
0xf1: {  	_ =	shalt  }

// kernel: kernel.21.cloned.1.call-start
scs
__scs_entry_jumppad:
0x0: {  	(pc) =	sbr.rel $0x88, $3  }
0x1: {  	(tag) =	ssettag $0x0;
	lr =	simm.s32 $0x1  }
0x2: {  	[smem:$0x3F9B] =	sst lr;
	_ =	strace $0xD0000000  }
0x3: {  	_ = 	snop  }
0x4: {  	_ = 	snop  }
0x5: {  	_ = 	snop  }
0x6: {  	_ = 	snop  }
0x7: {  	_ = 	snop  }
__scs_overlays_trampoline_lowered:
0x8: {  	[smem:$0x3FAA] =	sst s0  }
0x9: {  	[smem:$0x3FAB] =	sst s1  }
0xa: {  	[smem:$0x3FAC] =	sst s2  }
0xb: {  	[smem:$0x3FAD] =	sst s3  }
0xc: {  	[smem:$0x3FAE] =	sst s4  }
0xd: {  	[smem:$0x3FAF] =	sst s5  }
0xe: {  	[smem:$0x3FB0] =	sst s6  }
0xf: {  	[smem:$0x3FB1] =	sst s7  }
0x10: {  	[smem:$0x3FB2] =	sst s8  }
0x11: {  	[smem:$0x3FB3] =	sst s9;
	s0 =	simm.s32 @!p0 $0x0  }
0x12: {  	s1 =	sld [smem:$0x3F99];
	s0 =	simm.s32 @p0 $0x1  }
0x13: {  	[smem:$0x3FB4] =	sst s0;
	s0 =	simm.s32 @!p1 $0x0  }
0x14: {  	s2 =	sld [smem:$0x3F98];
	s0 =	simm.s32 @p1 $0x1  }
0x15: {  	[smem:$0x3FB5] =	sst s0;
	s0 =	simm.s32 @!p2 $0x0  }
0x16: {  	s3 =	sld [smem:$0x3FDB];
	s0 =	simm.s32 @p2 $0x1  }
0x17: {  	s4 =	simm.s32 $0x1BF5;
	[smem:$0x3FB7] =	sst s0  }
0x18: {  	s0 =	sld [smem:$0x3F9A];
	_ =	swait.ge [sflag:s4], $0x0  }
0x19: {  	s7 =	sld [smem:$0x3F9B]  }
0x1a: {  	s8 =	sadd.s32 $0xFFFFE003, lr  }
0x1b: {  	s9 =	sadd.s32 $0xFFFFFEF7, lr;
	s5 =	simm.s32 $0xFFFFFFFF;
	p2 =	slt.u32 s8, $0xFFFFF086  }
0x1c: {  	p1 =	slt.u32 s9, $0xF7A;
	s5 =	simm.s32 @!p2 $0x0  }
0x1d: {  	s5 =	simm.s32 @p1 $0x1;
	p0 =	seq.s32 s7, s2  }
0x1e: {  	s7 =	smul.u32 @!p0 $0xF7A, s2;
	p2 =	seq.s32 @!p0 s5, $0x0  }
0x1f: {  	s9 =	smul.u32 $0xF7A, s1;
	s8 =	simm.s32 @!p0 $0x1BF5;
	p2 =	por !p2, p0  }
0x20: {  	[sflag:s8] =	ssyncset.s32 @!p0 $0xFFFFF086;
	s6 =	sadd.s32 @!p0 s3, s7;
	s7 =	simm.s32 @!p0 $0x108  }
0x21: {  	s3 =	sadd.s32 s3, s9;
	s6 =	sadd.s32 @!p0 $0x88, s6;
	s7 =	simm.s32 @p2 $0x1082  }
0x22: {  	[simem:s7], [sflag:s8] =	dma.local @!p0 [hbm:s6], $0xF7A  }
0x23: {  	s9 =	sor.u32 $0xD0000000, s2;
	s6 =	simm.s32 $0x108;
	_ =	swait.ge @!p0 [sflag:s8], $0x0  }
0x24: {  	s3 =	sadd.s32 $0x88, s3;
	s6 =	simm.s32 @!p1 $0x1082;
	[sflag:s4] =	ssyncset.s32 $0xFFFFF086  }
0x25: {  	[simem:s6], [sflag:s4] =	dma.local [hbm:s3], $0xF7A  }
0x26: {  	[smem:$0x3F9B] =	sst s1;
	(tag) =	ssettag s2;
	_ =	strace s9  }
0x27: {  	s1 =	sld [smem:$0x3FAB]  }
0x28: {  	s2 =	sld [smem:$0x3FAC]  }
0x29: {  	s4 =	sld [smem:$0x3FAE]  }
0x2a: {  	p0 =	seq.s32 s5, $0x0;
	s5 =	sld [smem:$0x3FAF]  }
0x2b: {  	s6 =	sld [smem:$0x3FB0]  }
0x2c: {  	s7 =	sld [smem:$0x3FB1]  }
0x2d: {  	s3 =	simm.s32 $0x108;
	s8 =	sld [smem:$0x3FB2]  }
0x2e: {  	s3 =	simm.s32 @!p0 $0x1082;
	s9 =	sld [smem:$0x3FB3]  }
0x2f: {  	lr =	sadd.s32 s0, s3;
	s0 =	sld [smem:$0x3FAA]  }
0x30: {  	s3 =	sld [smem:$0x3FAD]  }
0x31: {  	[smem:$0x3FB6] =	sst s10  }
0x32: {  	s10 =	sld [smem:$0x3FB4];
	_ =	sdelay $0x3  }
0x33: {  	p0 =	seq.s32 s10, $0x1;
	s10 =	sld [smem:$0x3FB6];
	_ =	sdelay $0x3  }
0x34: {  	[smem:$0x3FB6] =	sst s10  }
0x35: {  	s10 =	sld [smem:$0x3FB5];
	_ =	sdelay $0x3  }
0x36: {  	p1 =	seq.s32 s10, $0x1;
	s10 =	sld [smem:$0x3FB6];
	_ =	sdelay $0x3  }
0x37: {  	[smem:$0x3FB6] =	sst s10  }
0x38: {  	s10 =	sld [smem:$0x3FB7]  }
0x39: {  	_ = 	snop;
	(pc) =	sbr.ind lr, $3  }
0x3a: {  	_ = 	snop  }
0x3b: {  	_ = 	snop  }
0x3c: {  	p2 =	seq.s32 s10, $0x1;
	s10 =	sld [smem:$0x3FB6]  }
0x3d: {  	_ =	shalt  }
0x3e: {  	_ =	shalt  }
0x3f: {  	_ =	shalt  }
0x40: {  	_ =	shalt  }
0x41: {  	_ =	shalt  }
0x42: {  	_ =	shalt  }
0x43: {  	_ =	shalt  }
0x44: {  	_ =	shalt  }
0x45: {  	_ =	shalt  }
0x46: {  	_ =	shalt  }
0x47: {  	_ =	shalt  }
0x48: {  	_ =	shalt  }
0x49: {  	_ =	shalt  }
0x4a: {  	_ =	shalt  }
0x4b: {  	_ =	shalt  }
0x4c: {  	_ =	shalt  }
0x4d: {  	_ =	shalt  }
0x4e: {  	_ =	shalt  }
0x4f: {  	_ =	shalt  }
0x50: {  	_ =	shalt  }
0x51: {  	_ =	shalt  }
0x52: {  	_ =	shalt  }
0x53: {  	_ =	shalt  }
0x54: {  	_ =	shalt  }
0x55: {  	_ =	shalt  }
0x56: {  	_ =	shalt  }
0x57: {  	_ =	shalt  }
0x58: {  	_ =	shalt  }
0x59: {  	_ =	shalt  }
0x5a: {  	_ =	shalt  }
0x5b: {  	_ =	shalt  }
0x5c: {  	_ =	shalt  }
0x5d: {  	_ =	shalt  }
0x5e: {  	_ =	shalt  }
0x5f: {  	_ =	shalt  }
0x60: {  	_ =	shalt  }
0x61: {  	_ =	shalt  }
0x62: {  	_ =	shalt  }
0x63: {  	_ =	shalt  }
0x64: {  	_ =	shalt  }
0x65: {  	_ =	shalt  }
0x66: {  	_ =	shalt  }
0x67: {  	_ =	shalt  }
0x68: {  	_ =	shalt  }
0x69: {  	_ =	shalt  }
0x6a: {  	_ =	shalt  }
0x6b: {  	_ =	shalt  }
0x6c: {  	_ =	shalt  }
0x6d: {  	_ =	shalt  }
0x6e: {  	_ =	shalt  }
0x6f: {  	_ =	shalt  }
0x70: {  	_ =	shalt  }
0x71: {  	_ =	shalt  }
0x72: {  	_ =	shalt  }
0x73: {  	_ =	shalt  }
0x74: {  	_ =	shalt  }
0x75: {  	_ =	shalt  }
0x76: {  	_ =	shalt  }
0x77: {  	_ =	shalt  }
0x78: {  	_ =	shalt  }
0x79: {  	_ =	shalt  }
0x7a: {  	_ =	shalt  }
0x7b: {  	_ =	shalt  }
0x7c: {  	_ =	shalt  }
0x7d: {  	_ =	shalt  }
0x7e: {  	_ =	shalt  }
0x7f: {  	_ =	shalt  }
0x80: {  	_ =	shalt  }
0x81: {  	_ =	shalt  }
0x82: {  	_ =	shalt  }
0x83: {  	_ =	shalt  }
0x84: {  	_ =	shalt  }
0x85: {  	_ =	shalt  }
0x86: {  	_ =	shalt  }
0x87: {  	_ =	shalt  }
.Lfunc_end0:
.L_simem_size_0:
called_computation.1_lowered:
.L_overlay_start_0:
0x88: {  	s2 =	sld [smem:$0x3FD9]  }
0x89: {  	s3 =	sld [smem:$0x3FFE];
	_ =	sdelay $0x1  }
0x8a: {  	s1 =	srdreg.scid  }
0x8b: {  	s0 =	sand.u32 $0x1, s1  }
0x8c: {  	s17 =	sshll.u32 s0, $0xA;
	s2 =	sadd.s32 s3, s2  }
0x8d: {  	s2 =	sadd.s32 s2, s17  }
0x8e: {  	[smem:$0x3FC2] =	sst s2  }
0x8f: {  	_ = 	snop  }
0x90: {  	s18 =	sld [smem:$0x3FC6];
	(tm) =	ssettm $0x1  }
0x91: {  	s19 =	sld [smem:$0x3FFB];
	_ =	sdelay $0x3  }
0x92: {  	_ =	strace s19  }
0x93: {  	s2 =	sld [smem:$0x3FFC];
	_ =	sdelay $0x3  }
0x94: {  	_ =	strace s2  }
0x95: {  	s2 =	sld [smem:$0x3FFD];
	_ =	sdelay $0x3  }
0x96: {  	_ =	strace s2  }
0x97: {  	_ =	strace $0x8FFFFFFF  }
0x98: {  	s20 =	sld [smem:$0x3FDB];
	_ =	sdelay $0x1  }
0x99: {  	s4 =	simm.s32 $_scs_section_size  }
0x9a: {  	s5 =	simm.s32 $_size__tile_overlayer_lowered;
	s6 =	simm.s32 $_tile_overlayer_lowered  }
0x9b: {  	s7 =	simm.s32 $0x1BFF;
	s21 =	sshll.u32 s6, $0x1;
	s4 =	sadd.s32 s4, s20  }
0x9c: {  	s22 =	simm.s32 $0x0;
	s5 =	sshll.u32 s5, $0x1;
	s6 =	sadd.s32 s21, s4  }
0x9d: {  	[timem:s22], [sflag:s7] =	dma.local [hbm:s6], s5  }
0x9e: {  	_ =	swait.ge [sflag:s7], s5  }
0x9f: {  	s5 =	ssub.s32 $0x0, s5;
	[sflag:s7] =	ssyncset.done $0x0  }
0xa0: {  	[sflag:s7] =	ssyncadd.s32 s5;
	_ =	sdelay $0x1  }
0xa1: {  	s23 =	simm.s32 $0x1B8B  }
0xa2: {  	_ =	swait.ge [sflag:s23], $0x1  }
0xa3: {  	[sflag:s23] =	ssyncset.done $0x0  }
0xa4: {  	[sflag:s23] =	ssyncadd.s32 $0xFFFFFFFF  }
0xa5: {  	s5 =	sld [smem:$0x0]  }
0xa6: {  	s6 =	sand.u32 $0xFFFFFFFE, s1  }
0xa7: {  	p0 =	sne.s32 s1, s6  }
0xa8: {  	s6 =	sshll.u32 @p0 s6, $0xE  }
0xa9: {  	s6 =	sadd.s32 @p0 $0x11B8D, s6;
	s7 =	sshll.u32 @p0 s5, $0x11  }
0xaa: {  	s6 =	sor.u32 @p0 s7, s6  }
0xab: {  	[sflag:s6] =	ssyncadd.remote.s32 @p0 $0x1;
	_ =	sdelay $0x1  }
0xac: {  	s6 =	simm.s32 @p0 $0x1B8D  }
0xad: {  	_ =	swait.eq @p0 [sflag:s6], $0x1  }
0xae: {  	[sflag:s6] =	ssyncadd.s32 @p0 $0xFFFFFFFF  }
0xaf: {  	s7 =	sshll.u32 @!p0 s1, $0xE  }
0xb0: {  	s7 =	sor.u32 @!p0 $0x4000, s7;
	s6 =	simm.s32 @!p0 $0x1B8D  }
0xb1: {  	s5 =	sshll.u32 @!p0 s5, $0x11;
	s7 =	sadd.s32 @!p0 $0x11B8D, s7;
	_ =	swait.eq @!p0 [sflag:s6], $0x1  }
0xb2: {  	s5 =	sor.u32 @!p0 s5, s7;
	[sflag:s6] =	ssyncadd.s32 @!p0 $0xFFFFFFFF  }
0xb3: {  	s25 =	simm.s32 $0x1B8E;
	s24 =	sld [smem:$0x3FFE];
	[sflag:s5] =	ssyncadd.remote.s32 @!p0 $0x1  }
0xb4: {  	s26 =	simm.s32 $execute0_lowered;
	[smem:$0x3FD2] =	sst s25  }
0xb5: {  	s6 =	sshll.u32 s26, $0x1;
	_ =	strace $0x80000049;
	[dreg:$0x1] =	wrdreg $0xFFFFFFFF  }
0xb6: {  	s28 =	simm.s32 $_size_execute0_lowered;
	s4 =	sadd.s32 s4, s6;
	[dreg:$0x0] =	wrdreg $0x0  }
0xb7: {  	s6 =	sshll.u32 s28, $0x1;
	[dreg:$0x2] =	wrdreg s4  }
0xb8: {  	[dreg:$0x3] =	wrdreg s6  }
0xb9: {  	[dreg:$0x4] =	wrdreg $0xC0  }
0xba: {  	_ =	task [dreg:s22], $0x5FFFF  }
0xbb: {  	[dreg:$0x1] =	wrdreg $0xFFFFFFFF  }
0xbc: {  	[dreg:$0x0] =	wrdreg $0x60  }
0xbd: {  	[dreg:$0x2] =	wrdreg s18  }
0xbe: {  	[dreg:$0x3] =	wrdreg s24  }
0xbf: {  	[dreg:$0x4] =	wrdreg $0xA  }
0xc0: {  	_ =	task.clear_ibuf [dreg:s22], $0x5FFFF;
	_ =	strace $0x90000049  }
0xc1: {  	s29 =	simm.s32 $0xA;
	_ =	strace $0x8000004B  }
0xc2: {  	_ =	swait.ge [sflag:s29], $0x1  }
0xc3: {  	[sflag:s29] =	ssyncadd.s32 $0xFFFFFFFF  }
0xc4: {  	_ =	strace $0x9000004B  }
0xc5: {  	_ =	sfence  }
0xc6: {  	s30 =	sld [smem:$0x0];
	_ =	sdelay $0x2  }
0xc7: {  	s31 =	sshll.u32 s1, $0xD;
	s1 =	sshrl.u32 s1, $0x2  }
0xc8: {  	s4 =	sand.u32 $0x4000, s31;
	s1 =	sadd.s32 s1, s30  }
0xc9: {  	s0 =	sor.u32 s4, s0;
	s1 =	sshll.u32 s1, $0x11  }
0xca: {  	s0 =	sor.u32 s1, s0  }
0xcb: {  	s0 =	sadd.s32 $0x8F2B, s0  }
0xcc: {  	[sflag:s0] =	ssyncadd.remote.s32 $0x1  }
0xcd: {  	_ =	sfence.sel $0xFFFF  }
0xce: {  	[dreg:$0x0] =	wrdreg $0xFFFFFFFF;
	(pc) =	sbr.abs _section_cstart, $3  }
0xcf: {  	[dreg:$0x1] =	wrdreg $0xFFFFFFFF  }
0xd0: {  	_ =	task.clear_ibuf [dreg:s22], $0x2FFFF;
	_ =	strace $0x9FFFFFFF  }
0xd1: {  	(tm) =	ssettm $0x7FFFFFFF  }
tec
execute0_lowered:
.L_overlay_start_1:
0x0: {  	(tag) =	ssettag $0x1  }
0x1: {  	s2 =	rddreg [dreg:$0x0]  }
0x2: {  	s0 =	rddreg [dreg:$0x1]  }
0x3: {  	s1 =	srdreg.scid;
	s4 =	stileid.u32  }
0x4: {  	s3 =	simm.s32 $0x0;
	s9 =	simm.s32 $0x1;
	s19 =	simm.s32 $0x2  }
0x5: {  	s21 =	simm.s32 $0x880;
	s22 =	simm.s32 $0x1080;
	s23 =	simm.s32 $0x1880  }
0x6: {  	s24 =	simm.s32 $0x2080;
	s28 =	simm.s32 $0x3080;
	s29 =	simm.s32 $0x3880  }
0x7: {  	s30 =	simm.s32 $0x4080;
	s31 =	simm.s32 $0x4880;
	s10 =	simm.s32 $0x6080  }
0x8: {  	s11 =	simm.s32 $0x6880;
	s12 =	simm.s32 $0x7080;
	s13 =	simm.s32 $0x7880  }
0x9: {  	s18 =	simm.s32 $0x8080;
	s14 =	simm.s32 $0x8880;
	s1 =	sand.u32 $0x1, s1  }
0xa: {  	s15 =	simm.s32 $0x9080;
	s4 =	sshll.u32 s4, $0x8;
	s5 =	sshll.u32 s1, $0x7  }
0xb: {  	s16 =	simm.s32 $0x9880;
	[smem:$0x7FF] =	sst s3;
	s4 =	sor.u32 s5, s4  }
0xc: {  	s17 =	simm.s32 $0xA080;
	_ =	strace $0x8000004A;
	s5 =	sshrl.u32 s4, $0x3  }
0xd: {  	s1 =	ssub.s32 $0x2, s1;
	s4 =	sshll.u32 s4, $0x7;
	s5 =	sadd.s32 s5, s0  }
0xe: {  	s6 =	sshrl.u32 s1, $0x1;
	s0 =	sadd.s32 s4, s0;
	s25 =	sadd.s32 $0x2A00, s5  }
0xf: {  	s1 =	ssub.s32 s1, s6;
	s26 =	sadd.s32 $0x83800, s0;
	[dreg:$0x3] =	wrdreg s25  }
0x10: {  	s6 =	sadd.s32 $0x300, s2;
	s7 =	sadd.s32 $0x84800, s0;
	[dreg:$0x4] =	wrdreg s26  }
0x11: {  	s4 =	sadd.s32 $0x100, s2;
	s8 =	sadd.s32 $0x85800, s0;
	[dreg:$0x5] =	wrdreg s7  }
0x12: {  	v2 =	vlaneseq.u32;
	s5 =	sadd.s32 $0x200, s2;
	s0 =	sadd.s32 $0x86800, s0;
	[dreg:$0x6] =	wrdreg s8  }
0x13: {  	vm0 =	vmmov $0xffff;
	v1 =	vshrl.u32 v2, $0x3;
	s7 =	smax.u32 s1, $0x1;
	[dreg:$0x7] =	wrdreg s0;
	s8 =	simm.s32 $0x3  }
0x14: {  	v0 =	vand.u32 $0x7, v2;
	v2 =	vor.u32 $0x8, v2;
	v1 =	vmul.u32 $0x8, v1;
	s25 =	simm.s32 $0x80;
	s26 =	simm.s32 $0x2880;
	s1 =	simm.s32 $0x5880  }
.LBB2_1:
0x15: {  	s20 =	rddreg [dreg:$0x3]  }
0x16: {  	[tilespmem:s3], [sflag:$0x3] =	stream.linear.gather [hbm4b:s20+s3], $0x80, $0x38;
	[tilespmem:$0x10080] =	vst v63  }
0x17: {  	_ =	swait.ge [sflag:s8], $0x80  }
0x18: {  	[sflag:s8] =	ssyncset.done $0x0  }
0x19: {  	[sflag:s8] =	ssyncadd.s32 $0xFFFFFF80  }
0x1a: {  	v3 =	vld [tilespmem:$0x0];
	_ =	sdelay $0x4  }
0x1b: {  	v4 =	vshll.u32 v3, $0x3  }
0x1c: {  	v3 =	vand.u32 $0x7, v3;
	v4 =	vand.u32 $0xFFFFFFC0, v4  }
0x1d: {  	v3 =	vor.u32 v3, v4  }
0x1e: {  	v4 =	vperm.xlane v3, v0;
	_ =	sdelay $0x1  }
0x1f: {  	v4 =	vadd.s32 v1, v4;
	_ =	sdelay $0x4  }
0x20: {  	[tilespmem:s25], [sflag:$0x1] =	stream.indirect_vreg.gather [hbm4b:s2+s3], $0x80, v4, vm0, $0xb8;
	[tilespmem:$0x10080] =	vst v63  }
0x21: {  	v3 =	vperm.xlane v3, v2  }
0x22: {  	[tilespmem:s21], [sflag:$0x1] =	stream.indirect_vreg.gather [hbm4b:s4+s3], $0x80, v4, vm0, $0xb8;
	[tilespmem:$0x10080] =	vst v63  }
0x23: {  	v3 =	vadd.s32 v1, v3  }
0x24: {  	[tilespmem:s22], [sflag:$0x1] =	stream.indirect_vreg.gather [hbm4b:s5+s3], $0x80, v4, vm0, $0xb8;
	[tilespmem:$0x10080] =	vst v63  }
0x25: {  	_ = 	snop  }
0x26: {  	[tilespmem:s23], [sflag:$0x1] =	stream.indirect_vreg.gather [hbm4b:s6+s3], $0x80, v4, vm0, $0xb8;
	[tilespmem:$0x10080] =	vst v63  }
0x27: {  	_ = 	snop  }
0x28: {  	[tilespmem:s24], [sflag:$0x1] =	stream.indirect_vreg.gather [hbm4b:s2+s3], $0x80, v3, vm0, $0xb8;
	[tilespmem:$0x10080] =	vst v63  }
0x29: {  	_ = 	snop  }
0x2a: {  	[tilespmem:s26], [sflag:$0x1] =	stream.indirect_vreg.gather [hbm4b:s4+s3], $0x80, v3, vm0, $0xb8;
	[tilespmem:$0x10080] =	vst v63  }
0x2b: {  	_ = 	snop  }
0x2c: {  	[tilespmem:s28], [sflag:$0x1] =	stream.indirect_vreg.gather [hbm4b:s5+s3], $0x80, v3, vm0, $0xb8;
	[tilespmem:$0x10080] =	vst v63  }
0x2d: {  	_ = 	snop  }
0x2e: {  	[tilespmem:s29], [sflag:$0x1] =	stream.indirect_vreg.gather [hbm4b:s6+s3], $0x80, v3, vm0, $0xb8;
	[tilespmem:$0x10080] =	vst v63  }
0x2f: {  	v3 =	vld [tilespmem:$0x10];
	_ =	sdelay $0x4  }
0x30: {  	v57 =	vshll.u32 v3, $0x3  }
0x31: {  	v3 =	vand.u32 $0x7, v3;
	v4 =	vand.u32 $0xFFFFFFC0, v57  }
0x32: {  	v3 =	vor.u32 v3, v4  }
0x33: {  	v4 =	vperm.xlane v3, v0;
	_ =	sdelay $0x1  }
0x34: {  	v4 =	vadd.s32 v1, v4;
	_ =	sdelay $0x4  }
0x35: {  	[tilespmem:s30], [sflag:$0x1] =	stream.indirect_vreg.gather [hbm4b:s2+s3], $0x80, v4, vm0, $0xb8;
	[tilespmem:$0x10080] =	vst v63  }
0x36: {  	v3 =	vperm.xlane v3, v2  }
0x37: {  	[tilespmem:s31], [sflag:$0x1] =	stream.indirect_vreg.gather [hbm4b:s4+s3], $0x80, v4, vm0, $0xb8;
	[tilespmem:$0x10080] =	vst v63  }
0x38: {  	s0 =	simm.s32 $0x5080;
	v3 =	vadd.s32 v1, v3  }
0x39: {  	[tilespmem:s0], [sflag:$0x1] =	stream.indirect_vreg.gather [hbm4b:s5+s3], $0x80, v4, vm0, $0xb8;
	[tilespmem:$0x10080] =	vst v63  }
0x3a: {  	_ = 	snop  }
0x3b: {  	[tilespmem:s1], [sflag:$0x1] =	stream.indirect_vreg.gather [hbm4b:s6+s3], $0x80, v4, vm0, $0xb8;
	[tilespmem:$0x10080] =	vst v63  }
0x3c: {  	_ = 	snop  }
0x3d: {  	[tilespmem:s10], [sflag:$0x1] =	stream.indirect_vreg.gather [hbm4b:s2+s3], $0x80, v3, vm0, $0xb8;
	[tilespmem:$0x10080] =	vst v63  }
0x3e: {  	_ = 	snop  }
0x3f: {  	[tilespmem:s11], [sflag:$0x1] =	stream.indirect_vreg.gather [hbm4b:s4+s3], $0x80, v3, vm0, $0xb8;
	[tilespmem:$0x10080] =	vst v63  }
0x40: {  	_ = 	snop  }
0x41: {  	[tilespmem:s12], [sflag:$0x1] =	stream.indirect_vreg.gather [hbm4b:s5+s3], $0x80, v3, vm0, $0xb8;
	[tilespmem:$0x10080] =	vst v63  }
0x42: {  	_ = 	snop  }
0x43: {  	[tilespmem:s13], [sflag:$0x1] =	stream.indirect_vreg.gather [hbm4b:s6+s3], $0x80, v3, vm0, $0xb8;
	[tilespmem:$0x10080] =	vst v63  }
0x44: {  	v3 =	vld [tilespmem:$0x20];
	_ =	sdelay $0x4  }
0x45: {  	v58 =	vshll.u32 v3, $0x3  }
0x46: {  	v3 =	vand.u32 $0x7, v3;
	v4 =	vand.u32 $0xFFFFFFC0, v58  }
0x47: {  	v3 =	vor.u32 v3, v4  }
0x48: {  	v4 =	vperm.xlane v3, v0;
	_ =	sdelay $0x1  }
0x49: {  	v4 =	vadd.s32 v1, v4;
	_ =	sdelay $0x4  }
0x4a: {  	[tilespmem:s18], [sflag:$0x2] =	stream.indirect_vreg.gather [hbm4b:s2+s3], $0x80, v4, vm0, $0xb8;
	[tilespmem:$0x10080] =	vst v63  }
0x4b: {  	v3 =	vperm.xlane v3, v2  }
0x4c: {  	[tilespmem:s14], [sflag:$0x2] =	stream.indirect_vreg.gather [hbm4b:s4+s3], $0x80, v4, vm0, $0xb8;
	[tilespmem:$0x10080] =	vst v63  }
0x4d: {  	v3 =	vadd.s32 v1, v3  }
0x4e: {  	[tilespmem:s15], [sflag:$0x2] =	stream.indirect_vreg.gather [hbm4b:s5+s3], $0x80, v4, vm0, $0xb8;
	[tilespmem:$0x10080] =	vst v63  }
0x4f: {  	_ = 	snop  }
0x50: {  	[tilespmem:s16], [sflag:$0x2] =	stream.indirect_vreg.gather [hbm4b:s6+s3], $0x80, v4, vm0, $0xb8;
	[tilespmem:$0x10080] =	vst v63  }
0x51: {  	_ = 	snop  }
0x52: {  	[tilespmem:s17], [sflag:$0x2] =	stream.indirect_vreg.gather [hbm4b:s2+s3], $0x80, v3, vm0, $0xb8;
	[tilespmem:$0x10080] =	vst v63  }
0x53: {  	s20 =	simm.s32 $0xA880  }
0x54: {  	[tilespmem:s20], [sflag:$0x2] =	stream.indirect_vreg.gather [hbm4b:s4+s3], $0x80, v3, vm0, $0xb8;
	[tilespmem:$0x10080] =	vst v63  }
0x55: {  	s20 =	simm.s32 $0xB080  }
0x56: {  	[tilespmem:s20], [sflag:$0x2] =	stream.indirect_vreg.gather [hbm4b:s5+s3], $0x80, v3, vm0, $0xb8;
	[tilespmem:$0x10080] =	vst v63  }
0x57: {  	s20 =	simm.s32 $0xB880  }
0x58: {  	[tilespmem:s20], [sflag:$0x2] =	stream.indirect_vreg.gather [hbm4b:s6+s3], $0x80, v3, vm0, $0xb8;
	[tilespmem:$0x10080] =	vst v63  }
0x59: {  	v3 =	vld [tilespmem:$0x30];
	_ =	sdelay $0x4  }
0x5a: {  	v59 =	vshll.u32 v3, $0x3  }
0x5b: {  	v3 =	vand.u32 $0x7, v3;
	v4 =	vand.u32 $0xFFFFFFC0, v59  }
0x5c: {  	v3 =	vor.u32 v3, v4  }
0x5d: {  	v4 =	vperm.xlane v3, v0;
	_ =	sdelay $0x1  }
0x5e: {  	v4 =	vadd.s32 v1, v4;
	_ =	sdelay $0x3  }
0x5f: {  	s20 =	simm.s32 $0xC080  }
0x60: {  	[tilespmem:s20], [sflag:$0x2] =	stream.indirect_vreg.gather [hbm4b:s2+s3], $0x80, v4, vm0, $0xb8;
	[tilespmem:$0x10080] =	vst v63  }
0x61: {  	v3 =	vperm.xlane v3, v2;
	s20 =	simm.s32 $0xC880  }
0x62: {  	[tilespmem:s20], [sflag:$0x2] =	stream.indirect_vreg.gather [hbm4b:s4+s3], $0x80, v4, vm0, $0xb8;
	[tilespmem:$0x10080] =	vst v63  }
0x63: {  	v3 =	vadd.s32 v1, v3;
	s20 =	simm.s32 $0xD080  }
0x64: {  	[tilespmem:s20], [sflag:$0x2] =	stream.indirect_vreg.gather [hbm4b:s5+s3], $0x80, v4, vm0, $0xb8;
	[tilespmem:$0x10080] =	vst v63  }
0x65: {  	s20 =	simm.s32 $0xD880  }
0x66: {  	[tilespmem:s20], [sflag:$0x2] =	stream.indirect_vreg.gather [hbm4b:s6+s3], $0x80, v4, vm0, $0xb8;
	[tilespmem:$0x10080] =	vst v63  }
0x67: {  	s20 =	simm.s32 $0xE080  }
0x68: {  	[tilespmem:s20], [sflag:$0x2] =	stream.indirect_vreg.gather [hbm4b:s2+s3], $0x80, v3, vm0, $0xb8;
	[tilespmem:$0x10080] =	vst v63  }
0x69: {  	s20 =	simm.s32 $0xE880  }
0x6a: {  	[tilespmem:s20], [sflag:$0x2] =	stream.indirect_vreg.gather [hbm4b:s4+s3], $0x80, v3, vm0, $0xb8;
	[tilespmem:$0x10080] =	vst v63  }
0x6b: {  	s20 =	simm.s32 $0xF080  }
0x6c: {  	[tilespmem:s20], [sflag:$0x2] =	stream.indirect_vreg.gather [hbm4b:s5+s3], $0x80, v3, vm0, $0xb8;
	[tilespmem:$0x10080] =	vst v63  }
0x6d: {  	s20 =	simm.s32 $0xF880  }
0x6e: {  	[tilespmem:s20], [sflag:$0x2] =	stream.indirect_vreg.gather [hbm4b:s6+s3], $0x80, v3, vm0, $0xb8;
	[tilespmem:$0x10080] =	vst v63  }
0x6f: {  	_ =	swait.ge [sflag:s9], $0x8000  }
0x70: {  	[sflag:s9] =	ssyncset.done $0x0  }
0x71: {  	s20 =	rddreg [dreg:$0x4];
	[sflag:s9] =	ssyncadd.s32 $0xFFFF8000  }
0x72: {  	[hbm4b:s20+s3] =	stream.linear.scatter [tilespmem:s25], [sflag:$0x3], $0x8000, $0x38;
	[tilespmem:$0x10080] =	vst v63  }
0x73: {  	_ =	swait.ge [sflag:s8], $0x8000  }
0x74: {  	[sflag:s8] =	ssyncset.done $0x0  }
0x75: {  	[sflag:s8] =	ssyncadd.s32 $0xFFFF8000  }
0x76: {  	v3 =	vld [tilespmem:$0x40];
	_ =	sdelay $0x4  }
0x77: {  	v60 =	vshll.u32 v3, $0x3  }
0x78: {  	v3 =	vand.u32 $0x7, v3;
	v4 =	vand.u32 $0xFFFFFFC0, v60  }
0x79: {  	v3 =	vor.u32 v3, v4  }
0x7a: {  	v4 =	vperm.xlane v3, v0;
	_ =	sdelay $0x1  }
0x7b: {  	v4 =	vadd.s32 v1, v4;
	_ =	sdelay $0x4  }
0x7c: {  	[tilespmem:s25], [sflag:$0x1] =	stream.indirect_vreg.gather [hbm4b:s2+s3], $0x80, v4, vm0, $0xb8;
	[tilespmem:$0x10080] =	vst v63  }
0x7d: {  	v3 =	vperm.xlane v3, v2  }
0x7e: {  	[tilespmem:s21], [sflag:$0x1] =	stream.indirect_vreg.gather [hbm4b:s4+s3], $0x80, v4, vm0, $0xb8;
	[tilespmem:$0x10080] =	vst v63  }
0x7f: {  	v3 =	vadd.s32 v1, v3  }
0x80: {  	[tilespmem:s22], [sflag:$0x1] =	stream.indirect_vreg.gather [hbm4b:s5+s3], $0x80, v4, vm0, $0xb8;
	[tilespmem:$0x10080] =	vst v63  }
0x81: {  	_ = 	snop  }
0x82: {  	[tilespmem:s23], [sflag:$0x1] =	stream.indirect_vreg.gather [hbm4b:s6+s3], $0x80, v4, vm0, $0xb8;
	[tilespmem:$0x10080] =	vst v63  }
0x83: {  	_ = 	snop  }
0x84: {  	[tilespmem:s24], [sflag:$0x1] =	stream.indirect_vreg.gather [hbm4b:s2+s3], $0x80, v3, vm0, $0xb8;
	[tilespmem:$0x10080] =	vst v63  }
0x85: {  	_ = 	snop  }
0x86: {  	[tilespmem:s26], [sflag:$0x1] =	stream.indirect_vreg.gather [hbm4b:s4+s3], $0x80, v3, vm0, $0xb8;
	[tilespmem:$0x10080] =	vst v63  }
0x87: {  	_ = 	snop  }
0x88: {  	[tilespmem:s28], [sflag:$0x1] =	stream.indirect_vreg.gather [hbm4b:s5+s3], $0x80, v3, vm0, $0xb8;
	[tilespmem:$0x10080] =	vst v63  }
0x89: {  	_ = 	snop  }
0x8a: {  	[tilespmem:s29], [sflag:$0x1] =	stream.indirect_vreg.gather [hbm4b:s6+s3], $0x80, v3, vm0, $0xb8;
	[tilespmem:$0x10080] =	vst v63  }
0x8b: {  	v3 =	vld [tilespmem:$0x50];
	_ =	sdelay $0x4  }
0x8c: {  	v61 =	vshll.u32 v3, $0x3  }
0x8d: {  	v3 =	vand.u32 $0x7, v3;
	v4 =	vand.u32 $0xFFFFFFC0, v61  }
0x8e: {  	v3 =	vor.u32 v3, v4  }
0x8f: {  	v4 =	vperm.xlane v3, v0;
	_ =	sdelay $0x1  }
0x90: {  	v4 =	vadd.s32 v1, v4;
	_ =	sdelay $0x4  }
0x91: {  	[tilespmem:s30], [sflag:$0x1] =	stream.indirect_vreg.gather [hbm4b:s2+s3], $0x80, v4, vm0, $0xb8;
	[tilespmem:$0x10080] =	vst v63  }
0x92: {  	v3 =	vperm.xlane v3, v2  }
0x93: {  	[tilespmem:s31], [sflag:$0x1] =	stream.indirect_vreg.gather [hbm4b:s4+s3], $0x80, v4, vm0, $0xb8;
	[tilespmem:$0x10080] =	vst v63  }
0x94: {  	v3 =	vadd.s32 v1, v3  }
0x95: {  	[tilespmem:s0], [sflag:$0x1] =	stream.indirect_vreg.gather [hbm4b:s5+s3], $0x80, v4, vm0, $0xb8;
	[tilespmem:$0x10080] =	vst v63  }
0x96: {  	_ = 	snop  }
0x97: {  	[tilespmem:s1], [sflag:$0x1] =	stream.indirect_vreg.gather [hbm4b:s6+s3], $0x80, v4, vm0, $0xb8;
	[tilespmem:$0x10080] =	vst v63  }
0x98: {  	_ = 	snop  }
0x99: {  	[tilespmem:s10], [sflag:$0x1] =	stream.indirect_vreg.gather [hbm4b:s2+s3], $0x80, v3, vm0, $0xb8;
	[tilespmem:$0x10080] =	vst v63  }
0x9a: {  	_ = 	snop  }
0x9b: {  	[tilespmem:s11], [sflag:$0x1] =	stream.indirect_vreg.gather [hbm4b:s4+s3], $0x80, v3, vm0, $0xb8;
	[tilespmem:$0x10080] =	vst v63  }
0x9c: {  	_ = 	snop  }
0x9d: {  	[tilespmem:s12], [sflag:$0x1] =	stream.indirect_vreg.gather [hbm4b:s5+s3], $0x80, v3, vm0, $0xb8;
	[tilespmem:$0x10080] =	vst v63  }
0x9e: {  	_ = 	snop  }
0x9f: {  	[tilespmem:s13], [sflag:$0x1] =	stream.indirect_vreg.gather [hbm4b:s6+s3], $0x80, v3, vm0, $0xb8;
	[tilespmem:$0x10080] =	vst v63  }
0xa0: {  	_ =	swait.ge [sflag:s19], $0x8000  }
0xa1: {  	[sflag:s19] =	ssyncset.done $0x0  }
0xa2: {  	s0 =	rddreg [dreg:$0x5];
	[sflag:s19] =	ssyncadd.s32 $0xFFFF8000  }
0xa3: {  	[hbm4b:s0+s3] =	stream.linear.scatter [tilespmem:s18], [sflag:$0x3], $0x8000, $0x38;
	[tilespmem:$0x10080] =	vst v63  }
0xa4: {  	_ =	swait.ge [sflag:s8], $0x8000  }
0xa5: {  	[sflag:s8] =	ssyncset.done $0x0  }
0xa6: {  	[sflag:s8] =	ssyncadd.s32 $0xFFFF8000  }
0xa7: {  	v3 =	vld [tilespmem:$0x60];
	_ =	sdelay $0x4  }
0xa8: {  	v62 =	vshll.u32 v3, $0x3  }
0xa9: {  	v3 =	vand.u32 $0x7, v3;
	v4 =	vand.u32 $0xFFFFFFC0, v62  }
0xaa: {  	v3 =	vor.u32 v3, v4  }
0xab: {  	v4 =	vperm.xlane v3, v0;
	_ =	sdelay $0x1  }
0xac: {  	v4 =	vadd.s32 v1, v4;
	_ =	sdelay $0x4  }
0xad: {  	[tilespmem:s18], [sflag:$0x2] =	stream.indirect_vreg.gather [hbm4b:s2+s3], $0x80, v4, vm0, $0xb8;
	[tilespmem:$0x10080] =	vst v63  }
0xae: {  	v3 =	vperm.xlane v3, v2  }
0xaf: {  	[tilespmem:s14], [sflag:$0x2] =	stream.indirect_vreg.gather [hbm4b:s4+s3], $0x80, v4, vm0, $0xb8;
	[tilespmem:$0x10080] =	vst v63  }
0xb0: {  	v3 =	vadd.s32 v1, v3  }
0xb1: {  	[tilespmem:s15], [sflag:$0x2] =	stream.indirect_vreg.gather [hbm4b:s5+s3], $0x80, v4, vm0, $0xb8;
	[tilespmem:$0x10080] =	vst v63  }
0xb2: {  	_ = 	snop  }
0xb3: {  	[tilespmem:s16], [sflag:$0x2] =	stream.indirect_vreg.gather [hbm4b:s6+s3], $0x80, v4, vm0, $0xb8;
	[tilespmem:$0x10080] =	vst v63  }
0xb4: {  	_ = 	snop  }
0xb5: {  	[tilespmem:s17], [sflag:$0x2] =	stream.indirect_vreg.gather [hbm4b:s2+s3], $0x80, v3, vm0, $0xb8;
	[tilespmem:$0x10080] =	vst v63  }
0xb6: {  	s20 =	simm.s32 $0xA880  }
0xb7: {  	[tilespmem:s20], [sflag:$0x2] =	stream.indirect_vreg.gather [hbm4b:s4+s3], $0x80, v3, vm0, $0xb8;
	[tilespmem:$0x10080] =	vst v63  }
0xb8: {  	s20 =	simm.s32 $0xB080  }
0xb9: {  	[tilespmem:s20], [sflag:$0x2] =	stream.indirect_vreg.gather [hbm4b:s5+s3], $0x80, v3, vm0, $0xb8;
	[tilespmem:$0x10080] =	vst v63  }
0xba: {  	s20 =	simm.s32 $0xB880  }
0xbb: {  	[tilespmem:s20], [sflag:$0x2] =	stream.indirect_vreg.gather [hbm4b:s6+s3], $0x80, v3, vm0, $0xb8;
	[tilespmem:$0x10080] =	vst v63  }
0xbc: {  	v3 =	vld [tilespmem:$0x70];
	_ =	sdelay $0x4  }
0xbd: {  	v63 =	vshll.u32 v3, $0x3  }
0xbe: {  	v3 =	vand.u32 $0x7, v3;
	v4 =	vand.u32 $0xFFFFFFC0, v63  }
0xbf: {  	v3 =	vor.u32 v3, v4  }
0xc0: {  	v4 =	vperm.xlane v3, v0;
	_ =	sdelay $0x1  }
0xc1: {  	v4 =	vadd.s32 v1, v4;
	_ =	sdelay $0x3  }
0xc2: {  	s20 =	simm.s32 $0xC080  }
0xc3: {  	[tilespmem:s20], [sflag:$0x2] =	stream.indirect_vreg.gather [hbm4b:s2+s3], $0x80, v4, vm0, $0xb8;
	[tilespmem:$0x10080] =	vst v63  }
0xc4: {  	v3 =	vperm.xlane v3, v2;
	s20 =	simm.s32 $0xC880  }
0xc5: {  	[tilespmem:s20], [sflag:$0x2] =	stream.indirect_vreg.gather [hbm4b:s4+s3], $0x80, v4, vm0, $0xb8;
	[tilespmem:$0x10080] =	vst v63  }
0xc6: {  	v3 =	vadd.s32 v1, v3;
	s20 =	simm.s32 $0xD080  }
0xc7: {  	[tilespmem:s20], [sflag:$0x2] =	stream.indirect_vreg.gather [hbm4b:s5+s3], $0x80, v4, vm0, $0xb8;
	[tilespmem:$0x10080] =	vst v63  }
0xc8: {  	s20 =	simm.s32 $0xD880  }
0xc9: {  	[tilespmem:s20], [sflag:$0x2] =	stream.indirect_vreg.gather [hbm4b:s6+s3], $0x80, v4, vm0, $0xb8;
	[tilespmem:$0x10080] =	vst v63  }
0xca: {  	s20 =	simm.s32 $0xE080  }
0xcb: {  	[tilespmem:s20], [sflag:$0x2] =	stream.indirect_vreg.gather [hbm4b:s2+s3], $0x80, v3, vm0, $0xb8;
	[tilespmem:$0x10080] =	vst v63  }
0xcc: {  	s20 =	simm.s32 $0xE880  }
0xcd: {  	[tilespmem:s20], [sflag:$0x2] =	stream.indirect_vreg.gather [hbm4b:s4+s3], $0x80, v3, vm0, $0xb8;
	[tilespmem:$0x10080] =	vst v63  }
0xce: {  	s20 =	simm.s32 $0xF080  }
0xcf: {  	[tilespmem:s20], [sflag:$0x2] =	stream.indirect_vreg.gather [hbm4b:s5+s3], $0x80, v3, vm0, $0xb8;
	[tilespmem:$0x10080] =	vst v63  }
0xd0: {  	s20 =	simm.s32 $0xF880  }
0xd1: {  	[tilespmem:s20], [sflag:$0x2] =	stream.indirect_vreg.gather [hbm4b:s6+s3], $0x80, v3, vm0, $0xb8;
	[tilespmem:$0x10080] =	vst v63  }
0xd2: {  	_ =	swait.ge [sflag:s9], $0x8000  }
0xd3: {  	[sflag:s9] =	ssyncset.done $0x0  }
0xd4: {  	s0 =	rddreg [dreg:$0x6];
	[sflag:s9] =	ssyncadd.s32 $0xFFFF8000  }
0xd5: {  	[hbm4b:s0+s3] =	stream.linear.scatter [tilespmem:s25], [sflag:$0x3], $0x8000, $0x38;
	[tilespmem:$0x10080] =	vst v63  }
0xd6: {  	_ =	swait.ge [sflag:s8], $0x8000  }
0xd7: {  	[sflag:s8] =	ssyncset.done $0x0  }
0xd8: {  	[sflag:s8] =	ssyncadd.s32 $0xFFFF8000  }
0xd9: {  	_ =	swait.ge [sflag:s19], $0x8000  }
0xda: {  	p0 =	sne.s32 s7, $0x1;
	[sflag:s19] =	ssyncset.done $0x0  }
.Ltmp0:
0xdb: {  	s0 =	rddreg [dreg:$0x7];
	[sflag:s19] =	ssyncadd.s32 $0xFFFF8000;
	(pc) =	sbr.rel @p0 .LBB2_1-.Ltmp0, $4  }
0xdc: {  	[hbm4b:s0+s3] =	stream.linear.scatter [tilespmem:s18], [sflag:$0x3], $0x8000, $0x38;
	[tilespmem:$0x10080] =	vst v63  }
0xdd: {  	_ =	swait.ge [sflag:s8], $0x8000  }
0xde: {  	[sflag:s8] =	ssyncset.done $0x0  }
0xdf: {  	s7 =	sadd.s32 $0xFFFFFFFF, s7;
	[sflag:s8] =	ssyncadd.s32 $0xFFFF8000  }
0xe0: {  	_ =	sfence.sel $0x180000  }
0xe1: {  	[bflag:$0x0] =	sbarrier.arrive $0xFFFF  }
0xe2: {  	_ =	strace $0x9000004A  }
0xe3: {  	s0 =	stileid.u32;
	[bflag:$0x2] =	sbarrier.arrive $0xFFFF  }
0xe4: {  	p0 =	sne.s32 s0, $0x0;
	s0 =	rddreg [dreg:$0x2]  }
0xe5: {  	s0 =	sadd.s32 @!p0 $0x100000, s0  }
0xe6: {  	[sflag:s0] =	ssyncadd.tile.s32 @!p0 $0x1;
	_ =	shalt  }
.Lfunc_end2:
_tile_overlayer_lowered:
.L_overlay_start_2:
0xe7: {  	(tag) =	ssettag $0x2  }
0xe8: {  	s0 =	rddreg [dreg:$0x0];
	s2 =	stileid.u32  }
0xe9: {  	s1 =	rddreg [dreg:$0x1];
	p0 =	sne.s32 s2, $0x0  }
0xea: {  	s3 =	rddreg [dreg:$0x2];
	[bflag:$0x3] =	sbarrier.arrive $0xFFFF;
	s2 =	simm.s32 @!p0 $0x1C03  }
0xeb: {  	[timem:s3], [sflag:s2] =	dma.local @!p0 [hbm:s0], s1  }
0xec: {  	s0 =	simm.s32 @!p0 $0x3  }
0xed: {  	_ =	swait.ge @!p0 [sflag:s0], s1  }
0xee: {  	s1 =	ssub.s32 @!p0 $0x0, s1;
	[sflag:s0] =	ssyncset.done @!p0 $0x0  }
0xef: {  	[sflag:s0] =	ssyncadd.s32 @!p0 s1  }
0xf0: {  	[bflag:$0x3] =	sbarrier.arrive $0xFFFF  }
0xf1: {  	_ =	shalt  }

// kernel: kernel.24.cloned.1.call-start
scs
__scs_entry_jumppad:
0x0: {  	(pc) =	sbr.rel $0x88, $3  }
0x1: {  	(tag) =	ssettag $0x0;
	lr =	simm.s32 $0x1  }
0x2: {  	[smem:$0x3F9B] =	sst lr;
	_ =	strace $0xD0000000  }
0x3: {  	_ = 	snop  }
0x4: {  	_ = 	snop  }
0x5: {  	_ = 	snop  }
0x6: {  	_ = 	snop  }
0x7: {  	_ = 	snop  }
__scs_overlays_trampoline_lowered:
0x8: {  	[smem:$0x3FAA] =	sst s0  }
0x9: {  	[smem:$0x3FAB] =	sst s1  }
0xa: {  	[smem:$0x3FAC] =	sst s2  }
0xb: {  	[smem:$0x3FAD] =	sst s3  }
0xc: {  	[smem:$0x3FAE] =	sst s4  }
0xd: {  	[smem:$0x3FAF] =	sst s5  }
0xe: {  	[smem:$0x3FB0] =	sst s6  }
0xf: {  	[smem:$0x3FB1] =	sst s7  }
0x10: {  	[smem:$0x3FB2] =	sst s8  }
0x11: {  	[smem:$0x3FB3] =	sst s9;
	s0 =	simm.s32 @!p0 $0x0  }
0x12: {  	s1 =	sld [smem:$0x3F99];
	s0 =	simm.s32 @p0 $0x1  }
0x13: {  	[smem:$0x3FB4] =	sst s0;
	s0 =	simm.s32 @!p1 $0x0  }
0x14: {  	s2 =	sld [smem:$0x3F98];
	s0 =	simm.s32 @p1 $0x1  }
0x15: {  	[smem:$0x3FB5] =	sst s0;
	s0 =	simm.s32 @!p2 $0x0  }
0x16: {  	s3 =	sld [smem:$0x3FDB];
	s0 =	simm.s32 @p2 $0x1  }
0x17: {  	s4 =	simm.s32 $0x1BF5;
	[smem:$0x3FB7] =	sst s0  }
0x18: {  	s0 =	sld [smem:$0x3F9A];
	_ =	swait.ge [sflag:s4], $0x0  }
0x19: {  	s7 =	sld [smem:$0x3F9B]  }
0x1a: {  	s8 =	sadd.s32 $0xFFFFE003, lr  }
0x1b: {  	s9 =	sadd.s32 $0xFFFFFEF7, lr;
	s5 =	simm.s32 $0xFFFFFFFF;
	p2 =	slt.u32 s8, $0xFFFFF086  }
0x1c: {  	p1 =	slt.u32 s9, $0xF7A;
	s5 =	simm.s32 @!p2 $0x0  }
0x1d: {  	s5 =	simm.s32 @p1 $0x1;
	p0 =	seq.s32 s7, s2  }
0x1e: {  	s7 =	smul.u32 @!p0 $0xF7A, s2;
	p2 =	seq.s32 @!p0 s5, $0x0  }
0x1f: {  	s9 =	smul.u32 $0xF7A, s1;
	s8 =	simm.s32 @!p0 $0x1BF5;
	p2 =	por !p2, p0  }
0x20: {  	[sflag:s8] =	ssyncset.s32 @!p0 $0xFFFFF086;
	s6 =	sadd.s32 @!p0 s3, s7;
	s7 =	simm.s32 @!p0 $0x108  }
0x21: {  	s3 =	sadd.s32 s3, s9;
	s6 =	sadd.s32 @!p0 $0x88, s6;
	s7 =	simm.s32 @p2 $0x1082  }
0x22: {  	[simem:s7], [sflag:s8] =	dma.local @!p0 [hbm:s6], $0xF7A  }
0x23: {  	s9 =	sor.u32 $0xD0000000, s2;
	s6 =	simm.s32 $0x108;
	_ =	swait.ge @!p0 [sflag:s8], $0x0  }
0x24: {  	s3 =	sadd.s32 $0x88, s3;
	s6 =	simm.s32 @!p1 $0x1082;
	[sflag:s4] =	ssyncset.s32 $0xFFFFF086  }
0x25: {  	[simem:s6], [sflag:s4] =	dma.local [hbm:s3], $0xF7A  }
0x26: {  	[smem:$0x3F9B] =	sst s1;
	(tag) =	ssettag s2;
	_ =	strace s9  }
0x27: {  	s1 =	sld [smem:$0x3FAB]  }
0x28: {  	s2 =	sld [smem:$0x3FAC]  }
0x29: {  	s4 =	sld [smem:$0x3FAE]  }
0x2a: {  	p0 =	seq.s32 s5, $0x0;
	s5 =	sld [smem:$0x3FAF]  }
0x2b: {  	s6 =	sld [smem:$0x3FB0]  }
0x2c: {  	s7 =	sld [smem:$0x3FB1]  }
0x2d: {  	s3 =	simm.s32 $0x108;
	s8 =	sld [smem:$0x3FB2]  }
0x2e: {  	s3 =	simm.s32 @!p0 $0x1082;
	s9 =	sld [smem:$0x3FB3]  }
0x2f: {  	lr =	sadd.s32 s0, s3;
	s0 =	sld [smem:$0x3FAA]  }
0x30: {  	s3 =	sld [smem:$0x3FAD]  }
0x31: {  	[smem:$0x3FB6] =	sst s10  }
0x32: {  	s10 =	sld [smem:$0x3FB4];
	_ =	sdelay $0x3  }
0x33: {  	p0 =	seq.s32 s10, $0x1;
	s10 =	sld [smem:$0x3FB6];
	_ =	sdelay $0x3  }
0x34: {  	[smem:$0x3FB6] =	sst s10  }
0x35: {  	s10 =	sld [smem:$0x3FB5];
	_ =	sdelay $0x3  }
0x36: {  	p1 =	seq.s32 s10, $0x1;
	s10 =	sld [smem:$0x3FB6];
	_ =	sdelay $0x3  }
0x37: {  	[smem:$0x3FB6] =	sst s10  }
0x38: {  	s10 =	sld [smem:$0x3FB7]  }
0x39: {  	_ = 	snop;
	(pc) =	sbr.ind lr, $3  }
0x3a: {  	_ = 	snop  }
0x3b: {  	_ = 	snop  }
0x3c: {  	p2 =	seq.s32 s10, $0x1;
	s10 =	sld [smem:$0x3FB6]  }
0x3d: {  	_ =	shalt  }
0x3e: {  	_ =	shalt  }
0x3f: {  	_ =	shalt  }
0x40: {  	_ =	shalt  }
0x41: {  	_ =	shalt  }
0x42: {  	_ =	shalt  }
0x43: {  	_ =	shalt  }
0x44: {  	_ =	shalt  }
0x45: {  	_ =	shalt  }
0x46: {  	_ =	shalt  }
0x47: {  	_ =	shalt  }
0x48: {  	_ =	shalt  }
0x49: {  	_ =	shalt  }
0x4a: {  	_ =	shalt  }
0x4b: {  	_ =	shalt  }
0x4c: {  	_ =	shalt  }
0x4d: {  	_ =	shalt  }
0x4e: {  	_ =	shalt  }
0x4f: {  	_ =	shalt  }
0x50: {  	_ =	shalt  }
0x51: {  	_ =	shalt  }
0x52: {  	_ =	shalt  }
0x53: {  	_ =	shalt  }
0x54: {  	_ =	shalt  }
0x55: {  	_ =	shalt  }
0x56: {  	_ =	shalt  }
0x57: {  	_ =	shalt  }
0x58: {  	_ =	shalt  }
0x59: {  	_ =	shalt  }
0x5a: {  	_ =	shalt  }
0x5b: {  	_ =	shalt  }
0x5c: {  	_ =	shalt  }
0x5d: {  	_ =	shalt  }
0x5e: {  	_ =	shalt  }
0x5f: {  	_ =	shalt  }
0x60: {  	_ =	shalt  }
0x61: {  	_ =	shalt  }
0x62: {  	_ =	shalt  }
0x63: {  	_ =	shalt  }
0x64: {  	_ =	shalt  }
0x65: {  	_ =	shalt  }
0x66: {  	_ =	shalt  }
0x67: {  	_ =	shalt  }
0x68: {  	_ =	shalt  }
0x69: {  	_ =	shalt  }
0x6a: {  	_ =	shalt  }
0x6b: {  	_ =	shalt  }
0x6c: {  	_ =	shalt  }
0x6d: {  	_ =	shalt  }
0x6e: {  	_ =	shalt  }
0x6f: {  	_ =	shalt  }
0x70: {  	_ =	shalt  }
0x71: {  	_ =	shalt  }
0x72: {  	_ =	shalt  }
0x73: {  	_ =	shalt  }
0x74: {  	_ =	shalt  }
0x75: {  	_ =	shalt  }
0x76: {  	_ =	shalt  }
0x77: {  	_ =	shalt  }
0x78: {  	_ =	shalt  }
0x79: {  	_ =	shalt  }
0x7a: {  	_ =	shalt  }
0x7b: {  	_ =	shalt  }
0x7c: {  	_ =	shalt  }
0x7d: {  	_ =	shalt  }
0x7e: {  	_ =	shalt  }
0x7f: {  	_ =	shalt  }
0x80: {  	_ =	shalt  }
0x81: {  	_ =	shalt  }
0x82: {  	_ =	shalt  }
0x83: {  	_ =	shalt  }
0x84: {  	_ =	shalt  }
0x85: {  	_ =	shalt  }
0x86: {  	_ =	shalt  }
0x87: {  	_ =	shalt  }
.Lfunc_end0:
.L_simem_size_0:
called_computation.2_lowered:
.L_overlay_start_0:
0x88: {  	s2 =	sld [smem:$0x3FD9]  }
0x89: {  	s3 =	sld [smem:$0x3FFE];
	_ =	sdelay $0x1  }
0x8a: {  	s1 =	srdreg.scid  }
0x8b: {  	s0 =	sand.u32 $0x1, s1  }
0x8c: {  	s17 =	sshll.u32 s0, $0xA;
	s2 =	sadd.s32 s3, s2  }
0x8d: {  	s2 =	sadd.s32 s2, s17  }
0x8e: {  	[smem:$0x3FC2] =	sst s2  }
0x8f: {  	_ = 	snop  }
0x90: {  	s18 =	sld [smem:$0x3FC6];
	(tm) =	ssettm $0x1  }
0x91: {  	s19 =	sld [smem:$0x3FFB];
	_ =	sdelay $0x3  }
0x92: {  	_ =	strace s19  }
0x93: {  	s2 =	sld [smem:$0x3FFC];
	_ =	sdelay $0x3  }
0x94: {  	_ =	strace s2  }
0x95: {  	s2 =	sld [smem:$0x3FFD];
	_ =	sdelay $0x3  }
0x96: {  	_ =	strace s2  }
0x97: {  	_ =	strace $0x8FFFFFFF  }
0x98: {  	s20 =	sld [smem:$0x3FDB];
	_ =	sdelay $0x1  }
0x99: {  	s4 =	simm.s32 $_scs_section_size  }
0x9a: {  	s5 =	simm.s32 $_size__tile_overlayer_lowered;
	s6 =	simm.s32 $_tile_overlayer_lowered  }
0x9b: {  	s7 =	simm.s32 $0x1BFF;
	s21 =	sshll.u32 s6, $0x1;
	s4 =	sadd.s32 s4, s20  }
0x9c: {  	s22 =	simm.s32 $0x0;
	s5 =	sshll.u32 s5, $0x1;
	s6 =	sadd.s32 s21, s4  }
0x9d: {  	[timem:s22], [sflag:s7] =	dma.local [hbm:s6], s5  }
0x9e: {  	_ =	swait.ge [sflag:s7], s5  }
0x9f: {  	s5 =	ssub.s32 $0x0, s5;
	[sflag:s7] =	ssyncset.done $0x0  }
0xa0: {  	[sflag:s7] =	ssyncadd.s32 s5;
	_ =	sdelay $0x1  }
0xa1: {  	s23 =	simm.s32 $0x1B8B  }
0xa2: {  	_ =	swait.ge [sflag:s23], $0x1  }
0xa3: {  	[sflag:s23] =	ssyncset.done $0x0  }
0xa4: {  	[sflag:s23] =	ssyncadd.s32 $0xFFFFFFFF  }
0xa5: {  	s5 =	sld [smem:$0x0]  }
0xa6: {  	s6 =	sand.u32 $0xFFFFFFFE, s1  }
0xa7: {  	p0 =	sne.s32 s1, s6  }
0xa8: {  	s6 =	sshll.u32 @p0 s6, $0xE  }
0xa9: {  	s6 =	sadd.s32 @p0 $0x11B8D, s6;
	s7 =	sshll.u32 @p0 s5, $0x11  }
0xaa: {  	s6 =	sor.u32 @p0 s7, s6  }
0xab: {  	[sflag:s6] =	ssyncadd.remote.s32 @p0 $0x1;
	_ =	sdelay $0x1  }
0xac: {  	s6 =	simm.s32 @p0 $0x1B8D  }
0xad: {  	_ =	swait.eq @p0 [sflag:s6], $0x1  }
0xae: {  	[sflag:s6] =	ssyncadd.s32 @p0 $0xFFFFFFFF  }
0xaf: {  	s7 =	sshll.u32 @!p0 s1, $0xE  }
0xb0: {  	s7 =	sor.u32 @!p0 $0x4000, s7;
	s6 =	simm.s32 @!p0 $0x1B8D  }
0xb1: {  	s5 =	sshll.u32 @!p0 s5, $0x11;
	s7 =	sadd.s32 @!p0 $0x11B8D, s7;
	_ =	swait.eq @!p0 [sflag:s6], $0x1  }
0xb2: {  	s5 =	sor.u32 @!p0 s5, s7;
	[sflag:s6] =	ssyncadd.s32 @!p0 $0xFFFFFFFF  }
0xb3: {  	s25 =	simm.s32 $0x1B8E;
	s24 =	sld [smem:$0x3FFE];
	[sflag:s5] =	ssyncadd.remote.s32 @!p0 $0x1  }
0xb4: {  	s26 =	simm.s32 $execute0_lowered;
	[smem:$0x3FD2] =	sst s25  }
0xb5: {  	s6 =	sshll.u32 s26, $0x1;
	_ =	strace $0x8000004C;
	[dreg:$0x1] =	wrdreg $0xFFFFFFFF  }
0xb6: {  	s28 =	simm.s32 $_size_execute0_lowered;
	s4 =	sadd.s32 s4, s6;
	[dreg:$0x0] =	wrdreg $0x0  }
0xb7: {  	s6 =	sshll.u32 s28, $0x1;
	[dreg:$0x2] =	wrdreg s4  }
0xb8: {  	[dreg:$0x3] =	wrdreg s6  }
0xb9: {  	[dreg:$0x4] =	wrdreg $0xC0  }
0xba: {  	_ =	task [dreg:s22], $0x5FFFF  }
0xbb: {  	[dreg:$0x1] =	wrdreg $0xFFFFFFFF  }
0xbc: {  	[dreg:$0x0] =	wrdreg $0x60  }
0xbd: {  	[dreg:$0x2] =	wrdreg s18  }
0xbe: {  	[dreg:$0x3] =	wrdreg s24  }
0xbf: {  	[dreg:$0x4] =	wrdreg $0xB  }
0xc0: {  	_ =	task.clear_ibuf [dreg:s22], $0x5FFFF;
	_ =	strace $0x9000004C  }
0xc1: {  	s29 =	simm.s32 $0xB;
	_ =	strace $0x8000004E  }
0xc2: {  	_ =	swait.ge [sflag:s29], $0x1  }
0xc3: {  	[sflag:s29] =	ssyncadd.s32 $0xFFFFFFFF  }
0xc4: {  	_ =	strace $0x9000004E  }
0xc5: {  	_ =	sfence  }
0xc6: {  	s30 =	sld [smem:$0x0];
	_ =	sdelay $0x2  }
0xc7: {  	s31 =	sshll.u32 s1, $0xD;
	s1 =	sshrl.u32 s1, $0x2  }
0xc8: {  	s4 =	sand.u32 $0x4000, s31;
	s1 =	sadd.s32 s1, s30  }
0xc9: {  	s0 =	sor.u32 s4, s0;
	s1 =	sshll.u32 s1, $0x11  }
0xca: {  	s0 =	sor.u32 s1, s0  }
0xcb: {  	s0 =	sadd.s32 $0x8F2B, s0  }
0xcc: {  	[sflag:s0] =	ssyncadd.remote.s32 $0x1  }
0xcd: {  	_ =	sfence.sel $0xFFFF  }
0xce: {  	[dreg:$0x0] =	wrdreg $0xFFFFFFFF;
	(pc) =	sbr.abs _section_cstart, $3  }
0xcf: {  	[dreg:$0x1] =	wrdreg $0xFFFFFFFF  }
0xd0: {  	_ =	task.clear_ibuf [dreg:s22], $0x2FFFF;
	_ =	strace $0x9FFFFFFF  }
0xd1: {  	(tm) =	ssettm $0x7FFFFFFF  }
tec
execute0_lowered:
.L_overlay_start_1:
0x0: {  	(tag) =	ssettag $0x1  }
0x1: {  	s2 =	rddreg [dreg:$0x0]  }
0x2: {  	s0 =	rddreg [dreg:$0x1]  }
0x3: {  	s1 =	srdreg.scid;
	s4 =	stileid.u32  }
0x4: {  	s3 =	simm.s32 $0x0;
	s9 =	simm.s32 $0x1;
	s19 =	simm.s32 $0x2  }
0x5: {  	s21 =	simm.s32 $0x880;
	s22 =	simm.s32 $0x1080;
	s23 =	simm.s32 $0x1880  }
0x6: {  	s24 =	simm.s32 $0x2080;
	s28 =	simm.s32 $0x3080;
	s29 =	simm.s32 $0x3880  }
0x7: {  	s30 =	simm.s32 $0x4080;
	s31 =	simm.s32 $0x4880;
	s10 =	simm.s32 $0x6080  }
0x8: {  	s11 =	simm.s32 $0x6880;
	s12 =	simm.s32 $0x7080;
	s13 =	simm.s32 $0x7880  }
0x9: {  	s18 =	simm.s32 $0x8080;
	s14 =	simm.s32 $0x8880;
	s1 =	sand.u32 $0x1, s1  }
0xa: {  	s15 =	simm.s32 $0x9080;
	s4 =	sshll.u32 s4, $0x8;
	s5 =	sshll.u32 s1, $0x7  }
0xb: {  	s16 =	simm.s32 $0x9880;
	[smem:$0x7FF] =	sst s3;
	s4 =	sor.u32 s5, s4  }
0xc: {  	s17 =	simm.s32 $0xA080;
	_ =	strace $0x8000004D;
	s5 =	sshrl.u32 s4, $0x3  }
0xd: {  	s1 =	ssub.s32 $0x2, s1;
	s4 =	sshll.u32 s4, $0x7;
	s5 =	sadd.s32 s5, s0  }
0xe: {  	s6 =	sshrl.u32 s1, $0x1;
	s0 =	sadd.s32 s4, s0;
	s25 =	sadd.s32 $0x2C00, s5  }
0xf: {  	s1 =	ssub.s32 s1, s6;
	s26 =	sadd.s32 $0x103800, s0;
	[dreg:$0x3] =	wrdreg s25  }
0x10: {  	s6 =	sadd.s32 $0x300, s2;
	s7 =	sadd.s32 $0x104800, s0;
	[dreg:$0x4] =	wrdreg s26  }
0x11: {  	s4 =	sadd.s32 $0x100, s2;
	s8 =	sadd.s32 $0x105800, s0;
	[dreg:$0x5] =	wrdreg s7  }
0x12: {  	v2 =	vlaneseq.u32;
	s5 =	sadd.s32 $0x200, s2;
	s0 =	sadd.s32 $0x106800, s0;
	[dreg:$0x6] =	wrdreg s8  }
0x13: {  	vm0 =	vmmov $0xffff;
	v1 =	vshrl.u32 v2, $0x3;
	s7 =	smax.u32 s1, $0x1;
	[dreg:$0x7] =	wrdreg s0;
	s8 =	simm.s32 $0x3  }
0x14: {  	v0 =	vand.u32 $0x7, v2;
	v2 =	vor.u32 $0x8, v2;
	v1 =	vmul.u32 $0x8, v1;
	s25 =	simm.s32 $0x80;
	s26 =	simm.s32 $0x2880;
	s1 =	simm.s32 $0x5880  }
.LBB2_1:
0x15: {  	s20 =	rddreg [dreg:$0x3]  }
0x16: {  	[tilespmem:s3], [sflag:$0x3] =	stream.linear.gather [hbm4b:s20+s3], $0x80, $0x38;
	[tilespmem:$0x10080] =	vst v63  }
0x17: {  	_ =	swait.ge [sflag:s8], $0x80  }
0x18: {  	[sflag:s8] =	ssyncset.done $0x0  }
0x19: {  	[sflag:s8] =	ssyncadd.s32 $0xFFFFFF80  }
0x1a: {  	v3 =	vld [tilespmem:$0x0];
	_ =	sdelay $0x4  }
0x1b: {  	v4 =	vshll.u32 v3, $0x3  }
0x1c: {  	v3 =	vand.u32 $0x7, v3;
	v4 =	vand.u32 $0xFFFFFFC0, v4  }
0x1d: {  	v3 =	vor.u32 v3, v4  }
0x1e: {  	v4 =	vperm.xlane v3, v0;
	_ =	sdelay $0x1  }
0x1f: {  	v4 =	vadd.s32 v1, v4;
	_ =	sdelay $0x4  }
0x20: {  	[tilespmem:s25], [sflag:$0x1] =	stream.indirect_vreg.gather [hbm4b:s2+s3], $0x80, v4, vm0, $0xb8;
	[tilespmem:$0x10080] =	vst v63  }
0x21: {  	v3 =	vperm.xlane v3, v2  }
0x22: {  	[tilespmem:s21], [sflag:$0x1] =	stream.indirect_vreg.gather [hbm4b:s4+s3], $0x80, v4, vm0, $0xb8;
	[tilespmem:$0x10080] =	vst v63  }
0x23: {  	v3 =	vadd.s32 v1, v3  }
0x24: {  	[tilespmem:s22], [sflag:$0x1] =	stream.indirect_vreg.gather [hbm4b:s5+s3], $0x80, v4, vm0, $0xb8;
	[tilespmem:$0x10080] =	vst v63  }
0x25: {  	_ = 	snop  }
0x26: {  	[tilespmem:s23], [sflag:$0x1] =	stream.indirect_vreg.gather [hbm4b:s6+s3], $0x80, v4, vm0, $0xb8;
	[tilespmem:$0x10080] =	vst v63  }
0x27: {  	_ = 	snop  }
0x28: {  	[tilespmem:s24], [sflag:$0x1] =	stream.indirect_vreg.gather [hbm4b:s2+s3], $0x80, v3, vm0, $0xb8;
	[tilespmem:$0x10080] =	vst v63  }
0x29: {  	_ = 	snop  }
0x2a: {  	[tilespmem:s26], [sflag:$0x1] =	stream.indirect_vreg.gather [hbm4b:s4+s3], $0x80, v3, vm0, $0xb8;
	[tilespmem:$0x10080] =	vst v63  }
0x2b: {  	_ = 	snop  }
0x2c: {  	[tilespmem:s28], [sflag:$0x1] =	stream.indirect_vreg.gather [hbm4b:s5+s3], $0x80, v3, vm0, $0xb8;
	[tilespmem:$0x10080] =	vst v63  }
0x2d: {  	_ = 	snop  }
0x2e: {  	[tilespmem:s29], [sflag:$0x1] =	stream.indirect_vreg.gather [hbm4b:s6+s3], $0x80, v3, vm0, $0xb8;
	[tilespmem:$0x10080] =	vst v63  }
0x2f: {  	v3 =	vld [tilespmem:$0x10];
	_ =	sdelay $0x4  }
0x30: {  	v57 =	vshll.u32 v3, $0x3  }
0x31: {  	v3 =	vand.u32 $0x7, v3;
	v4 =	vand.u32 $0xFFFFFFC0, v57  }
0x32: {  	v3 =	vor.u32 v3, v4  }
0x33: {  	v4 =	vperm.xlane v3, v0;
	_ =	sdelay $0x1  }
0x34: {  	v4 =	vadd.s32 v1, v4;
	_ =	sdelay $0x4  }
0x35: {  	[tilespmem:s30], [sflag:$0x1] =	stream.indirect_vreg.gather [hbm4b:s2+s3], $0x80, v4, vm0, $0xb8;
	[tilespmem:$0x10080] =	vst v63  }
0x36: {  	v3 =	vperm.xlane v3, v2  }
0x37: {  	[tilespmem:s31], [sflag:$0x1] =	stream.indirect_vreg.gather [hbm4b:s4+s3], $0x80, v4, vm0, $0xb8;
	[tilespmem:$0x10080] =	vst v63  }
0x38: {  	s0 =	simm.s32 $0x5080;
	v3 =	vadd.s32 v1, v3  }
0x39: {  	[tilespmem:s0], [sflag:$0x1] =	stream.indirect_vreg.gather [hbm4b:s5+s3], $0x80, v4, vm0, $0xb8;
	[tilespmem:$0x10080] =	vst v63  }
0x3a: {  	_ = 	snop  }
0x3b: {  	[tilespmem:s1], [sflag:$0x1] =	stream.indirect_vreg.gather [hbm4b:s6+s3], $0x80, v4, vm0, $0xb8;
	[tilespmem:$0x10080] =	vst v63  }
0x3c: {  	_ = 	snop  }
0x3d: {  	[tilespmem:s10], [sflag:$0x1] =	stream.indirect_vreg.gather [hbm4b:s2+s3], $0x80, v3, vm0, $0xb8;
	[tilespmem:$0x10080] =	vst v63  }
0x3e: {  	_ = 	snop  }
0x3f: {  	[tilespmem:s11], [sflag:$0x1] =	stream.indirect_vreg.gather [hbm4b:s4+s3], $0x80, v3, vm0, $0xb8;
	[tilespmem:$0x10080] =	vst v63  }
0x40: {  	_ = 	snop  }
0x41: {  	[tilespmem:s12], [sflag:$0x1] =	stream.indirect_vreg.gather [hbm4b:s5+s3], $0x80, v3, vm0, $0xb8;
	[tilespmem:$0x10080] =	vst v63  }
0x42: {  	_ = 	snop  }
0x43: {  	[tilespmem:s13], [sflag:$0x1] =	stream.indirect_vreg.gather [hbm4b:s6+s3], $0x80, v3, vm0, $0xb8;
	[tilespmem:$0x10080] =	vst v63  }
0x44: {  	v3 =	vld [tilespmem:$0x20];
	_ =	sdelay $0x4  }
0x45: {  	v58 =	vshll.u32 v3, $0x3  }
0x46: {  	v3 =	vand.u32 $0x7, v3;
	v4 =	vand.u32 $0xFFFFFFC0, v58  }
0x47: {  	v3 =	vor.u32 v3, v4  }
0x48: {  	v4 =	vperm.xlane v3, v0;
	_ =	sdelay $0x1  }
0x49: {  	v4 =	vadd.s32 v1, v4;
	_ =	sdelay $0x4  }
0x4a: {  	[tilespmem:s18], [sflag:$0x2] =	stream.indirect_vreg.gather [hbm4b:s2+s3], $0x80, v4, vm0, $0xb8;
	[tilespmem:$0x10080] =	vst v63  }
0x4b: {  	v3 =	vperm.xlane v3, v2  }
0x4c: {  	[tilespmem:s14], [sflag:$0x2] =	stream.indirect_vreg.gather [hbm4b:s4+s3], $0x80, v4, vm0, $0xb8;
	[tilespmem:$0x10080] =	vst v63  }
0x4d: {  	v3 =	vadd.s32 v1, v3  }
0x4e: {  	[tilespmem:s15], [sflag:$0x2] =	stream.indirect_vreg.gather [hbm4b:s5+s3], $0x80, v4, vm0, $0xb8;
	[tilespmem:$0x10080] =	vst v63  }
0x4f: {  	_ = 	snop  }
0x50: {  	[tilespmem:s16], [sflag:$0x2] =	stream.indirect_vreg.gather [hbm4b:s6+s3], $0x80, v4, vm0, $0xb8;
	[tilespmem:$0x10080] =	vst v63  }
0x51: {  	_ = 	snop  }
0x52: {  	[tilespmem:s17], [sflag:$0x2] =	stream.indirect_vreg.gather [hbm4b:s2+s3], $0x80, v3, vm0, $0xb8;
	[tilespmem:$0x10080] =	vst v63  }
0x53: {  	s20 =	simm.s32 $0xA880  }
0x54: {  	[tilespmem:s20], [sflag:$0x2] =	stream.indirect_vreg.gather [hbm4b:s4+s3], $0x80, v3, vm0, $0xb8;
	[tilespmem:$0x10080] =	vst v63  }
0x55: {  	s20 =	simm.s32 $0xB080  }
0x56: {  	[tilespmem:s20], [sflag:$0x2] =	stream.indirect_vreg.gather [hbm4b:s5+s3], $0x80, v3, vm0, $0xb8;
	[tilespmem:$0x10080] =	vst v63  }
0x57: {  	s20 =	simm.s32 $0xB880  }
0x58: {  	[tilespmem:s20], [sflag:$0x2] =	stream.indirect_vreg.gather [hbm4b:s6+s3], $0x80, v3, vm0, $0xb8;
	[tilespmem:$0x10080] =	vst v63  }
0x59: {  	v3 =	vld [tilespmem:$0x30];
	_ =	sdelay $0x4  }
0x5a: {  	v59 =	vshll.u32 v3, $0x3  }
0x5b: {  	v3 =	vand.u32 $0x7, v3;
	v4 =	vand.u32 $0xFFFFFFC0, v59  }
0x5c: {  	v3 =	vor.u32 v3, v4  }
0x5d: {  	v4 =	vperm.xlane v3, v0;
	_ =	sdelay $0x1  }
0x5e: {  	v4 =	vadd.s32 v1, v4;
	_ =	sdelay $0x3  }
0x5f: {  	s20 =	simm.s32 $0xC080  }
0x60: {  	[tilespmem:s20], [sflag:$0x2] =	stream.indirect_vreg.gather [hbm4b:s2+s3], $0x80, v4, vm0, $0xb8;
	[tilespmem:$0x10080] =	vst v63  }
0x61: {  	v3 =	vperm.xlane v3, v2;
	s20 =	simm.s32 $0xC880  }
0x62: {  	[tilespmem:s20], [sflag:$0x2] =	stream.indirect_vreg.gather [hbm4b:s4+s3], $0x80, v4, vm0, $0xb8;
	[tilespmem:$0x10080] =	vst v63  }
0x63: {  	v3 =	vadd.s32 v1, v3;
	s20 =	simm.s32 $0xD080  }
0x64: {  	[tilespmem:s20], [sflag:$0x2] =	stream.indirect_vreg.gather [hbm4b:s5+s3], $0x80, v4, vm0, $0xb8;
	[tilespmem:$0x10080] =	vst v63  }
0x65: {  	s20 =	simm.s32 $0xD880  }
0x66: {  	[tilespmem:s20], [sflag:$0x2] =	stream.indirect_vreg.gather [hbm4b:s6+s3], $0x80, v4, vm0, $0xb8;
	[tilespmem:$0x10080] =	vst v63  }
0x67: {  	s20 =	simm.s32 $0xE080  }
0x68: {  	[tilespmem:s20], [sflag:$0x2] =	stream.indirect_vreg.gather [hbm4b:s2+s3], $0x80, v3, vm0, $0xb8;
	[tilespmem:$0x10080] =	vst v63  }
0x69: {  	s20 =	simm.s32 $0xE880  }
0x6a: {  	[tilespmem:s20], [sflag:$0x2] =	stream.indirect_vreg.gather [hbm4b:s4+s3], $0x80, v3, vm0, $0xb8;
	[tilespmem:$0x10080] =	vst v63  }
0x6b: {  	s20 =	simm.s32 $0xF080  }
0x6c: {  	[tilespmem:s20], [sflag:$0x2] =	stream.indirect_vreg.gather [hbm4b:s5+s3], $0x80, v3, vm0, $0xb8;
	[tilespmem:$0x10080] =	vst v63  }
0x6d: {  	s20 =	simm.s32 $0xF880  }
0x6e: {  	[tilespmem:s20], [sflag:$0x2] =	stream.indirect_vreg.gather [hbm4b:s6+s3], $0x80, v3, vm0, $0xb8;
	[tilespmem:$0x10080] =	vst v63  }
0x6f: {  	_ =	swait.ge [sflag:s9], $0x8000  }
0x70: {  	[sflag:s9] =	ssyncset.done $0x0  }
0x71: {  	s20 =	rddreg [dreg:$0x4];
	[sflag:s9] =	ssyncadd.s32 $0xFFFF8000  }
0x72: {  	[hbm4b:s20+s3] =	stream.linear.scatter [tilespmem:s25], [sflag:$0x3], $0x8000, $0x38;
	[tilespmem:$0x10080] =	vst v63  }
0x73: {  	_ =	swait.ge [sflag:s8], $0x8000  }
0x74: {  	[sflag:s8] =	ssyncset.done $0x0  }
0x75: {  	[sflag:s8] =	ssyncadd.s32 $0xFFFF8000  }
0x76: {  	v3 =	vld [tilespmem:$0x40];
	_ =	sdelay $0x4  }
0x77: {  	v60 =	vshll.u32 v3, $0x3  }
0x78: {  	v3 =	vand.u32 $0x7, v3;
	v4 =	vand.u32 $0xFFFFFFC0, v60  }
0x79: {  	v3 =	vor.u32 v3, v4  }
0x7a: {  	v4 =	vperm.xlane v3, v0;
	_ =	sdelay $0x1  }
0x7b: {  	v4 =	vadd.s32 v1, v4;
	_ =	sdelay $0x4  }
0x7c: {  	[tilespmem:s25], [sflag:$0x1] =	stream.indirect_vreg.gather [hbm4b:s2+s3], $0x80, v4, vm0, $0xb8;
	[tilespmem:$0x10080] =	vst v63  }
0x7d: {  	v3 =	vperm.xlane v3, v2  }
0x7e: {  	[tilespmem:s21], [sflag:$0x1] =	stream.indirect_vreg.gather [hbm4b:s4+s3], $0x80, v4, vm0, $0xb8;
	[tilespmem:$0x10080] =	vst v63  }
0x7f: {  	v3 =	vadd.s32 v1, v3  }
0x80: {  	[tilespmem:s22], [sflag:$0x1] =	stream.indirect_vreg.gather [hbm4b:s5+s3], $0x80, v4, vm0, $0xb8;
	[tilespmem:$0x10080] =	vst v63  }
0x81: {  	_ = 	snop  }
0x82: {  	[tilespmem:s23], [sflag:$0x1] =	stream.indirect_vreg.gather [hbm4b:s6+s3], $0x80, v4, vm0, $0xb8;
	[tilespmem:$0x10080] =	vst v63  }
0x83: {  	_ = 	snop  }
0x84: {  	[tilespmem:s24], [sflag:$0x1] =	stream.indirect_vreg.gather [hbm4b:s2+s3], $0x80, v3, vm0, $0xb8;
	[tilespmem:$0x10080] =	vst v63  }
0x85: {  	_ = 	snop  }
0x86: {  	[tilespmem:s26], [sflag:$0x1] =	stream.indirect_vreg.gather [hbm4b:s4+s3], $0x80, v3, vm0, $0xb8;
	[tilespmem:$0x10080] =	vst v63  }
0x87: {  	_ = 	snop  }
0x88: {  	[tilespmem:s28], [sflag:$0x1] =	stream.indirect_vreg.gather [hbm4b:s5+s3], $0x80, v3, vm0, $0xb8;
	[tilespmem:$0x10080] =	vst v63  }
0x89: {  	_ = 	snop  }
0x8a: {  	[tilespmem:s29], [sflag:$0x1] =	stream.indirect_vreg.gather [hbm4b:s6+s3], $0x80, v3, vm0, $0xb8;
	[tilespmem:$0x10080] =	vst v63  }
0x8b: {  	v3 =	vld [tilespmem:$0x50];
	_ =	sdelay $0x4  }
0x8c: {  	v61 =	vshll.u32 v3, $0x3  }
0x8d: {  	v3 =	vand.u32 $0x7, v3;
	v4 =	vand.u32 $0xFFFFFFC0, v61  }
0x8e: {  	v3 =	vor.u32 v3, v4  }
0x8f: {  	v4 =	vperm.xlane v3, v0;
	_ =	sdelay $0x1  }
0x90: {  	v4 =	vadd.s32 v1, v4;
	_ =	sdelay $0x4  }
0x91: {  	[tilespmem:s30], [sflag:$0x1] =	stream.indirect_vreg.gather [hbm4b:s2+s3], $0x80, v4, vm0, $0xb8;
	[tilespmem:$0x10080] =	vst v63  }
0x92: {  	v3 =	vperm.xlane v3, v2  }
0x93: {  	[tilespmem:s31], [sflag:$0x1] =	stream.indirect_vreg.gather [hbm4b:s4+s3], $0x80, v4, vm0, $0xb8;
	[tilespmem:$0x10080] =	vst v63  }
0x94: {  	v3 =	vadd.s32 v1, v3  }
0x95: {  	[tilespmem:s0], [sflag:$0x1] =	stream.indirect_vreg.gather [hbm4b:s5+s3], $0x80, v4, vm0, $0xb8;
	[tilespmem:$0x10080] =	vst v63  }
0x96: {  	_ = 	snop  }
0x97: {  	[tilespmem:s1], [sflag:$0x1] =	stream.indirect_vreg.gather [hbm4b:s6+s3], $0x80, v4, vm0, $0xb8;
	[tilespmem:$0x10080] =	vst v63  }
0x98: {  	_ = 	snop  }
0x99: {  	[tilespmem:s10], [sflag:$0x1] =	stream.indirect_vreg.gather [hbm4b:s2+s3], $0x80, v3, vm0, $0xb8;
	[tilespmem:$0x10080] =	vst v63  }
0x9a: {  	_ = 	snop  }
0x9b: {  	[tilespmem:s11], [sflag:$0x1] =	stream.indirect_vreg.gather [hbm4b:s4+s3], $0x80, v3, vm0, $0xb8;
	[tilespmem:$0x10080] =	vst v63  }
0x9c: {  	_ = 	snop  }
0x9d: {  	[tilespmem:s12], [sflag:$0x1] =	stream.indirect_vreg.gather [hbm4b:s5+s3], $0x80, v3, vm0, $0xb8;
	[tilespmem:$0x10080] =	vst v63  }
0x9e: {  	_ = 	snop  }
0x9f: {  	[tilespmem:s13], [sflag:$0x1] =	stream.indirect_vreg.gather [hbm4b:s6+s3], $0x80, v3, vm0, $0xb8;
	[tilespmem:$0x10080] =	vst v63  }
0xa0: {  	_ =	swait.ge [sflag:s19], $0x8000  }
0xa1: {  	[sflag:s19] =	ssyncset.done $0x0  }
0xa2: {  	s0 =	rddreg [dreg:$0x5];
	[sflag:s19] =	ssyncadd.s32 $0xFFFF8000  }
0xa3: {  	[hbm4b:s0+s3] =	stream.linear.scatter [tilespmem:s18], [sflag:$0x3], $0x8000, $0x38;
	[tilespmem:$0x10080] =	vst v63  }
0xa4: {  	_ =	swait.ge [sflag:s8], $0x8000  }
0xa5: {  	[sflag:s8] =	ssyncset.done $0x0  }
0xa6: {  	[sflag:s8] =	ssyncadd.s32 $0xFFFF8000  }
0xa7: {  	v3 =	vld [tilespmem:$0x60];
	_ =	sdelay $0x4  }
0xa8: {  	v62 =	vshll.u32 v3, $0x3  }
0xa9: {  	v3 =	vand.u32 $0x7, v3;
	v4 =	vand.u32 $0xFFFFFFC0, v62  }
0xaa: {  	v3 =	vor.u32 v3, v4  }
0xab: {  	v4 =	vperm.xlane v3, v0;
	_ =	sdelay $0x1  }
0xac: {  	v4 =	vadd.s32 v1, v4;
	_ =	sdelay $0x4  }
0xad: {  	[tilespmem:s18], [sflag:$0x2] =	stream.indirect_vreg.gather [hbm4b:s2+s3], $0x80, v4, vm0, $0xb8;
	[tilespmem:$0x10080] =	vst v63  }
0xae: {  	v3 =	vperm.xlane v3, v2  }
0xaf: {  	[tilespmem:s14], [sflag:$0x2] =	stream.indirect_vreg.gather [hbm4b:s4+s3], $0x80, v4, vm0, $0xb8;
	[tilespmem:$0x10080] =	vst v63  }
0xb0: {  	v3 =	vadd.s32 v1, v3  }
0xb1: {  	[tilespmem:s15], [sflag:$0x2] =	stream.indirect_vreg.gather [hbm4b:s5+s3], $0x80, v4, vm0, $0xb8;
	[tilespmem:$0x10080] =	vst v63  }
0xb2: {  	_ = 	snop  }
0xb3: {  	[tilespmem:s16], [sflag:$0x2] =	stream.indirect_vreg.gather [hbm4b:s6+s3], $0x80, v4, vm0, $0xb8;
	[tilespmem:$0x10080] =	vst v63  }
0xb4: {  	_ = 	snop  }
0xb5: {  	[tilespmem:s17], [sflag:$0x2] =	stream.indirect_vreg.gather [hbm4b:s2+s3], $0x80, v3, vm0, $0xb8;
	[tilespmem:$0x10080] =	vst v63  }
0xb6: {  	s20 =	simm.s32 $0xA880  }
0xb7: {  	[tilespmem:s20], [sflag:$0x2] =	stream.indirect_vreg.gather [hbm4b:s4+s3], $0x80, v3, vm0, $0xb8;
	[tilespmem:$0x10080] =	vst v63  }
0xb8: {  	s20 =	simm.s32 $0xB080  }
0xb9: {  	[tilespmem:s20], [sflag:$0x2] =	stream.indirect_vreg.gather [hbm4b:s5+s3], $0x80, v3, vm0, $0xb8;
	[tilespmem:$0x10080] =	vst v63  }
0xba: {  	s20 =	simm.s32 $0xB880  }
0xbb: {  	[tilespmem:s20], [sflag:$0x2] =	stream.indirect_vreg.gather [hbm4b:s6+s3], $0x80, v3, vm0, $0xb8;
	[tilespmem:$0x10080] =	vst v63  }
0xbc: {  	v3 =	vld [tilespmem:$0x70];
	_ =	sdelay $0x4  }
0xbd: {  	v63 =	vshll.u32 v3, $0x3  }
0xbe: {  	v3 =	vand.u32 $0x7, v3;
	v4 =	vand.u32 $0xFFFFFFC0, v63  }
0xbf: {  	v3 =	vor.u32 v3, v4  }
0xc0: {  	v4 =	vperm.xlane v3, v0;
	_ =	sdelay $0x1  }
0xc1: {  	v4 =	vadd.s32 v1, v4;
	_ =	sdelay $0x3  }
0xc2: {  	s20 =	simm.s32 $0xC080  }
0xc3: {  	[tilespmem:s20], [sflag:$0x2] =	stream.indirect_vreg.gather [hbm4b:s2+s3], $0x80, v4, vm0, $0xb8;
	[tilespmem:$0x10080] =	vst v63  }
0xc4: {  	v3 =	vperm.xlane v3, v2;
	s20 =	simm.s32 $0xC880  }
0xc5: {  	[tilespmem:s20], [sflag:$0x2] =	stream.indirect_vreg.gather [hbm4b:s4+s3], $0x80, v4, vm0, $0xb8;
	[tilespmem:$0x10080] =	vst v63  }
0xc6: {  	v3 =	vadd.s32 v1, v3;
	s20 =	simm.s32 $0xD080  }
0xc7: {  	[tilespmem:s20], [sflag:$0x2] =	stream.indirect_vreg.gather [hbm4b:s5+s3], $0x80, v4, vm0, $0xb8;
	[tilespmem:$0x10080] =	vst v63  }
0xc8: {  	s20 =	simm.s32 $0xD880  }
0xc9: {  	[tilespmem:s20], [sflag:$0x2] =	stream.indirect_vreg.gather [hbm4b:s6+s3], $0x80, v4, vm0, $0xb8;
	[tilespmem:$0x10080] =	vst v63  }
0xca: {  	s20 =	simm.s32 $0xE080  }
0xcb: {  	[tilespmem:s20], [sflag:$0x2] =	stream.indirect_vreg.gather [hbm4b:s2+s3], $0x80, v3, vm0, $0xb8;
	[tilespmem:$0x10080] =	vst v63  }
0xcc: {  	s20 =	simm.s32 $0xE880  }
0xcd: {  	[tilespmem:s20], [sflag:$0x2] =	stream.indirect_vreg.gather [hbm4b:s4+s3], $0x80, v3, vm0, $0xb8;
	[tilespmem:$0x10080] =	vst v63  }
0xce: {  	s20 =	simm.s32 $0xF080  }
0xcf: {  	[tilespmem:s20], [sflag:$0x2] =	stream.indirect_vreg.gather [hbm4b:s5+s3], $0x80, v3, vm0, $0xb8;
	[tilespmem:$0x10080] =	vst v63  }
0xd0: {  	s20 =	simm.s32 $0xF880  }
0xd1: {  	[tilespmem:s20], [sflag:$0x2] =	stream.indirect_vreg.gather [hbm4b:s6+s3], $0x80, v3, vm0, $0xb8;
	[tilespmem:$0x10080] =	vst v63  }
0xd2: {  	_ =	swait.ge [sflag:s9], $0x8000  }
0xd3: {  	[sflag:s9] =	ssyncset.done $0x0  }
0xd4: {  	s0 =	rddreg [dreg:$0x6];
	[sflag:s9] =	ssyncadd.s32 $0xFFFF8000  }
0xd5: {  	[hbm4b:s0+s3] =	stream.linear.scatter [tilespmem:s25], [sflag:$0x3], $0x8000, $0x38;
	[tilespmem:$0x10080] =	vst v63  }
0xd6: {  	_ =	swait.ge [sflag:s8], $0x8000  }
0xd7: {  	[sflag:s8] =	ssyncset.done $0x0  }
0xd8: {  	[sflag:s8] =	ssyncadd.s32 $0xFFFF8000  }
0xd9: {  	_ =	swait.ge [sflag:s19], $0x8000  }
0xda: {  	p0 =	sne.s32 s7, $0x1;
	[sflag:s19] =	ssyncset.done $0x0  }
.Ltmp0:
0xdb: {  	s0 =	rddreg [dreg:$0x7];
	[sflag:s19] =	ssyncadd.s32 $0xFFFF8000;
	(pc) =	sbr.rel @p0 .LBB2_1-.Ltmp0, $4  }
0xdc: {  	[hbm4b:s0+s3] =	stream.linear.scatter [tilespmem:s18], [sflag:$0x3], $0x8000, $0x38;
	[tilespmem:$0x10080] =	vst v63  }
0xdd: {  	_ =	swait.ge [sflag:s8], $0x8000  }
0xde: {  	[sflag:s8] =	ssyncset.done $0x0  }
0xdf: {  	s7 =	sadd.s32 $0xFFFFFFFF, s7;
	[sflag:s8] =	ssyncadd.s32 $0xFFFF8000  }
0xe0: {  	_ =	sfence.sel $0x180000  }
0xe1: {  	[bflag:$0x0] =	sbarrier.arrive $0xFFFF  }
0xe2: {  	_ =	strace $0x9000004D  }
0xe3: {  	s0 =	stileid.u32;
	[bflag:$0x2] =	sbarrier.arrive $0xFFFF  }
0xe4: {  	p0 =	sne.s32 s0, $0x0;
	s0 =	rddreg [dreg:$0x2]  }
0xe5: {  	s0 =	sadd.s32 @!p0 $0x100000, s0  }
0xe6: {  	[sflag:s0] =	ssyncadd.tile.s32 @!p0 $0x1;
	_ =	shalt  }
.Lfunc_end2:
_tile_overlayer_lowered:
.L_overlay_start_2:
0xe7: {  	(tag) =	ssettag $0x2  }
0xe8: {  	s0 =	rddreg [dreg:$0x0];
	s2 =	stileid.u32  }
0xe9: {  	s1 =	rddreg [dreg:$0x1];
	p0 =	sne.s32 s2, $0x0  }
0xea: {  	s3 =	rddreg [dreg:$0x2];
	[bflag:$0x3] =	sbarrier.arrive $0xFFFF;
	s2 =	simm.s32 @!p0 $0x1C03  }
0xeb: {  	[timem:s3], [sflag:s2] =	dma.local @!p0 [hbm:s0], s1  }
0xec: {  	s0 =	simm.s32 @!p0 $0x3  }
0xed: {  	_ =	swait.ge @!p0 [sflag:s0], s1  }
0xee: {  	s1 =	ssub.s32 @!p0 $0x0, s1;
	[sflag:s0] =	ssyncset.done @!p0 $0x0  }
0xef: {  	[sflag:s0] =	ssyncadd.s32 @!p0 s1  }
0xf0: {  	[bflag:$0x3] =	sbarrier.arrive $0xFFFF  }
0xf1: {  	_ =	shalt  }

// kernel: kernel.27.cloned.1.call-start
scs
__scs_entry_jumppad:
0x0: {  	(pc) =	sbr.rel $0x88, $3  }
0x1: {  	(tag) =	ssettag $0x0;
	lr =	simm.s32 $0x1  }
0x2: {  	[smem:$0x3F9B] =	sst lr;
	_ =	strace $0xD0000000  }
0x3: {  	_ = 	snop  }
0x4: {  	_ = 	snop  }
0x5: {  	_ = 	snop  }
0x6: {  	_ = 	snop  }
0x7: {  	_ = 	snop  }
__scs_overlays_trampoline_lowered:
0x8: {  	[smem:$0x3FAA] =	sst s0  }
0x9: {  	[smem:$0x3FAB] =	sst s1  }
0xa: {  	[smem:$0x3FAC] =	sst s2  }
0xb: {  	[smem:$0x3FAD] =	sst s3  }
0xc: {  	[smem:$0x3FAE] =	sst s4  }
0xd: {  	[smem:$0x3FAF] =	sst s5  }
0xe: {  	[smem:$0x3FB0] =	sst s6  }
0xf: {  	[smem:$0x3FB1] =	sst s7  }
0x10: {  	[smem:$0x3FB2] =	sst s8  }
0x11: {  	[smem:$0x3FB3] =	sst s9;
	s0 =	simm.s32 @!p0 $0x0  }
0x12: {  	s1 =	sld [smem:$0x3F99];
	s0 =	simm.s32 @p0 $0x1  }
0x13: {  	[smem:$0x3FB4] =	sst s0;
	s0 =	simm.s32 @!p1 $0x0  }
0x14: {  	s2 =	sld [smem:$0x3F98];
	s0 =	simm.s32 @p1 $0x1  }
0x15: {  	[smem:$0x3FB5] =	sst s0;
	s0 =	simm.s32 @!p2 $0x0  }
0x16: {  	s3 =	sld [smem:$0x3FDB];
	s0 =	simm.s32 @p2 $0x1  }
0x17: {  	s4 =	simm.s32 $0x1BF5;
	[smem:$0x3FB7] =	sst s0  }
0x18: {  	s0 =	sld [smem:$0x3F9A];
	_ =	swait.ge [sflag:s4], $0x0  }
0x19: {  	s7 =	sld [smem:$0x3F9B]  }
0x1a: {  	s8 =	sadd.s32 $0xFFFFE003, lr  }
0x1b: {  	s9 =	sadd.s32 $0xFFFFFEF7, lr;
	s5 =	simm.s32 $0xFFFFFFFF;
	p2 =	slt.u32 s8, $0xFFFFF086  }
0x1c: {  	p1 =	slt.u32 s9, $0xF7A;
	s5 =	simm.s32 @!p2 $0x0  }
0x1d: {  	s5 =	simm.s32 @p1 $0x1;
	p0 =	seq.s32 s7, s2  }
0x1e: {  	s7 =	smul.u32 @!p0 $0xF7A, s2;
	p2 =	seq.s32 @!p0 s5, $0x0  }
0x1f: {  	s9 =	smul.u32 $0xF7A, s1;
	s8 =	simm.s32 @!p0 $0x1BF5;
	p2 =	por !p2, p0  }
0x20: {  	[sflag:s8] =	ssyncset.s32 @!p0 $0xFFFFF086;
	s6 =	sadd.s32 @!p0 s3, s7;
	s7 =	simm.s32 @!p0 $0x108  }
0x21: {  	s3 =	sadd.s32 s3, s9;
	s6 =	sadd.s32 @!p0 $0x88, s6;
	s7 =	simm.s32 @p2 $0x1082  }
0x22: {  	[simem:s7], [sflag:s8] =	dma.local @!p0 [hbm:s6], $0xF7A  }
0x23: {  	s9 =	sor.u32 $0xD0000000, s2;
	s6 =	simm.s32 $0x108;
	_ =	swait.ge @!p0 [sflag:s8], $0x0  }
0x24: {  	s3 =	sadd.s32 $0x88, s3;
	s6 =	simm.s32 @!p1 $0x1082;
	[sflag:s4] =	ssyncset.s32 $0xFFFFF086  }
0x25: {  	[simem:s6], [sflag:s4] =	dma.local [hbm:s3], $0xF7A  }
0x26: {  	[smem:$0x3F9B] =	sst s1;
	(tag) =	ssettag s2;
	_ =	strace s9  }
0x27: {  	s1 =	sld [smem:$0x3FAB]  }
0x28: {  	s2 =	sld [smem:$0x3FAC]  }
0x29: {  	s4 =	sld [smem:$0x3FAE]  }
0x2a: {  	p0 =	seq.s32 s5, $0x0;
	s5 =	sld [smem:$0x3FAF]  }
0x2b: {  	s6 =	sld [smem:$0x3FB0]  }
0x2c: {  	s7 =	sld [smem:$0x3FB1]  }
0x2d: {  	s3 =	simm.s32 $0x108;
	s8 =	sld [smem:$0x3FB2]  }
0x2e: {  	s3 =	simm.s32 @!p0 $0x1082;
	s9 =	sld [smem:$0x3FB3]  }
0x2f: {  	lr =	sadd.s32 s0, s3;
	s0 =	sld [smem:$0x3FAA]  }
0x30: {  	s3 =	sld [smem:$0x3FAD]  }
0x31: {  	[smem:$0x3FB6] =	sst s10  }
0x32: {  	s10 =	sld [smem:$0x3FB4];
	_ =	sdelay $0x3  }
0x33: {  	p0 =	seq.s32 s10, $0x1;
	s10 =	sld [smem:$0x3FB6];
	_ =	sdelay $0x3  }
0x34: {  	[smem:$0x3FB6] =	sst s10  }
0x35: {  	s10 =	sld [smem:$0x3FB5];
	_ =	sdelay $0x3  }
0x36: {  	p1 =	seq.s32 s10, $0x1;
	s10 =	sld [smem:$0x3FB6];
	_ =	sdelay $0x3  }
0x37: {  	[smem:$0x3FB6] =	sst s10  }
0x38: {  	s10 =	sld [smem:$0x3FB7]  }
0x39: {  	_ = 	snop;
	(pc) =	sbr.ind lr, $3  }
0x3a: {  	_ = 	snop  }
0x3b: {  	_ = 	snop  }
0x3c: {  	p2 =	seq.s32 s10, $0x1;
	s10 =	sld [smem:$0x3FB6]  }
0x3d: {  	_ =	shalt  }
0x3e: {  	_ =	shalt  }
0x3f: {  	_ =	shalt  }
0x40: {  	_ =	shalt  }
0x41: {  	_ =	shalt  }
0x42: {  	_ =	shalt  }
0x43: {  	_ =	shalt  }
0x44: {  	_ =	shalt  }
0x45: {  	_ =	shalt  }
0x46: {  	_ =	shalt  }
0x47: {  	_ =	shalt  }
0x48: {  	_ =	shalt  }
0x49: {  	_ =	shalt  }
0x4a: {  	_ =	shalt  }
0x4b: {  	_ =	shalt  }
0x4c: {  	_ =	shalt  }
0x4d: {  	_ =	shalt  }
0x4e: {  	_ =	shalt  }
0x4f: {  	_ =	shalt  }
0x50: {  	_ =	shalt  }
0x51: {  	_ =	shalt  }
0x52: {  	_ =	shalt  }
0x53: {  	_ =	shalt  }
0x54: {  	_ =	shalt  }
0x55: {  	_ =	shalt  }
0x56: {  	_ =	shalt  }
0x57: {  	_ =	shalt  }
0x58: {  	_ =	shalt  }
0x59: {  	_ =	shalt  }
0x5a: {  	_ =	shalt  }
0x5b: {  	_ =	shalt  }
0x5c: {  	_ =	shalt  }
0x5d: {  	_ =	shalt  }
0x5e: {  	_ =	shalt  }
0x5f: {  	_ =	shalt  }
0x60: {  	_ =	shalt  }
0x61: {  	_ =	shalt  }
0x62: {  	_ =	shalt  }
0x63: {  	_ =	shalt  }
0x64: {  	_ =	shalt  }
0x65: {  	_ =	shalt  }
0x66: {  	_ =	shalt  }
0x67: {  	_ =	shalt  }
0x68: {  	_ =	shalt  }
0x69: {  	_ =	shalt  }
0x6a: {  	_ =	shalt  }
0x6b: {  	_ =	shalt  }
0x6c: {  	_ =	shalt  }
0x6d: {  	_ =	shalt  }
0x6e: {  	_ =	shalt  }
0x6f: {  	_ =	shalt  }
0x70: {  	_ =	shalt  }
0x71: {  	_ =	shalt  }
0x72: {  	_ =	shalt  }
0x73: {  	_ =	shalt  }
0x74: {  	_ =	shalt  }
0x75: {  	_ =	shalt  }
0x76: {  	_ =	shalt  }
0x77: {  	_ =	shalt  }
0x78: {  	_ =	shalt  }
0x79: {  	_ =	shalt  }
0x7a: {  	_ =	shalt  }
0x7b: {  	_ =	shalt  }
0x7c: {  	_ =	shalt  }
0x7d: {  	_ =	shalt  }
0x7e: {  	_ =	shalt  }
0x7f: {  	_ =	shalt  }
0x80: {  	_ =	shalt  }
0x81: {  	_ =	shalt  }
0x82: {  	_ =	shalt  }
0x83: {  	_ =	shalt  }
0x84: {  	_ =	shalt  }
0x85: {  	_ =	shalt  }
0x86: {  	_ =	shalt  }
0x87: {  	_ =	shalt  }
.Lfunc_end0:
.L_simem_size_0:
called_computation.3_lowered:
.L_overlay_start_0:
0x88: {  	s2 =	sld [smem:$0x3FD9]  }
0x89: {  	s3 =	sld [smem:$0x3FFE];
	_ =	sdelay $0x1  }
0x8a: {  	s1 =	srdreg.scid  }
0x8b: {  	s0 =	sand.u32 $0x1, s1  }
0x8c: {  	s17 =	sshll.u32 s0, $0xA;
	s2 =	sadd.s32 s3, s2  }
0x8d: {  	s2 =	sadd.s32 s2, s17  }
0x8e: {  	[smem:$0x3FC2] =	sst s2  }
0x8f: {  	_ = 	snop  }
0x90: {  	s18 =	sld [smem:$0x3FC6];
	(tm) =	ssettm $0x1  }
0x91: {  	s19 =	sld [smem:$0x3FFB];
	_ =	sdelay $0x3  }
0x92: {  	_ =	strace s19  }
0x93: {  	s2 =	sld [smem:$0x3FFC];
	_ =	sdelay $0x3  }
0x94: {  	_ =	strace s2  }
0x95: {  	s2 =	sld [smem:$0x3FFD];
	_ =	sdelay $0x3  }
0x96: {  	_ =	strace s2  }
0x97: {  	_ =	strace $0x8FFFFFFF  }
0x98: {  	s20 =	sld [smem:$0x3FDB];
	_ =	sdelay $0x1  }
0x99: {  	s4 =	simm.s32 $_scs_section_size  }
0x9a: {  	s5 =	simm.s32 $_size__tile_overlayer_lowered;
	s6 =	simm.s32 $_tile_overlayer_lowered  }
0x9b: {  	s7 =	simm.s32 $0x1BFF;
	s21 =	sshll.u32 s6, $0x1;
	s4 =	sadd.s32 s4, s20  }
0x9c: {  	s22 =	simm.s32 $0x0;
	s5 =	sshll.u32 s5, $0x1;
	s6 =	sadd.s32 s21, s4  }
0x9d: {  	[timem:s22], [sflag:s7] =	dma.local [hbm:s6], s5  }
0x9e: {  	_ =	swait.ge [sflag:s7], s5  }
0x9f: {  	s5 =	ssub.s32 $0x0, s5;
	[sflag:s7] =	ssyncset.done $0x0  }
0xa0: {  	[sflag:s7] =	ssyncadd.s32 s5;
	_ =	sdelay $0x1  }
0xa1: {  	s23 =	simm.s32 $0x1B8B  }
0xa2: {  	_ =	swait.ge [sflag:s23], $0x1  }
0xa3: {  	[sflag:s23] =	ssyncset.done $0x0  }
0xa4: {  	[sflag:s23] =	ssyncadd.s32 $0xFFFFFFFF  }
0xa5: {  	s5 =	sld [smem:$0x0]  }
0xa6: {  	s6 =	sand.u32 $0xFFFFFFFE, s1  }
0xa7: {  	p0 =	sne.s32 s1, s6  }
0xa8: {  	s6 =	sshll.u32 @p0 s6, $0xE  }
0xa9: {  	s6 =	sadd.s32 @p0 $0x11B8D, s6;
	s7 =	sshll.u32 @p0 s5, $0x11  }
0xaa: {  	s6 =	sor.u32 @p0 s7, s6  }
0xab: {  	[sflag:s6] =	ssyncadd.remote.s32 @p0 $0x1;
	_ =	sdelay $0x1  }
0xac: {  	s6 =	simm.s32 @p0 $0x1B8D  }
0xad: {  	_ =	swait.eq @p0 [sflag:s6], $0x1  }
0xae: {  	[sflag:s6] =	ssyncadd.s32 @p0 $0xFFFFFFFF  }
0xaf: {  	s7 =	sshll.u32 @!p0 s1, $0xE  }
0xb0: {  	s7 =	sor.u32 @!p0 $0x4000, s7;
	s6 =	simm.s32 @!p0 $0x1B8D  }
0xb1: {  	s5 =	sshll.u32 @!p0 s5, $0x11;
	s7 =	sadd.s32 @!p0 $0x11B8D, s7;
	_ =	swait.eq @!p0 [sflag:s6], $0x1  }
0xb2: {  	s5 =	sor.u32 @!p0 s5, s7;
	[sflag:s6] =	ssyncadd.s32 @!p0 $0xFFFFFFFF  }
0xb3: {  	s25 =	simm.s32 $0x1B8E;
	s24 =	sld [smem:$0x3FFE];
	[sflag:s5] =	ssyncadd.remote.s32 @!p0 $0x1  }
0xb4: {  	s26 =	simm.s32 $execute0_lowered;
	[smem:$0x3FD2] =	sst s25  }
0xb5: {  	s6 =	sshll.u32 s26, $0x1;
	_ =	strace $0x8000004F;
	[dreg:$0x1] =	wrdreg $0xFFFFFFFF  }
0xb6: {  	s28 =	simm.s32 $_size_execute0_lowered;
	s4 =	sadd.s32 s4, s6;
	[dreg:$0x0] =	wrdreg $0x0  }
0xb7: {  	s6 =	sshll.u32 s28, $0x1;
	[dreg:$0x2] =	wrdreg s4  }
0xb8: {  	[dreg:$0x3] =	wrdreg s6  }
0xb9: {  	[dreg:$0x4] =	wrdreg $0xC0  }
0xba: {  	_ =	task [dreg:s22], $0x5FFFF  }
0xbb: {  	[dreg:$0x1] =	wrdreg $0xFFFFFFFF  }
0xbc: {  	[dreg:$0x0] =	wrdreg $0x60  }
0xbd: {  	[dreg:$0x2] =	wrdreg s18  }
0xbe: {  	[dreg:$0x3] =	wrdreg s24  }
0xbf: {  	[dreg:$0x4] =	wrdreg $0xC  }
0xc0: {  	_ =	task.clear_ibuf [dreg:s22], $0x5FFFF;
	_ =	strace $0x9000004F  }
0xc1: {  	s29 =	simm.s32 $0xC;
	_ =	strace $0x80000051  }
0xc2: {  	_ =	swait.ge [sflag:s29], $0x1  }
0xc3: {  	[sflag:s29] =	ssyncadd.s32 $0xFFFFFFFF  }
0xc4: {  	_ =	strace $0x90000051  }
0xc5: {  	_ =	sfence  }
0xc6: {  	s30 =	sld [smem:$0x0];
	_ =	sdelay $0x2  }
0xc7: {  	s31 =	sshll.u32 s1, $0xD;
	s1 =	sshrl.u32 s1, $0x2  }
0xc8: {  	s4 =	sand.u32 $0x4000, s31;
	s1 =	sadd.s32 s1, s30  }
0xc9: {  	s0 =	sor.u32 s4, s0;
	s1 =	sshll.u32 s1, $0x11  }
0xca: {  	s0 =	sor.u32 s1, s0  }
0xcb: {  	s0 =	sadd.s32 $0x8F2B, s0  }
0xcc: {  	[sflag:s0] =	ssyncadd.remote.s32 $0x1  }
0xcd: {  	_ =	sfence.sel $0xFFFF  }
0xce: {  	[dreg:$0x0] =	wrdreg $0xFFFFFFFF;
	(pc) =	sbr.abs _section_cstart, $3  }
0xcf: {  	[dreg:$0x1] =	wrdreg $0xFFFFFFFF  }
0xd0: {  	_ =	task.clear_ibuf [dreg:s22], $0x2FFFF;
	_ =	strace $0x9FFFFFFF  }
0xd1: {  	(tm) =	ssettm $0x7FFFFFFF  }
tec
execute0_lowered:
.L_overlay_start_1:
0x0: {  	(tag) =	ssettag $0x1  }
0x1: {  	s2 =	rddreg [dreg:$0x0]  }
0x2: {  	s0 =	rddreg [dreg:$0x1]  }
0x3: {  	s1 =	srdreg.scid;
	s4 =	stileid.u32  }
0x4: {  	s3 =	simm.s32 $0x0;
	s9 =	simm.s32 $0x1;
	s19 =	simm.s32 $0x2  }
0x5: {  	s21 =	simm.s32 $0x880;
	s22 =	simm.s32 $0x1080;
	s23 =	simm.s32 $0x1880  }
0x6: {  	s24 =	simm.s32 $0x2080;
	s28 =	simm.s32 $0x3080;
	s29 =	simm.s32 $0x3880  }
0x7: {  	s30 =	simm.s32 $0x4080;
	s31 =	simm.s32 $0x4880;
	s10 =	simm.s32 $0x6080  }
0x8: {  	s11 =	simm.s32 $0x6880;
	s12 =	simm.s32 $0x7080;
	s13 =	simm.s32 $0x7880  }
0x9: {  	s18 =	simm.s32 $0x8080;
	s14 =	simm.s32 $0x8880;
	s1 =	sand.u32 $0x1, s1  }
0xa: {  	s15 =	simm.s32 $0x9080;
	s4 =	sshll.u32 s4, $0x8;
	s5 =	sshll.u32 s1, $0x7  }
0xb: {  	s16 =	simm.s32 $0x9880;
	[smem:$0x7FF] =	sst s3;
	s4 =	sor.u32 s5, s4  }
0xc: {  	s17 =	simm.s32 $0xA080;
	_ =	strace $0x80000050;
	s5 =	sshrl.u32 s4, $0x3  }
0xd: {  	s1 =	ssub.s32 $0x2, s1;
	s4 =	sshll.u32 s4, $0x7;
	s5 =	sadd.s32 s5, s0  }
0xe: {  	s6 =	sshrl.u32 s1, $0x1;
	s0 =	sadd.s32 s4, s0;
	s25 =	sadd.s32 $0x2E00, s5  }
0xf: {  	s1 =	ssub.s32 s1, s6;
	s26 =	sadd.s32 $0x183800, s0;
	[dreg:$0x3] =	wrdreg s25  }
0x10: {  	s6 =	sadd.s32 $0x300, s2;
	s7 =	sadd.s32 $0x184800, s0;
	[dreg:$0x4] =	wrdreg s26  }
0x11: {  	s4 =	sadd.s32 $0x100, s2;
	s8 =	sadd.s32 $0x185800, s0;
	[dreg:$0x5] =	wrdreg s7  }
0x12: {  	v2 =	vlaneseq.u32;
	s5 =	sadd.s32 $0x200, s2;
	s0 =	sadd.s32 $0x186800, s0;
	[dreg:$0x6] =	wrdreg s8  }
0x13: {  	vm0 =	vmmov $0xffff;
	v1 =	vshrl.u32 v2, $0x3;
	s7 =	smax.u32 s1, $0x1;
	[dreg:$0x7] =	wrdreg s0;
	s8 =	simm.s32 $0x3  }
0x14: {  	v0 =	vand.u32 $0x7, v2;
	v2 =	vor.u32 $0x8, v2;
	v1 =	vmul.u32 $0x8, v1;
	s25 =	simm.s32 $0x80;
	s26 =	simm.s32 $0x2880;
	s1 =	simm.s32 $0x5880  }
.LBB2_1:
0x15: {  	s20 =	rddreg [dreg:$0x3]  }
0x16: {  	[tilespmem:s3], [sflag:$0x3] =	stream.linear.gather [hbm4b:s20+s3], $0x80, $0x38;
	[tilespmem:$0x10080] =	vst v63  }
0x17: {  	_ =	swait.ge [sflag:s8], $0x80  }
0x18: {  	[sflag:s8] =	ssyncset.done $0x0  }
0x19: {  	[sflag:s8] =	ssyncadd.s32 $0xFFFFFF80  }
0x1a: {  	v3 =	vld [tilespmem:$0x0];
	_ =	sdelay $0x4  }
0x1b: {  	v4 =	vshll.u32 v3, $0x3  }
0x1c: {  	v3 =	vand.u32 $0x7, v3;
	v4 =	vand.u32 $0xFFFFFFC0, v4  }
0x1d: {  	v3 =	vor.u32 v3, v4  }
0x1e: {  	v4 =	vperm.xlane v3, v0;
	_ =	sdelay $0x1  }
0x1f: {  	v4 =	vadd.s32 v1, v4;
	_ =	sdelay $0x4  }
0x20: {  	[tilespmem:s25], [sflag:$0x1] =	stream.indirect_vreg.gather [hbm4b:s2+s3], $0x80, v4, vm0, $0xb8;
	[tilespmem:$0x10080] =	vst v63  }
0x21: {  	v3 =	vperm.xlane v3, v2  }
0x22: {  	[tilespmem:s21], [sflag:$0x1] =	stream.indirect_vreg.gather [hbm4b:s4+s3], $0x80, v4, vm0, $0xb8;
	[tilespmem:$0x10080] =	vst v63  }
0x23: {  	v3 =	vadd.s32 v1, v3  }
0x24: {  	[tilespmem:s22], [sflag:$0x1] =	stream.indirect_vreg.gather [hbm4b:s5+s3], $0x80, v4, vm0, $0xb8;
	[tilespmem:$0x10080] =	vst v63  }
0x25: {  	_ = 	snop  }
0x26: {  	[tilespmem:s23], [sflag:$0x1] =	stream.indirect_vreg.gather [hbm4b:s6+s3], $0x80, v4, vm0, $0xb8;
	[tilespmem:$0x10080] =	vst v63  }
0x27: {  	_ = 	snop  }
0x28: {  	[tilespmem:s24], [sflag:$0x1] =	stream.indirect_vreg.gather [hbm4b:s2+s3], $0x80, v3, vm0, $0xb8;
	[tilespmem:$0x10080] =	vst v63  }
0x29: {  	_ = 	snop  }
0x2a: {  	[tilespmem:s26], [sflag:$0x1] =	stream.indirect_vreg.gather [hbm4b:s4+s3], $0x80, v3, vm0, $0xb8;
	[tilespmem:$0x10080] =	vst v63  }
0x2b: {  	_ = 	snop  }
0x2c: {  	[tilespmem:s28], [sflag:$0x1] =	stream.indirect_vreg.gather [hbm4b:s5+s3], $0x80, v3, vm0, $0xb8;
	[tilespmem:$0x10080] =	vst v63  }
0x2d: {  	_ = 	snop  }
0x2e: {  	[tilespmem:s29], [sflag:$0x1] =	stream.indirect_vreg.gather [hbm4b:s6+s3], $0x80, v3, vm0, $0xb8;
	[tilespmem:$0x10080] =	vst v63  }
0x2f: {  	v3 =	vld [tilespmem:$0x10];
	_ =	sdelay $0x4  }
0x30: {  	v57 =	vshll.u32 v3, $0x3  }
0x31: {  	v3 =	vand.u32 $0x7, v3;
	v4 =	vand.u32 $0xFFFFFFC0, v57  }
0x32: {  	v3 =	vor.u32 v3, v4  }
0x33: {  	v4 =	vperm.xlane v3, v0;
	_ =	sdelay $0x1  }
0x34: {  	v4 =	vadd.s32 v1, v4;
	_ =	sdelay $0x4  }
0x35: {  	[tilespmem:s30], [sflag:$0x1] =	stream.indirect_vreg.gather [hbm4b:s2+s3], $0x80, v4, vm0, $0xb8;
	[tilespmem:$0x10080] =	vst v63  }
0x36: {  	v3 =	vperm.xlane v3, v2  }
0x37: {  	[tilespmem:s31], [sflag:$0x1] =	stream.indirect_vreg.gather [hbm4b:s4+s3], $0x80, v4, vm0, $0xb8;
	[tilespmem:$0x10080] =	vst v63  }
0x38: {  	s0 =	simm.s32 $0x5080;
	v3 =	vadd.s32 v1, v3  }
0x39: {  	[tilespmem:s0], [sflag:$0x1] =	stream.indirect_vreg.gather [hbm4b:s5+s3], $0x80, v4, vm0, $0xb8;
	[tilespmem:$0x10080] =	vst v63  }
0x3a: {  	_ = 	snop  }
0x3b: {  	[tilespmem:s1], [sflag:$0x1] =	stream.indirect_vreg.gather [hbm4b:s6+s3], $0x80, v4, vm0, $0xb8;
	[tilespmem:$0x10080] =	vst v63  }
0x3c: {  	_ = 	snop  }
0x3d: {  	[tilespmem:s10], [sflag:$0x1] =	stream.indirect_vreg.gather [hbm4b:s2+s3], $0x80, v3, vm0, $0xb8;
	[tilespmem:$0x10080] =	vst v63  }
0x3e: {  	_ = 	snop  }
0x3f: {  	[tilespmem:s11], [sflag:$0x1] =	stream.indirect_vreg.gather [hbm4b:s4+s3], $0x80, v3, vm0, $0xb8;
	[tilespmem:$0x10080] =	vst v63  }
0x40: {  	_ = 	snop  }
0x41: {  	[tilespmem:s12], [sflag:$0x1] =	stream.indirect_vreg.gather [hbm4b:s5+s3], $0x80, v3, vm0, $0xb8;
	[tilespmem:$0x10080] =	vst v63  }
0x42: {  	_ = 	snop  }
0x43: {  	[tilespmem:s13], [sflag:$0x1] =	stream.indirect_vreg.gather [hbm4b:s6+s3], $0x80, v3, vm0, $0xb8;
	[tilespmem:$0x10080] =	vst v63  }
0x44: {  	v3 =	vld [tilespmem:$0x20];
	_ =	sdelay $0x4  }
0x45: {  	v58 =	vshll.u32 v3, $0x3  }
0x46: {  	v3 =	vand.u32 $0x7, v3;
	v4 =	vand.u32 $0xFFFFFFC0, v58  }
0x47: {  	v3 =	vor.u32 v3, v4  }
0x48: {  	v4 =	vperm.xlane v3, v0;
	_ =	sdelay $0x1  }
0x49: {  	v4 =	vadd.s32 v1, v4;
	_ =	sdelay $0x4  }
0x4a: {  	[tilespmem:s18], [sflag:$0x2] =	stream.indirect_vreg.gather [hbm4b:s2+s3], $0x80, v4, vm0, $0xb8;
	[tilespmem:$0x10080] =	vst v63  }
0x4b: {  	v3 =	vperm.xlane v3, v2  }
0x4c: {  	[tilespmem:s14], [sflag:$0x2] =	stream.indirect_vreg.gather [hbm4b:s4+s3], $0x80, v4, vm0, $0xb8;
	[tilespmem:$0x10080] =	vst v63  }
0x4d: {  	v3 =	vadd.s32 v1, v3  }
0x4e: {  	[tilespmem:s15], [sflag:$0x2] =	stream.indirect_vreg.gather [hbm4b:s5+s3], $0x80, v4, vm0, $0xb8;
	[tilespmem:$0x10080] =	vst v63  }
0x4f: {  	_ = 	snop  }
0x50: {  	[tilespmem:s16], [sflag:$0x2] =	stream.indirect_vreg.gather [hbm4b:s6+s3], $0x80, v4, vm0, $0xb8;
	[tilespmem:$0x10080] =	vst v63  }
0x51: {  	_ = 	snop  }
0x52: {  	[tilespmem:s17], [sflag:$0x2] =	stream.indirect_vreg.gather [hbm4b:s2+s3], $0x80, v3, vm0, $0xb8;
	[tilespmem:$0x10080] =	vst v63  }
0x53: {  	s20 =	simm.s32 $0xA880  }
0x54: {  	[tilespmem:s20], [sflag:$0x2] =	stream.indirect_vreg.gather [hbm4b:s4+s3], $0x80, v3, vm0, $0xb8;
	[tilespmem:$0x10080] =	vst v63  }
0x55: {  	s20 =	simm.s32 $0xB080  }
0x56: {  	[tilespmem:s20], [sflag:$0x2] =	stream.indirect_vreg.gather [hbm4b:s5+s3], $0x80, v3, vm0, $0xb8;
	[tilespmem:$0x10080] =	vst v63  }
0x57: {  	s20 =	simm.s32 $0xB880  }
0x58: {  	[tilespmem:s20], [sflag:$0x2] =	stream.indirect_vreg.gather [hbm4b:s6+s3], $0x80, v3, vm0, $0xb8;
	[tilespmem:$0x10080] =	vst v63  }
0x59: {  	v3 =	vld [tilespmem:$0x30];
	_ =	sdelay $0x4  }
0x5a: {  	v59 =	vshll.u32 v3, $0x3  }
0x5b: {  	v3 =	vand.u32 $0x7, v3;
	v4 =	vand.u32 $0xFFFFFFC0, v59  }
0x5c: {  	v3 =	vor.u32 v3, v4  }
0x5d: {  	v4 =	vperm.xlane v3, v0;
	_ =	sdelay $0x1  }
0x5e: {  	v4 =	vadd.s32 v1, v4;
	_ =	sdelay $0x3  }
0x5f: {  	s20 =	simm.s32 $0xC080  }
0x60: {  	[tilespmem:s20], [sflag:$0x2] =	stream.indirect_vreg.gather [hbm4b:s2+s3], $0x80, v4, vm0, $0xb8;
	[tilespmem:$0x10080] =	vst v63  }
0x61: {  	v3 =	vperm.xlane v3, v2;
	s20 =	simm.s32 $0xC880  }
0x62: {  	[tilespmem:s20], [sflag:$0x2] =	stream.indirect_vreg.gather [hbm4b:s4+s3], $0x80, v4, vm0, $0xb8;
	[tilespmem:$0x10080] =	vst v63  }
0x63: {  	v3 =	vadd.s32 v1, v3;
	s20 =	simm.s32 $0xD080  }
0x64: {  	[tilespmem:s20], [sflag:$0x2] =	stream.indirect_vreg.gather [hbm4b:s5+s3], $0x80, v4, vm0, $0xb8;
	[tilespmem:$0x10080] =	vst v63  }
0x65: {  	s20 =	simm.s32 $0xD880  }
0x66: {  	[tilespmem:s20], [sflag:$0x2] =	stream.indirect_vreg.gather [hbm4b:s6+s3], $0x80, v4, vm0, $0xb8;
	[tilespmem:$0x10080] =	vst v63  }
0x67: {  	s20 =	simm.s32 $0xE080  }
0x68: {  	[tilespmem:s20], [sflag:$0x2] =	stream.indirect_vreg.gather [hbm4b:s2+s3], $0x80, v3, vm0, $0xb8;
	[tilespmem:$0x10080] =	vst v63  }
0x69: {  	s20 =	simm.s32 $0xE880  }
0x6a: {  	[tilespmem:s20], [sflag:$0x2] =	stream.indirect_vreg.gather [hbm4b:s4+s3], $0x80, v3, vm0, $0xb8;
	[tilespmem:$0x10080] =	vst v63  }
0x6b: {  	s20 =	simm.s32 $0xF080  }
0x6c: {  	[tilespmem:s20], [sflag:$0x2] =	stream.indirect_vreg.gather [hbm4b:s5+s3], $0x80, v3, vm0, $0xb8;
	[tilespmem:$0x10080] =	vst v63  }
0x6d: {  	s20 =	simm.s32 $0xF880  }
0x6e: {  	[tilespmem:s20], [sflag:$0x2] =	stream.indirect_vreg.gather [hbm4b:s6+s3], $0x80, v3, vm0, $0xb8;
	[tilespmem:$0x10080] =	vst v63  }
0x6f: {  	_ =	swait.ge [sflag:s9], $0x8000  }
0x70: {  	[sflag:s9] =	ssyncset.done $0x0  }
0x71: {  	s20 =	rddreg [dreg:$0x4];
	[sflag:s9] =	ssyncadd.s32 $0xFFFF8000  }
0x72: {  	[hbm4b:s20+s3] =	stream.linear.scatter [tilespmem:s25], [sflag:$0x3], $0x8000, $0x38;
	[tilespmem:$0x10080] =	vst v63  }
0x73: {  	_ =	swait.ge [sflag:s8], $0x8000  }
0x74: {  	[sflag:s8] =	ssyncset.done $0x0  }
0x75: {  	[sflag:s8] =	ssyncadd.s32 $0xFFFF8000  }
0x76: {  	v3 =	vld [tilespmem:$0x40];
	_ =	sdelay $0x4  }
0x77: {  	v60 =	vshll.u32 v3, $0x3  }
0x78: {  	v3 =	vand.u32 $0x7, v3;
	v4 =	vand.u32 $0xFFFFFFC0, v60  }
0x79: {  	v3 =	vor.u32 v3, v4  }
0x7a: {  	v4 =	vperm.xlane v3, v0;
	_ =	sdelay $0x1  }
0x7b: {  	v4 =	vadd.s32 v1, v4;
	_ =	sdelay $0x4  }
0x7c: {  	[tilespmem:s25], [sflag:$0x1] =	stream.indirect_vreg.gather [hbm4b:s2+s3], $0x80, v4, vm0, $0xb8;
	[tilespmem:$0x10080] =	vst v63  }
0x7d: {  	v3 =	vperm.xlane v3, v2  }
0x7e: {  	[tilespmem:s21], [sflag:$0x1] =	stream.indirect_vreg.gather [hbm4b:s4+s3], $0x80, v4, vm0, $0xb8;
	[tilespmem:$0x10080] =	vst v63  }
0x7f: {  	v3 =	vadd.s32 v1, v3  }
0x80: {  	[tilespmem:s22], [sflag:$0x1] =	stream.indirect_vreg.gather [hbm4b:s5+s3], $0x80, v4, vm0, $0xb8;
	[tilespmem:$0x10080] =	vst v63  }
0x81: {  	_ = 	snop  }
0x82: {  	[tilespmem:s23], [sflag:$0x1] =	stream.indirect_vreg.gather [hbm4b:s6+s3], $0x80, v4, vm0, $0xb8;
	[tilespmem:$0x10080] =	vst v63  }
0x83: {  	_ = 	snop  }
0x84: {  	[tilespmem:s24], [sflag:$0x1] =	stream.indirect_vreg.gather [hbm4b:s2+s3], $0x80, v3, vm0, $0xb8;
	[tilespmem:$0x10080] =	vst v63  }
0x85: {  	_ = 	snop  }
0x86: {  	[tilespmem:s26], [sflag:$0x1] =	stream.indirect_vreg.gather [hbm4b:s4+s3], $0x80, v3, vm0, $0xb8;
	[tilespmem:$0x10080] =	vst v63  }
0x87: {  	_ = 	snop  }
0x88: {  	[tilespmem:s28], [sflag:$0x1] =	stream.indirect_vreg.gather [hbm4b:s5+s3], $0x80, v3, vm0, $0xb8;
	[tilespmem:$0x10080] =	vst v63  }
0x89: {  	_ = 	snop  }
0x8a: {  	[tilespmem:s29], [sflag:$0x1] =	stream.indirect_vreg.gather [hbm4b:s6+s3], $0x80, v3, vm0, $0xb8;
	[tilespmem:$0x10080] =	vst v63  }
0x8b: {  	v3 =	vld [tilespmem:$0x50];
	_ =	sdelay $0x4  }
0x8c: {  	v61 =	vshll.u32 v3, $0x3  }
0x8d: {  	v3 =	vand.u32 $0x7, v3;
	v4 =	vand.u32 $0xFFFFFFC0, v61  }
0x8e: {  	v3 =	vor.u32 v3, v4  }
0x8f: {  	v4 =	vperm.xlane v3, v0;
	_ =	sdelay $0x1  }
0x90: {  	v4 =	vadd.s32 v1, v4;
	_ =	sdelay $0x4  }
0x91: {  	[tilespmem:s30], [sflag:$0x1] =	stream.indirect_vreg.gather [hbm4b:s2+s3], $0x80, v4, vm0, $0xb8;
	[tilespmem:$0x10080] =	vst v63  }
0x92: {  	v3 =	vperm.xlane v3, v2  }
0x93: {  	[tilespmem:s31], [sflag:$0x1] =	stream.indirect_vreg.gather [hbm4b:s4+s3], $0x80, v4, vm0, $0xb8;
	[tilespmem:$0x10080] =	vst v63  }
0x94: {  	v3 =	vadd.s32 v1, v3  }
0x95: {  	[tilespmem:s0], [sflag:$0x1] =	stream.indirect_vreg.gather [hbm4b:s5+s3], $0x80, v4, vm0, $0xb8;
	[tilespmem:$0x10080] =	vst v63  }
0x96: {  	_ = 	snop  }
0x97: {  	[tilespmem:s1], [sflag:$0x1] =	stream.indirect_vreg.gather [hbm4b:s6+s3], $0x80, v4, vm0, $0xb8;
	[tilespmem:$0x10080] =	vst v63  }
0x98: {  	_ = 	snop  }
0x99: {  	[tilespmem:s10], [sflag:$0x1] =	stream.indirect_vreg.gather [hbm4b:s2+s3], $0x80, v3, vm0, $0xb8;
	[tilespmem:$0x10080] =	vst v63  }
0x9a: {  	_ = 	snop  }
0x9b: {  	[tilespmem:s11], [sflag:$0x1] =	stream.indirect_vreg.gather [hbm4b:s4+s3], $0x80, v3, vm0, $0xb8;
	[tilespmem:$0x10080] =	vst v63  }
0x9c: {  	_ = 	snop  }
0x9d: {  	[tilespmem:s12], [sflag:$0x1] =	stream.indirect_vreg.gather [hbm4b:s5+s3], $0x80, v3, vm0, $0xb8;
	[tilespmem:$0x10080] =	vst v63  }
0x9e: {  	_ = 	snop  }
0x9f: {  	[tilespmem:s13], [sflag:$0x1] =	stream.indirect_vreg.gather [hbm4b:s6+s3], $0x80, v3, vm0, $0xb8;
	[tilespmem:$0x10080] =	vst v63  }
0xa0: {  	_ =	swait.ge [sflag:s19], $0x8000  }
0xa1: {  	[sflag:s19] =	ssyncset.done $0x0  }
0xa2: {  	s0 =	rddreg [dreg:$0x5];
	[sflag:s19] =	ssyncadd.s32 $0xFFFF8000  }
0xa3: {  	[hbm4b:s0+s3] =	stream.linear.scatter [tilespmem:s18], [sflag:$0x3], $0x8000, $0x38;
	[tilespmem:$0x10080] =	vst v63  }
0xa4: {  	_ =	swait.ge [sflag:s8], $0x8000  }
0xa5: {  	[sflag:s8] =	ssyncset.done $0x0  }
0xa6: {  	[sflag:s8] =	ssyncadd.s32 $0xFFFF8000  }
0xa7: {  	v3 =	vld [tilespmem:$0x60];
	_ =	sdelay $0x4  }
0xa8: {  	v62 =	vshll.u32 v3, $0x3  }
0xa9: {  	v3 =	vand.u32 $0x7, v3;
	v4 =	vand.u32 $0xFFFFFFC0, v62  }
0xaa: {  	v3 =	vor.u32 v3, v4  }
0xab: {  	v4 =	vperm.xlane v3, v0;
	_ =	sdelay $0x1  }
0xac: {  	v4 =	vadd.s32 v1, v4;
	_ =	sdelay $0x4  }
0xad: {  	[tilespmem:s18], [sflag:$0x2] =	stream.indirect_vreg.gather [hbm4b:s2+s3], $0x80, v4, vm0, $0xb8;
	[tilespmem:$0x10080] =	vst v63  }
0xae: {  	v3 =	vperm.xlane v3, v2  }
0xaf: {  	[tilespmem:s14], [sflag:$0x2] =	stream.indirect_vreg.gather [hbm4b:s4+s3], $0x80, v4, vm0, $0xb8;
	[tilespmem:$0x10080] =	vst v63  }
0xb0: {  	v3 =	vadd.s32 v1, v3  }
0xb1: {  	[tilespmem:s15], [sflag:$0x2] =	stream.indirect_vreg.gather [hbm4b:s5+s3], $0x80, v4, vm0, $0xb8;
	[tilespmem:$0x10080] =	vst v63  }
0xb2: {  	_ = 	snop  }
0xb3: {  	[tilespmem:s16], [sflag:$0x2] =	stream.indirect_vreg.gather [hbm4b:s6+s3], $0x80, v4, vm0, $0xb8;
	[tilespmem:$0x10080] =	vst v63  }
0xb4: {  	_ = 	snop  }
0xb5: {  	[tilespmem:s17], [sflag:$0x2] =	stream.indirect_vreg.gather [hbm4b:s2+s3], $0x80, v3, vm0, $0xb8;
	[tilespmem:$0x10080] =	vst v63  }
0xb6: {  	s20 =	simm.s32 $0xA880  }
0xb7: {  	[tilespmem:s20], [sflag:$0x2] =	stream.indirect_vreg.gather [hbm4b:s4+s3], $0x80, v3, vm0, $0xb8;
	[tilespmem:$0x10080] =	vst v63  }
0xb8: {  	s20 =	simm.s32 $0xB080  }
0xb9: {  	[tilespmem:s20], [sflag:$0x2] =	stream.indirect_vreg.gather [hbm4b:s5+s3], $0x80, v3, vm0, $0xb8;
	[tilespmem:$0x10080] =	vst v63  }
0xba: {  	s20 =	simm.s32 $0xB880  }
0xbb: {  	[tilespmem:s20], [sflag:$0x2] =	stream.indirect_vreg.gather [hbm4b:s6+s3], $0x80, v3, vm0, $0xb8;
	[tilespmem:$0x10080] =	vst v63  }
0xbc: {  	v3 =	vld [tilespmem:$0x70];
	_ =	sdelay $0x4  }
0xbd: {  	v63 =	vshll.u32 v3, $0x3  }
0xbe: {  	v3 =	vand.u32 $0x7, v3;
	v4 =	vand.u32 $0xFFFFFFC0, v63  }
0xbf: {  	v3 =	vor.u32 v3, v4  }
0xc0: {  	v4 =	vperm.xlane v3, v0;
	_ =	sdelay $0x1  }
0xc1: {  	v4 =	vadd.s32 v1, v4;
	_ =	sdelay $0x3  }
0xc2: {  	s20 =	simm.s32 $0xC080  }
0xc3: {  	[tilespmem:s20], [sflag:$0x2] =	stream.indirect_vreg.gather [hbm4b:s2+s3], $0x80, v4, vm0, $0xb8;
	[tilespmem:$0x10080] =	vst v63  }
0xc4: {  	v3 =	vperm.xlane v3, v2;
	s20 =	simm.s32 $0xC880  }
0xc5: {  	[tilespmem:s20], [sflag:$0x2] =	stream.indirect_vreg.gather [hbm4b:s4+s3], $0x80, v4, vm0, $0xb8;
	[tilespmem:$0x10080] =	vst v63  }
0xc6: {  	v3 =	vadd.s32 v1, v3;
	s20 =	simm.s32 $0xD080  }
0xc7: {  	[tilespmem:s20], [sflag:$0x2] =	stream.indirect_vreg.gather [hbm4b:s5+s3], $0x80, v4, vm0, $0xb8;
	[tilespmem:$0x10080] =	vst v63  }
0xc8: {  	s20 =	simm.s32 $0xD880  }
0xc9: {  	[tilespmem:s20], [sflag:$0x2] =	stream.indirect_vreg.gather [hbm4b:s6+s3], $0x80, v4, vm0, $0xb8;
	[tilespmem:$0x10080] =	vst v63  }
0xca: {  	s20 =	simm.s32 $0xE080  }
0xcb: {  	[tilespmem:s20], [sflag:$0x2] =	stream.indirect_vreg.gather [hbm4b:s2+s3], $0x80, v3, vm0, $0xb8;
	[tilespmem:$0x10080] =	vst v63  }
0xcc: {  	s20 =	simm.s32 $0xE880  }
0xcd: {  	[tilespmem:s20], [sflag:$0x2] =	stream.indirect_vreg.gather [hbm4b:s4+s3], $0x80, v3, vm0, $0xb8;
	[tilespmem:$0x10080] =	vst v63  }
0xce: {  	s20 =	simm.s32 $0xF080  }
0xcf: {  	[tilespmem:s20], [sflag:$0x2] =	stream.indirect_vreg.gather [hbm4b:s5+s3], $0x80, v3, vm0, $0xb8;
	[tilespmem:$0x10080] =	vst v63  }
0xd0: {  	s20 =	simm.s32 $0xF880  }
0xd1: {  	[tilespmem:s20], [sflag:$0x2] =	stream.indirect_vreg.gather [hbm4b:s6+s3], $0x80, v3, vm0, $0xb8;
	[tilespmem:$0x10080] =	vst v63  }
0xd2: {  	_ =	swait.ge [sflag:s9], $0x8000  }
0xd3: {  	[sflag:s9] =	ssyncset.done $0x0  }
0xd4: {  	s0 =	rddreg [dreg:$0x6];
	[sflag:s9] =	ssyncadd.s32 $0xFFFF8000  }
0xd5: {  	[hbm4b:s0+s3] =	stream.linear.scatter [tilespmem:s25], [sflag:$0x3], $0x8000, $0x38;
	[tilespmem:$0x10080] =	vst v63  }
0xd6: {  	_ =	swait.ge [sflag:s8], $0x8000  }
0xd7: {  	[sflag:s8] =	ssyncset.done $0x0  }
0xd8: {  	[sflag:s8] =	ssyncadd.s32 $0xFFFF8000  }
0xd9: {  	_ =	swait.ge [sflag:s19], $0x8000  }
0xda: {  	p0 =	sne.s32 s7, $0x1;
	[sflag:s19] =	ssyncset.done $0x0  }
.Ltmp0:
0xdb: {  	s0 =	rddreg [dreg:$0x7];
	[sflag:s19] =	ssyncadd.s32 $0xFFFF8000;
	(pc) =	sbr.rel @p0 .LBB2_1-.Ltmp0, $4  }
0xdc: {  	[hbm4b:s0+s3] =	stream.linear.scatter [tilespmem:s18], [sflag:$0x3], $0x8000, $0x38;
	[tilespmem:$0x10080] =	vst v63  }
0xdd: {  	_ =	swait.ge [sflag:s8], $0x8000  }
0xde: {  	[sflag:s8] =	ssyncset.done $0x0  }
0xdf: {  	s7 =	sadd.s32 $0xFFFFFFFF, s7;
	[sflag:s8] =	ssyncadd.s32 $0xFFFF8000  }
0xe0: {  	_ =	sfence.sel $0x180000  }
0xe1: {  	[bflag:$0x0] =	sbarrier.arrive $0xFFFF  }
0xe2: {  	_ =	strace $0x90000050  }
0xe3: {  	s0 =	stileid.u32;
	[bflag:$0x2] =	sbarrier.arrive $0xFFFF  }
0xe4: {  	p0 =	sne.s32 s0, $0x0;
	s0 =	rddreg [dreg:$0x2]  }
0xe5: {  	s0 =	sadd.s32 @!p0 $0x100000, s0  }
0xe6: {  	[sflag:s0] =	ssyncadd.tile.s32 @!p0 $0x1;
	_ =	shalt  }
.Lfunc_end2:
_tile_overlayer_lowered:
.L_overlay_start_2:
0xe7: {  	(tag) =	ssettag $0x2  }
0xe8: {  	s0 =	rddreg [dreg:$0x0];
	s2 =	stileid.u32  }
0xe9: {  	s1 =	rddreg [dreg:$0x1];
	p0 =	sne.s32 s2, $0x0  }
0xea: {  	s3 =	rddreg [dreg:$0x2];
	[bflag:$0x3] =	sbarrier.arrive $0xFFFF;
	s2 =	simm.s32 @!p0 $0x1C03  }
0xeb: {  	[timem:s3], [sflag:s2] =	dma.local @!p0 [hbm:s0], s1  }
0xec: {  	s0 =	simm.s32 @!p0 $0x3  }
0xed: {  	_ =	swait.ge @!p0 [sflag:s0], s1  }
0xee: {  	s1 =	ssub.s32 @!p0 $0x0, s1;
	[sflag:s0] =	ssyncset.done @!p0 $0x0  }
0xef: {  	[sflag:s0] =	ssyncadd.s32 @!p0 s1  }
0xf0: {  	[bflag:$0x3] =	sbarrier.arrive $0xFFFF  }
0xf1: {  	_ =	shalt  }

// kernel: kernel.30.cloned.1.call-start
scs
__scs_entry_jumppad:
0x0: {  	(pc) =	sbr.rel $0x88, $3  }
0x1: {  	(tag) =	ssettag $0x0;
	lr =	simm.s32 $0x1  }
0x2: {  	[smem:$0x3F9B] =	sst lr;
	_ =	strace $0xD0000000  }
0x3: {  	_ = 	snop  }
0x4: {  	_ = 	snop  }
0x5: {  	_ = 	snop  }
0x6: {  	_ = 	snop  }
0x7: {  	_ = 	snop  }
__scs_overlays_trampoline_lowered:
0x8: {  	[smem:$0x3FAA] =	sst s0  }
0x9: {  	[smem:$0x3FAB] =	sst s1  }
0xa: {  	[smem:$0x3FAC] =	sst s2  }
0xb: {  	[smem:$0x3FAD] =	sst s3  }
0xc: {  	[smem:$0x3FAE] =	sst s4  }
0xd: {  	[smem:$0x3FAF] =	sst s5  }
0xe: {  	[smem:$0x3FB0] =	sst s6  }
0xf: {  	[smem:$0x3FB1] =	sst s7  }
0x10: {  	[smem:$0x3FB2] =	sst s8  }
0x11: {  	[smem:$0x3FB3] =	sst s9;
	s0 =	simm.s32 @!p0 $0x0  }
0x12: {  	s1 =	sld [smem:$0x3F99];
	s0 =	simm.s32 @p0 $0x1  }
0x13: {  	[smem:$0x3FB4] =	sst s0;
	s0 =	simm.s32 @!p1 $0x0  }
0x14: {  	s2 =	sld [smem:$0x3F98];
	s0 =	simm.s32 @p1 $0x1  }
0x15: {  	[smem:$0x3FB5] =	sst s0;
	s0 =	simm.s32 @!p2 $0x0  }
0x16: {  	s3 =	sld [smem:$0x3FDB];
	s0 =	simm.s32 @p2 $0x1  }
0x17: {  	s4 =	simm.s32 $0x1BF5;
	[smem:$0x3FB7] =	sst s0  }
0x18: {  	s0 =	sld [smem:$0x3F9A];
	_ =	swait.ge [sflag:s4], $0x0  }
0x19: {  	s7 =	sld [smem:$0x3F9B]  }
0x1a: {  	s8 =	sadd.s32 $0xFFFFE003, lr  }
0x1b: {  	s9 =	sadd.s32 $0xFFFFFEF7, lr;
	s5 =	simm.s32 $0xFFFFFFFF;
	p2 =	slt.u32 s8, $0xFFFFF086  }
0x1c: {  	p1 =	slt.u32 s9, $0xF7A;
	s5 =	simm.s32 @!p2 $0x0  }
0x1d: {  	s5 =	simm.s32 @p1 $0x1;
	p0 =	seq.s32 s7, s2  }
0x1e: {  	s7 =	smul.u32 @!p0 $0xF7A, s2;
	p2 =	seq.s32 @!p0 s5, $0x0  }
0x1f: {  	s9 =	smul.u32 $0xF7A, s1;
	s8 =	simm.s32 @!p0 $0x1BF5;
	p2 =	por !p2, p0  }
0x20: {  	[sflag:s8] =	ssyncset.s32 @!p0 $0xFFFFF086;
	s6 =	sadd.s32 @!p0 s3, s7;
	s7 =	simm.s32 @!p0 $0x108  }
0x21: {  	s3 =	sadd.s32 s3, s9;
	s6 =	sadd.s32 @!p0 $0x88, s6;
	s7 =	simm.s32 @p2 $0x1082  }
0x22: {  	[simem:s7], [sflag:s8] =	dma.local @!p0 [hbm:s6], $0xF7A  }
0x23: {  	s9 =	sor.u32 $0xD0000000, s2;
	s6 =	simm.s32 $0x108;
	_ =	swait.ge @!p0 [sflag:s8], $0x0  }
0x24: {  	s3 =	sadd.s32 $0x88, s3;
	s6 =	simm.s32 @!p1 $0x1082;
	[sflag:s4] =	ssyncset.s32 $0xFFFFF086  }
0x25: {  	[simem:s6], [sflag:s4] =	dma.local [hbm:s3], $0xF7A  }
0x26: {  	[smem:$0x3F9B] =	sst s1;
	(tag) =	ssettag s2;
	_ =	strace s9  }
0x27: {  	s1 =	sld [smem:$0x3FAB]  }
0x28: {  	s2 =	sld [smem:$0x3FAC]  }
0x29: {  	s4 =	sld [smem:$0x3FAE]  }
0x2a: {  	p0 =	seq.s32 s5, $0x0;
	s5 =	sld [smem:$0x3FAF]  }
0x2b: {  	s6 =	sld [smem:$0x3FB0]  }
0x2c: {  	s7 =	sld [smem:$0x3FB1]  }
0x2d: {  	s3 =	simm.s32 $0x108;
	s8 =	sld [smem:$0x3FB2]  }
0x2e: {  	s3 =	simm.s32 @!p0 $0x1082;
	s9 =	sld [smem:$0x3FB3]  }
0x2f: {  	lr =	sadd.s32 s0, s3;
	s0 =	sld [smem:$0x3FAA]  }
0x30: {  	s3 =	sld [smem:$0x3FAD]  }
0x31: {  	[smem:$0x3FB6] =	sst s10  }
0x32: {  	s10 =	sld [smem:$0x3FB4];
	_ =	sdelay $0x3  }
0x33: {  	p0 =	seq.s32 s10, $0x1;
	s10 =	sld [smem:$0x3FB6];
	_ =	sdelay $0x3  }
0x34: {  	[smem:$0x3FB6] =	sst s10  }
0x35: {  	s10 =	sld [smem:$0x3FB5];
	_ =	sdelay $0x3  }
0x36: {  	p1 =	seq.s32 s10, $0x1;
	s10 =	sld [smem:$0x3FB6];
	_ =	sdelay $0x3  }
0x37: {  	[smem:$0x3FB6] =	sst s10  }
0x38: {  	s10 =	sld [smem:$0x3FB7]  }
0x39: {  	_ = 	snop;
	(pc) =	sbr.ind lr, $3  }
0x3a: {  	_ = 	snop  }
0x3b: {  	_ = 	snop  }
0x3c: {  	p2 =	seq.s32 s10, $0x1;
	s10 =	sld [smem:$0x3FB6]  }
0x3d: {  	_ =	shalt  }
0x3e: {  	_ =	shalt  }
0x3f: {  	_ =	shalt  }
0x40: {  	_ =	shalt  }
0x41: {  	_ =	shalt  }
0x42: {  	_ =	shalt  }
0x43: {  	_ =	shalt  }
0x44: {  	_ =	shalt  }
0x45: {  	_ =	shalt  }
0x46: {  	_ =	shalt  }
0x47: {  	_ =	shalt  }
0x48: {  	_ =	shalt  }
0x49: {  	_ =	shalt  }
0x4a: {  	_ =	shalt  }
0x4b: {  	_ =	shalt  }
0x4c: {  	_ =	shalt  }
0x4d: {  	_ =	shalt  }
0x4e: {  	_ =	shalt  }
0x4f: {  	_ =	shalt  }
0x50: {  	_ =	shalt  }
0x51: {  	_ =	shalt  }
0x52: {  	_ =	shalt  }
0x53: {  	_ =	shalt  }
0x54: {  	_ =	shalt  }
0x55: {  	_ =	shalt  }
0x56: {  	_ =	shalt  }
0x57: {  	_ =	shalt  }
0x58: {  	_ =	shalt  }
0x59: {  	_ =	shalt  }
0x5a: {  	_ =	shalt  }
0x5b: {  	_ =	shalt  }
0x5c: {  	_ =	shalt  }
0x5d: {  	_ =	shalt  }
0x5e: {  	_ =	shalt  }
0x5f: {  	_ =	shalt  }
0x60: {  	_ =	shalt  }
0x61: {  	_ =	shalt  }
0x62: {  	_ =	shalt  }
0x63: {  	_ =	shalt  }
0x64: {  	_ =	shalt  }
0x65: {  	_ =	shalt  }
0x66: {  	_ =	shalt  }
0x67: {  	_ =	shalt  }
0x68: {  	_ =	shalt  }
0x69: {  	_ =	shalt  }
0x6a: {  	_ =	shalt  }
0x6b: {  	_ =	shalt  }
0x6c: {  	_ =	shalt  }
0x6d: {  	_ =	shalt  }
0x6e: {  	_ =	shalt  }
0x6f: {  	_ =	shalt  }
0x70: {  	_ =	shalt  }
0x71: {  	_ =	shalt  }
0x72: {  	_ =	shalt  }
0x73: {  	_ =	shalt  }
0x74: {  	_ =	shalt  }
0x75: {  	_ =	shalt  }
0x76: {  	_ =	shalt  }
0x77: {  	_ =	shalt  }
0x78: {  	_ =	shalt  }
0x79: {  	_ =	shalt  }
0x7a: {  	_ =	shalt  }
0x7b: {  	_ =	shalt  }
0x7c: {  	_ =	shalt  }
0x7d: {  	_ =	shalt  }
0x7e: {  	_ =	shalt  }
0x7f: {  	_ =	shalt  }
0x80: {  	_ =	shalt  }
0x81: {  	_ =	shalt  }
0x82: {  	_ =	shalt  }
0x83: {  	_ =	shalt  }
0x84: {  	_ =	shalt  }
0x85: {  	_ =	shalt  }
0x86: {  	_ =	shalt  }
0x87: {  	_ =	shalt  }
.Lfunc_end0:
.L_simem_size_0:
called_computation.4_lowered:
.L_overlay_start_0:
0x88: {  	s2 =	sld [smem:$0x3FD9]  }
0x89: {  	s3 =	sld [smem:$0x3FFE];
	_ =	sdelay $0x1  }
0x8a: {  	s1 =	srdreg.scid  }
0x8b: {  	s0 =	sand.u32 $0x1, s1  }
0x8c: {  	s17 =	sshll.u32 s0, $0xA;
	s2 =	sadd.s32 s3, s2  }
0x8d: {  	s2 =	sadd.s32 s2, s17  }
0x8e: {  	[smem:$0x3FC2] =	sst s2  }
0x8f: {  	_ = 	snop  }
0x90: {  	s18 =	sld [smem:$0x3FC6];
	(tm) =	ssettm $0x1  }
0x91: {  	s19 =	sld [smem:$0x3FFB];
	_ =	sdelay $0x3  }
0x92: {  	_ =	strace s19  }
0x93: {  	s2 =	sld [smem:$0x3FFC];
	_ =	sdelay $0x3  }
0x94: {  	_ =	strace s2  }
0x95: {  	s2 =	sld [smem:$0x3FFD];
	_ =	sdelay $0x3  }
0x96: {  	_ =	strace s2  }
0x97: {  	_ =	strace $0x8FFFFFFF  }
0x98: {  	s20 =	sld [smem:$0x3FDB];
	_ =	sdelay $0x1  }
0x99: {  	s4 =	simm.s32 $_scs_section_size  }
0x9a: {  	s5 =	simm.s32 $_size__tile_overlayer_lowered;
	s6 =	simm.s32 $_tile_overlayer_lowered  }
0x9b: {  	s7 =	simm.s32 $0x1BFF;
	s21 =	sshll.u32 s6, $0x1;
	s4 =	sadd.s32 s4, s20  }
0x9c: {  	s22 =	simm.s32 $0x0;
	s5 =	sshll.u32 s5, $0x1;
	s6 =	sadd.s32 s21, s4  }
0x9d: {  	[timem:s22], [sflag:s7] =	dma.local [hbm:s6], s5  }
0x9e: {  	_ =	swait.ge [sflag:s7], s5  }
0x9f: {  	s5 =	ssub.s32 $0x0, s5;
	[sflag:s7] =	ssyncset.done $0x0  }
0xa0: {  	[sflag:s7] =	ssyncadd.s32 s5;
	_ =	sdelay $0x1  }
0xa1: {  	s23 =	simm.s32 $0x1B8B  }
0xa2: {  	_ =	swait.ge [sflag:s23], $0x1  }
0xa3: {  	[sflag:s23] =	ssyncset.done $0x0  }
0xa4: {  	[sflag:s23] =	ssyncadd.s32 $0xFFFFFFFF  }
0xa5: {  	s5 =	sld [smem:$0x0]  }
0xa6: {  	s6 =	sand.u32 $0xFFFFFFFE, s1  }
0xa7: {  	p0 =	sne.s32 s1, s6  }
0xa8: {  	s6 =	sshll.u32 @p0 s6, $0xE  }
0xa9: {  	s6 =	sadd.s32 @p0 $0x11B8D, s6;
	s7 =	sshll.u32 @p0 s5, $0x11  }
0xaa: {  	s6 =	sor.u32 @p0 s7, s6  }
0xab: {  	[sflag:s6] =	ssyncadd.remote.s32 @p0 $0x1;
	_ =	sdelay $0x1  }
0xac: {  	s6 =	simm.s32 @p0 $0x1B8D  }
0xad: {  	_ =	swait.eq @p0 [sflag:s6], $0x1  }
0xae: {  	[sflag:s6] =	ssyncadd.s32 @p0 $0xFFFFFFFF  }
0xaf: {  	s7 =	sshll.u32 @!p0 s1, $0xE  }
0xb0: {  	s7 =	sor.u32 @!p0 $0x4000, s7;
	s6 =	simm.s32 @!p0 $0x1B8D  }
0xb1: {  	s5 =	sshll.u32 @!p0 s5, $0x11;
	s7 =	sadd.s32 @!p0 $0x11B8D, s7;
	_ =	swait.eq @!p0 [sflag:s6], $0x1  }
0xb2: {  	s5 =	sor.u32 @!p0 s5, s7;
	[sflag:s6] =	ssyncadd.s32 @!p0 $0xFFFFFFFF  }
0xb3: {  	s25 =	simm.s32 $0x1B8E;
	s24 =	sld [smem:$0x3FFE];
	[sflag:s5] =	ssyncadd.remote.s32 @!p0 $0x1  }
0xb4: {  	s26 =	simm.s32 $execute0_lowered;
	[smem:$0x3FD2] =	sst s25  }
0xb5: {  	s6 =	sshll.u32 s26, $0x1;
	_ =	strace $0x80000052;
	[dreg:$0x1] =	wrdreg $0xFFFFFFFF  }
0xb6: {  	s28 =	simm.s32 $_size_execute0_lowered;
	s4 =	sadd.s32 s4, s6;
	[dreg:$0x0] =	wrdreg $0x0  }
0xb7: {  	s6 =	sshll.u32 s28, $0x1;
	[dreg:$0x2] =	wrdreg s4  }
0xb8: {  	[dreg:$0x3] =	wrdreg s6  }
0xb9: {  	[dreg:$0x4] =	wrdreg $0xC0  }
0xba: {  	_ =	task [dreg:s22], $0x5FFFF  }
0xbb: {  	[dreg:$0x1] =	wrdreg $0xFFFFFFFF  }
0xbc: {  	[dreg:$0x0] =	wrdreg $0x60  }
0xbd: {  	[dreg:$0x2] =	wrdreg s18  }
0xbe: {  	[dreg:$0x3] =	wrdreg s24  }
0xbf: {  	[dreg:$0x4] =	wrdreg $0xD  }
0xc0: {  	_ =	task.clear_ibuf [dreg:s22], $0x5FFFF;
	_ =	strace $0x90000052  }
0xc1: {  	s29 =	simm.s32 $0xD;
	_ =	strace $0x80000054  }
0xc2: {  	_ =	swait.ge [sflag:s29], $0x1  }
0xc3: {  	[sflag:s29] =	ssyncadd.s32 $0xFFFFFFFF  }
0xc4: {  	_ =	strace $0x90000054  }
0xc5: {  	_ =	sfence  }
0xc6: {  	s30 =	sld [smem:$0x0];
	_ =	sdelay $0x2  }
0xc7: {  	s31 =	sshll.u32 s1, $0xD;
	s1 =	sshrl.u32 s1, $0x2  }
0xc8: {  	s4 =	sand.u32 $0x4000, s31;
	s1 =	sadd.s32 s1, s30  }
0xc9: {  	s0 =	sor.u32 s4, s0;
	s1 =	sshll.u32 s1, $0x11  }
0xca: {  	s0 =	sor.u32 s1, s0  }
0xcb: {  	s0 =	sadd.s32 $0x8F2B, s0  }
0xcc: {  	[sflag:s0] =	ssyncadd.remote.s32 $0x1  }
0xcd: {  	_ =	sfence.sel $0xFFFF  }
0xce: {  	[dreg:$0x0] =	wrdreg $0xFFFFFFFF;
	(pc) =	sbr.abs _section_cstart, $3  }
0xcf: {  	[dreg:$0x1] =	wrdreg $0xFFFFFFFF  }
0xd0: {  	_ =	task.clear_ibuf [dreg:s22], $0x2FFFF;
	_ =	strace $0x9FFFFFFF  }
0xd1: {  	(tm) =	ssettm $0x7FFFFFFF  }
tec
execute0_lowered:
.L_overlay_start_1:
0x0: {  	(tag) =	ssettag $0x1  }
0x1: {  	s2 =	rddreg [dreg:$0x0]  }
0x2: {  	s0 =	rddreg [dreg:$0x1]  }
0x3: {  	s1 =	srdreg.scid;
	s4 =	stileid.u32  }
0x4: {  	s3 =	simm.s32 $0x0;
	s9 =	simm.s32 $0x1;
	s19 =	simm.s32 $0x2  }
0x5: {  	s21 =	simm.s32 $0x880;
	s22 =	simm.s32 $0x1080;
	s23 =	simm.s32 $0x1880  }
0x6: {  	s24 =	simm.s32 $0x2080;
	s28 =	simm.s32 $0x3080;
	s29 =	simm.s32 $0x3880  }
0x7: {  	s30 =	simm.s32 $0x4080;
	s31 =	simm.s32 $0x4880;
	s10 =	simm.s32 $0x6080  }
0x8: {  	s11 =	simm.s32 $0x6880;
	s12 =	simm.s32 $0x7080;
	s13 =	simm.s32 $0x7880  }
0x9: {  	s18 =	simm.s32 $0x8080;
	s14 =	simm.s32 $0x8880;
	s1 =	sand.u32 $0x1, s1  }
0xa: {  	s15 =	simm.s32 $0x9080;
	s4 =	sshll.u32 s4, $0x8;
	s5 =	sshll.u32 s1, $0x7  }
0xb: {  	s16 =	simm.s32 $0x9880;
	[smem:$0x7FF] =	sst s3;
	s4 =	sor.u32 s5, s4  }
0xc: {  	s17 =	simm.s32 $0xA080;
	_ =	strace $0x80000053;
	s5 =	sshrl.u32 s4, $0x3  }
0xd: {  	s1 =	ssub.s32 $0x2, s1;
	s4 =	sshll.u32 s4, $0x7;
	s5 =	sadd.s32 s5, s0  }
0xe: {  	s6 =	sshrl.u32 s1, $0x1;
	s0 =	sadd.s32 s4, s0;
	s25 =	sadd.s32 $0x3000, s5  }
0xf: {  	s1 =	ssub.s32 s1, s6;
	s26 =	sadd.s32 $0x203800, s0;
	[dreg:$0x3] =	wrdreg s25  }
0x10: {  	s6 =	sadd.s32 $0x300, s2;
	s7 =	sadd.s32 $0x204800, s0;
	[dreg:$0x4] =	wrdreg s26  }
0x11: {  	s4 =	sadd.s32 $0x100, s2;
	s8 =	sadd.s32 $0x205800, s0;
	[dreg:$0x5] =	wrdreg s7  }
0x12: {  	v2 =	vlaneseq.u32;
	s5 =	sadd.s32 $0x200, s2;
	s0 =	sadd.s32 $0x206800, s0;
	[dreg:$0x6] =	wrdreg s8  }
0x13: {  	vm0 =	vmmov $0xffff;
	v1 =	vshrl.u32 v2, $0x3;
	s7 =	smax.u32 s1, $0x1;
	[dreg:$0x7] =	wrdreg s0;
	s8 =	simm.s32 $0x3  }
0x14: {  	v0 =	vand.u32 $0x7, v2;
	v2 =	vor.u32 $0x8, v2;
	v1 =	vmul.u32 $0x8, v1;
	s25 =	simm.s32 $0x80;
	s26 =	simm.s32 $0x2880;
	s1 =	simm.s32 $0x5880  }
.LBB2_1:
0x15: {  	s20 =	rddreg [dreg:$0x3]  }
0x16: {  	[tilespmem:s3], [sflag:$0x3] =	stream.linear.gather [hbm4b:s20+s3], $0x80, $0x38;
	[tilespmem:$0x10080] =	vst v63  }
0x17: {  	_ =	swait.ge [sflag:s8], $0x80  }
0x18: {  	[sflag:s8] =	ssyncset.done $0x0  }
0x19: {  	[sflag:s8] =	ssyncadd.s32 $0xFFFFFF80  }
0x1a: {  	v3 =	vld [tilespmem:$0x0];
	_ =	sdelay $0x4  }
0x1b: {  	v4 =	vshll.u32 v3, $0x3  }
0x1c: {  	v3 =	vand.u32 $0x7, v3;
	v4 =	vand.u32 $0xFFFFFFC0, v4  }
0x1d: {  	v3 =	vor.u32 v3, v4  }
0x1e: {  	v4 =	vperm.xlane v3, v0;
	_ =	sdelay $0x1  }
0x1f: {  	v4 =	vadd.s32 v1, v4;
	_ =	sdelay $0x4  }
0x20: {  	[tilespmem:s25], [sflag:$0x1] =	stream.indirect_vreg.gather [hbm4b:s2+s3], $0x80, v4, vm0, $0xb8;
	[tilespmem:$0x10080] =	vst v63  }
0x21: {  	v3 =	vperm.xlane v3, v2  }
0x22: {  	[tilespmem:s21], [sflag:$0x1] =	stream.indirect_vreg.gather [hbm4b:s4+s3], $0x80, v4, vm0, $0xb8;
	[tilespmem:$0x10080] =	vst v63  }
0x23: {  	v3 =	vadd.s32 v1, v3  }
0x24: {  	[tilespmem:s22], [sflag:$0x1] =	stream.indirect_vreg.gather [hbm4b:s5+s3], $0x80, v4, vm0, $0xb8;
	[tilespmem:$0x10080] =	vst v63  }
0x25: {  	_ = 	snop  }
0x26: {  	[tilespmem:s23], [sflag:$0x1] =	stream.indirect_vreg.gather [hbm4b:s6+s3], $0x80, v4, vm0, $0xb8;
	[tilespmem:$0x10080] =	vst v63  }
0x27: {  	_ = 	snop  }
0x28: {  	[tilespmem:s24], [sflag:$0x1] =	stream.indirect_vreg.gather [hbm4b:s2+s3], $0x80, v3, vm0, $0xb8;
	[tilespmem:$0x10080] =	vst v63  }
0x29: {  	_ = 	snop  }
0x2a: {  	[tilespmem:s26], [sflag:$0x1] =	stream.indirect_vreg.gather [hbm4b:s4+s3], $0x80, v3, vm0, $0xb8;
	[tilespmem:$0x10080] =	vst v63  }
0x2b: {  	_ = 	snop  }
0x2c: {  	[tilespmem:s28], [sflag:$0x1] =	stream.indirect_vreg.gather [hbm4b:s5+s3], $0x80, v3, vm0, $0xb8;
	[tilespmem:$0x10080] =	vst v63  }
0x2d: {  	_ = 	snop  }
0x2e: {  	[tilespmem:s29], [sflag:$0x1] =	stream.indirect_vreg.gather [hbm4b:s6+s3], $0x80, v3, vm0, $0xb8;
	[tilespmem:$0x10080] =	vst v63  }
0x2f: {  	v3 =	vld [tilespmem:$0x10];
	_ =	sdelay $0x4  }
0x30: {  	v57 =	vshll.u32 v3, $0x3  }
0x31: {  	v3 =	vand.u32 $0x7, v3;
	v4 =	vand.u32 $0xFFFFFFC0, v57  }
0x32: {  	v3 =	vor.u32 v3, v4  }
0x33: {  	v4 =	vperm.xlane v3, v0;
	_ =	sdelay $0x1  }
0x34: {  	v4 =	vadd.s32 v1, v4;
	_ =	sdelay $0x4  }
0x35: {  	[tilespmem:s30], [sflag:$0x1] =	stream.indirect_vreg.gather [hbm4b:s2+s3], $0x80, v4, vm0, $0xb8;
	[tilespmem:$0x10080] =	vst v63  }
0x36: {  	v3 =	vperm.xlane v3, v2  }
0x37: {  	[tilespmem:s31], [sflag:$0x1] =	stream.indirect_vreg.gather [hbm4b:s4+s3], $0x80, v4, vm0, $0xb8;
	[tilespmem:$0x10080] =	vst v63  }
0x38: {  	s0 =	simm.s32 $0x5080;
	v3 =	vadd.s32 v1, v3  }
0x39: {  	[tilespmem:s0], [sflag:$0x1] =	stream.indirect_vreg.gather [hbm4b:s5+s3], $0x80, v4, vm0, $0xb8;
	[tilespmem:$0x10080] =	vst v63  }
0x3a: {  	_ = 	snop  }
0x3b: {  	[tilespmem:s1], [sflag:$0x1] =	stream.indirect_vreg.gather [hbm4b:s6+s3], $0x80, v4, vm0, $0xb8;
	[tilespmem:$0x10080] =	vst v63  }
0x3c: {  	_ = 	snop  }
0x3d: {  	[tilespmem:s10], [sflag:$0x1] =	stream.indirect_vreg.gather [hbm4b:s2+s3], $0x80, v3, vm0, $0xb8;
	[tilespmem:$0x10080] =	vst v63  }
0x3e: {  	_ = 	snop  }
0x3f: {  	[tilespmem:s11], [sflag:$0x1] =	stream.indirect_vreg.gather [hbm4b:s4+s3], $0x80, v3, vm0, $0xb8;
	[tilespmem:$0x10080] =	vst v63  }
0x40: {  	_ = 	snop  }
0x41: {  	[tilespmem:s12], [sflag:$0x1] =	stream.indirect_vreg.gather [hbm4b:s5+s3], $0x80, v3, vm0, $0xb8;
	[tilespmem:$0x10080] =	vst v63  }
0x42: {  	_ = 	snop  }
0x43: {  	[tilespmem:s13], [sflag:$0x1] =	stream.indirect_vreg.gather [hbm4b:s6+s3], $0x80, v3, vm0, $0xb8;
	[tilespmem:$0x10080] =	vst v63  }
0x44: {  	v3 =	vld [tilespmem:$0x20];
	_ =	sdelay $0x4  }
0x45: {  	v58 =	vshll.u32 v3, $0x3  }
0x46: {  	v3 =	vand.u32 $0x7, v3;
	v4 =	vand.u32 $0xFFFFFFC0, v58  }
0x47: {  	v3 =	vor.u32 v3, v4  }
0x48: {  	v4 =	vperm.xlane v3, v0;
	_ =	sdelay $0x1  }
0x49: {  	v4 =	vadd.s32 v1, v4;
	_ =	sdelay $0x4  }
0x4a: {  	[tilespmem:s18], [sflag:$0x2] =	stream.indirect_vreg.gather [hbm4b:s2+s3], $0x80, v4, vm0, $0xb8;
	[tilespmem:$0x10080] =	vst v63  }
0x4b: {  	v3 =	vperm.xlane v3, v2  }
0x4c: {  	[tilespmem:s14], [sflag:$0x2] =	stream.indirect_vreg.gather [hbm4b:s4+s3], $0x80, v4, vm0, $0xb8;
	[tilespmem:$0x10080] =	vst v63  }
0x4d: {  	v3 =	vadd.s32 v1, v3  }
0x4e: {  	[tilespmem:s15], [sflag:$0x2] =	stream.indirect_vreg.gather [hbm4b:s5+s3], $0x80, v4, vm0, $0xb8;
	[tilespmem:$0x10080] =	vst v63  }
0x4f: {  	_ = 	snop  }
0x50: {  	[tilespmem:s16], [sflag:$0x2] =	stream.indirect_vreg.gather [hbm4b:s6+s3], $0x80, v4, vm0, $0xb8;
	[tilespmem:$0x10080] =	vst v63  }
0x51: {  	_ = 	snop  }
0x52: {  	[tilespmem:s17], [sflag:$0x2] =	stream.indirect_vreg.gather [hbm4b:s2+s3], $0x80, v3, vm0, $0xb8;
	[tilespmem:$0x10080] =	vst v63  }
0x53: {  	s20 =	simm.s32 $0xA880  }
0x54: {  	[tilespmem:s20], [sflag:$0x2] =	stream.indirect_vreg.gather [hbm4b:s4+s3], $0x80, v3, vm0, $0xb8;
	[tilespmem:$0x10080] =	vst v63  }
0x55: {  	s20 =	simm.s32 $0xB080  }
0x56: {  	[tilespmem:s20], [sflag:$0x2] =	stream.indirect_vreg.gather [hbm4b:s5+s3], $0x80, v3, vm0, $0xb8;
	[tilespmem:$0x10080] =	vst v63  }
0x57: {  	s20 =	simm.s32 $0xB880  }
0x58: {  	[tilespmem:s20], [sflag:$0x2] =	stream.indirect_vreg.gather [hbm4b:s6+s3], $0x80, v3, vm0, $0xb8;
	[tilespmem:$0x10080] =	vst v63  }
0x59: {  	v3 =	vld [tilespmem:$0x30];
	_ =	sdelay $0x4  }
0x5a: {  	v59 =	vshll.u32 v3, $0x3  }
0x5b: {  	v3 =	vand.u32 $0x7, v3;
	v4 =	vand.u32 $0xFFFFFFC0, v59  }
0x5c: {  	v3 =	vor.u32 v3, v4  }
0x5d: {  	v4 =	vperm.xlane v3, v0;
	_ =	sdelay $0x1  }
0x5e: {  	v4 =	vadd.s32 v1, v4;
	_ =	sdelay $0x3  }
0x5f: {  	s20 =	simm.s32 $0xC080  }
0x60: {  	[tilespmem:s20], [sflag:$0x2] =	stream.indirect_vreg.gather [hbm4b:s2+s3], $0x80, v4, vm0, $0xb8;
	[tilespmem:$0x10080] =	vst v63  }
0x61: {  	v3 =	vperm.xlane v3, v2;
	s20 =	simm.s32 $0xC880  }
0x62: {  	[tilespmem:s20], [sflag:$0x2] =	stream.indirect_vreg.gather [hbm4b:s4+s3], $0x80, v4, vm0, $0xb8;
	[tilespmem:$0x10080] =	vst v63  }
0x63: {  	v3 =	vadd.s32 v1, v3;
	s20 =	simm.s32 $0xD080  }
0x64: {  	[tilespmem:s20], [sflag:$0x2] =	stream.indirect_vreg.gather [hbm4b:s5+s3], $0x80, v4, vm0, $0xb8;
	[tilespmem:$0x10080] =	vst v63  }
0x65: {  	s20 =	simm.s32 $0xD880  }
0x66: {  	[tilespmem:s20], [sflag:$0x2] =	stream.indirect_vreg.gather [hbm4b:s6+s3], $0x80, v4, vm0, $0xb8;
	[tilespmem:$0x10080] =	vst v63  }
0x67: {  	s20 =	simm.s32 $0xE080  }
0x68: {  	[tilespmem:s20], [sflag:$0x2] =	stream.indirect_vreg.gather [hbm4b:s2+s3], $0x80, v3, vm0, $0xb8;
	[tilespmem:$0x10080] =	vst v63  }
0x69: {  	s20 =	simm.s32 $0xE880  }
0x6a: {  	[tilespmem:s20], [sflag:$0x2] =	stream.indirect_vreg.gather [hbm4b:s4+s3], $0x80, v3, vm0, $0xb8;
	[tilespmem:$0x10080] =	vst v63  }
0x6b: {  	s20 =	simm.s32 $0xF080  }
0x6c: {  	[tilespmem:s20], [sflag:$0x2] =	stream.indirect_vreg.gather [hbm4b:s5+s3], $0x80, v3, vm0, $0xb8;
	[tilespmem:$0x10080] =	vst v63  }
0x6d: {  	s20 =	simm.s32 $0xF880  }
0x6e: {  	[tilespmem:s20], [sflag:$0x2] =	stream.indirect_vreg.gather [hbm4b:s6+s3], $0x80, v3, vm0, $0xb8;
	[tilespmem:$0x10080] =	vst v63  }
0x6f: {  	_ =	swait.ge [sflag:s9], $0x8000  }
0x70: {  	[sflag:s9] =	ssyncset.done $0x0  }
0x71: {  	s20 =	rddreg [dreg:$0x4];
	[sflag:s9] =	ssyncadd.s32 $0xFFFF8000  }
0x72: {  	[hbm4b:s20+s3] =	stream.linear.scatter [tilespmem:s25], [sflag:$0x3], $0x8000, $0x38;
	[tilespmem:$0x10080] =	vst v63  }
0x73: {  	_ =	swait.ge [sflag:s8], $0x8000  }
0x74: {  	[sflag:s8] =	ssyncset.done $0x0  }
0x75: {  	[sflag:s8] =	ssyncadd.s32 $0xFFFF8000  }
0x76: {  	v3 =	vld [tilespmem:$0x40];
	_ =	sdelay $0x4  }
0x77: {  	v60 =	vshll.u32 v3, $0x3  }
0x78: {  	v3 =	vand.u32 $0x7, v3;
	v4 =	vand.u32 $0xFFFFFFC0, v60  }
0x79: {  	v3 =	vor.u32 v3, v4  }
0x7a: {  	v4 =	vperm.xlane v3, v0;
	_ =	sdelay $0x1  }
0x7b: {  	v4 =	vadd.s32 v1, v4;
	_ =	sdelay $0x4  }
0x7c: {  	[tilespmem:s25], [sflag:$0x1] =	stream.indirect_vreg.gather [hbm4b:s2+s3], $0x80, v4, vm0, $0xb8;
	[tilespmem:$0x10080] =	vst v63  }
0x7d: {  	v3 =	vperm.xlane v3, v2  }
0x7e: {  	[tilespmem:s21], [sflag:$0x1] =	stream.indirect_vreg.gather [hbm4b:s4+s3], $0x80, v4, vm0, $0xb8;
	[tilespmem:$0x10080] =	vst v63  }
0x7f: {  	v3 =	vadd.s32 v1, v3  }
0x80: {  	[tilespmem:s22], [sflag:$0x1] =	stream.indirect_vreg.gather [hbm4b:s5+s3], $0x80, v4, vm0, $0xb8;
	[tilespmem:$0x10080] =	vst v63  }
0x81: {  	_ = 	snop  }
0x82: {  	[tilespmem:s23], [sflag:$0x1] =	stream.indirect_vreg.gather [hbm4b:s6+s3], $0x80, v4, vm0, $0xb8;
	[tilespmem:$0x10080] =	vst v63  }
0x83: {  	_ = 	snop  }
0x84: {  	[tilespmem:s24], [sflag:$0x1] =	stream.indirect_vreg.gather [hbm4b:s2+s3], $0x80, v3, vm0, $0xb8;
	[tilespmem:$0x10080] =	vst v63  }
0x85: {  	_ = 	snop  }
0x86: {  	[tilespmem:s26], [sflag:$0x1] =	stream.indirect_vreg.gather [hbm4b:s4+s3], $0x80, v3, vm0, $0xb8;
	[tilespmem:$0x10080] =	vst v63  }
0x87: {  	_ = 	snop  }
0x88: {  	[tilespmem:s28], [sflag:$0x1] =	stream.indirect_vreg.gather [hbm4b:s5+s3], $0x80, v3, vm0, $0xb8;
	[tilespmem:$0x10080] =	vst v63  }
0x89: {  	_ = 	snop  }
0x8a: {  	[tilespmem:s29], [sflag:$0x1] =	stream.indirect_vreg.gather [hbm4b:s6+s3], $0x80, v3, vm0, $0xb8;
	[tilespmem:$0x10080] =	vst v63  }
0x8b: {  	v3 =	vld [tilespmem:$0x50];
	_ =	sdelay $0x4  }
0x8c: {  	v61 =	vshll.u32 v3, $0x3  }
0x8d: {  	v3 =	vand.u32 $0x7, v3;
	v4 =	vand.u32 $0xFFFFFFC0, v61  }
0x8e: {  	v3 =	vor.u32 v3, v4  }
0x8f: {  	v4 =	vperm.xlane v3, v0;
	_ =	sdelay $0x1  }
0x90: {  	v4 =	vadd.s32 v1, v4;
	_ =	sdelay $0x4  }
0x91: {  	[tilespmem:s30], [sflag:$0x1] =	stream.indirect_vreg.gather [hbm4b:s2+s3], $0x80, v4, vm0, $0xb8;
	[tilespmem:$0x10080] =	vst v63  }
0x92: {  	v3 =	vperm.xlane v3, v2  }
0x93: {  	[tilespmem:s31], [sflag:$0x1] =	stream.indirect_vreg.gather [hbm4b:s4+s3], $0x80, v4, vm0, $0xb8;
	[tilespmem:$0x10080] =	vst v63  }
0x94: {  	v3 =	vadd.s32 v1, v3  }
0x95: {  	[tilespmem:s0], [sflag:$0x1] =	stream.indirect_vreg.gather [hbm4b:s5+s3], $0x80, v4, vm0, $0xb8;
	[tilespmem:$0x10080] =	vst v63  }
0x96: {  	_ = 	snop  }
0x97: {  	[tilespmem:s1], [sflag:$0x1] =	stream.indirect_vreg.gather [hbm4b:s6+s3], $0x80, v4, vm0, $0xb8;
	[tilespmem:$0x10080] =	vst v63  }
0x98: {  	_ = 	snop  }
0x99: {  	[tilespmem:s10], [sflag:$0x1] =	stream.indirect_vreg.gather [hbm4b:s2+s3], $0x80, v3, vm0, $0xb8;
	[tilespmem:$0x10080] =	vst v63  }
0x9a: {  	_ = 	snop  }
0x9b: {  	[tilespmem:s11], [sflag:$0x1] =	stream.indirect_vreg.gather [hbm4b:s4+s3], $0x80, v3, vm0, $0xb8;
	[tilespmem:$0x10080] =	vst v63  }
0x9c: {  	_ = 	snop  }
0x9d: {  	[tilespmem:s12], [sflag:$0x1] =	stream.indirect_vreg.gather [hbm4b:s5+s3], $0x80, v3, vm0, $0xb8;
	[tilespmem:$0x10080] =	vst v63  }
0x9e: {  	_ = 	snop  }
0x9f: {  	[tilespmem:s13], [sflag:$0x1] =	stream.indirect_vreg.gather [hbm4b:s6+s3], $0x80, v3, vm0, $0xb8;
	[tilespmem:$0x10080] =	vst v63  }
0xa0: {  	_ =	swait.ge [sflag:s19], $0x8000  }
0xa1: {  	[sflag:s19] =	ssyncset.done $0x0  }
0xa2: {  	s0 =	rddreg [dreg:$0x5];
	[sflag:s19] =	ssyncadd.s32 $0xFFFF8000  }
0xa3: {  	[hbm4b:s0+s3] =	stream.linear.scatter [tilespmem:s18], [sflag:$0x3], $0x8000, $0x38;
	[tilespmem:$0x10080] =	vst v63  }
0xa4: {  	_ =	swait.ge [sflag:s8], $0x8000  }
0xa5: {  	[sflag:s8] =	ssyncset.done $0x0  }
0xa6: {  	[sflag:s8] =	ssyncadd.s32 $0xFFFF8000  }
0xa7: {  	v3 =	vld [tilespmem:$0x60];
	_ =	sdelay $0x4  }
0xa8: {  	v62 =	vshll.u32 v3, $0x3  }
0xa9: {  	v3 =	vand.u32 $0x7, v3;
	v4 =	vand.u32 $0xFFFFFFC0, v62  }
0xaa: {  	v3 =	vor.u32 v3, v4  }
0xab: {  	v4 =	vperm.xlane v3, v0;
	_ =	sdelay $0x1  }
0xac: {  	v4 =	vadd.s32 v1, v4;
	_ =	sdelay $0x4  }
0xad: {  	[tilespmem:s18], [sflag:$0x2] =	stream.indirect_vreg.gather [hbm4b:s2+s3], $0x80, v4, vm0, $0xb8;
	[tilespmem:$0x10080] =	vst v63  }
0xae: {  	v3 =	vperm.xlane v3, v2  }
0xaf: {  	[tilespmem:s14], [sflag:$0x2] =	stream.indirect_vreg.gather [hbm4b:s4+s3], $0x80, v4, vm0, $0xb8;
	[tilespmem:$0x10080] =	vst v63  }
0xb0: {  	v3 =	vadd.s32 v1, v3  }
0xb1: {  	[tilespmem:s15], [sflag:$0x2] =	stream.indirect_vreg.gather [hbm4b:s5+s3], $0x80, v4, vm0, $0xb8;
	[tilespmem:$0x10080] =	vst v63  }
0xb2: {  	_ = 	snop  }
0xb3: {  	[tilespmem:s16], [sflag:$0x2] =	stream.indirect_vreg.gather [hbm4b:s6+s3], $0x80, v4, vm0, $0xb8;
	[tilespmem:$0x10080] =	vst v63  }
0xb4: {  	_ = 	snop  }
0xb5: {  	[tilespmem:s17], [sflag:$0x2] =	stream.indirect_vreg.gather [hbm4b:s2+s3], $0x80, v3, vm0, $0xb8;
	[tilespmem:$0x10080] =	vst v63  }
0xb6: {  	s20 =	simm.s32 $0xA880  }
0xb7: {  	[tilespmem:s20], [sflag:$0x2] =	stream.indirect_vreg.gather [hbm4b:s4+s3], $0x80, v3, vm0, $0xb8;
	[tilespmem:$0x10080] =	vst v63  }
0xb8: {  	s20 =	simm.s32 $0xB080  }
0xb9: {  	[tilespmem:s20], [sflag:$0x2] =	stream.indirect_vreg.gather [hbm4b:s5+s3], $0x80, v3, vm0, $0xb8;
	[tilespmem:$0x10080] =	vst v63  }
0xba: {  	s20 =	simm.s32 $0xB880  }
0xbb: {  	[tilespmem:s20], [sflag:$0x2] =	stream.indirect_vreg.gather [hbm4b:s6+s3], $0x80, v3, vm0, $0xb8;
	[tilespmem:$0x10080] =	vst v63  }
0xbc: {  	v3 =	vld [tilespmem:$0x70];
	_ =	sdelay $0x4  }
0xbd: {  	v63 =	vshll.u32 v3, $0x3  }
0xbe: {  	v3 =	vand.u32 $0x7, v3;
	v4 =	vand.u32 $0xFFFFFFC0, v63  }
0xbf: {  	v3 =	vor.u32 v3, v4  }
0xc0: {  	v4 =	vperm.xlane v3, v0;
	_ =	sdelay $0x1  }
0xc1: {  	v4 =	vadd.s32 v1, v4;
	_ =	sdelay $0x3  }
0xc2: {  	s20 =	simm.s32 $0xC080  }
0xc3: {  	[tilespmem:s20], [sflag:$0x2] =	stream.indirect_vreg.gather [hbm4b:s2+s3], $0x80, v4, vm0, $0xb8;
	[tilespmem:$0x10080] =	vst v63  }
0xc4: {  	v3 =	vperm.xlane v3, v2;
	s20 =	simm.s32 $0xC880  }
0xc5: {  	[tilespmem:s20], [sflag:$0x2] =	stream.indirect_vreg.gather [hbm4b:s4+s3], $0x80, v4, vm0, $0xb8;
	[tilespmem:$0x10080] =	vst v63  }
0xc6: {  	v3 =	vadd.s32 v1, v3;
	s20 =	simm.s32 $0xD080  }
0xc7: {  	[tilespmem:s20], [sflag:$0x2] =	stream.indirect_vreg.gather [hbm4b:s5+s3], $0x80, v4, vm0, $0xb8;
	[tilespmem:$0x10080] =	vst v63  }
0xc8: {  	s20 =	simm.s32 $0xD880  }
0xc9: {  	[tilespmem:s20], [sflag:$0x2] =	stream.indirect_vreg.gather [hbm4b:s6+s3], $0x80, v4, vm0, $0xb8;
	[tilespmem:$0x10080] =	vst v63  }
0xca: {  	s20 =	simm.s32 $0xE080  }
0xcb: {  	[tilespmem:s20], [sflag:$0x2] =	stream.indirect_vreg.gather [hbm4b:s2+s3], $0x80, v3, vm0, $0xb8;
	[tilespmem:$0x10080] =	vst v63  }
0xcc: {  	s20 =	simm.s32 $0xE880  }
0xcd: {  	[tilespmem:s20], [sflag:$0x2] =	stream.indirect_vreg.gather [hbm4b:s4+s3], $0x80, v3, vm0, $0xb8;
	[tilespmem:$0x10080] =	vst v63  }
0xce: {  	s20 =	simm.s32 $0xF080  }
0xcf: {  	[tilespmem:s20], [sflag:$0x2] =	stream.indirect_vreg.gather [hbm4b:s5+s3], $0x80, v3, vm0, $0xb8;
	[tilespmem:$0x10080] =	vst v63  }
0xd0: {  	s20 =	simm.s32 $0xF880  }
0xd1: {  	[tilespmem:s20], [sflag:$0x2] =	stream.indirect_vreg.gather [hbm4b:s6+s3], $0x80, v3, vm0, $0xb8;
	[tilespmem:$0x10080] =	vst v63  }
0xd2: {  	_ =	swait.ge [sflag:s9], $0x8000  }
0xd3: {  	[sflag:s9] =	ssyncset.done $0x0  }
0xd4: {  	s0 =	rddreg [dreg:$0x6];
	[sflag:s9] =	ssyncadd.s32 $0xFFFF8000  }
0xd5: {  	[hbm4b:s0+s3] =	stream.linear.scatter [tilespmem:s25], [sflag:$0x3], $0x8000, $0x38;
	[tilespmem:$0x10080] =	vst v63  }
0xd6: {  	_ =	swait.ge [sflag:s8], $0x8000  }
0xd7: {  	[sflag:s8] =	ssyncset.done $0x0  }
0xd8: {  	[sflag:s8] =	ssyncadd.s32 $0xFFFF8000  }
0xd9: {  	_ =	swait.ge [sflag:s19], $0x8000  }
0xda: {  	p0 =	sne.s32 s7, $0x1;
	[sflag:s19] =	ssyncset.done $0x0  }
.Ltmp0:
0xdb: {  	s0 =	rddreg [dreg:$0x7];
	[sflag:s19] =	ssyncadd.s32 $0xFFFF8000;
	(pc) =	sbr.rel @p0 .LBB2_1-.Ltmp0, $4  }
0xdc: {  	[hbm4b:s0+s3] =	stream.linear.scatter [tilespmem:s18], [sflag:$0x3], $0x8000, $0x38;
	[tilespmem:$0x10080] =	vst v63  }
0xdd: {  	_ =	swait.ge [sflag:s8], $0x8000  }
0xde: {  	[sflag:s8] =	ssyncset.done $0x0  }
0xdf: {  	s7 =	sadd.s32 $0xFFFFFFFF, s7;
	[sflag:s8] =	ssyncadd.s32 $0xFFFF8000  }
0xe0: {  	_ =	sfence.sel $0x180000  }
0xe1: {  	[bflag:$0x0] =	sbarrier.arrive $0xFFFF  }
0xe2: {  	_ =	strace $0x90000053  }
0xe3: {  	s0 =	stileid.u32;
	[bflag:$0x2] =	sbarrier.arrive $0xFFFF  }
0xe4: {  	p0 =	sne.s32 s0, $0x0;
	s0 =	rddreg [dreg:$0x2]  }
0xe5: {  	s0 =	sadd.s32 @!p0 $0x100000, s0  }
0xe6: {  	[sflag:s0] =	ssyncadd.tile.s32 @!p0 $0x1;
	_ =	shalt  }
.Lfunc_end2:
_tile_overlayer_lowered:
.L_overlay_start_2:
0xe7: {  	(tag) =	ssettag $0x2  }
0xe8: {  	s0 =	rddreg [dreg:$0x0];
	s2 =	stileid.u32  }
0xe9: {  	s1 =	rddreg [dreg:$0x1];
	p0 =	sne.s32 s2, $0x0  }
0xea: {  	s3 =	rddreg [dreg:$0x2];
	[bflag:$0x3] =	sbarrier.arrive $0xFFFF;
	s2 =	simm.s32 @!p0 $0x1C03  }
0xeb: {  	[timem:s3], [sflag:s2] =	dma.local @!p0 [hbm:s0], s1  }
0xec: {  	s0 =	simm.s32 @!p0 $0x3  }
0xed: {  	_ =	swait.ge @!p0 [sflag:s0], s1  }
0xee: {  	s1 =	ssub.s32 @!p0 $0x0, s1;
	[sflag:s0] =	ssyncset.done @!p0 $0x0  }
0xef: {  	[sflag:s0] =	ssyncadd.s32 @!p0 s1  }
0xf0: {  	[bflag:$0x3] =	sbarrier.arrive $0xFFFF  }
0xf1: {  	_ =	shalt  }

// kernel: kernel.33.cloned.1.call-start
scs
__scs_entry_jumppad:
0x0: {  	(pc) =	sbr.rel $0x88, $3  }
0x1: {  	(tag) =	ssettag $0x0;
	lr =	simm.s32 $0x1  }
0x2: {  	[smem:$0x3F9B] =	sst lr;
	_ =	strace $0xD0000000  }
0x3: {  	_ = 	snop  }
0x4: {  	_ = 	snop  }
0x5: {  	_ = 	snop  }
0x6: {  	_ = 	snop  }
0x7: {  	_ = 	snop  }
__scs_overlays_trampoline_lowered:
0x8: {  	[smem:$0x3FAA] =	sst s0  }
0x9: {  	[smem:$0x3FAB] =	sst s1  }
0xa: {  	[smem:$0x3FAC] =	sst s2  }
0xb: {  	[smem:$0x3FAD] =	sst s3  }
0xc: {  	[smem:$0x3FAE] =	sst s4  }
0xd: {  	[smem:$0x3FAF] =	sst s5  }
0xe: {  	[smem:$0x3FB0] =	sst s6  }
0xf: {  	[smem:$0x3FB1] =	sst s7  }
0x10: {  	[smem:$0x3FB2] =	sst s8  }
0x11: {  	[smem:$0x3FB3] =	sst s9;
	s0 =	simm.s32 @!p0 $0x0  }
0x12: {  	s1 =	sld [smem:$0x3F99];
	s0 =	simm.s32 @p0 $0x1  }
0x13: {  	[smem:$0x3FB4] =	sst s0;
	s0 =	simm.s32 @!p1 $0x0  }
0x14: {  	s2 =	sld [smem:$0x3F98];
	s0 =	simm.s32 @p1 $0x1  }
0x15: {  	[smem:$0x3FB5] =	sst s0;
	s0 =	simm.s32 @!p2 $0x0  }
0x16: {  	s3 =	sld [smem:$0x3FDB];
	s0 =	simm.s32 @p2 $0x1  }
0x17: {  	s4 =	simm.s32 $0x1BF5;
	[smem:$0x3FB7] =	sst s0  }
0x18: {  	s0 =	sld [smem:$0x3F9A];
	_ =	swait.ge [sflag:s4], $0x0  }
0x19: {  	s7 =	sld [smem:$0x3F9B]  }
0x1a: {  	s8 =	sadd.s32 $0xFFFFE003, lr  }
0x1b: {  	s9 =	sadd.s32 $0xFFFFFEF7, lr;
	s5 =	simm.s32 $0xFFFFFFFF;
	p2 =	slt.u32 s8, $0xFFFFF086  }
0x1c: {  	p1 =	slt.u32 s9, $0xF7A;
	s5 =	simm.s32 @!p2 $0x0  }
0x1d: {  	s5 =	simm.s32 @p1 $0x1;
	p0 =	seq.s32 s7, s2  }
0x1e: {  	s7 =	smul.u32 @!p0 $0xF7A, s2;
	p2 =	seq.s32 @!p0 s5, $0x0  }
0x1f: {  	s9 =	smul.u32 $0xF7A, s1;
	s8 =	simm.s32 @!p0 $0x1BF5;
	p2 =	por !p2, p0  }
0x20: {  	[sflag:s8] =	ssyncset.s32 @!p0 $0xFFFFF086;
	s6 =	sadd.s32 @!p0 s3, s7;
	s7 =	simm.s32 @!p0 $0x108  }
0x21: {  	s3 =	sadd.s32 s3, s9;
	s6 =	sadd.s32 @!p0 $0x88, s6;
	s7 =	simm.s32 @p2 $0x1082  }
0x22: {  	[simem:s7], [sflag:s8] =	dma.local @!p0 [hbm:s6], $0xF7A  }
0x23: {  	s9 =	sor.u32 $0xD0000000, s2;
	s6 =	simm.s32 $0x108;
	_ =	swait.ge @!p0 [sflag:s8], $0x0  }
0x24: {  	s3 =	sadd.s32 $0x88, s3;
	s6 =	simm.s32 @!p1 $0x1082;
	[sflag:s4] =	ssyncset.s32 $0xFFFFF086  }
0x25: {  	[simem:s6], [sflag:s4] =	dma.local [hbm:s3], $0xF7A  }
0x26: {  	[smem:$0x3F9B] =	sst s1;
	(tag) =	ssettag s2;
	_ =	strace s9  }
0x27: {  	s1 =	sld [smem:$0x3FAB]  }
0x28: {  	s2 =	sld [smem:$0x3FAC]  }
0x29: {  	s4 =	sld [smem:$0x3FAE]  }
0x2a: {  	p0 =	seq.s32 s5, $0x0;
	s5 =	sld [smem:$0x3FAF]  }
0x2b: {  	s6 =	sld [smem:$0x3FB0]  }
0x2c: {  	s7 =	sld [smem:$0x3FB1]  }
0x2d: {  	s3 =	simm.s32 $0x108;
	s8 =	sld [smem:$0x3FB2]  }
0x2e: {  	s3 =	simm.s32 @!p0 $0x1082;
	s9 =	sld [smem:$0x3FB3]  }
0x2f: {  	lr =	sadd.s32 s0, s3;
	s0 =	sld [smem:$0x3FAA]  }
0x30: {  	s3 =	sld [smem:$0x3FAD]  }
0x31: {  	[smem:$0x3FB6] =	sst s10  }
0x32: {  	s10 =	sld [smem:$0x3FB4];
	_ =	sdelay $0x3  }
0x33: {  	p0 =	seq.s32 s10, $0x1;
	s10 =	sld [smem:$0x3FB6];
	_ =	sdelay $0x3  }
0x34: {  	[smem:$0x3FB6] =	sst s10  }
0x35: {  	s10 =	sld [smem:$0x3FB5];
	_ =	sdelay $0x3  }
0x36: {  	p1 =	seq.s32 s10, $0x1;
	s10 =	sld [smem:$0x3FB6];
	_ =	sdelay $0x3  }
0x37: {  	[smem:$0x3FB6] =	sst s10  }
0x38: {  	s10 =	sld [smem:$0x3FB7]  }
0x39: {  	_ = 	snop;
	(pc) =	sbr.ind lr, $3  }
0x3a: {  	_ = 	snop  }
0x3b: {  	_ = 	snop  }
0x3c: {  	p2 =	seq.s32 s10, $0x1;
	s10 =	sld [smem:$0x3FB6]  }
0x3d: {  	_ =	shalt  }
0x3e: {  	_ =	shalt  }
0x3f: {  	_ =	shalt  }
0x40: {  	_ =	shalt  }
0x41: {  	_ =	shalt  }
0x42: {  	_ =	shalt  }
0x43: {  	_ =	shalt  }
0x44: {  	_ =	shalt  }
0x45: {  	_ =	shalt  }
0x46: {  	_ =	shalt  }
0x47: {  	_ =	shalt  }
0x48: {  	_ =	shalt  }
0x49: {  	_ =	shalt  }
0x4a: {  	_ =	shalt  }
0x4b: {  	_ =	shalt  }
0x4c: {  	_ =	shalt  }
0x4d: {  	_ =	shalt  }
0x4e: {  	_ =	shalt  }
0x4f: {  	_ =	shalt  }
0x50: {  	_ =	shalt  }
0x51: {  	_ =	shalt  }
0x52: {  	_ =	shalt  }
0x53: {  	_ =	shalt  }
0x54: {  	_ =	shalt  }
0x55: {  	_ =	shalt  }
0x56: {  	_ =	shalt  }
0x57: {  	_ =	shalt  }
0x58: {  	_ =	shalt  }
0x59: {  	_ =	shalt  }
0x5a: {  	_ =	shalt  }
0x5b: {  	_ =	shalt  }
0x5c: {  	_ =	shalt  }
0x5d: {  	_ =	shalt  }
0x5e: {  	_ =	shalt  }
0x5f: {  	_ =	shalt  }
0x60: {  	_ =	shalt  }
0x61: {  	_ =	shalt  }
0x62: {  	_ =	shalt  }
0x63: {  	_ =	shalt  }
0x64: {  	_ =	shalt  }
0x65: {  	_ =	shalt  }
0x66: {  	_ =	shalt  }
0x67: {  	_ =	shalt  }
0x68: {  	_ =	shalt  }
0x69: {  	_ =	shalt  }
0x6a: {  	_ =	shalt  }
0x6b: {  	_ =	shalt  }
0x6c: {  	_ =	shalt  }
0x6d: {  	_ =	shalt  }
0x6e: {  	_ =	shalt  }
0x6f: {  	_ =	shalt  }
0x70: {  	_ =	shalt  }
0x71: {  	_ =	shalt  }
0x72: {  	_ =	shalt  }
0x73: {  	_ =	shalt  }
0x74: {  	_ =	shalt  }
0x75: {  	_ =	shalt  }
0x76: {  	_ =	shalt  }
0x77: {  	_ =	shalt  }
0x78: {  	_ =	shalt  }
0x79: {  	_ =	shalt  }
0x7a: {  	_ =	shalt  }
0x7b: {  	_ =	shalt  }
0x7c: {  	_ =	shalt  }
0x7d: {  	_ =	shalt  }
0x7e: {  	_ =	shalt  }
0x7f: {  	_ =	shalt  }
0x80: {  	_ =	shalt  }
0x81: {  	_ =	shalt  }
0x82: {  	_ =	shalt  }
0x83: {  	_ =	shalt  }
0x84: {  	_ =	shalt  }
0x85: {  	_ =	shalt  }
0x86: {  	_ =	shalt  }
0x87: {  	_ =	shalt  }
.Lfunc_end0:
.L_simem_size_0:
called_computation.5_lowered:
.L_overlay_start_0:
0x88: {  	s2 =	sld [smem:$0x3FD9]  }
0x89: {  	s3 =	sld [smem:$0x3FFE];
	_ =	sdelay $0x1  }
0x8a: {  	s1 =	srdreg.scid  }
0x8b: {  	s0 =	sand.u32 $0x1, s1  }
0x8c: {  	s17 =	sshll.u32 s0, $0xA;
	s2 =	sadd.s32 s3, s2  }
0x8d: {  	s2 =	sadd.s32 s2, s17  }
0x8e: {  	[smem:$0x3FC2] =	sst s2  }
0x8f: {  	_ = 	snop  }
0x90: {  	s18 =	sld [smem:$0x3FC6];
	(tm) =	ssettm $0x1  }
0x91: {  	s19 =	sld [smem:$0x3FFB];
	_ =	sdelay $0x3  }
0x92: {  	_ =	strace s19  }
0x93: {  	s2 =	sld [smem:$0x3FFC];
	_ =	sdelay $0x3  }
0x94: {  	_ =	strace s2  }
0x95: {  	s2 =	sld [smem:$0x3FFD];
	_ =	sdelay $0x3  }
0x96: {  	_ =	strace s2  }
0x97: {  	_ =	strace $0x8FFFFFFF  }
0x98: {  	s20 =	sld [smem:$0x3FDB];
	_ =	sdelay $0x1  }
0x99: {  	s4 =	simm.s32 $_scs_section_size  }
0x9a: {  	s5 =	simm.s32 $_size__tile_overlayer_lowered;
	s6 =	simm.s32 $_tile_overlayer_lowered  }
0x9b: {  	s7 =	simm.s32 $0x1BFF;
	s21 =	sshll.u32 s6, $0x1;
	s4 =	sadd.s32 s4, s20  }
0x9c: {  	s22 =	simm.s32 $0x0;
	s5 =	sshll.u32 s5, $0x1;
	s6 =	sadd.s32 s21, s4  }
0x9d: {  	[timem:s22], [sflag:s7] =	dma.local [hbm:s6], s5  }
0x9e: {  	_ =	swait.ge [sflag:s7], s5  }
0x9f: {  	s5 =	ssub.s32 $0x0, s5;
	[sflag:s7] =	ssyncset.done $0x0  }
0xa0: {  	[sflag:s7] =	ssyncadd.s32 s5;
	_ =	sdelay $0x1  }
0xa1: {  	s23 =	simm.s32 $0x1B8B  }
0xa2: {  	_ =	swait.ge [sflag:s23], $0x1  }
0xa3: {  	[sflag:s23] =	ssyncset.done $0x0  }
0xa4: {  	[sflag:s23] =	ssyncadd.s32 $0xFFFFFFFF  }
0xa5: {  	s5 =	sld [smem:$0x0]  }
0xa6: {  	s6 =	sand.u32 $0xFFFFFFFE, s1  }
0xa7: {  	p0 =	sne.s32 s1, s6  }
0xa8: {  	s6 =	sshll.u32 @p0 s6, $0xE  }
0xa9: {  	s6 =	sadd.s32 @p0 $0x11B8D, s6;
	s7 =	sshll.u32 @p0 s5, $0x11  }
0xaa: {  	s6 =	sor.u32 @p0 s7, s6  }
0xab: {  	[sflag:s6] =	ssyncadd.remote.s32 @p0 $0x1;
	_ =	sdelay $0x1  }
0xac: {  	s6 =	simm.s32 @p0 $0x1B8D  }
0xad: {  	_ =	swait.eq @p0 [sflag:s6], $0x1  }
0xae: {  	[sflag:s6] =	ssyncadd.s32 @p0 $0xFFFFFFFF  }
0xaf: {  	s7 =	sshll.u32 @!p0 s1, $0xE  }
0xb0: {  	s7 =	sor.u32 @!p0 $0x4000, s7;
	s6 =	simm.s32 @!p0 $0x1B8D  }
0xb1: {  	s5 =	sshll.u32 @!p0 s5, $0x11;
	s7 =	sadd.s32 @!p0 $0x11B8D, s7;
	_ =	swait.eq @!p0 [sflag:s6], $0x1  }
0xb2: {  	s5 =	sor.u32 @!p0 s5, s7;
	[sflag:s6] =	ssyncadd.s32 @!p0 $0xFFFFFFFF  }
0xb3: {  	s25 =	simm.s32 $0x1B8E;
	s24 =	sld [smem:$0x3FFE];
	[sflag:s5] =	ssyncadd.remote.s32 @!p0 $0x1  }
0xb4: {  	s26 =	simm.s32 $execute0_lowered;
	[smem:$0x3FD2] =	sst s25  }
0xb5: {  	s6 =	sshll.u32 s26, $0x1;
	_ =	strace $0x80000055;
	[dreg:$0x1] =	wrdreg $0xFFFFFFFF  }
0xb6: {  	s28 =	simm.s32 $_size_execute0_lowered;
	s4 =	sadd.s32 s4, s6;
	[dreg:$0x0] =	wrdreg $0x0  }
0xb7: {  	s6 =	sshll.u32 s28, $0x1;
	[dreg:$0x2] =	wrdreg s4  }
0xb8: {  	[dreg:$0x3] =	wrdreg s6  }
0xb9: {  	[dreg:$0x4] =	wrdreg $0xC0  }
0xba: {  	_ =	task [dreg:s22], $0x5FFFF  }
0xbb: {  	[dreg:$0x1] =	wrdreg $0xFFFFFFFF  }
0xbc: {  	[dreg:$0x0] =	wrdreg $0x60  }
0xbd: {  	[dreg:$0x2] =	wrdreg s18  }
0xbe: {  	[dreg:$0x3] =	wrdreg s24  }
0xbf: {  	[dreg:$0x4] =	wrdreg $0xE  }
0xc0: {  	_ =	task.clear_ibuf [dreg:s22], $0x5FFFF;
	_ =	strace $0x90000055  }
0xc1: {  	s29 =	simm.s32 $0xE;
	_ =	strace $0x80000057  }
0xc2: {  	_ =	swait.ge [sflag:s29], $0x1  }
0xc3: {  	[sflag:s29] =	ssyncadd.s32 $0xFFFFFFFF  }
0xc4: {  	_ =	strace $0x90000057  }
0xc5: {  	_ =	sfence  }
0xc6: {  	s30 =	sld [smem:$0x0];
	_ =	sdelay $0x2  }
0xc7: {  	s31 =	sshll.u32 s1, $0xD;
	s1 =	sshrl.u32 s1, $0x2  }
0xc8: {  	s4 =	sand.u32 $0x4000, s31;
	s1 =	sadd.s32 s1, s30  }
0xc9: {  	s0 =	sor.u32 s4, s0;
	s1 =	sshll.u32 s1, $0x11  }
0xca: {  	s0 =	sor.u32 s1, s0  }
0xcb: {  	s0 =	sadd.s32 $0x8F2B, s0  }
0xcc: {  	[sflag:s0] =	ssyncadd.remote.s32 $0x1  }
0xcd: {  	_ =	sfence.sel $0xFFFF  }
0xce: {  	[dreg:$0x0] =	wrdreg $0xFFFFFFFF;
	(pc) =	sbr.abs _section_cstart, $3  }
0xcf: {  	[dreg:$0x1] =	wrdreg $0xFFFFFFFF  }
0xd0: {  	_ =	task.clear_ibuf [dreg:s22], $0x2FFFF;
	_ =	strace $0x9FFFFFFF  }
0xd1: {  	(tm) =	ssettm $0x7FFFFFFF  }
tec
execute0_lowered:
.L_overlay_start_1:
0x0: {  	(tag) =	ssettag $0x1  }
0x1: {  	s2 =	rddreg [dreg:$0x0]  }
0x2: {  	s0 =	rddreg [dreg:$0x1]  }
0x3: {  	s1 =	srdreg.scid;
	s4 =	stileid.u32  }
0x4: {  	s3 =	simm.s32 $0x0;
	s9 =	simm.s32 $0x1;
	s19 =	simm.s32 $0x2  }
0x5: {  	s21 =	simm.s32 $0x880;
	s22 =	simm.s32 $0x1080;
	s23 =	simm.s32 $0x1880  }
0x6: {  	s24 =	simm.s32 $0x2080;
	s28 =	simm.s32 $0x3080;
	s29 =	simm.s32 $0x3880  }
0x7: {  	s30 =	simm.s32 $0x4080;
	s31 =	simm.s32 $0x4880;
	s10 =	simm.s32 $0x6080  }
0x8: {  	s11 =	simm.s32 $0x6880;
	s12 =	simm.s32 $0x7080;
	s13 =	simm.s32 $0x7880  }
0x9: {  	s18 =	simm.s32 $0x8080;
	s14 =	simm.s32 $0x8880;
	s1 =	sand.u32 $0x1, s1  }
0xa: {  	s15 =	simm.s32 $0x9080;
	s4 =	sshll.u32 s4, $0x8;
	s5 =	sshll.u32 s1, $0x7  }
0xb: {  	s16 =	simm.s32 $0x9880;
	[smem:$0x7FF] =	sst s3;
	s4 =	sor.u32 s5, s4  }
0xc: {  	s17 =	simm.s32 $0xA080;
	_ =	strace $0x80000056;
	s5 =	sshrl.u32 s4, $0x3  }
0xd: {  	s1 =	ssub.s32 $0x2, s1;
	s4 =	sshll.u32 s4, $0x7;
	s5 =	sadd.s32 s5, s0  }
0xe: {  	s6 =	sshrl.u32 s1, $0x1;
	s0 =	sadd.s32 s4, s0;
	s25 =	sadd.s32 $0x3200, s5  }
0xf: {  	s1 =	ssub.s32 s1, s6;
	s26 =	sadd.s32 $0x283800, s0;
	[dreg:$0x3] =	wrdreg s25  }
0x10: {  	s6 =	sadd.s32 $0x300, s2;
	s7 =	sadd.s32 $0x284800, s0;
	[dreg:$0x4] =	wrdreg s26  }
0x11: {  	s4 =	sadd.s32 $0x100, s2;
	s8 =	sadd.s32 $0x285800, s0;
	[dreg:$0x5] =	wrdreg s7  }
0x12: {  	v2 =	vlaneseq.u32;
	s5 =	sadd.s32 $0x200, s2;
	s0 =	sadd.s32 $0x286800, s0;
	[dreg:$0x6] =	wrdreg s8  }
0x13: {  	vm0 =	vmmov $0xffff;
	v1 =	vshrl.u32 v2, $0x3;
	s7 =	smax.u32 s1, $0x1;
	[dreg:$0x7] =	wrdreg s0;
	s8 =	simm.s32 $0x3  }
0x14: {  	v0 =	vand.u32 $0x7, v2;
	v2 =	vor.u32 $0x8, v2;
	v1 =	vmul.u32 $0x8, v1;
	s25 =	simm.s32 $0x80;
	s26 =	simm.s32 $0x2880;
	s1 =	simm.s32 $0x5880  }
.LBB2_1:
0x15: {  	s20 =	rddreg [dreg:$0x3]  }
0x16: {  	[tilespmem:s3], [sflag:$0x3] =	stream.linear.gather [hbm4b:s20+s3], $0x80, $0x38;
	[tilespmem:$0x10080] =	vst v63  }
0x17: {  	_ =	swait.ge [sflag:s8], $0x80  }
0x18: {  	[sflag:s8] =	ssyncset.done $0x0  }
0x19: {  	[sflag:s8] =	ssyncadd.s32 $0xFFFFFF80  }
0x1a: {  	v3 =	vld [tilespmem:$0x0];
	_ =	sdelay $0x4  }
0x1b: {  	v4 =	vshll.u32 v3, $0x3  }
0x1c: {  	v3 =	vand.u32 $0x7, v3;
	v4 =	vand.u32 $0xFFFFFFC0, v4  }
0x1d: {  	v3 =	vor.u32 v3, v4  }
0x1e: {  	v4 =	vperm.xlane v3, v0;
	_ =	sdelay $0x1  }
0x1f: {  	v4 =	vadd.s32 v1, v4;
	_ =	sdelay $0x4  }
0x20: {  	[tilespmem:s25], [sflag:$0x1] =	stream.indirect_vreg.gather [hbm4b:s2+s3], $0x80, v4, vm0, $0xb8;
	[tilespmem:$0x10080] =	vst v63  }
0x21: {  	v3 =	vperm.xlane v3, v2  }
0x22: {  	[tilespmem:s21], [sflag:$0x1] =	stream.indirect_vreg.gather [hbm4b:s4+s3], $0x80, v4, vm0, $0xb8;
	[tilespmem:$0x10080] =	vst v63  }
0x23: {  	v3 =	vadd.s32 v1, v3  }
0x24: {  	[tilespmem:s22], [sflag:$0x1] =	stream.indirect_vreg.gather [hbm4b:s5+s3], $0x80, v4, vm0, $0xb8;
	[tilespmem:$0x10080] =	vst v63  }
0x25: {  	_ = 	snop  }
0x26: {  	[tilespmem:s23], [sflag:$0x1] =	stream.indirect_vreg.gather [hbm4b:s6+s3], $0x80, v4, vm0, $0xb8;
	[tilespmem:$0x10080] =	vst v63  }
0x27: {  	_ = 	snop  }
0x28: {  	[tilespmem:s24], [sflag:$0x1] =	stream.indirect_vreg.gather [hbm4b:s2+s3], $0x80, v3, vm0, $0xb8;
	[tilespmem:$0x10080] =	vst v63  }
0x29: {  	_ = 	snop  }
0x2a: {  	[tilespmem:s26], [sflag:$0x1] =	stream.indirect_vreg.gather [hbm4b:s4+s3], $0x80, v3, vm0, $0xb8;
	[tilespmem:$0x10080] =	vst v63  }
0x2b: {  	_ = 	snop  }
0x2c: {  	[tilespmem:s28], [sflag:$0x1] =	stream.indirect_vreg.gather [hbm4b:s5+s3], $0x80, v3, vm0, $0xb8;
	[tilespmem:$0x10080] =	vst v63  }
0x2d: {  	_ = 	snop  }
0x2e: {  	[tilespmem:s29], [sflag:$0x1] =	stream.indirect_vreg.gather [hbm4b:s6+s3], $0x80, v3, vm0, $0xb8;
	[tilespmem:$0x10080] =	vst v63  }
0x2f: {  	v3 =	vld [tilespmem:$0x10];
	_ =	sdelay $0x4  }
0x30: {  	v57 =	vshll.u32 v3, $0x3  }
0x31: {  	v3 =	vand.u32 $0x7, v3;
	v4 =	vand.u32 $0xFFFFFFC0, v57  }
0x32: {  	v3 =	vor.u32 v3, v4  }
0x33: {  	v4 =	vperm.xlane v3, v0;
	_ =	sdelay $0x1  }
0x34: {  	v4 =	vadd.s32 v1, v4;
	_ =	sdelay $0x4  }
0x35: {  	[tilespmem:s30], [sflag:$0x1] =	stream.indirect_vreg.gather [hbm4b:s2+s3], $0x80, v4, vm0, $0xb8;
	[tilespmem:$0x10080] =	vst v63  }
0x36: {  	v3 =	vperm.xlane v3, v2  }
0x37: {  	[tilespmem:s31], [sflag:$0x1] =	stream.indirect_vreg.gather [hbm4b:s4+s3], $0x80, v4, vm0, $0xb8;
	[tilespmem:$0x10080] =	vst v63  }
0x38: {  	s0 =	simm.s32 $0x5080;
	v3 =	vadd.s32 v1, v3  }
0x39: {  	[tilespmem:s0], [sflag:$0x1] =	stream.indirect_vreg.gather [hbm4b:s5+s3], $0x80, v4, vm0, $0xb8;
	[tilespmem:$0x10080] =	vst v63  }
0x3a: {  	_ = 	snop  }
0x3b: {  	[tilespmem:s1], [sflag:$0x1] =	stream.indirect_vreg.gather [hbm4b:s6+s3], $0x80, v4, vm0, $0xb8;
	[tilespmem:$0x10080] =	vst v63  }
0x3c: {  	_ = 	snop  }
0x3d: {  	[tilespmem:s10], [sflag:$0x1] =	stream.indirect_vreg.gather [hbm4b:s2+s3], $0x80, v3, vm0, $0xb8;
	[tilespmem:$0x10080] =	vst v63  }
0x3e: {  	_ = 	snop  }
0x3f: {  	[tilespmem:s11], [sflag:$0x1] =	stream.indirect_vreg.gather [hbm4b:s4+s3], $0x80, v3, vm0, $0xb8;
	[tilespmem:$0x10080] =	vst v63  }
0x40: {  	_ = 	snop  }
0x41: {  	[tilespmem:s12], [sflag:$0x1] =	stream.indirect_vreg.gather [hbm4b:s5+s3], $0x80, v3, vm0, $0xb8;
	[tilespmem:$0x10080] =	vst v63  }
0x42: {  	_ = 	snop  }
0x43: {  	[tilespmem:s13], [sflag:$0x1] =	stream.indirect_vreg.gather [hbm4b:s6+s3], $0x80, v3, vm0, $0xb8;
	[tilespmem:$0x10080] =	vst v63  }
0x44: {  	v3 =	vld [tilespmem:$0x20];
	_ =	sdelay $0x4  }
0x45: {  	v58 =	vshll.u32 v3, $0x3  }
0x46: {  	v3 =	vand.u32 $0x7, v3;
	v4 =	vand.u32 $0xFFFFFFC0, v58  }
0x47: {  	v3 =	vor.u32 v3, v4  }
0x48: {  	v4 =	vperm.xlane v3, v0;
	_ =	sdelay $0x1  }
0x49: {  	v4 =	vadd.s32 v1, v4;
	_ =	sdelay $0x4  }
0x4a: {  	[tilespmem:s18], [sflag:$0x2] =	stream.indirect_vreg.gather [hbm4b:s2+s3], $0x80, v4, vm0, $0xb8;
	[tilespmem:$0x10080] =	vst v63  }
0x4b: {  	v3 =	vperm.xlane v3, v2  }
0x4c: {  	[tilespmem:s14], [sflag:$0x2] =	stream.indirect_vreg.gather [hbm4b:s4+s3], $0x80, v4, vm0, $0xb8;
	[tilespmem:$0x10080] =	vst v63  }
0x4d: {  	v3 =	vadd.s32 v1, v3  }
0x4e: {  	[tilespmem:s15], [sflag:$0x2] =	stream.indirect_vreg.gather [hbm4b:s5+s3], $0x80, v4, vm0, $0xb8;
	[tilespmem:$0x10080] =	vst v63  }
0x4f: {  	_ = 	snop  }
0x50: {  	[tilespmem:s16], [sflag:$0x2] =	stream.indirect_vreg.gather [hbm4b:s6+s3], $0x80, v4, vm0, $0xb8;
	[tilespmem:$0x10080] =	vst v63  }
0x51: {  	_ = 	snop  }
0x52: {  	[tilespmem:s17], [sflag:$0x2] =	stream.indirect_vreg.gather [hbm4b:s2+s3], $0x80, v3, vm0, $0xb8;
	[tilespmem:$0x10080] =	vst v63  }
0x53: {  	s20 =	simm.s32 $0xA880  }
0x54: {  	[tilespmem:s20], [sflag:$0x2] =	stream.indirect_vreg.gather [hbm4b:s4+s3], $0x80, v3, vm0, $0xb8;
	[tilespmem:$0x10080] =	vst v63  }
0x55: {  	s20 =	simm.s32 $0xB080  }
0x56: {  	[tilespmem:s20], [sflag:$0x2] =	stream.indirect_vreg.gather [hbm4b:s5+s3], $0x80, v3, vm0, $0xb8;
	[tilespmem:$0x10080] =	vst v63  }
0x57: {  	s20 =	simm.s32 $0xB880  }
0x58: {  	[tilespmem:s20], [sflag:$0x2] =	stream.indirect_vreg.gather [hbm4b:s6+s3], $0x80, v3, vm0, $0xb8;
	[tilespmem:$0x10080] =	vst v63  }
0x59: {  	v3 =	vld [tilespmem:$0x30];
	_ =	sdelay $0x4  }
0x5a: {  	v59 =	vshll.u32 v3, $0x3  }
0x5b: {  	v3 =	vand.u32 $0x7, v3;
	v4 =	vand.u32 $0xFFFFFFC0, v59  }
0x5c: {  	v3 =	vor.u32 v3, v4  }
0x5d: {  	v4 =	vperm.xlane v3, v0;
	_ =	sdelay $0x1  }
0x5e: {  	v4 =	vadd.s32 v1, v4;
	_ =	sdelay $0x3  }
0x5f: {  	s20 =	simm.s32 $0xC080  }
0x60: {  	[tilespmem:s20], [sflag:$0x2] =	stream.indirect_vreg.gather [hbm4b:s2+s3], $0x80, v4, vm0, $0xb8;
	[tilespmem:$0x10080] =	vst v63  }
0x61: {  	v3 =	vperm.xlane v3, v2;
	s20 =	simm.s32 $0xC880  }
0x62: {  	[tilespmem:s20], [sflag:$0x2] =	stream.indirect_vreg.gather [hbm4b:s4+s3], $0x80, v4, vm0, $0xb8;
	[tilespmem:$0x10080] =	vst v63  }
0x63: {  	v3 =	vadd.s32 v1, v3;
	s20 =	simm.s32 $0xD080  }
0x64: {  	[tilespmem:s20], [sflag:$0x2] =	stream.indirect_vreg.gather [hbm4b:s5+s3], $0x80, v4, vm0, $0xb8;
	[tilespmem:$0x10080] =	vst v63  }
0x65: {  	s20 =	simm.s32 $0xD880  }
0x66: {  	[tilespmem:s20], [sflag:$0x2] =	stream.indirect_vreg.gather [hbm4b:s6+s3], $0x80, v4, vm0, $0xb8;
	[tilespmem:$0x10080] =	vst v63  }
0x67: {  	s20 =	simm.s32 $0xE080  }
0x68: {  	[tilespmem:s20], [sflag:$0x2] =	stream.indirect_vreg.gather [hbm4b:s2+s3], $0x80, v3, vm0, $0xb8;
	[tilespmem:$0x10080] =	vst v63  }
0x69: {  	s20 =	simm.s32 $0xE880  }
0x6a: {  	[tilespmem:s20], [sflag:$0x2] =	stream.indirect_vreg.gather [hbm4b:s4+s3], $0x80, v3, vm0, $0xb8;
	[tilespmem:$0x10080] =	vst v63  }
0x6b: {  	s20 =	simm.s32 $0xF080  }
0x6c: {  	[tilespmem:s20], [sflag:$0x2] =	stream.indirect_vreg.gather [hbm4b:s5+s3], $0x80, v3, vm0, $0xb8;
	[tilespmem:$0x10080] =	vst v63  }
0x6d: {  	s20 =	simm.s32 $0xF880  }
0x6e: {  	[tilespmem:s20], [sflag:$0x2] =	stream.indirect_vreg.gather [hbm4b:s6+s3], $0x80, v3, vm0, $0xb8;
	[tilespmem:$0x10080] =	vst v63  }
0x6f: {  	_ =	swait.ge [sflag:s9], $0x8000  }
0x70: {  	[sflag:s9] =	ssyncset.done $0x0  }
0x71: {  	s20 =	rddreg [dreg:$0x4];
	[sflag:s9] =	ssyncadd.s32 $0xFFFF8000  }
0x72: {  	[hbm4b:s20+s3] =	stream.linear.scatter [tilespmem:s25], [sflag:$0x3], $0x8000, $0x38;
	[tilespmem:$0x10080] =	vst v63  }
0x73: {  	_ =	swait.ge [sflag:s8], $0x8000  }
0x74: {  	[sflag:s8] =	ssyncset.done $0x0  }
0x75: {  	[sflag:s8] =	ssyncadd.s32 $0xFFFF8000  }
0x76: {  	v3 =	vld [tilespmem:$0x40];
	_ =	sdelay $0x4  }
0x77: {  	v60 =	vshll.u32 v3, $0x3  }
0x78: {  	v3 =	vand.u32 $0x7, v3;
	v4 =	vand.u32 $0xFFFFFFC0, v60  }
0x79: {  	v3 =	vor.u32 v3, v4  }
0x7a: {  	v4 =	vperm.xlane v3, v0;
	_ =	sdelay $0x1  }
0x7b: {  	v4 =	vadd.s32 v1, v4;
	_ =	sdelay $0x4  }
0x7c: {  	[tilespmem:s25], [sflag:$0x1] =	stream.indirect_vreg.gather [hbm4b:s2+s3], $0x80, v4, vm0, $0xb8;
	[tilespmem:$0x10080] =	vst v63  }
0x7d: {  	v3 =	vperm.xlane v3, v2  }
0x7e: {  	[tilespmem:s21], [sflag:$0x1] =	stream.indirect_vreg.gather [hbm4b:s4+s3], $0x80, v4, vm0, $0xb8;
	[tilespmem:$0x10080] =	vst v63  }
0x7f: {  	v3 =	vadd.s32 v1, v3  }
0x80: {  	[tilespmem:s22], [sflag:$0x1] =	stream.indirect_vreg.gather [hbm4b:s5+s3], $0x80, v4, vm0, $0xb8;
	[tilespmem:$0x10080] =	vst v63  }
0x81: {  	_ = 	snop  }
0x82: {  	[tilespmem:s23], [sflag:$0x1] =	stream.indirect_vreg.gather [hbm4b:s6+s3], $0x80, v4, vm0, $0xb8;
	[tilespmem:$0x10080] =	vst v63  }
0x83: {  	_ = 	snop  }
0x84: {  	[tilespmem:s24], [sflag:$0x1] =	stream.indirect_vreg.gather [hbm4b:s2+s3], $0x80, v3, vm0, $0xb8;
	[tilespmem:$0x10080] =	vst v63  }
0x85: {  	_ = 	snop  }
0x86: {  	[tilespmem:s26], [sflag:$0x1] =	stream.indirect_vreg.gather [hbm4b:s4+s3], $0x80, v3, vm0, $0xb8;
	[tilespmem:$0x10080] =	vst v63  }
0x87: {  	_ = 	snop  }
0x88: {  	[tilespmem:s28], [sflag:$0x1] =	stream.indirect_vreg.gather [hbm4b:s5+s3], $0x80, v3, vm0, $0xb8;
	[tilespmem:$0x10080] =	vst v63  }
0x89: {  	_ = 	snop  }
0x8a: {  	[tilespmem:s29], [sflag:$0x1] =	stream.indirect_vreg.gather [hbm4b:s6+s3], $0x80, v3, vm0, $0xb8;
	[tilespmem:$0x10080] =	vst v63  }
0x8b: {  	v3 =	vld [tilespmem:$0x50];
	_ =	sdelay $0x4  }
0x8c: {  	v61 =	vshll.u32 v3, $0x3  }
0x8d: {  	v3 =	vand.u32 $0x7, v3;
	v4 =	vand.u32 $0xFFFFFFC0, v61  }
0x8e: {  	v3 =	vor.u32 v3, v4  }
0x8f: {  	v4 =	vperm.xlane v3, v0;
	_ =	sdelay $0x1  }
0x90: {  	v4 =	vadd.s32 v1, v4;
	_ =	sdelay $0x4  }
0x91: {  	[tilespmem:s30], [sflag:$0x1] =	stream.indirect_vreg.gather [hbm4b:s2+s3], $0x80, v4, vm0, $0xb8;
	[tilespmem:$0x10080] =	vst v63  }
0x92: {  	v3 =	vperm.xlane v3, v2  }
0x93: {  	[tilespmem:s31], [sflag:$0x1] =	stream.indirect_vreg.gather [hbm4b:s4+s3], $0x80, v4, vm0, $0xb8;
	[tilespmem:$0x10080] =	vst v63  }
0x94: {  	v3 =	vadd.s32 v1, v3  }
0x95: {  	[tilespmem:s0], [sflag:$0x1] =	stream.indirect_vreg.gather [hbm4b:s5+s3], $0x80, v4, vm0, $0xb8;
	[tilespmem:$0x10080] =	vst v63  }
0x96: {  	_ = 	snop  }
0x97: {  	[tilespmem:s1], [sflag:$0x1] =	stream.indirect_vreg.gather [hbm4b:s6+s3], $0x80, v4, vm0, $0xb8;
	[tilespmem:$0x10080] =	vst v63  }
0x98: {  	_ = 	snop  }
0x99: {  	[tilespmem:s10], [sflag:$0x1] =	stream.indirect_vreg.gather [hbm4b:s2+s3], $0x80, v3, vm0, $0xb8;
	[tilespmem:$0x10080] =	vst v63  }
0x9a: {  	_ = 	snop  }
0x9b: {  	[tilespmem:s11], [sflag:$0x1] =	stream.indirect_vreg.gather [hbm4b:s4+s3], $0x80, v3, vm0, $0xb8;
	[tilespmem:$0x10080] =	vst v63  }
0x9c: {  	_ = 	snop  }
0x9d: {  	[tilespmem:s12], [sflag:$0x1] =	stream.indirect_vreg.gather [hbm4b:s5+s3], $0x80, v3, vm0, $0xb8;
	[tilespmem:$0x10080] =	vst v63  }
0x9e: {  	_ = 	snop  }
0x9f: {  	[tilespmem:s13], [sflag:$0x1] =	stream.indirect_vreg.gather [hbm4b:s6+s3], $0x80, v3, vm0, $0xb8;
	[tilespmem:$0x10080] =	vst v63  }
0xa0: {  	_ =	swait.ge [sflag:s19], $0x8000  }
0xa1: {  	[sflag:s19] =	ssyncset.done $0x0  }
0xa2: {  	s0 =	rddreg [dreg:$0x5];
	[sflag:s19] =	ssyncadd.s32 $0xFFFF8000  }
0xa3: {  	[hbm4b:s0+s3] =	stream.linear.scatter [tilespmem:s18], [sflag:$0x3], $0x8000, $0x38;
	[tilespmem:$0x10080] =	vst v63  }
0xa4: {  	_ =	swait.ge [sflag:s8], $0x8000  }
0xa5: {  	[sflag:s8] =	ssyncset.done $0x0  }
0xa6: {  	[sflag:s8] =	ssyncadd.s32 $0xFFFF8000  }
0xa7: {  	v3 =	vld [tilespmem:$0x60];
	_ =	sdelay $0x4  }
0xa8: {  	v62 =	vshll.u32 v3, $0x3  }
0xa9: {  	v3 =	vand.u32 $0x7, v3;
	v4 =	vand.u32 $0xFFFFFFC0, v62  }
0xaa: {  	v3 =	vor.u32 v3, v4  }
0xab: {  	v4 =	vperm.xlane v3, v0;
	_ =	sdelay $0x1  }
0xac: {  	v4 =	vadd.s32 v1, v4;
	_ =	sdelay $0x4  }
0xad: {  	[tilespmem:s18], [sflag:$0x2] =	stream.indirect_vreg.gather [hbm4b:s2+s3], $0x80, v4, vm0, $0xb8;
	[tilespmem:$0x10080] =	vst v63  }
0xae: {  	v3 =	vperm.xlane v3, v2  }
0xaf: {  	[tilespmem:s14], [sflag:$0x2] =	stream.indirect_vreg.gather [hbm4b:s4+s3], $0x80, v4, vm0, $0xb8;
	[tilespmem:$0x10080] =	vst v63  }
0xb0: {  	v3 =	vadd.s32 v1, v3  }
0xb1: {  	[tilespmem:s15], [sflag:$0x2] =	stream.indirect_vreg.gather [hbm4b:s5+s3], $0x80, v4, vm0, $0xb8;
	[tilespmem:$0x10080] =	vst v63  }
0xb2: {  	_ = 	snop  }
0xb3: {  	[tilespmem:s16], [sflag:$0x2] =	stream.indirect_vreg.gather [hbm4b:s6+s3], $0x80, v4, vm0, $0xb8;
	[tilespmem:$0x10080] =	vst v63  }
0xb4: {  	_ = 	snop  }
0xb5: {  	[tilespmem:s17], [sflag:$0x2] =	stream.indirect_vreg.gather [hbm4b:s2+s3], $0x80, v3, vm0, $0xb8;
	[tilespmem:$0x10080] =	vst v63  }
0xb6: {  	s20 =	simm.s32 $0xA880  }
0xb7: {  	[tilespmem:s20], [sflag:$0x2] =	stream.indirect_vreg.gather [hbm4b:s4+s3], $0x80, v3, vm0, $0xb8;
	[tilespmem:$0x10080] =	vst v63  }
0xb8: {  	s20 =	simm.s32 $0xB080  }
0xb9: {  	[tilespmem:s20], [sflag:$0x2] =	stream.indirect_vreg.gather [hbm4b:s5+s3], $0x80, v3, vm0, $0xb8;
	[tilespmem:$0x10080] =	vst v63  }
0xba: {  	s20 =	simm.s32 $0xB880  }
0xbb: {  	[tilespmem:s20], [sflag:$0x2] =	stream.indirect_vreg.gather [hbm4b:s6+s3], $0x80, v3, vm0, $0xb8;
	[tilespmem:$0x10080] =	vst v63  }
0xbc: {  	v3 =	vld [tilespmem:$0x70];
	_ =	sdelay $0x4  }
0xbd: {  	v63 =	vshll.u32 v3, $0x3  }
0xbe: {  	v3 =	vand.u32 $0x7, v3;
	v4 =	vand.u32 $0xFFFFFFC0, v63  }
0xbf: {  	v3 =	vor.u32 v3, v4  }
0xc0: {  	v4 =	vperm.xlane v3, v0;
	_ =	sdelay $0x1  }
0xc1: {  	v4 =	vadd.s32 v1, v4;
	_ =	sdelay $0x3  }
0xc2: {  	s20 =	simm.s32 $0xC080  }
0xc3: {  	[tilespmem:s20], [sflag:$0x2] =	stream.indirect_vreg.gather [hbm4b:s2+s3], $0x80, v4, vm0, $0xb8;
	[tilespmem:$0x10080] =	vst v63  }
0xc4: {  	v3 =	vperm.xlane v3, v2;
	s20 =	simm.s32 $0xC880  }
0xc5: {  	[tilespmem:s20], [sflag:$0x2] =	stream.indirect_vreg.gather [hbm4b:s4+s3], $0x80, v4, vm0, $0xb8;
	[tilespmem:$0x10080] =	vst v63  }
0xc6: {  	v3 =	vadd.s32 v1, v3;
	s20 =	simm.s32 $0xD080  }
0xc7: {  	[tilespmem:s20], [sflag:$0x2] =	stream.indirect_vreg.gather [hbm4b:s5+s3], $0x80, v4, vm0, $0xb8;
	[tilespmem:$0x10080] =	vst v63  }
0xc8: {  	s20 =	simm.s32 $0xD880  }
0xc9: {  	[tilespmem:s20], [sflag:$0x2] =	stream.indirect_vreg.gather [hbm4b:s6+s3], $0x80, v4, vm0, $0xb8;
	[tilespmem:$0x10080] =	vst v63  }
0xca: {  	s20 =	simm.s32 $0xE080  }
0xcb: {  	[tilespmem:s20], [sflag:$0x2] =	stream.indirect_vreg.gather [hbm4b:s2+s3], $0x80, v3, vm0, $0xb8;
	[tilespmem:$0x10080] =	vst v63  }
0xcc: {  	s20 =	simm.s32 $0xE880  }
0xcd: {  	[tilespmem:s20], [sflag:$0x2] =	stream.indirect_vreg.gather [hbm4b:s4+s3], $0x80, v3, vm0, $0xb8;
	[tilespmem:$0x10080] =	vst v63  }
0xce: {  	s20 =	simm.s32 $0xF080  }
0xcf: {  	[tilespmem:s20], [sflag:$0x2] =	stream.indirect_vreg.gather [hbm4b:s5+s3], $0x80, v3, vm0, $0xb8;
	[tilespmem:$0x10080] =	vst v63  }
0xd0: {  	s20 =	simm.s32 $0xF880  }
0xd1: {  	[tilespmem:s20], [sflag:$0x2] =	stream.indirect_vreg.gather [hbm4b:s6+s3], $0x80, v3, vm0, $0xb8;
	[tilespmem:$0x10080] =	vst v63  }
0xd2: {  	_ =	swait.ge [sflag:s9], $0x8000  }
0xd3: {  	[sflag:s9] =	ssyncset.done $0x0  }
0xd4: {  	s0 =	rddreg [dreg:$0x6];
	[sflag:s9] =	ssyncadd.s32 $0xFFFF8000  }
0xd5: {  	[hbm4b:s0+s3] =	stream.linear.scatter [tilespmem:s25], [sflag:$0x3], $0x8000, $0x38;
	[tilespmem:$0x10080] =	vst v63  }
0xd6: {  	_ =	swait.ge [sflag:s8], $0x8000  }
0xd7: {  	[sflag:s8] =	ssyncset.done $0x0  }
0xd8: {  	[sflag:s8] =	ssyncadd.s32 $0xFFFF8000  }
0xd9: {  	_ =	swait.ge [sflag:s19], $0x8000  }
0xda: {  	p0 =	sne.s32 s7, $0x1;
	[sflag:s19] =	ssyncset.done $0x0  }
.Ltmp0:
0xdb: {  	s0 =	rddreg [dreg:$0x7];
	[sflag:s19] =	ssyncadd.s32 $0xFFFF8000;
	(pc) =	sbr.rel @p0 .LBB2_1-.Ltmp0, $4  }
0xdc: {  	[hbm4b:s0+s3] =	stream.linear.scatter [tilespmem:s18], [sflag:$0x3], $0x8000, $0x38;
	[tilespmem:$0x10080] =	vst v63  }
0xdd: {  	_ =	swait.ge [sflag:s8], $0x8000  }
0xde: {  	[sflag:s8] =	ssyncset.done $0x0  }
0xdf: {  	s7 =	sadd.s32 $0xFFFFFFFF, s7;
	[sflag:s8] =	ssyncadd.s32 $0xFFFF8000  }
0xe0: {  	_ =	sfence.sel $0x180000  }
0xe1: {  	[bflag:$0x0] =	sbarrier.arrive $0xFFFF  }
0xe2: {  	_ =	strace $0x90000056  }
0xe3: {  	s0 =	stileid.u32;
	[bflag:$0x2] =	sbarrier.arrive $0xFFFF  }
0xe4: {  	p0 =	sne.s32 s0, $0x0;
	s0 =	rddreg [dreg:$0x2]  }
0xe5: {  	s0 =	sadd.s32 @!p0 $0x100000, s0  }
0xe6: {  	[sflag:s0] =	ssyncadd.tile.s32 @!p0 $0x1;
	_ =	shalt  }
.Lfunc_end2:
_tile_overlayer_lowered:
.L_overlay_start_2:
0xe7: {  	(tag) =	ssettag $0x2  }
0xe8: {  	s0 =	rddreg [dreg:$0x0];
	s2 =	stileid.u32  }
0xe9: {  	s1 =	rddreg [dreg:$0x1];
	p0 =	sne.s32 s2, $0x0  }
0xea: {  	s3 =	rddreg [dreg:$0x2];
	[bflag:$0x3] =	sbarrier.arrive $0xFFFF;
	s2 =	simm.s32 @!p0 $0x1C03  }
0xeb: {  	[timem:s3], [sflag:s2] =	dma.local @!p0 [hbm:s0], s1  }
0xec: {  	s0 =	simm.s32 @!p0 $0x3  }
0xed: {  	_ =	swait.ge @!p0 [sflag:s0], s1  }
0xee: {  	s1 =	ssub.s32 @!p0 $0x0, s1;
	[sflag:s0] =	ssyncset.done @!p0 $0x0  }
0xef: {  	[sflag:s0] =	ssyncadd.s32 @!p0 s1  }
0xf0: {  	[bflag:$0x3] =	sbarrier.arrive $0xFFFF  }
0xf1: {  	_ =	shalt  }

// kernel: kernel.36.cloned.1.call-start
scs
__scs_entry_jumppad:
0x0: {  	(pc) =	sbr.rel $0x88, $3  }
0x1: {  	(tag) =	ssettag $0x0;
	lr =	simm.s32 $0x1  }
0x2: {  	[smem:$0x3F9B] =	sst lr;
	_ =	strace $0xD0000000  }
0x3: {  	_ = 	snop  }
0x4: {  	_ = 	snop  }
0x5: {  	_ = 	snop  }
0x6: {  	_ = 	snop  }
0x7: {  	_ = 	snop  }
__scs_overlays_trampoline_lowered:
0x8: {  	[smem:$0x3FAA] =	sst s0  }
0x9: {  	[smem:$0x3FAB] =	sst s1  }
0xa: {  	[smem:$0x3FAC] =	sst s2  }
0xb: {  	[smem:$0x3FAD] =	sst s3  }
0xc: {  	[smem:$0x3FAE] =	sst s4  }
0xd: {  	[smem:$0x3FAF] =	sst s5  }
0xe: {  	[smem:$0x3FB0] =	sst s6  }
0xf: {  	[smem:$0x3FB1] =	sst s7  }
0x10: {  	[smem:$0x3FB2] =	sst s8  }
0x11: {  	[smem:$0x3FB3] =	sst s9;
	s0 =	simm.s32 @!p0 $0x0  }
0x12: {  	s1 =	sld [smem:$0x3F99];
	s0 =	simm.s32 @p0 $0x1  }
0x13: {  	[smem:$0x3FB4] =	sst s0;
	s0 =	simm.s32 @!p1 $0x0  }
0x14: {  	s2 =	sld [smem:$0x3F98];
	s0 =	simm.s32 @p1 $0x1  }
0x15: {  	[smem:$0x3FB5] =	sst s0;
	s0 =	simm.s32 @!p2 $0x0  }
0x16: {  	s3 =	sld [smem:$0x3FDB];
	s0 =	simm.s32 @p2 $0x1  }
0x17: {  	s4 =	simm.s32 $0x1BF5;
	[smem:$0x3FB7] =	sst s0  }
0x18: {  	s0 =	sld [smem:$0x3F9A];
	_ =	swait.ge [sflag:s4], $0x0  }
0x19: {  	s7 =	sld [smem:$0x3F9B]  }
0x1a: {  	s8 =	sadd.s32 $0xFFFFE003, lr  }
0x1b: {  	s9 =	sadd.s32 $0xFFFFFEF7, lr;
	s5 =	simm.s32 $0xFFFFFFFF;
	p2 =	slt.u32 s8, $0xFFFFF086  }
0x1c: {  	p1 =	slt.u32 s9, $0xF7A;
	s5 =	simm.s32 @!p2 $0x0  }
0x1d: {  	s5 =	simm.s32 @p1 $0x1;
	p0 =	seq.s32 s7, s2  }
0x1e: {  	s7 =	smul.u32 @!p0 $0xF7A, s2;
	p2 =	seq.s32 @!p0 s5, $0x0  }
0x1f: {  	s9 =	smul.u32 $0xF7A, s1;
	s8 =	simm.s32 @!p0 $0x1BF5;
	p2 =	por !p2, p0  }
0x20: {  	[sflag:s8] =	ssyncset.s32 @!p0 $0xFFFFF086;
	s6 =	sadd.s32 @!p0 s3, s7;
	s7 =	simm.s32 @!p0 $0x108  }
0x21: {  	s3 =	sadd.s32 s3, s9;
	s6 =	sadd.s32 @!p0 $0x88, s6;
	s7 =	simm.s32 @p2 $0x1082  }
0x22: {  	[simem:s7], [sflag:s8] =	dma.local @!p0 [hbm:s6], $0xF7A  }
0x23: {  	s9 =	sor.u32 $0xD0000000, s2;
	s6 =	simm.s32 $0x108;
	_ =	swait.ge @!p0 [sflag:s8], $0x0  }
0x24: {  	s3 =	sadd.s32 $0x88, s3;
	s6 =	simm.s32 @!p1 $0x1082;
	[sflag:s4] =	ssyncset.s32 $0xFFFFF086  }
0x25: {  	[simem:s6], [sflag:s4] =	dma.local [hbm:s3], $0xF7A  }
0x26: {  	[smem:$0x3F9B] =	sst s1;
	(tag) =	ssettag s2;
	_ =	strace s9  }
0x27: {  	s1 =	sld [smem:$0x3FAB]  }
0x28: {  	s2 =	sld [smem:$0x3FAC]  }
0x29: {  	s4 =	sld [smem:$0x3FAE]  }
0x2a: {  	p0 =	seq.s32 s5, $0x0;
	s5 =	sld [smem:$0x3FAF]  }
0x2b: {  	s6 =	sld [smem:$0x3FB0]  }
0x2c: {  	s7 =	sld [smem:$0x3FB1]  }
0x2d: {  	s3 =	simm.s32 $0x108;
	s8 =	sld [smem:$0x3FB2]  }
0x2e: {  	s3 =	simm.s32 @!p0 $0x1082;
	s9 =	sld [smem:$0x3FB3]  }
0x2f: {  	lr =	sadd.s32 s0, s3;
	s0 =	sld [smem:$0x3FAA]  }
0x30: {  	s3 =	sld [smem:$0x3FAD]  }
0x31: {  	[smem:$0x3FB6] =	sst s10  }
0x32: {  	s10 =	sld [smem:$0x3FB4];
	_ =	sdelay $0x3  }
0x33: {  	p0 =	seq.s32 s10, $0x1;
	s10 =	sld [smem:$0x3FB6];
	_ =	sdelay $0x3  }
0x34: {  	[smem:$0x3FB6] =	sst s10  }
0x35: {  	s10 =	sld [smem:$0x3FB5];
	_ =	sdelay $0x3  }
0x36: {  	p1 =	seq.s32 s10, $0x1;
	s10 =	sld [smem:$0x3FB6];
	_ =	sdelay $0x3  }
0x37: {  	[smem:$0x3FB6] =	sst s10  }
0x38: {  	s10 =	sld [smem:$0x3FB7]  }
0x39: {  	_ = 	snop;
	(pc) =	sbr.ind lr, $3  }
0x3a: {  	_ = 	snop  }
0x3b: {  	_ = 	snop  }
0x3c: {  	p2 =	seq.s32 s10, $0x1;
	s10 =	sld [smem:$0x3FB6]  }
0x3d: {  	_ =	shalt  }
0x3e: {  	_ =	shalt  }
0x3f: {  	_ =	shalt  }
0x40: {  	_ =	shalt  }
0x41: {  	_ =	shalt  }
0x42: {  	_ =	shalt  }
0x43: {  	_ =	shalt  }
0x44: {  	_ =	shalt  }
0x45: {  	_ =	shalt  }
0x46: {  	_ =	shalt  }
0x47: {  	_ =	shalt  }
0x48: {  	_ =	shalt  }
0x49: {  	_ =	shalt  }
0x4a: {  	_ =	shalt  }
0x4b: {  	_ =	shalt  }
0x4c: {  	_ =	shalt  }
0x4d: {  	_ =	shalt  }
0x4e: {  	_ =	shalt  }
0x4f: {  	_ =	shalt  }
0x50: {  	_ =	shalt  }
0x51: {  	_ =	shalt  }
0x52: {  	_ =	shalt  }
0x53: {  	_ =	shalt  }
0x54: {  	_ =	shalt  }
0x55: {  	_ =	shalt  }
0x56: {  	_ =	shalt  }
0x57: {  	_ =	shalt  }
0x58: {  	_ =	shalt  }
0x59: {  	_ =	shalt  }
0x5a: {  	_ =	shalt  }
0x5b: {  	_ =	shalt  }
0x5c: {  	_ =	shalt  }
0x5d: {  	_ =	shalt  }
0x5e: {  	_ =	shalt  }
0x5f: {  	_ =	shalt  }
0x60: {  	_ =	shalt  }
0x61: {  	_ =	shalt  }
0x62: {  	_ =	shalt  }
0x63: {  	_ =	shalt  }
0x64: {  	_ =	shalt  }
0x65: {  	_ =	shalt  }
0x66: {  	_ =	shalt  }
0x67: {  	_ =	shalt  }
0x68: {  	_ =	shalt  }
0x69: {  	_ =	shalt  }
0x6a: {  	_ =	shalt  }
0x6b: {  	_ =	shalt  }
0x6c: {  	_ =	shalt  }
0x6d: {  	_ =	shalt  }
0x6e: {  	_ =	shalt  }
0x6f: {  	_ =	shalt  }
0x70: {  	_ =	shalt  }
0x71: {  	_ =	shalt  }
0x72: {  	_ =	shalt  }
0x73: {  	_ =	shalt  }
0x74: {  	_ =	shalt  }
0x75: {  	_ =	shalt  }
0x76: {  	_ =	shalt  }
0x77: {  	_ =	shalt  }
0x78: {  	_ =	shalt  }
0x79: {  	_ =	shalt  }
0x7a: {  	_ =	shalt  }
0x7b: {  	_ =	shalt  }
0x7c: {  	_ =	shalt  }
0x7d: {  	_ =	shalt  }
0x7e: {  	_ =	shalt  }
0x7f: {  	_ =	shalt  }
0x80: {  	_ =	shalt  }
0x81: {  	_ =	shalt  }
0x82: {  	_ =	shalt  }
0x83: {  	_ =	shalt  }
0x84: {  	_ =	shalt  }
0x85: {  	_ =	shalt  }
0x86: {  	_ =	shalt  }
0x87: {  	_ =	shalt  }
.Lfunc_end0:
.L_simem_size_0:
called_computation.6_lowered:
.L_overlay_start_0:
0x88: {  	s2 =	sld [smem:$0x3FD9]  }
0x89: {  	s3 =	sld [smem:$0x3FFE];
	_ =	sdelay $0x1  }
0x8a: {  	s1 =	srdreg.scid  }
0x8b: {  	s0 =	sand.u32 $0x1, s1  }
0x8c: {  	s17 =	sshll.u32 s0, $0xA;
	s2 =	sadd.s32 s3, s2  }
0x8d: {  	s2 =	sadd.s32 s2, s17  }
0x8e: {  	[smem:$0x3FC2] =	sst s2  }
0x8f: {  	_ = 	snop  }
0x90: {  	s18 =	sld [smem:$0x3FC6];
	(tm) =	ssettm $0x1  }
0x91: {  	s19 =	sld [smem:$0x3FFB];
	_ =	sdelay $0x3  }
0x92: {  	_ =	strace s19  }
0x93: {  	s2 =	sld [smem:$0x3FFC];
	_ =	sdelay $0x3  }
0x94: {  	_ =	strace s2  }
0x95: {  	s2 =	sld [smem:$0x3FFD];
	_ =	sdelay $0x3  }
0x96: {  	_ =	strace s2  }
0x97: {  	_ =	strace $0x8FFFFFFF  }
0x98: {  	s20 =	sld [smem:$0x3FDB];
	_ =	sdelay $0x1  }
0x99: {  	s4 =	simm.s32 $_scs_section_size  }
0x9a: {  	s5 =	simm.s32 $_size__tile_overlayer_lowered;
	s6 =	simm.s32 $_tile_overlayer_lowered  }
0x9b: {  	s7 =	simm.s32 $0x1BFF;
	s21 =	sshll.u32 s6, $0x1;
	s4 =	sadd.s32 s4, s20  }
0x9c: {  	s22 =	simm.s32 $0x0;
	s5 =	sshll.u32 s5, $0x1;
	s6 =	sadd.s32 s21, s4  }
0x9d: {  	[timem:s22], [sflag:s7] =	dma.local [hbm:s6], s5  }
0x9e: {  	_ =	swait.ge [sflag:s7], s5  }
0x9f: {  	s5 =	ssub.s32 $0x0, s5;
	[sflag:s7] =	ssyncset.done $0x0  }
0xa0: {  	[sflag:s7] =	ssyncadd.s32 s5;
	_ =	sdelay $0x1  }
0xa1: {  	s23 =	simm.s32 $0x1B8B  }
0xa2: {  	_ =	swait.ge [sflag:s23], $0x1  }
0xa3: {  	[sflag:s23] =	ssyncset.done $0x0  }
0xa4: {  	[sflag:s23] =	ssyncadd.s32 $0xFFFFFFFF  }
0xa5: {  	s5 =	sld [smem:$0x0]  }
0xa6: {  	s6 =	sand.u32 $0xFFFFFFFE, s1  }
0xa7: {  	p0 =	sne.s32 s1, s6  }
0xa8: {  	s6 =	sshll.u32 @p0 s6, $0xE  }
0xa9: {  	s6 =	sadd.s32 @p0 $0x11B8D, s6;
	s7 =	sshll.u32 @p0 s5, $0x11  }
0xaa: {  	s6 =	sor.u32 @p0 s7, s6  }
0xab: {  	[sflag:s6] =	ssyncadd.remote.s32 @p0 $0x1;
	_ =	sdelay $0x1  }
0xac: {  	s6 =	simm.s32 @p0 $0x1B8D  }
0xad: {  	_ =	swait.eq @p0 [sflag:s6], $0x1  }
0xae: {  	[sflag:s6] =	ssyncadd.s32 @p0 $0xFFFFFFFF  }
0xaf: {  	s7 =	sshll.u32 @!p0 s1, $0xE  }
0xb0: {  	s7 =	sor.u32 @!p0 $0x4000, s7;
	s6 =	simm.s32 @!p0 $0x1B8D  }
0xb1: {  	s5 =	sshll.u32 @!p0 s5, $0x11;
	s7 =	sadd.s32 @!p0 $0x11B8D, s7;
	_ =	swait.eq @!p0 [sflag:s6], $0x1  }
0xb2: {  	s5 =	sor.u32 @!p0 s5, s7;
	[sflag:s6] =	ssyncadd.s32 @!p0 $0xFFFFFFFF  }
0xb3: {  	s25 =	simm.s32 $0x1B8E;
	s24 =	sld [smem:$0x3FFE];
	[sflag:s5] =	ssyncadd.remote.s32 @!p0 $0x1  }
0xb4: {  	s26 =	simm.s32 $execute0_lowered;
	[smem:$0x3FD2] =	sst s25  }
0xb5: {  	s6 =	sshll.u32 s26, $0x1;
	_ =	strace $0x80000058;
	[dreg:$0x1] =	wrdreg $0xFFFFFFFF  }
0xb6: {  	s28 =	simm.s32 $_size_execute0_lowered;
	s4 =	sadd.s32 s4, s6;
	[dreg:$0x0] =	wrdreg $0x0  }
0xb7: {  	s6 =	sshll.u32 s28, $0x1;
	[dreg:$0x2] =	wrdreg s4  }
0xb8: {  	[dreg:$0x3] =	wrdreg s6  }
0xb9: {  	[dreg:$0x4] =	wrdreg $0xC0  }
0xba: {  	_ =	task [dreg:s22], $0x5FFFF  }
0xbb: {  	[dreg:$0x1] =	wrdreg $0xFFFFFFFF  }
0xbc: {  	[dreg:$0x0] =	wrdreg $0x60  }
0xbd: {  	[dreg:$0x2] =	wrdreg s18  }
0xbe: {  	[dreg:$0x3] =	wrdreg s24  }
0xbf: {  	[dreg:$0x4] =	wrdreg $0xF  }
0xc0: {  	_ =	task.clear_ibuf [dreg:s22], $0x5FFFF;
	_ =	strace $0x90000058  }
0xc1: {  	s29 =	simm.s32 $0xF;
	_ =	strace $0x8000005A  }
0xc2: {  	_ =	swait.ge [sflag:s29], $0x1  }
0xc3: {  	[sflag:s29] =	ssyncadd.s32 $0xFFFFFFFF  }
0xc4: {  	_ =	strace $0x9000005A  }
0xc5: {  	_ =	sfence  }
0xc6: {  	s30 =	sld [smem:$0x0];
	_ =	sdelay $0x2  }
0xc7: {  	s31 =	sshll.u32 s1, $0xD;
	s1 =	sshrl.u32 s1, $0x2  }
0xc8: {  	s4 =	sand.u32 $0x4000, s31;
	s1 =	sadd.s32 s1, s30  }
0xc9: {  	s0 =	sor.u32 s4, s0;
	s1 =	sshll.u32 s1, $0x11  }
0xca: {  	s0 =	sor.u32 s1, s0  }
0xcb: {  	s0 =	sadd.s32 $0x8F2B, s0  }
0xcc: {  	[sflag:s0] =	ssyncadd.remote.s32 $0x1  }
0xcd: {  	_ =	sfence.sel $0xFFFF  }
0xce: {  	[dreg:$0x0] =	wrdreg $0xFFFFFFFF;
	(pc) =	sbr.abs _section_cstart, $3  }
0xcf: {  	[dreg:$0x1] =	wrdreg $0xFFFFFFFF  }
0xd0: {  	_ =	task.clear_ibuf [dreg:s22], $0x2FFFF;
	_ =	strace $0x9FFFFFFF  }
0xd1: {  	(tm) =	ssettm $0x7FFFFFFF  }
tec
execute0_lowered:
.L_overlay_start_1:
0x0: {  	(tag) =	ssettag $0x1  }
0x1: {  	s2 =	rddreg [dreg:$0x0]  }
0x2: {  	s0 =	rddreg [dreg:$0x1]  }
0x3: {  	s1 =	srdreg.scid;
	s4 =	stileid.u32  }
0x4: {  	s3 =	simm.s32 $0x0;
	s9 =	simm.s32 $0x1;
	s19 =	simm.s32 $0x2  }
0x5: {  	s21 =	simm.s32 $0x880;
	s22 =	simm.s32 $0x1080;
	s23 =	simm.s32 $0x1880  }
0x6: {  	s24 =	simm.s32 $0x2080;
	s28 =	simm.s32 $0x3080;
	s29 =	simm.s32 $0x3880  }
0x7: {  	s30 =	simm.s32 $0x4080;
	s31 =	simm.s32 $0x4880;
	s10 =	simm.s32 $0x6080  }
0x8: {  	s11 =	simm.s32 $0x6880;
	s12 =	simm.s32 $0x7080;
	s13 =	simm.s32 $0x7880  }
0x9: {  	s18 =	simm.s32 $0x8080;
	s14 =	simm.s32 $0x8880;
	s1 =	sand.u32 $0x1, s1  }
0xa: {  	s15 =	simm.s32 $0x9080;
	s4 =	sshll.u32 s4, $0x8;
	s5 =	sshll.u32 s1, $0x7  }
0xb: {  	s16 =	simm.s32 $0x9880;
	[smem:$0x7FF] =	sst s3;
	s4 =	sor.u32 s5, s4  }
0xc: {  	s17 =	simm.s32 $0xA080;
	_ =	strace $0x80000059;
	s5 =	sshrl.u32 s4, $0x3  }
0xd: {  	s1 =	ssub.s32 $0x2, s1;
	s4 =	sshll.u32 s4, $0x7;
	s5 =	sadd.s32 s5, s0  }
0xe: {  	s6 =	sshrl.u32 s1, $0x1;
	s0 =	sadd.s32 s4, s0;
	s25 =	sadd.s32 $0x3400, s5  }
0xf: {  	s1 =	ssub.s32 s1, s6;
	s26 =	sadd.s32 $0x303800, s0;
	[dreg:$0x3] =	wrdreg s25  }
0x10: {  	s6 =	sadd.s32 $0x300, s2;
	s7 =	sadd.s32 $0x304800, s0;
	[dreg:$0x4] =	wrdreg s26  }
0x11: {  	s4 =	sadd.s32 $0x100, s2;
	s8 =	sadd.s32 $0x305800, s0;
	[dreg:$0x5] =	wrdreg s7  }
0x12: {  	v2 =	vlaneseq.u32;
	s5 =	sadd.s32 $0x200, s2;
	s0 =	sadd.s32 $0x306800, s0;
	[dreg:$0x6] =	wrdreg s8  }
0x13: {  	vm0 =	vmmov $0xffff;
	v1 =	vshrl.u32 v2, $0x3;
	s7 =	smax.u32 s1, $0x1;
	[dreg:$0x7] =	wrdreg s0;
	s8 =	simm.s32 $0x3  }
0x14: {  	v0 =	vand.u32 $0x7, v2;
	v2 =	vor.u32 $0x8, v2;
	v1 =	vmul.u32 $0x8, v1;
	s25 =	simm.s32 $0x80;
	s26 =	simm.s32 $0x2880;
	s1 =	simm.s32 $0x5880  }
.LBB2_1:
0x15: {  	s20 =	rddreg [dreg:$0x3]  }
0x16: {  	[tilespmem:s3], [sflag:$0x3] =	stream.linear.gather [hbm4b:s20+s3], $0x80, $0x38;
	[tilespmem:$0x10080] =	vst v63  }
0x17: {  	_ =	swait.ge [sflag:s8], $0x80  }
0x18: {  	[sflag:s8] =	ssyncset.done $0x0  }
0x19: {  	[sflag:s8] =	ssyncadd.s32 $0xFFFFFF80  }
0x1a: {  	v3 =	vld [tilespmem:$0x0];
	_ =	sdelay $0x4  }
0x1b: {  	v4 =	vshll.u32 v3, $0x3  }
0x1c: {  	v3 =	vand.u32 $0x7, v3;
	v4 =	vand.u32 $0xFFFFFFC0, v4  }
0x1d: {  	v3 =	vor.u32 v3, v4  }
0x1e: {  	v4 =	vperm.xlane v3, v0;
	_ =	sdelay $0x1  }
0x1f: {  	v4 =	vadd.s32 v1, v4;
	_ =	sdelay $0x4  }
0x20: {  	[tilespmem:s25], [sflag:$0x1] =	stream.indirect_vreg.gather [hbm4b:s2+s3], $0x80, v4, vm0, $0xb8;
	[tilespmem:$0x10080] =	vst v63  }
0x21: {  	v3 =	vperm.xlane v3, v2  }
0x22: {  	[tilespmem:s21], [sflag:$0x1] =	stream.indirect_vreg.gather [hbm4b:s4+s3], $0x80, v4, vm0, $0xb8;
	[tilespmem:$0x10080] =	vst v63  }
0x23: {  	v3 =	vadd.s32 v1, v3  }
0x24: {  	[tilespmem:s22], [sflag:$0x1] =	stream.indirect_vreg.gather [hbm4b:s5+s3], $0x80, v4, vm0, $0xb8;
	[tilespmem:$0x10080] =	vst v63  }
0x25: {  	_ = 	snop  }
0x26: {  	[tilespmem:s23], [sflag:$0x1] =	stream.indirect_vreg.gather [hbm4b:s6+s3], $0x80, v4, vm0, $0xb8;
	[tilespmem:$0x10080] =	vst v63  }
0x27: {  	_ = 	snop  }
0x28: {  	[tilespmem:s24], [sflag:$0x1] =	stream.indirect_vreg.gather [hbm4b:s2+s3], $0x80, v3, vm0, $0xb8;
	[tilespmem:$0x10080] =	vst v63  }
0x29: {  	_ = 	snop  }
0x2a: {  	[tilespmem:s26], [sflag:$0x1] =	stream.indirect_vreg.gather [hbm4b:s4+s3], $0x80, v3, vm0, $0xb8;
	[tilespmem:$0x10080] =	vst v63  }
0x2b: {  	_ = 	snop  }
0x2c: {  	[tilespmem:s28], [sflag:$0x1] =	stream.indirect_vreg.gather [hbm4b:s5+s3], $0x80, v3, vm0, $0xb8;
	[tilespmem:$0x10080] =	vst v63  }
0x2d: {  	_ = 	snop  }
0x2e: {  	[tilespmem:s29], [sflag:$0x1] =	stream.indirect_vreg.gather [hbm4b:s6+s3], $0x80, v3, vm0, $0xb8;
	[tilespmem:$0x10080] =	vst v63  }
0x2f: {  	v3 =	vld [tilespmem:$0x10];
	_ =	sdelay $0x4  }
0x30: {  	v57 =	vshll.u32 v3, $0x3  }
0x31: {  	v3 =	vand.u32 $0x7, v3;
	v4 =	vand.u32 $0xFFFFFFC0, v57  }
0x32: {  	v3 =	vor.u32 v3, v4  }
0x33: {  	v4 =	vperm.xlane v3, v0;
	_ =	sdelay $0x1  }
0x34: {  	v4 =	vadd.s32 v1, v4;
	_ =	sdelay $0x4  }
0x35: {  	[tilespmem:s30], [sflag:$0x1] =	stream.indirect_vreg.gather [hbm4b:s2+s3], $0x80, v4, vm0, $0xb8;
	[tilespmem:$0x10080] =	vst v63  }
0x36: {  	v3 =	vperm.xlane v3, v2  }
0x37: {  	[tilespmem:s31], [sflag:$0x1] =	stream.indirect_vreg.gather [hbm4b:s4+s3], $0x80, v4, vm0, $0xb8;
	[tilespmem:$0x10080] =	vst v63  }
0x38: {  	s0 =	simm.s32 $0x5080;
	v3 =	vadd.s32 v1, v3  }
0x39: {  	[tilespmem:s0], [sflag:$0x1] =	stream.indirect_vreg.gather [hbm4b:s5+s3], $0x80, v4, vm0, $0xb8;
	[tilespmem:$0x10080] =	vst v63  }
0x3a: {  	_ = 	snop  }
0x3b: {  	[tilespmem:s1], [sflag:$0x1] =	stream.indirect_vreg.gather [hbm4b:s6+s3], $0x80, v4, vm0, $0xb8;
	[tilespmem:$0x10080] =	vst v63  }
0x3c: {  	_ = 	snop  }
0x3d: {  	[tilespmem:s10], [sflag:$0x1] =	stream.indirect_vreg.gather [hbm4b:s2+s3], $0x80, v3, vm0, $0xb8;
	[tilespmem:$0x10080] =	vst v63  }
0x3e: {  	_ = 	snop  }
0x3f: {  	[tilespmem:s11], [sflag:$0x1] =	stream.indirect_vreg.gather [hbm4b:s4+s3], $0x80, v3, vm0, $0xb8;
	[tilespmem:$0x10080] =	vst v63  }
0x40: {  	_ = 	snop  }
0x41: {  	[tilespmem:s12], [sflag:$0x1] =	stream.indirect_vreg.gather [hbm4b:s5+s3], $0x80, v3, vm0, $0xb8;
	[tilespmem:$0x10080] =	vst v63  }
0x42: {  	_ = 	snop  }
0x43: {  	[tilespmem:s13], [sflag:$0x1] =	stream.indirect_vreg.gather [hbm4b:s6+s3], $0x80, v3, vm0, $0xb8;
	[tilespmem:$0x10080] =	vst v63  }
0x44: {  	v3 =	vld [tilespmem:$0x20];
	_ =	sdelay $0x4  }
0x45: {  	v58 =	vshll.u32 v3, $0x3  }
0x46: {  	v3 =	vand.u32 $0x7, v3;
	v4 =	vand.u32 $0xFFFFFFC0, v58  }
0x47: {  	v3 =	vor.u32 v3, v4  }
0x48: {  	v4 =	vperm.xlane v3, v0;
	_ =	sdelay $0x1  }
0x49: {  	v4 =	vadd.s32 v1, v4;
	_ =	sdelay $0x4  }
0x4a: {  	[tilespmem:s18], [sflag:$0x2] =	stream.indirect_vreg.gather [hbm4b:s2+s3], $0x80, v4, vm0, $0xb8;
	[tilespmem:$0x10080] =	vst v63  }
0x4b: {  	v3 =	vperm.xlane v3, v2  }
0x4c: {  	[tilespmem:s14], [sflag:$0x2] =	stream.indirect_vreg.gather [hbm4b:s4+s3], $0x80, v4, vm0, $0xb8;
	[tilespmem:$0x10080] =	vst v63  }
0x4d: {  	v3 =	vadd.s32 v1, v3  }
0x4e: {  	[tilespmem:s15], [sflag:$0x2] =	stream.indirect_vreg.gather [hbm4b:s5+s3], $0x80, v4, vm0, $0xb8;
	[tilespmem:$0x10080] =	vst v63  }
0x4f: {  	_ = 	snop  }
0x50: {  	[tilespmem:s16], [sflag:$0x2] =	stream.indirect_vreg.gather [hbm4b:s6+s3], $0x80, v4, vm0, $0xb8;
	[tilespmem:$0x10080] =	vst v63  }
0x51: {  	_ = 	snop  }
0x52: {  	[tilespmem:s17], [sflag:$0x2] =	stream.indirect_vreg.gather [hbm4b:s2+s3], $0x80, v3, vm0, $0xb8;
	[tilespmem:$0x10080] =	vst v63  }
0x53: {  	s20 =	simm.s32 $0xA880  }
0x54: {  	[tilespmem:s20], [sflag:$0x2] =	stream.indirect_vreg.gather [hbm4b:s4+s3], $0x80, v3, vm0, $0xb8;
	[tilespmem:$0x10080] =	vst v63  }
0x55: {  	s20 =	simm.s32 $0xB080  }
0x56: {  	[tilespmem:s20], [sflag:$0x2] =	stream.indirect_vreg.gather [hbm4b:s5+s3], $0x80, v3, vm0, $0xb8;
	[tilespmem:$0x10080] =	vst v63  }
0x57: {  	s20 =	simm.s32 $0xB880  }
0x58: {  	[tilespmem:s20], [sflag:$0x2] =	stream.indirect_vreg.gather [hbm4b:s6+s3], $0x80, v3, vm0, $0xb8;
	[tilespmem:$0x10080] =	vst v63  }
0x59: {  	v3 =	vld [tilespmem:$0x30];
	_ =	sdelay $0x4  }
0x5a: {  	v59 =	vshll.u32 v3, $0x3  }
0x5b: {  	v3 =	vand.u32 $0x7, v3;
	v4 =	vand.u32 $0xFFFFFFC0, v59  }
0x5c: {  	v3 =	vor.u32 v3, v4  }
0x5d: {  	v4 =	vperm.xlane v3, v0;
	_ =	sdelay $0x1  }
0x5e: {  	v4 =	vadd.s32 v1, v4;
	_ =	sdelay $0x3  }
0x5f: {  	s20 =	simm.s32 $0xC080  }
0x60: {  	[tilespmem:s20], [sflag:$0x2] =	stream.indirect_vreg.gather [hbm4b:s2+s3], $0x80, v4, vm0, $0xb8;
	[tilespmem:$0x10080] =	vst v63  }
0x61: {  	v3 =	vperm.xlane v3, v2;
	s20 =	simm.s32 $0xC880  }
0x62: {  	[tilespmem:s20], [sflag:$0x2] =	stream.indirect_vreg.gather [hbm4b:s4+s3], $0x80, v4, vm0, $0xb8;
	[tilespmem:$0x10080] =	vst v63  }
0x63: {  	v3 =	vadd.s32 v1, v3;
	s20 =	simm.s32 $0xD080  }
0x64: {  	[tilespmem:s20], [sflag:$0x2] =	stream.indirect_vreg.gather [hbm4b:s5+s3], $0x80, v4, vm0, $0xb8;
	[tilespmem:$0x10080] =	vst v63  }
0x65: {  	s20 =	simm.s32 $0xD880  }
0x66: {  	[tilespmem:s20], [sflag:$0x2] =	stream.indirect_vreg.gather [hbm4b:s6+s3], $0x80, v4, vm0, $0xb8;
	[tilespmem:$0x10080] =	vst v63  }
0x67: {  	s20 =	simm.s32 $0xE080  }
0x68: {  	[tilespmem:s20], [sflag:$0x2] =	stream.indirect_vreg.gather [hbm4b:s2+s3], $0x80, v3, vm0, $0xb8;
	[tilespmem:$0x10080] =	vst v63  }
0x69: {  	s20 =	simm.s32 $0xE880  }
0x6a: {  	[tilespmem:s20], [sflag:$0x2] =	stream.indirect_vreg.gather [hbm4b:s4+s3], $0x80, v3, vm0, $0xb8;
	[tilespmem:$0x10080] =	vst v63  }
0x6b: {  	s20 =	simm.s32 $0xF080  }
0x6c: {  	[tilespmem:s20], [sflag:$0x2] =	stream.indirect_vreg.gather [hbm4b:s5+s3], $0x80, v3, vm0, $0xb8;
	[tilespmem:$0x10080] =	vst v63  }
0x6d: {  	s20 =	simm.s32 $0xF880  }
0x6e: {  	[tilespmem:s20], [sflag:$0x2] =	stream.indirect_vreg.gather [hbm4b:s6+s3], $0x80, v3, vm0, $0xb8;
	[tilespmem:$0x10080] =	vst v63  }
0x6f: {  	_ =	swait.ge [sflag:s9], $0x8000  }
0x70: {  	[sflag:s9] =	ssyncset.done $0x0  }
0x71: {  	s20 =	rddreg [dreg:$0x4];
	[sflag:s9] =	ssyncadd.s32 $0xFFFF8000  }
0x72: {  	[hbm4b:s20+s3] =	stream.linear.scatter [tilespmem:s25], [sflag:$0x3], $0x8000, $0x38;
	[tilespmem:$0x10080] =	vst v63  }
0x73: {  	_ =	swait.ge [sflag:s8], $0x8000  }
0x74: {  	[sflag:s8] =	ssyncset.done $0x0  }
0x75: {  	[sflag:s8] =	ssyncadd.s32 $0xFFFF8000  }
0x76: {  	v3 =	vld [tilespmem:$0x40];
	_ =	sdelay $0x4  }
0x77: {  	v60 =	vshll.u32 v3, $0x3  }
0x78: {  	v3 =	vand.u32 $0x7, v3;
	v4 =	vand.u32 $0xFFFFFFC0, v60  }
0x79: {  	v3 =	vor.u32 v3, v4  }
0x7a: {  	v4 =	vperm.xlane v3, v0;
	_ =	sdelay $0x1  }
0x7b: {  	v4 =	vadd.s32 v1, v4;
	_ =	sdelay $0x4  }
0x7c: {  	[tilespmem:s25], [sflag:$0x1] =	stream.indirect_vreg.gather [hbm4b:s2+s3], $0x80, v4, vm0, $0xb8;
	[tilespmem:$0x10080] =	vst v63  }
0x7d: {  	v3 =	vperm.xlane v3, v2  }
0x7e: {  	[tilespmem:s21], [sflag:$0x1] =	stream.indirect_vreg.gather [hbm4b:s4+s3], $0x80, v4, vm0, $0xb8;
	[tilespmem:$0x10080] =	vst v63  }
0x7f: {  	v3 =	vadd.s32 v1, v3  }
0x80: {  	[tilespmem:s22], [sflag:$0x1] =	stream.indirect_vreg.gather [hbm4b:s5+s3], $0x80, v4, vm0, $0xb8;
	[tilespmem:$0x10080] =	vst v63  }
0x81: {  	_ = 	snop  }
0x82: {  	[tilespmem:s23], [sflag:$0x1] =	stream.indirect_vreg.gather [hbm4b:s6+s3], $0x80, v4, vm0, $0xb8;
	[tilespmem:$0x10080] =	vst v63  }
0x83: {  	_ = 	snop  }
0x84: {  	[tilespmem:s24], [sflag:$0x1] =	stream.indirect_vreg.gather [hbm4b:s2+s3], $0x80, v3, vm0, $0xb8;
	[tilespmem:$0x10080] =	vst v63  }
0x85: {  	_ = 	snop  }
0x86: {  	[tilespmem:s26], [sflag:$0x1] =	stream.indirect_vreg.gather [hbm4b:s4+s3], $0x80, v3, vm0, $0xb8;
	[tilespmem:$0x10080] =	vst v63  }
0x87: {  	_ = 	snop  }
0x88: {  	[tilespmem:s28], [sflag:$0x1] =	stream.indirect_vreg.gather [hbm4b:s5+s3], $0x80, v3, vm0, $0xb8;
	[tilespmem:$0x10080] =	vst v63  }
0x89: {  	_ = 	snop  }
0x8a: {  	[tilespmem:s29], [sflag:$0x1] =	stream.indirect_vreg.gather [hbm4b:s6+s3], $0x80, v3, vm0, $0xb8;
	[tilespmem:$0x10080] =	vst v63  }
0x8b: {  	v3 =	vld [tilespmem:$0x50];
	_ =	sdelay $0x4  }
0x8c: {  	v61 =	vshll.u32 v3, $0x3  }
0x8d: {  	v3 =	vand.u32 $0x7, v3;
	v4 =	vand.u32 $0xFFFFFFC0, v61  }
0x8e: {  	v3 =	vor.u32 v3, v4  }
0x8f: {  	v4 =	vperm.xlane v3, v0;
	_ =	sdelay $0x1  }
0x90: {  	v4 =	vadd.s32 v1, v4;
	_ =	sdelay $0x4  }
0x91: {  	[tilespmem:s30], [sflag:$0x1] =	stream.indirect_vreg.gather [hbm4b:s2+s3], $0x80, v4, vm0, $0xb8;
	[tilespmem:$0x10080] =	vst v63  }
0x92: {  	v3 =	vperm.xlane v3, v2  }
0x93: {  	[tilespmem:s31], [sflag:$0x1] =	stream.indirect_vreg.gather [hbm4b:s4+s3], $0x80, v4, vm0, $0xb8;
	[tilespmem:$0x10080] =	vst v63  }
0x94: {  	v3 =	vadd.s32 v1, v3  }
0x95: {  	[tilespmem:s0], [sflag:$0x1] =	stream.indirect_vreg.gather [hbm4b:s5+s3], $0x80, v4, vm0, $0xb8;
	[tilespmem:$0x10080] =	vst v63  }
0x96: {  	_ = 	snop  }
0x97: {  	[tilespmem:s1], [sflag:$0x1] =	stream.indirect_vreg.gather [hbm4b:s6+s3], $0x80, v4, vm0, $0xb8;
	[tilespmem:$0x10080] =	vst v63  }
0x98: {  	_ = 	snop  }
0x99: {  	[tilespmem:s10], [sflag:$0x1] =	stream.indirect_vreg.gather [hbm4b:s2+s3], $0x80, v3, vm0, $0xb8;
	[tilespmem:$0x10080] =	vst v63  }
0x9a: {  	_ = 	snop  }
0x9b: {  	[tilespmem:s11], [sflag:$0x1] =	stream.indirect_vreg.gather [hbm4b:s4+s3], $0x80, v3, vm0, $0xb8;
	[tilespmem:$0x10080] =	vst v63  }
0x9c: {  	_ = 	snop  }
0x9d: {  	[tilespmem:s12], [sflag:$0x1] =	stream.indirect_vreg.gather [hbm4b:s5+s3], $0x80, v3, vm0, $0xb8;
	[tilespmem:$0x10080] =	vst v63  }
0x9e: {  	_ = 	snop  }
0x9f: {  	[tilespmem:s13], [sflag:$0x1] =	stream.indirect_vreg.gather [hbm4b:s6+s3], $0x80, v3, vm0, $0xb8;
	[tilespmem:$0x10080] =	vst v63  }
0xa0: {  	_ =	swait.ge [sflag:s19], $0x8000  }
0xa1: {  	[sflag:s19] =	ssyncset.done $0x0  }
0xa2: {  	s0 =	rddreg [dreg:$0x5];
	[sflag:s19] =	ssyncadd.s32 $0xFFFF8000  }
0xa3: {  	[hbm4b:s0+s3] =	stream.linear.scatter [tilespmem:s18], [sflag:$0x3], $0x8000, $0x38;
	[tilespmem:$0x10080] =	vst v63  }
0xa4: {  	_ =	swait.ge [sflag:s8], $0x8000  }
0xa5: {  	[sflag:s8] =	ssyncset.done $0x0  }
0xa6: {  	[sflag:s8] =	ssyncadd.s32 $0xFFFF8000  }
0xa7: {  	v3 =	vld [tilespmem:$0x60];
	_ =	sdelay $0x4  }
0xa8: {  	v62 =	vshll.u32 v3, $0x3  }
0xa9: {  	v3 =	vand.u32 $0x7, v3;
	v4 =	vand.u32 $0xFFFFFFC0, v62  }
0xaa: {  	v3 =	vor.u32 v3, v4  }
0xab: {  	v4 =	vperm.xlane v3, v0;
	_ =	sdelay $0x1  }
0xac: {  	v4 =	vadd.s32 v1, v4;
	_ =	sdelay $0x4  }
0xad: {  	[tilespmem:s18], [sflag:$0x2] =	stream.indirect_vreg.gather [hbm4b:s2+s3], $0x80, v4, vm0, $0xb8;
	[tilespmem:$0x10080] =	vst v63  }
0xae: {  	v3 =	vperm.xlane v3, v2  }
0xaf: {  	[tilespmem:s14], [sflag:$0x2] =	stream.indirect_vreg.gather [hbm4b:s4+s3], $0x80, v4, vm0, $0xb8;
	[tilespmem:$0x10080] =	vst v63  }
0xb0: {  	v3 =	vadd.s32 v1, v3  }
0xb1: {  	[tilespmem:s15], [sflag:$0x2] =	stream.indirect_vreg.gather [hbm4b:s5+s3], $0x80, v4, vm0, $0xb8;
	[tilespmem:$0x10080] =	vst v63  }
0xb2: {  	_ = 	snop  }
0xb3: {  	[tilespmem:s16], [sflag:$0x2] =	stream.indirect_vreg.gather [hbm4b:s6+s3], $0x80, v4, vm0, $0xb8;
	[tilespmem:$0x10080] =	vst v63  }
0xb4: {  	_ = 	snop  }
0xb5: {  	[tilespmem:s17], [sflag:$0x2] =	stream.indirect_vreg.gather [hbm4b:s2+s3], $0x80, v3, vm0, $0xb8;
	[tilespmem:$0x10080] =	vst v63  }
0xb6: {  	s20 =	simm.s32 $0xA880  }
0xb7: {  	[tilespmem:s20], [sflag:$0x2] =	stream.indirect_vreg.gather [hbm4b:s4+s3], $0x80, v3, vm0, $0xb8;
	[tilespmem:$0x10080] =	vst v63  }
0xb8: {  	s20 =	simm.s32 $0xB080  }
0xb9: {  	[tilespmem:s20], [sflag:$0x2] =	stream.indirect_vreg.gather [hbm4b:s5+s3], $0x80, v3, vm0, $0xb8;
	[tilespmem:$0x10080] =	vst v63  }
0xba: {  	s20 =	simm.s32 $0xB880  }
0xbb: {  	[tilespmem:s20], [sflag:$0x2] =	stream.indirect_vreg.gather [hbm4b:s6+s3], $0x80, v3, vm0, $0xb8;
	[tilespmem:$0x10080] =	vst v63  }
0xbc: {  	v3 =	vld [tilespmem:$0x70];
	_ =	sdelay $0x4  }
0xbd: {  	v63 =	vshll.u32 v3, $0x3  }
0xbe: {  	v3 =	vand.u32 $0x7, v3;
	v4 =	vand.u32 $0xFFFFFFC0, v63  }
0xbf: {  	v3 =	vor.u32 v3, v4  }
0xc0: {  	v4 =	vperm.xlane v3, v0;
	_ =	sdelay $0x1  }
0xc1: {  	v4 =	vadd.s32 v1, v4;
	_ =	sdelay $0x3  }
0xc2: {  	s20 =	simm.s32 $0xC080  }
0xc3: {  	[tilespmem:s20], [sflag:$0x2] =	stream.indirect_vreg.gather [hbm4b:s2+s3], $0x80, v4, vm0, $0xb8;
	[tilespmem:$0x10080] =	vst v63  }
0xc4: {  	v3 =	vperm.xlane v3, v2;
	s20 =	simm.s32 $0xC880  }
0xc5: {  	[tilespmem:s20], [sflag:$0x2] =	stream.indirect_vreg.gather [hbm4b:s4+s3], $0x80, v4, vm0, $0xb8;
	[tilespmem:$0x10080] =	vst v63  }
0xc6: {  	v3 =	vadd.s32 v1, v3;
	s20 =	simm.s32 $0xD080  }
0xc7: {  	[tilespmem:s20], [sflag:$0x2] =	stream.indirect_vreg.gather [hbm4b:s5+s3], $0x80, v4, vm0, $0xb8;
	[tilespmem:$0x10080] =	vst v63  }
0xc8: {  	s20 =	simm.s32 $0xD880  }
0xc9: {  	[tilespmem:s20], [sflag:$0x2] =	stream.indirect_vreg.gather [hbm4b:s6+s3], $0x80, v4, vm0, $0xb8;
	[tilespmem:$0x10080] =	vst v63  }
0xca: {  	s20 =	simm.s32 $0xE080  }
0xcb: {  	[tilespmem:s20], [sflag:$0x2] =	stream.indirect_vreg.gather [hbm4b:s2+s3], $0x80, v3, vm0, $0xb8;
	[tilespmem:$0x10080] =	vst v63  }
0xcc: {  	s20 =	simm.s32 $0xE880  }
0xcd: {  	[tilespmem:s20], [sflag:$0x2] =	stream.indirect_vreg.gather [hbm4b:s4+s3], $0x80, v3, vm0, $0xb8;
	[tilespmem:$0x10080] =	vst v63  }
0xce: {  	s20 =	simm.s32 $0xF080  }
0xcf: {  	[tilespmem:s20], [sflag:$0x2] =	stream.indirect_vreg.gather [hbm4b:s5+s3], $0x80, v3, vm0, $0xb8;
	[tilespmem:$0x10080] =	vst v63  }
0xd0: {  	s20 =	simm.s32 $0xF880  }
0xd1: {  	[tilespmem:s20], [sflag:$0x2] =	stream.indirect_vreg.gather [hbm4b:s6+s3], $0x80, v3, vm0, $0xb8;
	[tilespmem:$0x10080] =	vst v63  }
0xd2: {  	_ =	swait.ge [sflag:s9], $0x8000  }
0xd3: {  	[sflag:s9] =	ssyncset.done $0x0  }
0xd4: {  	s0 =	rddreg [dreg:$0x6];
	[sflag:s9] =	ssyncadd.s32 $0xFFFF8000  }
0xd5: {  	[hbm4b:s0+s3] =	stream.linear.scatter [tilespmem:s25], [sflag:$0x3], $0x8000, $0x38;
	[tilespmem:$0x10080] =	vst v63  }
0xd6: {  	_ =	swait.ge [sflag:s8], $0x8000  }
0xd7: {  	[sflag:s8] =	ssyncset.done $0x0  }
0xd8: {  	[sflag:s8] =	ssyncadd.s32 $0xFFFF8000  }
0xd9: {  	_ =	swait.ge [sflag:s19], $0x8000  }
0xda: {  	p0 =	sne.s32 s7, $0x1;
	[sflag:s19] =	ssyncset.done $0x0  }
.Ltmp0:
0xdb: {  	s0 =	rddreg [dreg:$0x7];
	[sflag:s19] =	ssyncadd.s32 $0xFFFF8000;
	(pc) =	sbr.rel @p0 .LBB2_1-.Ltmp0, $4  }
0xdc: {  	[hbm4b:s0+s3] =	stream.linear.scatter [tilespmem:s18], [sflag:$0x3], $0x8000, $0x38;
	[tilespmem:$0x10080] =	vst v63  }
0xdd: {  	_ =	swait.ge [sflag:s8], $0x8000  }
0xde: {  	[sflag:s8] =	ssyncset.done $0x0  }
0xdf: {  	s7 =	sadd.s32 $0xFFFFFFFF, s7;
	[sflag:s8] =	ssyncadd.s32 $0xFFFF8000  }
0xe0: {  	_ =	sfence.sel $0x180000  }
0xe1: {  	[bflag:$0x0] =	sbarrier.arrive $0xFFFF  }
0xe2: {  	_ =	strace $0x90000059  }
0xe3: {  	s0 =	stileid.u32;
	[bflag:$0x2] =	sbarrier.arrive $0xFFFF  }
0xe4: {  	p0 =	sne.s32 s0, $0x0;
	s0 =	rddreg [dreg:$0x2]  }
0xe5: {  	s0 =	sadd.s32 @!p0 $0x100000, s0  }
0xe6: {  	[sflag:s0] =	ssyncadd.tile.s32 @!p0 $0x1;
	_ =	shalt  }
.Lfunc_end2:
_tile_overlayer_lowered:
.L_overlay_start_2:
0xe7: {  	(tag) =	ssettag $0x2  }
0xe8: {  	s0 =	rddreg [dreg:$0x0];
	s2 =	stileid.u32  }
0xe9: {  	s1 =	rddreg [dreg:$0x1];
	p0 =	sne.s32 s2, $0x0  }
0xea: {  	s3 =	rddreg [dreg:$0x2];
	[bflag:$0x3] =	sbarrier.arrive $0xFFFF;
	s2 =	simm.s32 @!p0 $0x1C03  }
0xeb: {  	[timem:s3], [sflag:s2] =	dma.local @!p0 [hbm:s0], s1  }
0xec: {  	s0 =	simm.s32 @!p0 $0x3  }
0xed: {  	_ =	swait.ge @!p0 [sflag:s0], s1  }
0xee: {  	s1 =	ssub.s32 @!p0 $0x0, s1;
	[sflag:s0] =	ssyncset.done @!p0 $0x0  }
0xef: {  	[sflag:s0] =	ssyncadd.s32 @!p0 s1  }
0xf0: {  	[bflag:$0x3] =	sbarrier.arrive $0xFFFF  }
0xf1: {  	_ =	shalt  }

// kernel: kernel.39.cloned.1.call-start
scs
__scs_entry_jumppad:
0x0: {  	(pc) =	sbr.rel $0x88, $3  }
0x1: {  	(tag) =	ssettag $0x0;
	lr =	simm.s32 $0x1  }
0x2: {  	[smem:$0x3F9B] =	sst lr;
	_ =	strace $0xD0000000  }
0x3: {  	_ = 	snop  }
0x4: {  	_ = 	snop  }
0x5: {  	_ = 	snop  }
0x6: {  	_ = 	snop  }
0x7: {  	_ = 	snop  }
__scs_overlays_trampoline_lowered:
0x8: {  	[smem:$0x3FAA] =	sst s0  }
0x9: {  	[smem:$0x3FAB] =	sst s1  }
0xa: {  	[smem:$0x3FAC] =	sst s2  }
0xb: {  	[smem:$0x3FAD] =	sst s3  }
0xc: {  	[smem:$0x3FAE] =	sst s4  }
0xd: {  	[smem:$0x3FAF] =	sst s5  }
0xe: {  	[smem:$0x3FB0] =	sst s6  }
0xf: {  	[smem:$0x3FB1] =	sst s7  }
0x10: {  	[smem:$0x3FB2] =	sst s8  }
0x11: {  	[smem:$0x3FB3] =	sst s9;
	s0 =	simm.s32 @!p0 $0x0  }
0x12: {  	s1 =	sld [smem:$0x3F99];
	s0 =	simm.s32 @p0 $0x1  }
0x13: {  	[smem:$0x3FB4] =	sst s0;
	s0 =	simm.s32 @!p1 $0x0  }
0x14: {  	s2 =	sld [smem:$0x3F98];
	s0 =	simm.s32 @p1 $0x1  }
0x15: {  	[smem:$0x3FB5] =	sst s0;
	s0 =	simm.s32 @!p2 $0x0  }
0x16: {  	s3 =	sld [smem:$0x3FDB];
	s0 =	simm.s32 @p2 $0x1  }
0x17: {  	s4 =	simm.s32 $0x1BF5;
	[smem:$0x3FB7] =	sst s0  }
0x18: {  	s0 =	sld [smem:$0x3F9A];
	_ =	swait.ge [sflag:s4], $0x0  }
0x19: {  	s7 =	sld [smem:$0x3F9B]  }
0x1a: {  	s8 =	sadd.s32 $0xFFFFE003, lr  }
0x1b: {  	s9 =	sadd.s32 $0xFFFFFEF7, lr;
	s5 =	simm.s32 $0xFFFFFFFF;
	p2 =	slt.u32 s8, $0xFFFFF086  }
0x1c: {  	p1 =	slt.u32 s9, $0xF7A;
	s5 =	simm.s32 @!p2 $0x0  }
0x1d: {  	s5 =	simm.s32 @p1 $0x1;
	p0 =	seq.s32 s7, s2  }
0x1e: {  	s7 =	smul.u32 @!p0 $0xF7A, s2;
	p2 =	seq.s32 @!p0 s5, $0x0  }
0x1f: {  	s9 =	smul.u32 $0xF7A, s1;
	s8 =	simm.s32 @!p0 $0x1BF5;
	p2 =	por !p2, p0  }
0x20: {  	[sflag:s8] =	ssyncset.s32 @!p0 $0xFFFFF086;
	s6 =	sadd.s32 @!p0 s3, s7;
	s7 =	simm.s32 @!p0 $0x108  }
0x21: {  	s3 =	sadd.s32 s3, s9;
	s6 =	sadd.s32 @!p0 $0x88, s6;
	s7 =	simm.s32 @p2 $0x1082  }
0x22: {  	[simem:s7], [sflag:s8] =	dma.local @!p0 [hbm:s6], $0xF7A  }
0x23: {  	s9 =	sor.u32 $0xD0000000, s2;
	s6 =	simm.s32 $0x108;
	_ =	swait.ge @!p0 [sflag:s8], $0x0  }
0x24: {  	s3 =	sadd.s32 $0x88, s3;
	s6 =	simm.s32 @!p1 $0x1082;
	[sflag:s4] =	ssyncset.s32 $0xFFFFF086  }
0x25: {  	[simem:s6], [sflag:s4] =	dma.local [hbm:s3], $0xF7A  }
0x26: {  	[smem:$0x3F9B] =	sst s1;
	(tag) =	ssettag s2;
	_ =	strace s9  }
0x27: {  	s1 =	sld [smem:$0x3FAB]  }
0x28: {  	s2 =	sld [smem:$0x3FAC]  }
0x29: {  	s4 =	sld [smem:$0x3FAE]  }
0x2a: {  	p0 =	seq.s32 s5, $0x0;
	s5 =	sld [smem:$0x3FAF]  }
0x2b: {  	s6 =	sld [smem:$0x3FB0]  }
0x2c: {  	s7 =	sld [smem:$0x3FB1]  }
0x2d: {  	s3 =	simm.s32 $0x108;
	s8 =	sld [smem:$0x3FB2]  }
0x2e: {  	s3 =	simm.s32 @!p0 $0x1082;
	s9 =	sld [smem:$0x3FB3]  }
0x2f: {  	lr =	sadd.s32 s0, s3;
	s0 =	sld [smem:$0x3FAA]  }
0x30: {  	s3 =	sld [smem:$0x3FAD]  }
0x31: {  	[smem:$0x3FB6] =	sst s10  }
0x32: {  	s10 =	sld [smem:$0x3FB4];
	_ =	sdelay $0x3  }
0x33: {  	p0 =	seq.s32 s10, $0x1;
	s10 =	sld [smem:$0x3FB6];
	_ =	sdelay $0x3  }
0x34: {  	[smem:$0x3FB6] =	sst s10  }
0x35: {  	s10 =	sld [smem:$0x3FB5];
	_ =	sdelay $0x3  }
0x36: {  	p1 =	seq.s32 s10, $0x1;
	s10 =	sld [smem:$0x3FB6];
	_ =	sdelay $0x3  }
0x37: {  	[smem:$0x3FB6] =	sst s10  }
0x38: {  	s10 =	sld [smem:$0x3FB7]  }
0x39: {  	_ = 	snop;
	(pc) =	sbr.ind lr, $3  }
0x3a: {  	_ = 	snop  }
0x3b: {  	_ = 	snop  }
0x3c: {  	p2 =	seq.s32 s10, $0x1;
	s10 =	sld [smem:$0x3FB6]  }
0x3d: {  	_ =	shalt  }
0x3e: {  	_ =	shalt  }
0x3f: {  	_ =	shalt  }
0x40: {  	_ =	shalt  }
0x41: {  	_ =	shalt  }
0x42: {  	_ =	shalt  }
0x43: {  	_ =	shalt  }
0x44: {  	_ =	shalt  }
0x45: {  	_ =	shalt  }
0x46: {  	_ =	shalt  }
0x47: {  	_ =	shalt  }
0x48: {  	_ =	shalt  }
0x49: {  	_ =	shalt  }
0x4a: {  	_ =	shalt  }
0x4b: {  	_ =	shalt  }
0x4c: {  	_ =	shalt  }
0x4d: {  	_ =	shalt  }
0x4e: {  	_ =	shalt  }
0x4f: {  	_ =	shalt  }
0x50: {  	_ =	shalt  }
0x51: {  	_ =	shalt  }
0x52: {  	_ =	shalt  }
0x53: {  	_ =	shalt  }
0x54: {  	_ =	shalt  }
0x55: {  	_ =	shalt  }
0x56: {  	_ =	shalt  }
0x57: {  	_ =	shalt  }
0x58: {  	_ =	shalt  }
0x59: {  	_ =	shalt  }
0x5a: {  	_ =	shalt  }
0x5b: {  	_ =	shalt  }
0x5c: {  	_ =	shalt  }
0x5d: {  	_ =	shalt  }
0x5e: {  	_ =	shalt  }
0x5f: {  	_ =	shalt  }
0x60: {  	_ =	shalt  }
0x61: {  	_ =	shalt  }
0x62: {  	_ =	shalt  }
0x63: {  	_ =	shalt  }
0x64: {  	_ =	shalt  }
0x65: {  	_ =	shalt  }
0x66: {  	_ =	shalt  }
0x67: {  	_ =	shalt  }
0x68: {  	_ =	shalt  }
0x69: {  	_ =	shalt  }
0x6a: {  	_ =	shalt  }
0x6b: {  	_ =	shalt  }
0x6c: {  	_ =	shalt  }
0x6d: {  	_ =	shalt  }
0x6e: {  	_ =	shalt  }
0x6f: {  	_ =	shalt  }
0x70: {  	_ =	shalt  }
0x71: {  	_ =	shalt  }
0x72: {  	_ =	shalt  }
0x73: {  	_ =	shalt  }
0x74: {  	_ =	shalt  }
0x75: {  	_ =	shalt  }
0x76: {  	_ =	shalt  }
0x77: {  	_ =	shalt  }
0x78: {  	_ =	shalt  }
0x79: {  	_ =	shalt  }
0x7a: {  	_ =	shalt  }
0x7b: {  	_ =	shalt  }
0x7c: {  	_ =	shalt  }
0x7d: {  	_ =	shalt  }
0x7e: {  	_ =	shalt  }
0x7f: {  	_ =	shalt  }
0x80: {  	_ =	shalt  }
0x81: {  	_ =	shalt  }
0x82: {  	_ =	shalt  }
0x83: {  	_ =	shalt  }
0x84: {  	_ =	shalt  }
0x85: {  	_ =	shalt  }
0x86: {  	_ =	shalt  }
0x87: {  	_ =	shalt  }
.Lfunc_end0:
.L_simem_size_0:
called_computation.7_lowered:
.L_overlay_start_0:
0x88: {  	s2 =	sld [smem:$0x3FD9]  }
0x89: {  	s3 =	sld [smem:$0x3FFE];
	_ =	sdelay $0x1  }
0x8a: {  	s1 =	srdreg.scid  }
0x8b: {  	s0 =	sand.u32 $0x1, s1  }
0x8c: {  	s17 =	sshll.u32 s0, $0xA;
	s2 =	sadd.s32 s3, s2  }
0x8d: {  	s2 =	sadd.s32 s2, s17  }
0x8e: {  	[smem:$0x3FC2] =	sst s2  }
0x8f: {  	_ = 	snop  }
0x90: {  	s18 =	sld [smem:$0x3FC6];
	(tm) =	ssettm $0x1  }
0x91: {  	s19 =	sld [smem:$0x3FFB];
	_ =	sdelay $0x3  }
0x92: {  	_ =	strace s19  }
0x93: {  	s2 =	sld [smem:$0x3FFC];
	_ =	sdelay $0x3  }
0x94: {  	_ =	strace s2  }
0x95: {  	s2 =	sld [smem:$0x3FFD];
	_ =	sdelay $0x3  }
0x96: {  	_ =	strace s2  }
0x97: {  	_ =	strace $0x8FFFFFFF  }
0x98: {  	s20 =	sld [smem:$0x3FDB];
	_ =	sdelay $0x1  }
0x99: {  	s4 =	simm.s32 $_scs_section_size  }
0x9a: {  	s5 =	simm.s32 $_size__tile_overlayer_lowered;
	s6 =	simm.s32 $_tile_overlayer_lowered  }
0x9b: {  	s7 =	simm.s32 $0x1BFF;
	s21 =	sshll.u32 s6, $0x1;
	s4 =	sadd.s32 s4, s20  }
0x9c: {  	s22 =	simm.s32 $0x0;
	s5 =	sshll.u32 s5, $0x1;
	s6 =	sadd.s32 s21, s4  }
0x9d: {  	[timem:s22], [sflag:s7] =	dma.local [hbm:s6], s5  }
0x9e: {  	_ =	swait.ge [sflag:s7], s5  }
0x9f: {  	s5 =	ssub.s32 $0x0, s5;
	[sflag:s7] =	ssyncset.done $0x0  }
0xa0: {  	[sflag:s7] =	ssyncadd.s32 s5;
	_ =	sdelay $0x1  }
0xa1: {  	s23 =	simm.s32 $0x1B8B  }
0xa2: {  	_ =	swait.ge [sflag:s23], $0x1  }
0xa3: {  	[sflag:s23] =	ssyncset.done $0x0  }
0xa4: {  	[sflag:s23] =	ssyncadd.s32 $0xFFFFFFFF  }
0xa5: {  	s5 =	sld [smem:$0x0]  }
0xa6: {  	s6 =	sand.u32 $0xFFFFFFFE, s1  }
0xa7: {  	p0 =	sne.s32 s1, s6  }
0xa8: {  	s6 =	sshll.u32 @p0 s6, $0xE  }
0xa9: {  	s6 =	sadd.s32 @p0 $0x11B8D, s6;
	s7 =	sshll.u32 @p0 s5, $0x11  }
0xaa: {  	s6 =	sor.u32 @p0 s7, s6  }
0xab: {  	[sflag:s6] =	ssyncadd.remote.s32 @p0 $0x1;
	_ =	sdelay $0x1  }
0xac: {  	s6 =	simm.s32 @p0 $0x1B8D  }
0xad: {  	_ =	swait.eq @p0 [sflag:s6], $0x1  }
0xae: {  	[sflag:s6] =	ssyncadd.s32 @p0 $0xFFFFFFFF  }
0xaf: {  	s7 =	sshll.u32 @!p0 s1, $0xE  }
0xb0: {  	s7 =	sor.u32 @!p0 $0x4000, s7;
	s6 =	simm.s32 @!p0 $0x1B8D  }
0xb1: {  	s5 =	sshll.u32 @!p0 s5, $0x11;
	s7 =	sadd.s32 @!p0 $0x11B8D, s7;
	_ =	swait.eq @!p0 [sflag:s6], $0x1  }
0xb2: {  	s5 =	sor.u32 @!p0 s5, s7;
	[sflag:s6] =	ssyncadd.s32 @!p0 $0xFFFFFFFF  }
0xb3: {  	s25 =	simm.s32 $0x1B8E;
	s24 =	sld [smem:$0x3FFE];
	[sflag:s5] =	ssyncadd.remote.s32 @!p0 $0x1  }
0xb4: {  	s26 =	simm.s32 $execute0_lowered;
	[smem:$0x3FD2] =	sst s25  }
0xb5: {  	s6 =	sshll.u32 s26, $0x1;
	_ =	strace $0x8000005B;
	[dreg:$0x1] =	wrdreg $0xFFFFFFFF  }
0xb6: {  	s28 =	simm.s32 $_size_execute0_lowered;
	s4 =	sadd.s32 s4, s6;
	[dreg:$0x0] =	wrdreg $0x0  }
0xb7: {  	s6 =	sshll.u32 s28, $0x1;
	[dreg:$0x2] =	wrdreg s4  }
0xb8: {  	[dreg:$0x3] =	wrdreg s6  }
0xb9: {  	[dreg:$0x4] =	wrdreg $0xC0  }
0xba: {  	_ =	task [dreg:s22], $0x5FFFF  }
0xbb: {  	[dreg:$0x1] =	wrdreg $0xFFFFFFFF  }
0xbc: {  	[dreg:$0x0] =	wrdreg $0x60  }
0xbd: {  	[dreg:$0x2] =	wrdreg s18  }
0xbe: {  	[dreg:$0x3] =	wrdreg s24  }
0xbf: {  	[dreg:$0x4] =	wrdreg $0x10  }
0xc0: {  	_ =	task.clear_ibuf [dreg:s22], $0x5FFFF;
	_ =	strace $0x9000005B  }
0xc1: {  	s29 =	simm.s32 $0x10;
	_ =	strace $0x8000005D  }
0xc2: {  	_ =	swait.ge [sflag:s29], $0x1  }
0xc3: {  	[sflag:s29] =	ssyncadd.s32 $0xFFFFFFFF  }
0xc4: {  	_ =	strace $0x9000005D  }
0xc5: {  	_ =	sfence  }
0xc6: {  	s30 =	sld [smem:$0x0];
	_ =	sdelay $0x2  }
0xc7: {  	s31 =	sshll.u32 s1, $0xD;
	s1 =	sshrl.u32 s1, $0x2  }
0xc8: {  	s4 =	sand.u32 $0x4000, s31;
	s1 =	sadd.s32 s1, s30  }
0xc9: {  	s0 =	sor.u32 s4, s0;
	s1 =	sshll.u32 s1, $0x11  }
0xca: {  	s0 =	sor.u32 s1, s0  }
0xcb: {  	s0 =	sadd.s32 $0x8F2B, s0  }
0xcc: {  	[sflag:s0] =	ssyncadd.remote.s32 $0x1  }
0xcd: {  	_ =	sfence.sel $0xFFFF  }
0xce: {  	[dreg:$0x0] =	wrdreg $0xFFFFFFFF;
	(pc) =	sbr.abs _section_cstart, $3  }
0xcf: {  	[dreg:$0x1] =	wrdreg $0xFFFFFFFF  }
0xd0: {  	_ =	task.clear_ibuf [dreg:s22], $0x2FFFF;
	_ =	strace $0x9FFFFFFF  }
0xd1: {  	(tm) =	ssettm $0x7FFFFFFF  }
tec
execute0_lowered:
.L_overlay_start_1:
0x0: {  	(tag) =	ssettag $0x1  }
0x1: {  	s2 =	rddreg [dreg:$0x0]  }
0x2: {  	s0 =	rddreg [dreg:$0x1]  }
0x3: {  	s1 =	srdreg.scid;
	s4 =	stileid.u32  }
0x4: {  	s3 =	simm.s32 $0x0;
	s9 =	simm.s32 $0x1;
	s19 =	simm.s32 $0x2  }
0x5: {  	s21 =	simm.s32 $0x880;
	s22 =	simm.s32 $0x1080;
	s23 =	simm.s32 $0x1880  }
0x6: {  	s24 =	simm.s32 $0x2080;
	s28 =	simm.s32 $0x3080;
	s29 =	simm.s32 $0x3880  }
0x7: {  	s30 =	simm.s32 $0x4080;
	s31 =	simm.s32 $0x4880;
	s10 =	simm.s32 $0x6080  }
0x8: {  	s11 =	simm.s32 $0x6880;
	s12 =	simm.s32 $0x7080;
	s13 =	simm.s32 $0x7880  }
0x9: {  	s18 =	simm.s32 $0x8080;
	s14 =	simm.s32 $0x8880;
	s1 =	sand.u32 $0x1, s1  }
0xa: {  	s15 =	simm.s32 $0x9080;
	s4 =	sshll.u32 s4, $0x8;
	s5 =	sshll.u32 s1, $0x7  }
0xb: {  	s16 =	simm.s32 $0x9880;
	[smem:$0x7FF] =	sst s3;
	s4 =	sor.u32 s5, s4  }
0xc: {  	s17 =	simm.s32 $0xA080;
	_ =	strace $0x8000005C;
	s5 =	sshrl.u32 s4, $0x3  }
0xd: {  	s1 =	ssub.s32 $0x2, s1;
	s4 =	sshll.u32 s4, $0x7;
	s5 =	sadd.s32 s5, s0  }
0xe: {  	s6 =	sshrl.u32 s1, $0x1;
	s0 =	sadd.s32 s4, s0;
	s25 =	sadd.s32 $0x3600, s5  }
0xf: {  	s1 =	ssub.s32 s1, s6;
	s26 =	sadd.s32 $0x383800, s0;
	[dreg:$0x3] =	wrdreg s25  }
0x10: {  	s6 =	sadd.s32 $0x300, s2;
	s7 =	sadd.s32 $0x384800, s0;
	[dreg:$0x4] =	wrdreg s26  }
0x11: {  	s4 =	sadd.s32 $0x100, s2;
	s8 =	sadd.s32 $0x385800, s0;
	[dreg:$0x5] =	wrdreg s7  }
0x12: {  	v2 =	vlaneseq.u32;
	s5 =	sadd.s32 $0x200, s2;
	s0 =	sadd.s32 $0x386800, s0;
	[dreg:$0x6] =	wrdreg s8  }
0x13: {  	vm0 =	vmmov $0xffff;
	v1 =	vshrl.u32 v2, $0x3;
	s7 =	smax.u32 s1, $0x1;
	[dreg:$0x7] =	wrdreg s0;
	s8 =	simm.s32 $0x3  }
0x14: {  	v0 =	vand.u32 $0x7, v2;
	v2 =	vor.u32 $0x8, v2;
	v1 =	vmul.u32 $0x8, v1;
	s25 =	simm.s32 $0x80;
	s26 =	simm.s32 $0x2880;
	s1 =	simm.s32 $0x5880  }
.LBB2_1:
0x15: {  	s20 =	rddreg [dreg:$0x3]  }
0x16: {  	[tilespmem:s3], [sflag:$0x3] =	stream.linear.gather [hbm4b:s20+s3], $0x80, $0x38;
	[tilespmem:$0x10080] =	vst v63  }
0x17: {  	_ =	swait.ge [sflag:s8], $0x80  }
0x18: {  	[sflag:s8] =	ssyncset.done $0x0  }
0x19: {  	[sflag:s8] =	ssyncadd.s32 $0xFFFFFF80  }
0x1a: {  	v3 =	vld [tilespmem:$0x0];
	_ =	sdelay $0x4  }
0x1b: {  	v4 =	vshll.u32 v3, $0x3  }
0x1c: {  	v3 =	vand.u32 $0x7, v3;
	v4 =	vand.u32 $0xFFFFFFC0, v4  }
0x1d: {  	v3 =	vor.u32 v3, v4  }
0x1e: {  	v4 =	vperm.xlane v3, v0;
	_ =	sdelay $0x1  }
0x1f: {  	v4 =	vadd.s32 v1, v4;
	_ =	sdelay $0x4  }
0x20: {  	[tilespmem:s25], [sflag:$0x1] =	stream.indirect_vreg.gather [hbm4b:s2+s3], $0x80, v4, vm0, $0xb8;
	[tilespmem:$0x10080] =	vst v63  }
0x21: {  	v3 =	vperm.xlane v3, v2  }
0x22: {  	[tilespmem:s21], [sflag:$0x1] =	stream.indirect_vreg.gather [hbm4b:s4+s3], $0x80, v4, vm0, $0xb8;
	[tilespmem:$0x10080] =	vst v63  }
0x23: {  	v3 =	vadd.s32 v1, v3  }
0x24: {  	[tilespmem:s22], [sflag:$0x1] =	stream.indirect_vreg.gather [hbm4b:s5+s3], $0x80, v4, vm0, $0xb8;
	[tilespmem:$0x10080] =	vst v63  }
0x25: {  	_ = 	snop  }
0x26: {  	[tilespmem:s23], [sflag:$0x1] =	stream.indirect_vreg.gather [hbm4b:s6+s3], $0x80, v4, vm0, $0xb8;
	[tilespmem:$0x10080] =	vst v63  }
0x27: {  	_ = 	snop  }
0x28: {  	[tilespmem:s24], [sflag:$0x1] =	stream.indirect_vreg.gather [hbm4b:s2+s3], $0x80, v3, vm0, $0xb8;
	[tilespmem:$0x10080] =	vst v63  }
0x29: {  	_ = 	snop  }
0x2a: {  	[tilespmem:s26], [sflag:$0x1] =	stream.indirect_vreg.gather [hbm4b:s4+s3], $0x80, v3, vm0, $0xb8;
	[tilespmem:$0x10080] =	vst v63  }
0x2b: {  	_ = 	snop  }
0x2c: {  	[tilespmem:s28], [sflag:$0x1] =	stream.indirect_vreg.gather [hbm4b:s5+s3], $0x80, v3, vm0, $0xb8;
	[tilespmem:$0x10080] =	vst v63  }
0x2d: {  	_ = 	snop  }
0x2e: {  	[tilespmem:s29], [sflag:$0x1] =	stream.indirect_vreg.gather [hbm4b:s6+s3], $0x80, v3, vm0, $0xb8;
	[tilespmem:$0x10080] =	vst v63  }
0x2f: {  	v3 =	vld [tilespmem:$0x10];
	_ =	sdelay $0x4  }
0x30: {  	v57 =	vshll.u32 v3, $0x3  }
0x31: {  	v3 =	vand.u32 $0x7, v3;
	v4 =	vand.u32 $0xFFFFFFC0, v57  }
0x32: {  	v3 =	vor.u32 v3, v4  }
0x33: {  	v4 =	vperm.xlane v3, v0;
	_ =	sdelay $0x1  }
0x34: {  	v4 =	vadd.s32 v1, v4;
	_ =	sdelay $0x4  }
0x35: {  	[tilespmem:s30], [sflag:$0x1] =	stream.indirect_vreg.gather [hbm4b:s2+s3], $0x80, v4, vm0, $0xb8;
	[tilespmem:$0x10080] =	vst v63  }
0x36: {  	v3 =	vperm.xlane v3, v2  }
0x37: {  	[tilespmem:s31], [sflag:$0x1] =	stream.indirect_vreg.gather [hbm4b:s4+s3], $0x80, v4, vm0, $0xb8;
	[tilespmem:$0x10080] =	vst v63  }
0x38: {  	s0 =	simm.s32 $0x5080;
	v3 =	vadd.s32 v1, v3  }
0x39: {  	[tilespmem:s0], [sflag:$0x1] =	stream.indirect_vreg.gather [hbm4b:s5+s3], $0x80, v4, vm0, $0xb8;
	[tilespmem:$0x10080] =	vst v63  }
0x3a: {  	_ = 	snop  }
0x3b: {  	[tilespmem:s1], [sflag:$0x1] =	stream.indirect_vreg.gather [hbm4b:s6+s3], $0x80, v4, vm0, $0xb8;
	[tilespmem:$0x10080] =	vst v63  }
0x3c: {  	_ = 	snop  }
0x3d: {  	[tilespmem:s10], [sflag:$0x1] =	stream.indirect_vreg.gather [hbm4b:s2+s3], $0x80, v3, vm0, $0xb8;
	[tilespmem:$0x10080] =	vst v63  }
0x3e: {  	_ = 	snop  }
0x3f: {  	[tilespmem:s11], [sflag:$0x1] =	stream.indirect_vreg.gather [hbm4b:s4+s3], $0x80, v3, vm0, $0xb8;
	[tilespmem:$0x10080] =	vst v63  }
0x40: {  	_ = 	snop  }
0x41: {  	[tilespmem:s12], [sflag:$0x1] =	stream.indirect_vreg.gather [hbm4b:s5+s3], $0x80, v3, vm0, $0xb8;
	[tilespmem:$0x10080] =	vst v63  }
0x42: {  	_ = 	snop  }
0x43: {  	[tilespmem:s13], [sflag:$0x1] =	stream.indirect_vreg.gather [hbm4b:s6+s3], $0x80, v3, vm0, $0xb8;
	[tilespmem:$0x10080] =	vst v63  }
0x44: {  	v3 =	vld [tilespmem:$0x20];
	_ =	sdelay $0x4  }
0x45: {  	v58 =	vshll.u32 v3, $0x3  }
0x46: {  	v3 =	vand.u32 $0x7, v3;
	v4 =	vand.u32 $0xFFFFFFC0, v58  }
0x47: {  	v3 =	vor.u32 v3, v4  }
0x48: {  	v4 =	vperm.xlane v3, v0;
	_ =	sdelay $0x1  }
0x49: {  	v4 =	vadd.s32 v1, v4;
	_ =	sdelay $0x4  }
0x4a: {  	[tilespmem:s18], [sflag:$0x2] =	stream.indirect_vreg.gather [hbm4b:s2+s3], $0x80, v4, vm0, $0xb8;
	[tilespmem:$0x10080] =	vst v63  }
0x4b: {  	v3 =	vperm.xlane v3, v2  }
0x4c: {  	[tilespmem:s14], [sflag:$0x2] =	stream.indirect_vreg.gather [hbm4b:s4+s3], $0x80, v4, vm0, $0xb8;
	[tilespmem:$0x10080] =	vst v63  }
0x4d: {  	v3 =	vadd.s32 v1, v3  }
0x4e: {  	[tilespmem:s15], [sflag:$0x2] =	stream.indirect_vreg.gather [hbm4b:s5+s3], $0x80, v4, vm0, $0xb8;
	[tilespmem:$0x10080] =	vst v63  }
0x4f: {  	_ = 	snop  }
0x50: {  	[tilespmem:s16], [sflag:$0x2] =	stream.indirect_vreg.gather [hbm4b:s6+s3], $0x80, v4, vm0, $0xb8;
	[tilespmem:$0x10080] =	vst v63  }
0x51: {  	_ = 	snop  }
0x52: {  	[tilespmem:s17], [sflag:$0x2] =	stream.indirect_vreg.gather [hbm4b:s2+s3], $0x80, v3, vm0, $0xb8;
	[tilespmem:$0x10080] =	vst v63  }
0x53: {  	s20 =	simm.s32 $0xA880  }
0x54: {  	[tilespmem:s20], [sflag:$0x2] =	stream.indirect_vreg.gather [hbm4b:s4+s3], $0x80, v3, vm0, $0xb8;
	[tilespmem:$0x10080] =	vst v63  }
0x55: {  	s20 =	simm.s32 $0xB080  }
0x56: {  	[tilespmem:s20], [sflag:$0x2] =	stream.indirect_vreg.gather [hbm4b:s5+s3], $0x80, v3, vm0, $0xb8;
	[tilespmem:$0x10080] =	vst v63  }
0x57: {  	s20 =	simm.s32 $0xB880  }
0x58: {  	[tilespmem:s20], [sflag:$0x2] =	stream.indirect_vreg.gather [hbm4b:s6+s3], $0x80, v3, vm0, $0xb8;
	[tilespmem:$0x10080] =	vst v63  }
0x59: {  	v3 =	vld [tilespmem:$0x30];
	_ =	sdelay $0x4  }
0x5a: {  	v59 =	vshll.u32 v3, $0x3  }
0x5b: {  	v3 =	vand.u32 $0x7, v3;
	v4 =	vand.u32 $0xFFFFFFC0, v59  }
0x5c: {  	v3 =	vor.u32 v3, v4  }
0x5d: {  	v4 =	vperm.xlane v3, v0;
	_ =	sdelay $0x1  }
0x5e: {  	v4 =	vadd.s32 v1, v4;
	_ =	sdelay $0x3  }
0x5f: {  	s20 =	simm.s32 $0xC080  }
0x60: {  	[tilespmem:s20], [sflag:$0x2] =	stream.indirect_vreg.gather [hbm4b:s2+s3], $0x80, v4, vm0, $0xb8;
	[tilespmem:$0x10080] =	vst v63  }
0x61: {  	v3 =	vperm.xlane v3, v2;
	s20 =	simm.s32 $0xC880  }
0x62: {  	[tilespmem:s20], [sflag:$0x2] =	stream.indirect_vreg.gather [hbm4b:s4+s3], $0x80, v4, vm0, $0xb8;
	[tilespmem:$0x10080] =	vst v63  }
0x63: {  	v3 =	vadd.s32 v1, v3;
	s20 =	simm.s32 $0xD080  }
0x64: {  	[tilespmem:s20], [sflag:$0x2] =	stream.indirect_vreg.gather [hbm4b:s5+s3], $0x80, v4, vm0, $0xb8;
	[tilespmem:$0x10080] =	vst v63  }
0x65: {  	s20 =	simm.s32 $0xD880  }
0x66: {  	[tilespmem:s20], [sflag:$0x2] =	stream.indirect_vreg.gather [hbm4b:s6+s3], $0x80, v4, vm0, $0xb8;
	[tilespmem:$0x10080] =	vst v63  }
0x67: {  	s20 =	simm.s32 $0xE080  }
0x68: {  	[tilespmem:s20], [sflag:$0x2] =	stream.indirect_vreg.gather [hbm4b:s2+s3], $0x80, v3, vm0, $0xb8;
	[tilespmem:$0x10080] =	vst v63  }
0x69: {  	s20 =	simm.s32 $0xE880  }
0x6a: {  	[tilespmem:s20], [sflag:$0x2] =	stream.indirect_vreg.gather [hbm4b:s4+s3], $0x80, v3, vm0, $0xb8;
	[tilespmem:$0x10080] =	vst v63  }
0x6b: {  	s20 =	simm.s32 $0xF080  }
0x6c: {  	[tilespmem:s20], [sflag:$0x2] =	stream.indirect_vreg.gather [hbm4b:s5+s3], $0x80, v3, vm0, $0xb8;
	[tilespmem:$0x10080] =	vst v63  }
0x6d: {  	s20 =	simm.s32 $0xF880  }
0x6e: {  	[tilespmem:s20], [sflag:$0x2] =	stream.indirect_vreg.gather [hbm4b:s6+s3], $0x80, v3, vm0, $0xb8;
	[tilespmem:$0x10080] =	vst v63  }
0x6f: {  	_ =	swait.ge [sflag:s9], $0x8000  }
0x70: {  	[sflag:s9] =	ssyncset.done $0x0  }
0x71: {  	s20 =	rddreg [dreg:$0x4];
	[sflag:s9] =	ssyncadd.s32 $0xFFFF8000  }
0x72: {  	[hbm4b:s20+s3] =	stream.linear.scatter [tilespmem:s25], [sflag:$0x3], $0x8000, $0x38;
	[tilespmem:$0x10080] =	vst v63  }
0x73: {  	_ =	swait.ge [sflag:s8], $0x8000  }
0x74: {  	[sflag:s8] =	ssyncset.done $0x0  }
0x75: {  	[sflag:s8] =	ssyncadd.s32 $0xFFFF8000  }
0x76: {  	v3 =	vld [tilespmem:$0x40];
	_ =	sdelay $0x4  }
0x77: {  	v60 =	vshll.u32 v3, $0x3  }
0x78: {  	v3 =	vand.u32 $0x7, v3;
	v4 =	vand.u32 $0xFFFFFFC0, v60  }
0x79: {  	v3 =	vor.u32 v3, v4  }
0x7a: {  	v4 =	vperm.xlane v3, v0;
	_ =	sdelay $0x1  }
0x7b: {  	v4 =	vadd.s32 v1, v4;
	_ =	sdelay $0x4  }
0x7c: {  	[tilespmem:s25], [sflag:$0x1] =	stream.indirect_vreg.gather [hbm4b:s2+s3], $0x80, v4, vm0, $0xb8;
	[tilespmem:$0x10080] =	vst v63  }
0x7d: {  	v3 =	vperm.xlane v3, v2  }
0x7e: {  	[tilespmem:s21], [sflag:$0x1] =	stream.indirect_vreg.gather [hbm4b:s4+s3], $0x80, v4, vm0, $0xb8;
	[tilespmem:$0x10080] =	vst v63  }
0x7f: {  	v3 =	vadd.s32 v1, v3  }
0x80: {  	[tilespmem:s22], [sflag:$0x1] =	stream.indirect_vreg.gather [hbm4b:s5+s3], $0x80, v4, vm0, $0xb8;
	[tilespmem:$0x10080] =	vst v63  }
0x81: {  	_ = 	snop  }
0x82: {  	[tilespmem:s23], [sflag:$0x1] =	stream.indirect_vreg.gather [hbm4b:s6+s3], $0x80, v4, vm0, $0xb8;
	[tilespmem:$0x10080] =	vst v63  }
0x83: {  	_ = 	snop  }
0x84: {  	[tilespmem:s24], [sflag:$0x1] =	stream.indirect_vreg.gather [hbm4b:s2+s3], $0x80, v3, vm0, $0xb8;
	[tilespmem:$0x10080] =	vst v63  }
0x85: {  	_ = 	snop  }
0x86: {  	[tilespmem:s26], [sflag:$0x1] =	stream.indirect_vreg.gather [hbm4b:s4+s3], $0x80, v3, vm0, $0xb8;
	[tilespmem:$0x10080] =	vst v63  }
0x87: {  	_ = 	snop  }
0x88: {  	[tilespmem:s28], [sflag:$0x1] =	stream.indirect_vreg.gather [hbm4b:s5+s3], $0x80, v3, vm0, $0xb8;
	[tilespmem:$0x10080] =	vst v63  }
0x89: {  	_ = 	snop  }
0x8a: {  	[tilespmem:s29], [sflag:$0x1] =	stream.indirect_vreg.gather [hbm4b:s6+s3], $0x80, v3, vm0, $0xb8;
	[tilespmem:$0x10080] =	vst v63  }
0x8b: {  	v3 =	vld [tilespmem:$0x50];
	_ =	sdelay $0x4  }
0x8c: {  	v61 =	vshll.u32 v3, $0x3  }
0x8d: {  	v3 =	vand.u32 $0x7, v3;
	v4 =	vand.u32 $0xFFFFFFC0, v61  }
0x8e: {  	v3 =	vor.u32 v3, v4  }
0x8f: {  	v4 =	vperm.xlane v3, v0;
	_ =	sdelay $0x1  }
0x90: {  	v4 =	vadd.s32 v1, v4;
	_ =	sdelay $0x4  }
0x91: {  	[tilespmem:s30], [sflag:$0x1] =	stream.indirect_vreg.gather [hbm4b:s2+s3], $0x80, v4, vm0, $0xb8;
	[tilespmem:$0x10080] =	vst v63  }
0x92: {  	v3 =	vperm.xlane v3, v2  }
0x93: {  	[tilespmem:s31], [sflag:$0x1] =	stream.indirect_vreg.gather [hbm4b:s4+s3], $0x80, v4, vm0, $0xb8;
	[tilespmem:$0x10080] =	vst v63  }
0x94: {  	v3 =	vadd.s32 v1, v3  }
0x95: {  	[tilespmem:s0], [sflag:$0x1] =	stream.indirect_vreg.gather [hbm4b:s5+s3], $0x80, v4, vm0, $0xb8;
	[tilespmem:$0x10080] =	vst v63  }
0x96: {  	_ = 	snop  }
0x97: {  	[tilespmem:s1], [sflag:$0x1] =	stream.indirect_vreg.gather [hbm4b:s6+s3], $0x80, v4, vm0, $0xb8;
	[tilespmem:$0x10080] =	vst v63  }
0x98: {  	_ = 	snop  }
0x99: {  	[tilespmem:s10], [sflag:$0x1] =	stream.indirect_vreg.gather [hbm4b:s2+s3], $0x80, v3, vm0, $0xb8;
	[tilespmem:$0x10080] =	vst v63  }
0x9a: {  	_ = 	snop  }
0x9b: {  	[tilespmem:s11], [sflag:$0x1] =	stream.indirect_vreg.gather [hbm4b:s4+s3], $0x80, v3, vm0, $0xb8;
	[tilespmem:$0x10080] =	vst v63  }
0x9c: {  	_ = 	snop  }
0x9d: {  	[tilespmem:s12], [sflag:$0x1] =	stream.indirect_vreg.gather [hbm4b:s5+s3], $0x80, v3, vm0, $0xb8;
	[tilespmem:$0x10080] =	vst v63  }
0x9e: {  	_ = 	snop  }
0x9f: {  	[tilespmem:s13], [sflag:$0x1] =	stream.indirect_vreg.gather [hbm4b:s6+s3], $0x80, v3, vm0, $0xb8;
	[tilespmem:$0x10080] =	vst v63  }
0xa0: {  	_ =	swait.ge [sflag:s19], $0x8000  }
0xa1: {  	[sflag:s19] =	ssyncset.done $0x0  }
0xa2: {  	s0 =	rddreg [dreg:$0x5];
	[sflag:s19] =	ssyncadd.s32 $0xFFFF8000  }
0xa3: {  	[hbm4b:s0+s3] =	stream.linear.scatter [tilespmem:s18], [sflag:$0x3], $0x8000, $0x38;
	[tilespmem:$0x10080] =	vst v63  }
0xa4: {  	_ =	swait.ge [sflag:s8], $0x8000  }
0xa5: {  	[sflag:s8] =	ssyncset.done $0x0  }
0xa6: {  	[sflag:s8] =	ssyncadd.s32 $0xFFFF8000  }
0xa7: {  	v3 =	vld [tilespmem:$0x60];
	_ =	sdelay $0x4  }
0xa8: {  	v62 =	vshll.u32 v3, $0x3  }
0xa9: {  	v3 =	vand.u32 $0x7, v3;
	v4 =	vand.u32 $0xFFFFFFC0, v62  }
0xaa: {  	v3 =	vor.u32 v3, v4  }
0xab: {  	v4 =	vperm.xlane v3, v0;
	_ =	sdelay $0x1  }
0xac: {  	v4 =	vadd.s32 v1, v4;
	_ =	sdelay $0x4  }
0xad: {  	[tilespmem:s18], [sflag:$0x2] =	stream.indirect_vreg.gather [hbm4b:s2+s3], $0x80, v4, vm0, $0xb8;
	[tilespmem:$0x10080] =	vst v63  }
0xae: {  	v3 =	vperm.xlane v3, v2  }
0xaf: {  	[tilespmem:s14], [sflag:$0x2] =	stream.indirect_vreg.gather [hbm4b:s4+s3], $0x80, v4, vm0, $0xb8;
	[tilespmem:$0x10080] =	vst v63  }
0xb0: {  	v3 =	vadd.s32 v1, v3  }
0xb1: {  	[tilespmem:s15], [sflag:$0x2] =	stream.indirect_vreg.gather [hbm4b:s5+s3], $0x80, v4, vm0, $0xb8;
	[tilespmem:$0x10080] =	vst v63  }
0xb2: {  	_ = 	snop  }
0xb3: {  	[tilespmem:s16], [sflag:$0x2] =	stream.indirect_vreg.gather [hbm4b:s6+s3], $0x80, v4, vm0, $0xb8;
	[tilespmem:$0x10080] =	vst v63  }
0xb4: {  	_ = 	snop  }
0xb5: {  	[tilespmem:s17], [sflag:$0x2] =	stream.indirect_vreg.gather [hbm4b:s2+s3], $0x80, v3, vm0, $0xb8;
	[tilespmem:$0x10080] =	vst v63  }
0xb6: {  	s20 =	simm.s32 $0xA880  }
0xb7: {  	[tilespmem:s20], [sflag:$0x2] =	stream.indirect_vreg.gather [hbm4b:s4+s3], $0x80, v3, vm0, $0xb8;
	[tilespmem:$0x10080] =	vst v63  }
0xb8: {  	s20 =	simm.s32 $0xB080  }
0xb9: {  	[tilespmem:s20], [sflag:$0x2] =	stream.indirect_vreg.gather [hbm4b:s5+s3], $0x80, v3, vm0, $0xb8;
	[tilespmem:$0x10080] =	vst v63  }
0xba: {  	s20 =	simm.s32 $0xB880  }
0xbb: {  	[tilespmem:s20], [sflag:$0x2] =	stream.indirect_vreg.gather [hbm4b:s6+s3], $0x80, v3, vm0, $0xb8;
	[tilespmem:$0x10080] =	vst v63  }
0xbc: {  	v3 =	vld [tilespmem:$0x70];
	_ =	sdelay $0x4  }
0xbd: {  	v63 =	vshll.u32 v3, $0x3  }
0xbe: {  	v3 =	vand.u32 $0x7, v3;
	v4 =	vand.u32 $0xFFFFFFC0, v63  }
0xbf: {  	v3 =	vor.u32 v3, v4  }
0xc0: {  	v4 =	vperm.xlane v3, v0;
	_ =	sdelay $0x1  }
0xc1: {  	v4 =	vadd.s32 v1, v4;
	_ =	sdelay $0x3  }
0xc2: {  	s20 =	simm.s32 $0xC080  }
0xc3: {  	[tilespmem:s20], [sflag:$0x2] =	stream.indirect_vreg.gather [hbm4b:s2+s3], $0x80, v4, vm0, $0xb8;
	[tilespmem:$0x10080] =	vst v63  }
0xc4: {  	v3 =	vperm.xlane v3, v2;
	s20 =	simm.s32 $0xC880  }
0xc5: {  	[tilespmem:s20], [sflag:$0x2] =	stream.indirect_vreg.gather [hbm4b:s4+s3], $0x80, v4, vm0, $0xb8;
	[tilespmem:$0x10080] =	vst v63  }
0xc6: {  	v3 =	vadd.s32 v1, v3;
	s20 =	simm.s32 $0xD080  }
0xc7: {  	[tilespmem:s20], [sflag:$0x2] =	stream.indirect_vreg.gather [hbm4b:s5+s3], $0x80, v4, vm0, $0xb8;
	[tilespmem:$0x10080] =	vst v63  }
0xc8: {  	s20 =	simm.s32 $0xD880  }
0xc9: {  	[tilespmem:s20], [sflag:$0x2] =	stream.indirect_vreg.gather [hbm4b:s6+s3], $0x80, v4, vm0, $0xb8;
	[tilespmem:$0x10080] =	vst v63  }
0xca: {  	s20 =	simm.s32 $0xE080  }
0xcb: {  	[tilespmem:s20], [sflag:$0x2] =	stream.indirect_vreg.gather [hbm4b:s2+s3], $0x80, v3, vm0, $0xb8;
	[tilespmem:$0x10080] =	vst v63  }
0xcc: {  	s20 =	simm.s32 $0xE880  }
0xcd: {  	[tilespmem:s20], [sflag:$0x2] =	stream.indirect_vreg.gather [hbm4b:s4+s3], $0x80, v3, vm0, $0xb8;
	[tilespmem:$0x10080] =	vst v63  }
0xce: {  	s20 =	simm.s32 $0xF080  }
0xcf: {  	[tilespmem:s20], [sflag:$0x2] =	stream.indirect_vreg.gather [hbm4b:s5+s3], $0x80, v3, vm0, $0xb8;
	[tilespmem:$0x10080] =	vst v63  }
0xd0: {  	s20 =	simm.s32 $0xF880  }
0xd1: {  	[tilespmem:s20], [sflag:$0x2] =	stream.indirect_vreg.gather [hbm4b:s6+s3], $0x80, v3, vm0, $0xb8;
	[tilespmem:$0x10080] =	vst v63  }
0xd2: {  	_ =	swait.ge [sflag:s9], $0x8000  }
0xd3: {  	[sflag:s9] =	ssyncset.done $0x0  }
0xd4: {  	s0 =	rddreg [dreg:$0x6];
	[sflag:s9] =	ssyncadd.s32 $0xFFFF8000  }
0xd5: {  	[hbm4b:s0+s3] =	stream.linear.scatter [tilespmem:s25], [sflag:$0x3], $0x8000, $0x38;
	[tilespmem:$0x10080] =	vst v63  }
0xd6: {  	_ =	swait.ge [sflag:s8], $0x8000  }
0xd7: {  	[sflag:s8] =	ssyncset.done $0x0  }
0xd8: {  	[sflag:s8] =	ssyncadd.s32 $0xFFFF8000  }
0xd9: {  	_ =	swait.ge [sflag:s19], $0x8000  }
0xda: {  	p0 =	sne.s32 s7, $0x1;
	[sflag:s19] =	ssyncset.done $0x0  }
.Ltmp0:
0xdb: {  	s0 =	rddreg [dreg:$0x7];
	[sflag:s19] =	ssyncadd.s32 $0xFFFF8000;
	(pc) =	sbr.rel @p0 .LBB2_1-.Ltmp0, $4  }
0xdc: {  	[hbm4b:s0+s3] =	stream.linear.scatter [tilespmem:s18], [sflag:$0x3], $0x8000, $0x38;
	[tilespmem:$0x10080] =	vst v63  }
0xdd: {  	_ =	swait.ge [sflag:s8], $0x8000  }
0xde: {  	[sflag:s8] =	ssyncset.done $0x0  }
0xdf: {  	s7 =	sadd.s32 $0xFFFFFFFF, s7;
	[sflag:s8] =	ssyncadd.s32 $0xFFFF8000  }
0xe0: {  	_ =	sfence.sel $0x180000  }
0xe1: {  	[bflag:$0x0] =	sbarrier.arrive $0xFFFF  }
0xe2: {  	_ =	strace $0x9000005C  }
0xe3: {  	s0 =	stileid.u32;
	[bflag:$0x2] =	sbarrier.arrive $0xFFFF  }
0xe4: {  	p0 =	sne.s32 s0, $0x0;
	s0 =	rddreg [dreg:$0x2]  }
0xe5: {  	s0 =	sadd.s32 @!p0 $0x100000, s0  }
0xe6: {  	[sflag:s0] =	ssyncadd.tile.s32 @!p0 $0x1;
	_ =	shalt  }
.Lfunc_end2:
_tile_overlayer_lowered:
.L_overlay_start_2:
0xe7: {  	(tag) =	ssettag $0x2  }
0xe8: {  	s0 =	rddreg [dreg:$0x0];
	s2 =	stileid.u32  }
0xe9: {  	s1 =	rddreg [dreg:$0x1];
	p0 =	sne.s32 s2, $0x0  }
0xea: {  	s3 =	rddreg [dreg:$0x2];
	[bflag:$0x3] =	sbarrier.arrive $0xFFFF;
	s2 =	simm.s32 @!p0 $0x1C03  }
0xeb: {  	[timem:s3], [sflag:s2] =	dma.local @!p0 [hbm:s0], s1  }
0xec: {  	s0 =	simm.s32 @!p0 $0x3  }
0xed: {  	_ =	swait.ge @!p0 [sflag:s0], s1  }
0xee: {  	s1 =	ssub.s32 @!p0 $0x0, s1;
	[sflag:s0] =	ssyncset.done @!p0 $0x0  }
0xef: {  	[sflag:s0] =	ssyncadd.s32 @!p0 s1  }
0xf0: {  	[bflag:$0x3] =	sbarrier.arrive $0xFFFF  }
0xf1: {  	_ =	shalt  }

</sc_bundles>
